<compile_context>
chip_gen: v7x
topology: tpu7x:2x2x1
jax: 0.10.2.dev20260603
libtpu: 0.0.44.dev20260713+nightly
codegen_flags: <defaults>
</compile_context>

<pallas_src>
import functools
import math

import jax
import jax.numpy as jnp
from jax import lax
from jax.experimental import pallas as pl
from jax.experimental.pallas import tpu as pltpu
from jax.experimental.pallas import tpu_sc as plsc

N_NODES = 50000
N_EDGES = 800000
D = 64
W1 = 32
WC = 8
W2 = 16
NC, NS = 2, 16
NW = NC * NS
ROWS = 50176
RPT = ROWS // NS
CHUNK = 128
E_PAD = 819200
CPW = E_PAD // (NW * CHUNK)
LOG10 = math.log(10.0)
TCB = 3136
TCG = ROWS // TCB

GRP = 5


@functools.lru_cache(maxsize=None)
def _make_seg(width, src_per_core, GRP=GRP):
    _mesh = plsc.VectorSubcoreMesh(core_axis_name="c", subcore_axis_name="s")
    cpw = E_PAD // ((NS if src_per_core else NW) * CHUNK)
    ng = cpw // GRP

    @functools.partial(
        pl.kernel,
        out_type=jax.ShapeDtypeStruct((NC, ROWS, width), jnp.float32),
        mesh=_mesh,
        scratch_types=(
            [pltpu.VMEM((GRP, CHUNK), jnp.int32)] * 4
            + [pltpu.VMEM((CHUNK, width), jnp.float32)] * GRP
            + [pltpu.VMEM_SHARED((ROWS, width), jnp.float32)]
            + [pltpu.SemaphoreType.DMA] * (4 + 2 * GRP)
        ),
        compiler_params=pltpu.CompilerParams(use_tc_tiling_on_sc=False),
    )
    def seg(tab, srcd, dstd, zer, out, *rest):
        sbufs, dbufs = rest[0:2], rest[2:4]
        rows = rest[4:4 + GRP]
        acc = rest[4 + GRP]
        sems = rest[5 + GRP:]
        ssem, dsem = sems[0:2], sems[2:4]
        gsem, csem = sems[4:4 + GRP], sems[4 + GRP:4 + 2 * GRP]
        c = lax.axis_index("c")
        s = lax.axis_index("s")
        w = s if src_per_core else s * NC + c
        base = w * cpw

        def src_slice(r0):
            return srcd.at[pl.ds(r0, GRP)]

        def stage(g, b):
            r0 = base + g * GRP
            pltpu.async_copy(src_slice(r0), sbufs[b], ssem[b])
            pltpu.async_copy(dstd.at[pl.ds(r0, GRP)], dbufs[b], dsem[b])

        stage(0, 0)
        pltpu.sync_copy(zer.at[pl.ds(s * RPT, RPT)], acc.at[pl.ds(s * RPT, RPT)])
        plsc.subcore_barrier()

        @pl.loop(0, ng, step=2)
        def group_pair(g0):
            for par in range(2):
                g = g0 + par
                sbuf, dbuf = sbufs[par], dbufs[par]
                pltpu.make_async_copy(src_slice(0), sbuf, ssem[par]).wait()
                pltpu.make_async_copy(dstd.at[pl.ds(0, GRP)], dbuf,
                                      dsem[par]).wait()
                if src_per_core:
                    for j in range(GRP):
                        for k in range(CHUNK // 16):
                            v = sbuf[j, pl.ds(k * 16, 16)]
                            sbuf[j, pl.ds(k * 16, 16)] = v + v + c
                for j in range(GRP):
                    @pl.when(g > 0)
                    def _():
                        pltpu.make_async_copy(rows[j], acc.at[dbuf.at[j]],
                                              csem[j]).wait()
                    pltpu.async_copy(tab.at[sbuf.at[j]], rows[j], gsem[j])

                @pl.when(g + 1 < ng)
                def _():
                    stage(g + 1, 1 - par)

                for j in range(GRP):
                    pltpu.make_async_copy(tab.at[sbuf.at[j]], rows[j],
                                          gsem[j]).wait()
                    pltpu.async_copy(rows[j], acc.at[dbuf.at[j]], csem[j],
                                     add=True)

        for j in range(GRP):
            pltpu.make_async_copy(rows[j], acc.at[dbufs[1].at[j]],
                                  csem[j]).wait()
        plsc.subcore_barrier()
        pltpu.sync_copy(acc.at[pl.ds(s * RPT, RPT)],
                        out.at[c, pl.ds(s * RPT, RPT)])

    return seg


@functools.lru_cache(maxsize=None)
def _make_cnt():
    _mesh = plsc.VectorSubcoreMesh(core_axis_name="c", subcore_axis_name="s")
    cpw = E_PAD // (NW * CHUNK)
    ng = cpw // GRP

    @functools.partial(
        pl.kernel,
        out_type=jax.ShapeDtypeStruct((NC, ROWS, WC), jnp.float32),
        mesh=_mesh,
        scratch_types=(
            [pltpu.VMEM((GRP, CHUNK), jnp.int32)] * 2
            + [pltpu.VMEM((CHUNK, WC), jnp.float32)]
            + [pltpu.VMEM_SHARED((ROWS, WC), jnp.float32)]
            + [pltpu.SemaphoreType.DMA] * (2 + GRP)
        ),
        compiler_params=pltpu.CompilerParams(use_tc_tiling_on_sc=False),
    )
    def cnt(dstd, ones, zer, out, *rest):
        dbufs = rest[0:2]
        ones_v = rest[2]
        acc = rest[3]
        dsem, csem = rest[4:6], rest[6:6 + GRP]
        c = lax.axis_index("c")
        s = lax.axis_index("s")
        w = s * NC + c
        base = w * cpw

        def stage(g, b):
            pltpu.async_copy(dstd.at[pl.ds(base + g * GRP, GRP)], dbufs[b],
                             dsem[b])

        stage(0, 0)
        pltpu.sync_copy(ones, ones_v)
        pltpu.sync_copy(zer.at[pl.ds(s * RPT, RPT)], acc.at[pl.ds(s * RPT, RPT)])
        plsc.subcore_barrier()

        @pl.loop(0, ng, step=2)
        def group_pair(g0):
            for par in range(2):
                g = g0 + par
                dbuf = dbufs[par]
                pltpu.make_async_copy(dstd.at[pl.ds(0, GRP)], dbuf,
                                      dsem[par]).wait()
                for j in range(GRP):
                    @pl.when(g > 0)
                    def _():
                        pltpu.make_async_copy(ones_v, acc.at[dbuf.at[j]],
                                              csem[j]).wait()
                    pltpu.async_copy(ones_v, acc.at[dbuf.at[j]], csem[j],
                                     add=True)

                @pl.when(g + 1 < ng)
                def _():
                    stage(g + 1, 1 - par)

        for j in range(GRP):
            pltpu.make_async_copy(ones_v, acc.at[dbufs[1].at[j]],
                                  csem[j]).wait()
        plsc.subcore_barrier()
        pltpu.sync_copy(acc.at[pl.ds(s * RPT, RPT)],
                        out.at[c, pl.ds(s * RPT, RPT)])

    return cnt


def _mid_body(s1a, s1b, c0, c1, x, wl1, bl1, wr1, g, b, wl2, wr2, bl2,
              q_out):
    sums = jnp.concatenate([s1a[...], s1b[...]], axis=1)
    cnt = (c0[...] + c1[...])[:, :1]
    ci = 1.0 / jnp.maximum(cnt, 1.0)
    h = (jnp.dot(sums * ci, wl1[...], preferred_element_type=jnp.float32)
         + bl1[...]
         + jnp.dot(x[...], wr1[...], preferred_element_type=jnp.float32))
    mu = jnp.mean(h, axis=1, keepdims=True)
    var = jnp.mean((h - mu) ** 2, axis=1, keepdims=True)
    h = (h - mu) / jnp.sqrt(var + 1e-5) * g[...] + b[...]
    h = jnp.maximum(h, 0.0)
    p = jnp.dot(h, wl2[...], preferred_element_type=jnp.float32)
    r = jnp.dot(h, wr2[...], preferred_element_type=jnp.float32) + bl2[...]
    q_out[...] = jnp.concatenate(
        [p, r, jnp.broadcast_to(ci, (TCB, W2)),
         jnp.zeros((TCB, 128 - 3 * W2), jnp.float32)], axis=1)


def _fin_body(s2a, s2b, q, o):
    qv = q[...]
    m = (s2a[...] + s2b[...]) * qv[:, 2 * W2:3 * W2] + qv[:, W2:2 * W2]
    col = lax.broadcasted_iota(jnp.int32, m.shape, 1)
    o[...] = jnp.where(col < 4, jnp.tanh(m),
                       jnp.where(col == 4, jnp.exp(jnp.minimum(m, LOG10)), 0.0))


def kernel(x, edge_index, Wl1, bl1, Wr1, ln_g, ln_b, Wl2, bl2, Wr2):
    f32 = jnp.float32
    src = edge_index[0]
    dst = edge_index[1]

    xpad = jnp.zeros((ROWS, D), f32).at[:N_NODES].set(x)
    tab1 = xpad.reshape(2 * ROWS, W1)

    npad = E_PAD - N_EDGES
    src_p = jnp.concatenate(
        [src, (jnp.arange(npad, dtype=jnp.int32) * 37) % N_NODES]
    ).reshape(-1, CHUNK)
    dst_p = jnp.concatenate(
        [dst, jnp.full((npad,), N_NODES, jnp.int32)]).reshape(-1, CHUNK)

    cpart = _make_cnt()(dst_p, jnp.ones((CHUNK, WC), f32),
                        jnp.zeros((ROWS, WC), f32))
    s1 = _make_seg(W1, True)(tab1, src_p, dst_p, jnp.zeros((ROWS, W1), f32))

    wl2p = jnp.zeros((D, W2), f32).at[:, : Wl2.shape[1]].set(Wl2)
    wr2p = jnp.zeros((D, W2), f32).at[:, : Wr2.shape[1]].set(Wr2)
    bl2p = jnp.zeros((1, W2), f32).at[0, : bl2.shape[0]].set(bl2)

    full = lambda shape: pl.BlockSpec(shape, lambda i: (0,) * len(shape))
    q = pl.pallas_call(
        _mid_body,
        grid=(TCG,),
        in_specs=[
            pl.BlockSpec((TCB, W1), lambda i: (i, 0)),
            pl.BlockSpec((TCB, W1), lambda i: (i, 0)),
            pl.BlockSpec((TCB, WC), lambda i: (i, 0)),
            pl.BlockSpec((TCB, WC), lambda i: (i, 0)),
            pl.BlockSpec((TCB, D), lambda i: (i, 0)),
            full((D, D)), full((1, D)), full((D, D)),
            full((1, D)), full((1, D)),
            full((D, W2)), full((D, W2)), full((1, W2)),
        ],
        out_specs=pl.BlockSpec((TCB, 128), lambda i: (i, 0)),
        out_shape=jax.ShapeDtypeStruct((ROWS, 128), f32),
    )(s1[0], s1[1], cpart[0], cpart[1], xpad, Wl1, bl1.reshape(1, D),
      Wr1, ln_g.reshape(1, D), ln_b.reshape(1, D), wl2p, wr2p, bl2p)

    s2 = _make_seg(W2, False)(q[:, :W2], src_p, dst_p,
                              jnp.zeros((ROWS, W2), f32))

    o = pl.pallas_call(
        _fin_body,
        grid=(TCG,),
        in_specs=[
            pl.BlockSpec((TCB, W2), lambda i: (i, 0)),
            pl.BlockSpec((TCB, W2), lambda i: (i, 0)),
            pl.BlockSpec((TCB, 128), lambda i: (i, 0)),
        ],
        out_specs=pl.BlockSpec((TCB, W2), lambda i: (i, 0)),
        out_shape=jax.ShapeDtypeStruct((ROWS, W2), f32),
    )(s2[0], s2[1], q)

    y = o[:N_NODES]
    return (y[:, :4], y[:, 4])

# --- scband reference (transcript-rebuilt; emitter-appended) ---
"""Pipeline reference for scband-conformal-sheaf-learner-33603824124530 (READ-ONLY COPY).

The authoritative reference and input builder live on the scoring server;
editing this copy changes nothing except your own understanding.
"""

import jax, jax.numpy as jnp
import numpy as np

N = 50000
E = 800000
D_IN = 64
HID = 64
OUT = 5
LOG10 = float(np.log(10.0))


def setup_inputs(seed: int = 0):
    key = jax.random.key(seed)
    ks = jax.random.split(key, 12)
    x = jax.random.normal(ks[0], (N, D_IN), dtype=jnp.float32)
    edge_index = jax.random.randint(ks[1], (2, E), 0, N, dtype=jnp.int32)
    s_in = 1.0 / np.sqrt(D_IN)
    s_h = 1.0 / np.sqrt(HID)
    Wl1 = jax.random.normal(ks[2], (D_IN, HID), dtype=jnp.float32) * s_in
    bl1 = jnp.zeros((HID,), dtype=jnp.float32)
    Wr1 = jax.random.normal(ks[3], (D_IN, HID), dtype=jnp.float32) * s_in
    ln_g = jnp.ones((HID,), dtype=jnp.float32)
    ln_b = jnp.zeros((HID,), dtype=jnp.float32)
    Wl2 = jax.random.normal(ks[4], (HID, OUT), dtype=jnp.float32) * s_h
    bl2 = jnp.zeros((OUT,), dtype=jnp.float32)
    Wr2 = jax.random.normal(ks[5], (HID, OUT), dtype=jnp.float32) * s_h
    return {"x": x, "edge_index": edge_index, "Wl1": Wl1, "bl1": bl1, "Wr1": Wr1,
            "ln_g": ln_g, "ln_b": ln_b, "Wl2": Wl2, "bl2": bl2, "Wr2": Wr2}


def _sage_conv(h, src, dst, Wl, bl, Wr):
    # PyG SAGEConv with mean aggregation: out = lin_l(mean_{j in N(i)} x_j) + lin_r(x_i)
    msg = jnp.take(h, src, axis=0)
    agg = jax.ops.segment_sum(msg, dst, num_segments=N)
    cnt = jax.ops.segment_sum(jnp.ones((src.shape[0], 1), jnp.float32), dst, num_segments=N)
    agg = agg / jnp.clip(cnt, 1.0, None)
    return agg @ Wl + bl + h @ Wr


def _layer_norm(h, g, b):
    mu = jnp.mean(h, axis=-1, keepdims=True)
    var = jnp.mean((h - mu) ** 2, axis=-1, keepdims=True)
    return (h - mu) / jnp.sqrt(var + 1e-5) * g + b


def reference(x, edge_index, Wl1, bl1, Wr1, ln_g, ln_b, Wl2, bl2, Wr2):
    src = edge_index[0]
    dst = edge_index[1]
    # pe_size = 0 -> pe is an empty tensor; maps = cat([x, pe], -1) == x
    pe = jnp.zeros((x.shape[0], 0), dtype=x.dtype)
    maps = jnp.concatenate([x, pe], axis=-1)
    # GraphSAGE(64, 64, num_layers=2, out_channels=5, norm='layer'):
    # conv1 -> LayerNorm -> ReLU -> conv2
    h = _sage_conv(maps, src, dst, Wl1, bl1, Wr1)
    h = _layer_norm(h, ln_g, ln_b)
    h = jax.nn.relu(h)
    maps = _sage_conv(h, src, dst, Wl2, bl2, Wr2)
    # conformal=True: split last channel off as the conformal scale
    return (jnp.tanh(maps[:, :-1]), jnp.exp(jnp.minimum(maps[:, -1], LOG10)))

if __name__ == "__main__":
    import jax
    _d = setup_inputs()
    print(jax.jit(kernel)(*tuple(_d.values())))

</pallas_src>

<mosaic_0001>
#map = affine_map<(d0, d1) -> (0, 0)>
#map1 = affine_map<(d0, d1) -> (0, 0, 0)>
module attributes {stable_mosaic.version = 14 : i64} {
  func.func @seg(%arg0: i32, %arg1: i32, %arg2: memref<50176x16xf32, #tpu.memory_space<hbm>>, %arg3: memref<6400x128xi32, #tpu.memory_space<hbm>>, %arg4: memref<6400x128xi32, #tpu.memory_space<hbm>>, %arg5: memref<50176x16xf32, #tpu.memory_space<hbm>>, %arg6: memref<2x50176x16xf32, #tpu.memory_space<hbm>>, %arg7: memref<5x128xi32, #tpu.memory_space<vmem>>, %arg8: memref<5x128xi32, #tpu.memory_space<vmem>>, %arg9: memref<5x128xi32, #tpu.memory_space<vmem>>, %arg10: memref<5x128xi32, #tpu.memory_space<vmem>>, %arg11: memref<128x16xf32, #tpu.memory_space<vmem>>, %arg12: memref<128x16xf32, #tpu.memory_space<vmem>>, %arg13: memref<128x16xf32, #tpu.memory_space<vmem>>, %arg14: memref<128x16xf32, #tpu.memory_space<vmem>>, %arg15: memref<128x16xf32, #tpu.memory_space<vmem>>, %arg16: memref<50176x16xf32, #tpu.memory_space<vmem_shared>>, %arg17: memref<!tpu.dma_semaphore, #tpu.memory_space<semaphore_mem>>, %arg18: memref<!tpu.dma_semaphore, #tpu.memory_space<semaphore_mem>>, %arg19: memref<!tpu.dma_semaphore, #tpu.memory_space<semaphore_mem>>, %arg20: memref<!tpu.dma_semaphore, #tpu.memory_space<semaphore_mem>>, %arg21: memref<!tpu.dma_semaphore, #tpu.memory_space<semaphore_mem>>, %arg22: memref<!tpu.dma_semaphore, #tpu.memory_space<semaphore_mem>>, %arg23: memref<!tpu.dma_semaphore, #tpu.memory_space<semaphore_mem>>, %arg24: memref<!tpu.dma_semaphore, #tpu.memory_space<semaphore_mem>>, %arg25: memref<!tpu.dma_semaphore, #tpu.memory_space<semaphore_mem>>, %arg26: memref<!tpu.dma_semaphore, #tpu.memory_space<semaphore_mem>>, %arg27: memref<!tpu.dma_semaphore, #tpu.memory_space<semaphore_mem>>, %arg28: memref<!tpu.dma_semaphore, #tpu.memory_space<semaphore_mem>>, %arg29: memref<!tpu.dma_semaphore, #tpu.memory_space<semaphore_mem>>, %arg30: memref<!tpu.dma_semaphore, #tpu.memory_space<semaphore_mem>>) attributes {dimension_semantics = [#tpu.dimension_semantics<core_parallel>, #tpu.dimension_semantics<subcore_parallel>], iteration_bounds = array<i64: 2, 16>, scalar_prefetch = 0 : i64, scratch_operands = 24 : i64, tpu.core_type = #tpu.core_type<sc_vector_subcore>, window_params = [{transform_indices = #map}, {transform_indices = #map}, {transform_indices = #map}, {transform_indices = #map}, {transform_indices = #map1}]} {
    %mul3A = arith.constant 2 : i32
    %mul3A_0 = arith.muli %arg1, %mul3A : i32
    %add3A = arith.addi %mul3A_0, %arg0 : i32
    %mul3A_1 = arith.constant 200 : i32
    %mul3A_2 = arith.muli %add3A, %mul3A_1 : i32
    %add3A_3 = arith.constant 0 : i32
    %add3A_4 = arith.addi %mul3A_2, %add3A_3 : i32
    %dma_start3A = arith.constant 0 : i32
    %dma_start3A_5 = tpu.memref_slice %arg3[%add3A_4, %dma_start3A] : memref<6400x128xi32, #tpu.memory_space<hbm>> -> memref<5x128xi32, #tpu.memory_space<hbm>>
    %dma_start3A_6 = arith.constant 0 : i32
    %dma_start3A_7 = tpu.memref_slice %arg3[%add3A_4, %dma_start3A_6] : memref<6400x128xi32, #tpu.memory_space<hbm>> -> memref<5x128xi32, #tpu.memory_space<hbm>>
    tpu.enqueue_dma source(%dma_start3A_7 : memref<5x128xi32, #tpu.memory_space<hbm>>) target(%arg7 : memref<5x128xi32, #tpu.memory_space<vmem>>) target_semaphore(%arg17 : memref<!tpu.dma_semaphore, #tpu.memory_space<semaphore_mem>>)
    %dma_start3A_8 = arith.constant 0 : i32
    %dma_start3A_9 = tpu.memref_slice %arg4[%add3A_4, %dma_start3A_8] : memref<6400x128xi32, #tpu.memory_space<hbm>> -> memref<5x128xi32, #tpu.memory_space<hbm>>
    %dma_start3A_10 = arith.constant 0 : i32
    %dma_start3A_11 = tpu.memref_slice %arg4[%add3A_4, %dma_start3A_10] : memref<6400x128xi32, #tpu.memory_space<hbm>> -> memref<5x128xi32, #tpu.memory_space<hbm>>
    tpu.enqueue_dma source(%dma_start3A_11 : memref<5x128xi32, #tpu.memory_space<hbm>>) target(%arg9 : memref<5x128xi32, #tpu.memory_space<vmem>>) target_semaphore(%arg19 : memref<!tpu.dma_semaphore, #tpu.memory_space<semaphore_mem>>)
    %mul3A_12 = arith.constant 3136 : i32
    %mul3A_13 = arith.muli %arg1, %mul3A_12 : i32
    %mul3A_14 = arith.constant 3136 : i32
    %mul3A_15 = arith.muli %arg1, %mul3A_14 : i32
    "tpu.region"() ({
      %run_scoped3A = tpu.sem_alloc : memref<!tpu.dma_semaphore, #tpu.memory_space<semaphore_mem>>
      %dma_start3A_59 = arith.constant 0 : i32
      %dma_start3A_60 = tpu.memref_slice %arg16[%mul3A_15, %dma_start3A_59] : memref<50176x16xf32, #tpu.memory_space<vmem_shared>> -> memref<3136x16xf32, #tpu.memory_space<vmem_shared>>
      %dma_start3A_61 = arith.constant 0 : i32
      %dma_start3A_62 = tpu.memref_slice %arg5[%mul3A_13, %dma_start3A_61] : memref<50176x16xf32, #tpu.memory_space<hbm>> -> memref<3136x16xf32, #tpu.memory_space<hbm>>
      tpu.enqueue_dma source(%dma_start3A_62 : memref<3136x16xf32, #tpu.memory_space<hbm>>) target(%dma_start3A_60 : memref<3136x16xf32, #tpu.memory_space<vmem_shared>>) target_semaphore(%run_scoped3A : memref<!tpu.dma_semaphore, #tpu.memory_space<semaphore_mem>>)
      %dma_wait3A_63 = arith.constant 0 : i32
      %dma_wait3A_64 = tpu.memref_slice %arg16[%mul3A_15, %dma_wait3A_63] : memref<50176x16xf32, #tpu.memory_space<vmem_shared>> -> memref<3136x16xf32, #tpu.memory_space<vmem_shared>>
      %dma_wait3A_65 = arith.constant 0 : i32
      %dma_wait3A_66 = tpu.memref_slice %arg5[%mul3A_13, %dma_wait3A_65] : memref<50176x16xf32, #tpu.memory_space<hbm>> -> memref<3136x16xf32, #tpu.memory_space<hbm>>
      tpu.wait_dma2 semaphore(%run_scoped3A : memref<!tpu.dma_semaphore, #tpu.memory_space<semaphore_mem>>) src(%dma_wait3A_66 : memref<3136x16xf32, #tpu.memory_space<hbm>>) dst(%dma_wait3A_64 : memref<3136x16xf32, #tpu.memory_space<vmem_shared>>)
      tpu.yield
    }) : () -> ()
    %barrier3A = arith.constant 0 : index
    tpu.barrier barrier_id(%barrier3A)
    %scan3A = arith.constant 0 : i32
    %scan3A_16 = arith.constant 20 : i32
    %scan3A_17 = arith.addi %scan3A, %scan3A_16 : i32
    %scan3A_18 = arith.constant 1 : i32
    scf.for %scan3A_59 = %scan3A to %scan3A_17 step %scan3A_18  : i32 {
      %mul3A_60 = arith.constant 2 : i32
      %mul3A_61 = arith.muli %scan3A_59, %mul3A_60 : i32
      %add3A_62 = arith.constant 0 : i32
      %add3A_63 = arith.addi %add3A_62, %mul3A_61 : i32
      %add3A_64 = arith.constant 0 : i32
      %add3A_65 = arith.addi %add3A_63, %add3A_64 : i32
      %dma_wait3A_66 = arith.constant 0 : i32
      %dma_wait3A_67 = arith.constant 0 : i32
      %dma_wait3A_68 = tpu.memref_slice %arg3[%dma_wait3A_66, %dma_wait3A_67] : memref<6400x128xi32, #tpu.memory_space<hbm>> -> memref<5x128xi32, #tpu.memory_space<hbm>>
      %dma_wait3A_69 = arith.constant 0 : i32
      %dma_wait3A_70 = arith.constant 0 : i32
      %dma_wait3A_71 = tpu.memref_slice %arg3[%dma_wait3A_69, %dma_wait3A_70] : memref<6400x128xi32, #tpu.memory_space<hbm>> -> memref<5x128xi32, #tpu.memory_space<hbm>>
      tpu.wait_dma2 semaphore(%arg17 : memref<!tpu.dma_semaphore, #tpu.memory_space<semaphore_mem>>) src(%dma_wait3A_71 : memref<5x128xi32, #tpu.memory_space<hbm>>) dst(%arg7 : memref<5x128xi32, #tpu.memory_space<vmem>>)
      %dma_wait3A_72 = arith.constant 0 : i32
      %dma_wait3A_73 = arith.constant 0 : i32
      %dma_wait3A_74 = tpu.memref_slice %arg4[%dma_wait3A_72, %dma_wait3A_73] : memref<6400x128xi32, #tpu.memory_space<hbm>> -> memref<5x128xi32, #tpu.memory_space<hbm>>
      %dma_wait3A_75 = arith.constant 0 : i32
      %dma_wait3A_76 = arith.constant 0 : i32
      %dma_wait3A_77 = tpu.memref_slice %arg4[%dma_wait3A_75, %dma_wait3A_76] : memref<6400x128xi32, #tpu.memory_space<hbm>> -> memref<5x128xi32, #tpu.memory_space<hbm>>
      tpu.wait_dma2 semaphore(%arg19 : memref<!tpu.dma_semaphore, #tpu.memory_space<semaphore_mem>>) src(%dma_wait3A_77 : memref<5x128xi32, #tpu.memory_space<hbm>>) dst(%arg9 : memref<5x128xi32, #tpu.memory_space<vmem>>)
      %gt3A = arith.constant 0 : i32
      %gt3A_78 = arith.cmpi sgt, %add3A_65, %gt3A : i32
      %convert_element_type3A = arith.extui %gt3A_78 : i1 to i32
      %cond3A = arith.constant 0 : i32
      %cond3A_79 = arith.cmpi ne, %convert_element_type3A, %cond3A : i32
      scf.if %cond3A_79 {
        %dma_wait3A_362 = arith.constant 0 : i32
        %dma_wait3A_363 = arith.constant 0 : i32
        %dma_wait3A_364 = tpu.memref_slice %arg9[%dma_wait3A_362, %dma_wait3A_363] : memref<5x128xi32, #tpu.memory_space<vmem>> -> memref<1x128xi32, #tpu.memory_space<vmem>>
        %dma_wait3A_365 = tpu.memref_squeeze %dma_wait3A_364 : memref<1x128xi32, #tpu.memory_space<vmem>> -> memref<128xi32, #tpu.memory_space<vmem>>
        %dma_wait3A_366 = arith.constant 0 : i32
        %dma_wait3A_367 = arith.constant 0 : i32
        %dma_wait3A_368 = tpu.memref_slice %arg16[%dma_wait3A_366, %dma_wait3A_367] : memref<50176x16xf32, #tpu.memory_space<vmem_shared>> -> memref<50176x16xf32, #tpu.memory_space<vmem_shared>>
        tpu.wait_indirect_dma semaphore(%arg26 : memref<!tpu.dma_semaphore, #tpu.memory_space<semaphore_mem>>) src(%arg11 : memref<128x16xf32, #tpu.memory_space<vmem>>) dst(%dma_wait3A_368 : memref<50176x16xf32, #tpu.memory_space<vmem_shared>>)
      } else {
      }
      %dma_start3A_80 = arith.constant 0 : i32
      %dma_start3A_81 = arith.constant 0 : i32
      %dma_start3A_82 = tpu.memref_slice %arg7[%dma_start3A_80, %dma_start3A_81] : memref<5x128xi32, #tpu.memory_space<vmem>> -> memref<1x128xi32, #tpu.memory_space<vmem>>
      %dma_start3A_83 = tpu.memref_squeeze %dma_start3A_82 : memref<1x128xi32, #tpu.memory_space<vmem>> -> memref<128xi32, #tpu.memory_space<vmem>>
      %dma_start3A_84 = arith.constant 0 : i32
      %dma_start3A_85 = arith.constant 0 : i32
      %dma_start3A_86 = tpu.memref_slice %arg2[%dma_start3A_84, %dma_start3A_85] : memref<50176x16xf32, #tpu.memory_space<hbm>> -> memref<50176x16xf32, #tpu.memory_space<hbm>>
      tpu.enqueue_indirect_dma source(%dma_start3A_86 : memref<50176x16xf32, #tpu.memory_space<hbm>>) target(%arg11 : memref<128x16xf32, #tpu.memory_space<vmem>>) offsets(%dma_start3A_83 : memref<128xi32, #tpu.memory_space<vmem>>) semaphore(%arg21 : memref<!tpu.dma_semaphore, #tpu.memory_space<semaphore_mem>>)
      %gt3A_87 = arith.constant 0 : i32
      %gt3A_88 = arith.cmpi sgt, %add3A_65, %gt3A_87 : i32
      %convert_element_type3A_89 = arith.extui %gt3A_88 : i1 to i32
      %cond3A_90 = arith.constant 0 : i32
      %cond3A_91 = arith.cmpi ne, %convert_element_type3A_89, %cond3A_90 : i32
      scf.if %cond3A_91 {
        %dma_wait3A_362 = arith.constant 1 : i32
        %dma_wait3A_363 = arith.constant 0 : i32
        %dma_wait3A_364 = tpu.memref_slice %arg9[%dma_wait3A_362, %dma_wait3A_363] : memref<5x128xi32, #tpu.memory_space<vmem>> -> memref<1x128xi32, #tpu.memory_space<vmem>>
        %dma_wait3A_365 = tpu.memref_squeeze %dma_wait3A_364 : memref<1x128xi32, #tpu.memory_space<vmem>> -> memref<128xi32, #tpu.memory_space<vmem>>
        %dma_wait3A_366 = arith.constant 0 : i32
        %dma_wait3A_367 = arith.constant 0 : i32
        %dma_wait3A_368 = tpu.memref_slice %arg16[%dma_wait3A_366, %dma_wait3A_367] : memref<50176x16xf32, #tpu.memory_space<vmem_shared>> -> memref<50176x16xf32, #tpu.memory_space<vmem_shared>>
        tpu.wait_indirect_dma semaphore(%arg27 : memref<!tpu.dma_semaphore, #tpu.memory_space<semaphore_mem>>) src(%arg12 : memref<128x16xf32, #tpu.memory_space<vmem>>) dst(%dma_wait3A_368 : memref<50176x16xf32, #tpu.memory_space<vmem_shared>>)
      } else {
      }
      %dma_start3A_92 = arith.constant 1 : i32
      %dma_start3A_93 = arith.constant 0 : i32
      %dma_start3A_94 = tpu.memref_slice %arg7[%dma_start3A_92, %dma_start3A_93] : memref<5x128xi32, #tpu.memory_space<vmem>> -> memref<1x128xi32, #tpu.memory_space<vmem>>
      %dma_start3A_95 = tpu.memref_squeeze %dma_start3A_94 : memref<1x128xi32, #tpu.memory_space<vmem>> -> memref<128xi32, #tpu.memory_space<vmem>>
      %dma_start3A_96 = arith.constant 0 : i32
      %dma_start3A_97 = arith.constant 0 : i32
      %dma_start3A_98 = tpu.memref_slice %arg2[%dma_start3A_96, %dma_start3A_97] : memref<50176x16xf32, #tpu.memory_space<hbm>> -> memref<50176x16xf32, #tpu.memory_space<hbm>>
      tpu.enqueue_indirect_dma source(%dma_start3A_98 : memref<50176x16xf32, #tpu.memory_space<hbm>>) target(%arg12 : memref<128x16xf32, #tpu.memory_space<vmem>>) offsets(%dma_start3A_95 : memref<128xi32, #tpu.memory_space<vmem>>) semaphore(%arg22 : memref<!tpu.dma_semaphore, #tpu.memory_space<semaphore_mem>>)
      %gt3A_99 = arith.constant 0 : i32
      %gt3A_100 = arith.cmpi sgt, %add3A_65, %gt3A_99 : i32
      %convert_element_type3A_101 = arith.extui %gt3A_100 : i1 to i32
      %cond3A_102 = arith.constant 0 : i32
      %cond3A_103 = arith.cmpi ne, %convert_element_type3A_101, %cond3A_102 : i32
      scf.if %cond3A_103 {
        %dma_wait3A_362 = arith.constant 2 : i32
        %dma_wait3A_363 = arith.constant 0 : i32
        %dma_wait3A_364 = tpu.memref_slice %arg9[%dma_wait3A_362, %dma_wait3A_363] : memref<5x128xi32, #tpu.memory_space<vmem>> -> memref<1x128xi32, #tpu.memory_space<vmem>>
        %dma_wait3A_365 = tpu.memref_squeeze %dma_wait3A_364 : memref<1x128xi32, #tpu.memory_space<vmem>> -> memref<128xi32, #tpu.memory_space<vmem>>
        %dma_wait3A_366 = arith.constant 0 : i32
        %dma_wait3A_367 = arith.constant 0 : i32
        %dma_wait3A_368 = tpu.memref_slice %arg16[%dma_wait3A_366, %dma_wait3A_367] : memref<50176x16xf32, #tpu.memory_space<vmem_shared>> -> memref<50176x16xf32, #tpu.memory_space<vmem_shared>>
        tpu.wait_indirect_dma semaphore(%arg28 : memref<!tpu.dma_semaphore, #tpu.memory_space<semaphore_mem>>) src(%arg13 : memref<128x16xf32, #tpu.memory_space<vmem>>) dst(%dma_wait3A_368 : memref<50176x16xf32, #tpu.memory_space<vmem_shared>>)
      } else {
      }
      %dma_start3A_104 = arith.constant 2 : i32
      %dma_start3A_105 = arith.constant 0 : i32
      %dma_start3A_106 = tpu.memref_slice %arg7[%dma_start3A_104, %dma_start3A_105] : memref<5x128xi32, #tpu.memory_space<vmem>> -> memref<1x128xi32, #tpu.memory_space<vmem>>
      %dma_start3A_107 = tpu.memref_squeeze %dma_start3A_106 : memref<1x128xi32, #tpu.memory_space<vmem>> -> memref<128xi32, #tpu.memory_space<vmem>>
      %dma_start3A_108 = arith.constant 0 : i32
      %dma_start3A_109 = arith.constant 0 : i32
      %dma_start3A_110 = tpu.memref_slice %arg2[%dma_start3A_108, %dma_start3A_109] : memref<50176x16xf32, #tpu.memory_space<hbm>> -> memref<50176x16xf32, #tpu.memory_space<hbm>>
      tpu.enqueue_indirect_dma source(%dma_start3A_110 : memref<50176x16xf32, #tpu.memory_space<hbm>>) target(%arg13 : memref<128x16xf32, #tpu.memory_space<vmem>>) offsets(%dma_start3A_107 : memref<128xi32, #tpu.memory_space<vmem>>) semaphore(%arg23 : memref<!tpu.dma_semaphore, #tpu.memory_space<semaphore_mem>>)
      %gt3A_111 = arith.constant 0 : i32
      %gt3A_112 = arith.cmpi sgt, %add3A_65, %gt3A_111 : i32
      %convert_element_type3A_113 = arith.extui %gt3A_112 : i1 to i32
      %cond3A_114 = arith.constant 0 : i32
      %cond3A_115 = arith.cmpi ne, %convert_element_type3A_113, %cond3A_114 : i32
      scf.if %cond3A_115 {
        %dma_wait3A_362 = arith.constant 3 : i32
        %dma_wait3A_363 = arith.constant 0 : i32
        %dma_wait3A_364 = tpu.memref_slice %arg9[%dma_wait3A_362, %dma_wait3A_363] : memref<5x128xi32, #tpu.memory_space<vmem>> -> memref<1x128xi32, #tpu.memory_space<vmem>>
        %dma_wait3A_365 = tpu.memref_squeeze %dma_wait3A_364 : memref<1x128xi32, #tpu.memory_space<vmem>> -> memref<128xi32, #tpu.memory_space<vmem>>
        %dma_wait3A_366 = arith.constant 0 : i32
        %dma_wait3A_367 = arith.constant 0 : i32
        %dma_wait3A_368 = tpu.memref_slice %arg16[%dma_wait3A_366, %dma_wait3A_367] : memref<50176x16xf32, #tpu.memory_space<vmem_shared>> -> memref<50176x16xf32, #tpu.memory_space<vmem_shared>>
        tpu.wait_indirect_dma semaphore(%arg29 : memref<!tpu.dma_semaphore, #tpu.memory_space<semaphore_mem>>) src(%arg14 : memref<128x16xf32, #tpu.memory_space<vmem>>) dst(%dma_wait3A_368 : memref<50176x16xf32, #tpu.memory_space<vmem_shared>>)
      } else {
      }
      %dma_start3A_116 = arith.constant 3 : i32
      %dma_start3A_117 = arith.constant 0 : i32
      %dma_start3A_118 = tpu.memref_slice %arg7[%dma_start3A_116, %dma_start3A_117] : memref<5x128xi32, #tpu.memory_space<vmem>> -> memref<1x128xi32, #tpu.memory_space<vmem>>
      %dma_start3A_119 = tpu.memref_squeeze %dma_start3A_118 : memref<1x128xi32, #tpu.memory_space<vmem>> -> memref<128xi32, #tpu.memory_space<vmem>>
      %dma_start3A_120 = arith.constant 0 : i32
      %dma_start3A_121 = arith.constant 0 : i32
      %dma_start3A_122 = tpu.memref_slice %arg2[%dma_start3A_120, %dma_start3A_121] : memref<50176x16xf32, #tpu.memory_space<hbm>> -> memref<50176x16xf32, #tpu.memory_space<hbm>>
      tpu.enqueue_indirect_dma source(%dma_start3A_122 : memref<50176x16xf32, #tpu.memory_space<hbm>>) target(%arg14 : memref<128x16xf32, #tpu.memory_space<vmem>>) offsets(%dma_start3A_119 : memref<128xi32, #tpu.memory_space<vmem>>) semaphore(%arg24 : memref<!tpu.dma_semaphore, #tpu.memory_space<semaphore_mem>>)
      %gt3A_123 = arith.constant 0 : i32
      %gt3A_124 = arith.cmpi sgt, %add3A_65, %gt3A_123 : i32
      %convert_element_type3A_125 = arith.extui %gt3A_124 : i1 to i32
      %cond3A_126 = arith.constant 0 : i32
      %cond3A_127 = arith.cmpi ne, %convert_element_type3A_125, %cond3A_126 : i32
      scf.if %cond3A_127 {
        %dma_wait3A_362 = arith.constant 4 : i32
        %dma_wait3A_363 = arith.constant 0 : i32
        %dma_wait3A_364 = tpu.memref_slice %arg9[%dma_wait3A_362, %dma_wait3A_363] : memref<5x128xi32, #tpu.memory_space<vmem>> -> memref<1x128xi32, #tpu.memory_space<vmem>>
        %dma_wait3A_365 = tpu.memref_squeeze %dma_wait3A_364 : memref<1x128xi32, #tpu.memory_space<vmem>> -> memref<128xi32, #tpu.memory_space<vmem>>
        %dma_wait3A_366 = arith.constant 0 : i32
        %dma_wait3A_367 = arith.constant 0 : i32
        %dma_wait3A_368 = tpu.memref_slice %arg16[%dma_wait3A_366, %dma_wait3A_367] : memref<50176x16xf32, #tpu.memory_space<vmem_shared>> -> memref<50176x16xf32, #tpu.memory_space<vmem_shared>>
        tpu.wait_indirect_dma semaphore(%arg30 : memref<!tpu.dma_semaphore, #tpu.memory_space<semaphore_mem>>) src(%arg15 : memref<128x16xf32, #tpu.memory_space<vmem>>) dst(%dma_wait3A_368 : memref<50176x16xf32, #tpu.memory_space<vmem_shared>>)
      } else {
      }
      %dma_start3A_128 = arith.constant 4 : i32
      %dma_start3A_129 = arith.constant 0 : i32
      %dma_start3A_130 = tpu.memref_slice %arg7[%dma_start3A_128, %dma_start3A_129] : memref<5x128xi32, #tpu.memory_space<vmem>> -> memref<1x128xi32, #tpu.memory_space<vmem>>
      %dma_start3A_131 = tpu.memref_squeeze %dma_start3A_130 : memref<1x128xi32, #tpu.memory_space<vmem>> -> memref<128xi32, #tpu.memory_space<vmem>>
      %dma_start3A_132 = arith.constant 0 : i32
      %dma_start3A_133 = arith.constant 0 : i32
      %dma_start3A_134 = tpu.memref_slice %arg2[%dma_start3A_132, %dma_start3A_133] : memref<50176x16xf32, #tpu.memory_space<hbm>> -> memref<50176x16xf32, #tpu.memory_space<hbm>>
      tpu.enqueue_indirect_dma source(%dma_start3A_134 : memref<50176x16xf32, #tpu.memory_space<hbm>>) target(%arg15 : memref<128x16xf32, #tpu.memory_space<vmem>>) offsets(%dma_start3A_131 : memref<128xi32, #tpu.memory_space<vmem>>) semaphore(%arg25 : memref<!tpu.dma_semaphore, #tpu.memory_space<semaphore_mem>>)
      %add3A_135 = arith.constant 1 : i32
      %add3A_136 = arith.addi %add3A_65, %add3A_135 : i32
      %lt3A = arith.constant 40 : i32
      %lt3A_137 = arith.cmpi slt, %add3A_136, %lt3A : i32
      %convert_element_type3A_138 = arith.extui %lt3A_137 : i1 to i32
      %cond3A_139 = arith.constant 0 : i32
      %cond3A_140 = arith.cmpi ne, %convert_element_type3A_138, %cond3A_139 : i32
      scf.if %cond3A_140 {
        %add3A_362 = arith.constant 1 : i32
        %add3A_363 = arith.addi %add3A_65, %add3A_362 : i32
        %mul3A_364 = arith.constant 5 : i32
        %mul3A_365 = arith.muli %add3A_363, %mul3A_364 : i32
        %add3A_366 = arith.addi %mul3A_2, %mul3A_365 : i32
        %dma_start3A_367 = arith.constant 0 : i32
        %dma_start3A_368 = tpu.memref_slice %arg3[%add3A_366, %dma_start3A_367] : memref<6400x128xi32, #tpu.memory_space<hbm>> -> memref<5x128xi32, #tpu.memory_space<hbm>>
        %dma_start3A_369 = arith.constant 0 : i32
        %dma_start3A_370 = tpu.memref_slice %arg3[%add3A_366, %dma_start3A_369] : memref<6400x128xi32, #tpu.memory_space<hbm>> -> memref<5x128xi32, #tpu.memory_space<hbm>>
        tpu.enqueue_dma source(%dma_start3A_370 : memref<5x128xi32, #tpu.memory_space<hbm>>) target(%arg8 : memref<5x128xi32, #tpu.memory_space<vmem>>) target_semaphore(%arg18 : memref<!tpu.dma_semaphore, #tpu.memory_space<semaphore_mem>>)
        %dma_start3A_371 = arith.constant 0 : i32
        %dma_start3A_372 = tpu.memref_slice %arg4[%add3A_366, %dma_start3A_371] : memref<6400x128xi32, #tpu.memory_space<hbm>> -> memref<5x128xi32, #tpu.memory_space<hbm>>
        %dma_start3A_373 = arith.constant 0 : i32
        %dma_start3A_374 = tpu.memref_slice %arg4[%add3A_366, %dma_start3A_373] : memref<6400x128xi32, #tpu.memory_space<hbm>> -> memref<5x128xi32, #tpu.memory_space<hbm>>
        tpu.enqueue_dma source(%dma_start3A_374 : memref<5x128xi32, #tpu.memory_space<hbm>>) target(%arg10 : memref<5x128xi32, #tpu.memory_space<vmem>>) target_semaphore(%arg20 : memref<!tpu.dma_semaphore, #tpu.memory_space<semaphore_mem>>)
      } else {
      }
      %dma_wait3A_141 = arith.constant 0 : i32
      %dma_wait3A_142 = arith.constant 0 : i32
      %dma_wait3A_143 = tpu.memref_slice %arg7[%dma_wait3A_141, %dma_wait3A_142] : memref<5x128xi32, #tpu.memory_space<vmem>> -> memref<1x128xi32, #tpu.memory_space<vmem>>
      %dma_wait3A_144 = tpu.memref_squeeze %dma_wait3A_143 : memref<1x128xi32, #tpu.memory_space<vmem>> -> memref<128xi32, #tpu.memory_space<vmem>>
      %dma_wait3A_145 = arith.constant 0 : i32
      %dma_wait3A_146 = arith.constant 0 : i32
      %dma_wait3A_147 = tpu.memref_slice %arg2[%dma_wait3A_145, %dma_wait3A_146] : memref<50176x16xf32, #tpu.memory_space<hbm>> -> memref<50176x16xf32, #tpu.memory_space<hbm>>
      tpu.wait_indirect_dma semaphore(%arg21 : memref<!tpu.dma_semaphore, #tpu.memory_space<semaphore_mem>>) src(%dma_wait3A_147 : memref<50176x16xf32, #tpu.memory_space<hbm>>) dst(%arg11 : memref<128x16xf32, #tpu.memory_space<vmem>>)
      %dma_start3A_148 = arith.constant 0 : i32
      %dma_start3A_149 = arith.constant 0 : i32
      %dma_start3A_150 = tpu.memref_slice %arg9[%dma_start3A_148, %dma_start3A_149] : memref<5x128xi32, #tpu.memory_space<vmem>> -> memref<1x128xi32, #tpu.memory_space<vmem>>
      %dma_start3A_151 = tpu.memref_squeeze %dma_start3A_150 : memref<1x128xi32, #tpu.memory_space<vmem>> -> memref<128xi32, #tpu.memory_space<vmem>>
      %dma_start3A_152 = arith.constant 0 : i32
      %dma_start3A_153 = arith.constant 0 : i32
      %dma_start3A_154 = tpu.memref_slice %arg16[%dma_start3A_152, %dma_start3A_153] : memref<50176x16xf32, #tpu.memory_space<vmem_shared>> -> memref<50176x16xf32, #tpu.memory_space<vmem_shared>>
      tpu.enqueue_indirect_dma source(%arg11 : memref<128x16xf32, #tpu.memory_space<vmem>>) target(%dma_start3A_154 : memref<50176x16xf32, #tpu.memory_space<vmem_shared>>) offsets(%dma_start3A_151 : memref<128xi32, #tpu.memory_space<vmem>>) semaphore(%arg26 : memref<!tpu.dma_semaphore, #tpu.memory_space<semaphore_mem>>) {add = true}
      %dma_wait3A_155 = arith.constant 1 : i32
      %dma_wait3A_156 = arith.constant 0 : i32
      %dma_wait3A_157 = tpu.memref_slice %arg7[%dma_wait3A_155, %dma_wait3A_156] : memref<5x128xi32, #tpu.memory_space<vmem>> -> memref<1x128xi32, #tpu.memory_space<vmem>>
      %dma_wait3A_158 = tpu.memref_squeeze %dma_wait3A_157 : memref<1x128xi32, #tpu.memory_space<vmem>> -> memref<128xi32, #tpu.memory_space<vmem>>
      %dma_wait3A_159 = arith.constant 0 : i32
      %dma_wait3A_160 = arith.constant 0 : i32
      %dma_wait3A_161 = tpu.memref_slice %arg2[%dma_wait3A_159, %dma_wait3A_160] : memref<50176x16xf32, #tpu.memory_space<hbm>> -> memref<50176x16xf32, #tpu.memory_space<hbm>>
      tpu.wait_indirect_dma semaphore(%arg22 : memref<!tpu.dma_semaphore, #tpu.memory_space<semaphore_mem>>) src(%dma_wait3A_161 : memref<50176x16xf32, #tpu.memory_space<hbm>>) dst(%arg12 : memref<128x16xf32, #tpu.memory_space<vmem>>)
      %dma_start3A_162 = arith.constant 1 : i32
      %dma_start3A_163 = arith.constant 0 : i32
      %dma_start3A_164 = tpu.memref_slice %arg9[%dma_start3A_162, %dma_start3A_163] : memref<5x128xi32, #tpu.memory_space<vmem>> -> memref<1x128xi32, #tpu.memory_space<vmem>>
      %dma_start3A_165 = tpu.memref_squeeze %dma_start3A_164 : memref<1x128xi32, #tpu.memory_space<vmem>> -> memref<128xi32, #tpu.memory_space<vmem>>
      %dma_start3A_166 = arith.constant 0 : i32
      %dma_start3A_167 = arith.constant 0 : i32
      %dma_start3A_168 = tpu.memref_slice %arg16[%dma_start3A_166, %dma_start3A_167] : memref<50176x16xf32, #tpu.memory_space<vmem_shared>> -> memref<50176x16xf32, #tpu.memory_space<vmem_shared>>
      tpu.enqueue_indirect_dma source(%arg12 : memref<128x16xf32, #tpu.memory_space<vmem>>) target(%dma_start3A_168 : memref<50176x16xf32, #tpu.memory_space<vmem_shared>>) offsets(%dma_start3A_165 : memref<128xi32, #tpu.memory_space<vmem>>) semaphore(%arg27 : memref<!tpu.dma_semaphore, #tpu.memory_space<semaphore_mem>>) {add = true}
      %dma_wait3A_169 = arith.constant 2 : i32
      %dma_wait3A_170 = arith.constant 0 : i32
      %dma_wait3A_171 = tpu.memref_slice %arg7[%dma_wait3A_169, %dma_wait3A_170] : memref<5x128xi32, #tpu.memory_space<vmem>> -> memref<1x128xi32, #tpu.memory_space<vmem>>
      %dma_wait3A_172 = tpu.memref_squeeze %dma_wait3A_171 : memref<1x128xi32, #tpu.memory_space<vmem>> -> memref<128xi32, #tpu.memory_space<vmem>>
      %dma_wait3A_173 = arith.constant 0 : i32
      %dma_wait3A_174 = arith.constant 0 : i32
      %dma_wait3A_175 = tpu.memref_slice %arg2[%dma_wait3A_173, %dma_wait3A_174] : memref<50176x16xf32, #tpu.memory_space<hbm>> -> memref<50176x16xf32, #tpu.memory_space<hbm>>
      tpu.wait_indirect_dma semaphore(%arg23 : memref<!tpu.dma_semaphore, #tpu.memory_space<semaphore_mem>>) src(%dma_wait3A_175 : memref<50176x16xf32, #tpu.memory_space<hbm>>) dst(%arg13 : memref<128x16xf32, #tpu.memory_space<vmem>>)
      %dma_start3A_176 = arith.constant 2 : i32
      %dma_start3A_177 = arith.constant 0 : i32
      %dma_start3A_178 = tpu.memref_slice %arg9[%dma_start3A_176, %dma_start3A_177] : memref<5x128xi32, #tpu.memory_space<vmem>> -> memref<1x128xi32, #tpu.memory_space<vmem>>
      %dma_start3A_179 = tpu.memref_squeeze %dma_start3A_178 : memref<1x128xi32, #tpu.memory_space<vmem>> -> memref<128xi32, #tpu.memory_space<vmem>>
      %dma_start3A_180 = arith.constant 0 : i32
      %dma_start3A_181 = arith.constant 0 : i32
      %dma_start3A_182 = tpu.memref_slice %arg16[%dma_start3A_180, %dma_start3A_181] : memref<50176x16xf32, #tpu.memory_space<vmem_shared>> -> memref<50176x16xf32, #tpu.memory_space<vmem_shared>>
      tpu.enqueue_indirect_dma source(%arg13 : memref<128x16xf32, #tpu.memory_space<vmem>>) target(%dma_start3A_182 : memref<50176x16xf32, #tpu.memory_space<vmem_shared>>) offsets(%dma_start3A_179 : memref<128xi32, #tpu.memory_space<vmem>>) semaphore(%arg28 : memref<!tpu.dma_semaphore, #tpu.memory_space<semaphore_mem>>) {add = true}
      %dma_wait3A_183 = arith.constant 3 : i32
      %dma_wait3A_184 = arith.constant 0 : i32
      %dma_wait3A_185 = tpu.memref_slice %arg7[%dma_wait3A_183, %dma_wait3A_184] : memref<5x128xi32, #tpu.memory_space<vmem>> -> memref<1x128xi32, #tpu.memory_space<vmem>>
      %dma_wait3A_186 = tpu.memref_squeeze %dma_wait3A_185 : memref<1x128xi32, #tpu.memory_space<vmem>> -> memref<128xi32, #tpu.memory_space<vmem>>
      %dma_wait3A_187 = arith.constant 0 : i32
      %dma_wait3A_188 = arith.constant 0 : i32
      %dma_wait3A_189 = tpu.memref_slice %arg2[%dma_wait3A_187, %dma_wait3A_188] : memref<50176x16xf32, #tpu.memory_space<hbm>> -> memref<50176x16xf32, #tpu.memory_space<hbm>>
      tpu.wait_indirect_dma semaphore(%arg24 : memref<!tpu.dma_semaphore, #tpu.memory_space<semaphore_mem>>) src(%dma_wait3A_189 : memref<50176x16xf32, #tpu.memory_space<hbm>>) dst(%arg14 : memref<128x16xf32, #tpu.memory_space<vmem>>)
      %dma_start3A_190 = arith.constant 3 : i32
      %dma_start3A_191 = arith.constant 0 : i32
      %dma_start3A_192 = tpu.memref_slice %arg9[%dma_start3A_190, %dma_start3A_191] : memref<5x128xi32, #tpu.memory_space<vmem>> -> memref<1x128xi32, #tpu.memory_space<vmem>>
      %dma_start3A_193 = tpu.memref_squeeze %dma_start3A_192 : memref<1x128xi32, #tpu.memory_space<vmem>> -> memref<128xi32, #tpu.memory_space<vmem>>
      %dma_start3A_194 = arith.constant 0 : i32
      %dma_start3A_195 = arith.constant 0 : i32
      %dma_start3A_196 = tpu.memref_slice %arg16[%dma_start3A_194, %dma_start3A_195] : memref<50176x16xf32, #tpu.memory_space<vmem_shared>> -> memref<50176x16xf32, #tpu.memory_space<vmem_shared>>
      tpu.enqueue_indirect_dma source(%arg14 : memref<128x16xf32, #tpu.memory_space<vmem>>) target(%dma_start3A_196 : memref<50176x16xf32, #tpu.memory_space<vmem_shared>>) offsets(%dma_start3A_193 : memref<128xi32, #tpu.memory_space<vmem>>) semaphore(%arg29 : memref<!tpu.dma_semaphore, #tpu.memory_space<semaphore_mem>>) {add = true}
      %dma_wait3A_197 = arith.constant 4 : i32
      %dma_wait3A_198 = arith.constant 0 : i32
      %dma_wait3A_199 = tpu.memref_slice %arg7[%dma_wait3A_197, %dma_wait3A_198] : memref<5x128xi32, #tpu.memory_space<vmem>> -> memref<1x128xi32, #tpu.memory_space<vmem>>
      %dma_wait3A_200 = tpu.memref_squeeze %dma_wait3A_199 : memref<1x128xi32, #tpu.memory_space<vmem>> -> memref<128xi32, #tpu.memory_space<vmem>>
      %dma_wait3A_201 = arith.constant 0 : i32
      %dma_wait3A_202 = arith.constant 0 : i32
      %dma_wait3A_203 = tpu.memref_slice %arg2[%dma_wait3A_201, %dma_wait3A_202] : memref<50176x16xf32, #tpu.memory_space<hbm>> -> memref<50176x16xf32, #tpu.memory_space<hbm>>
      tpu.wait_indirect_dma semaphore(%arg25 : memref<!tpu.dma_semaphore, #tpu.memory_space<semaphore_mem>>) src(%dma_wait3A_203 : memref<50176x16xf32, #tpu.memory_space<hbm>>) dst(%arg15 : memref<128x16xf32, #tpu.memory_space<vmem>>)
      %dma_start3A_204 = arith.constant 4 : i32
      %dma_start3A_205 = arith.constant 0 : i32
      %dma_start3A_206 = tpu.memref_slice %arg9[%dma_start3A_204, %dma_start3A_205] : memref<5x128xi32, #tpu.memory_space<vmem>> -> memref<1x128xi32, #tpu.memory_space<vmem>>
      %dma_start3A_207 = tpu.memref_squeeze %dma_start3A_206 : memref<1x128xi32, #tpu.memory_space<vmem>> -> memref<128xi32, #tpu.memory_space<vmem>>
      %dma_start3A_208 = arith.constant 0 : i32
      %dma_start3A_209 = arith.constant 0 : i32
      %dma_start3A_210 = tpu.memref_slice %arg16[%dma_start3A_208, %dma_start3A_209] : memref<50176x16xf32, #tpu.memory_space<vmem_shared>> -> memref<50176x16xf32, #tpu.memory_space<vmem_shared>>
      tpu.enqueue_indirect_dma source(%arg15 : memref<128x16xf32, #tpu.memory_space<vmem>>) target(%dma_start3A_210 : memref<50176x16xf32, #tpu.memory_space<vmem_shared>>) offsets(%dma_start3A_207 : memref<128xi32, #tpu.memory_space<vmem>>) semaphore(%arg30 : memref<!tpu.dma_semaphore, #tpu.memory_space<semaphore_mem>>) {add = true}
      %add3A_211 = arith.constant 1 : i32
      %add3A_212 = arith.addi %add3A_63, %add3A_211 : i32
      %dma_wait3A_213 = arith.constant 0 : i32
      %dma_wait3A_214 = arith.constant 0 : i32
      %dma_wait3A_215 = tpu.memref_slice %arg3[%dma_wait3A_213, %dma_wait3A_214] : memref<6400x128xi32, #tpu.memory_space<hbm>> -> memref<5x128xi32, #tpu.memory_space<hbm>>
      %dma_wait3A_216 = arith.constant 0 : i32
      %dma_wait3A_217 = arith.constant 0 : i32
      %dma_wait3A_218 = tpu.memref_slice %arg3[%dma_wait3A_216, %dma_wait3A_217] : memref<6400x128xi32, #tpu.memory_space<hbm>> -> memref<5x128xi32, #tpu.memory_space<hbm>>
      tpu.wait_dma2 semaphore(%arg18 : memref<!tpu.dma_semaphore, #tpu.memory_space<semaphore_mem>>) src(%dma_wait3A_218 : memref<5x128xi32, #tpu.memory_space<hbm>>) dst(%arg8 : memref<5x128xi32, #tpu.memory_space<vmem>>)
      %dma_wait3A_219 = arith.constant 0 : i32
      %dma_wait3A_220 = arith.constant 0 : i32
      %dma_wait3A_221 = tpu.memref_slice %arg4[%dma_wait3A_219, %dma_wait3A_220] : memref<6400x128xi32, #tpu.memory_space<hbm>> -> memref<5x128xi32, #tpu.memory_space<hbm>>
      %dma_wait3A_222 = arith.constant 0 : i32
      %dma_wait3A_223 = arith.constant 0 : i32
      %dma_wait3A_224 = tpu.memref_slice %arg4[%dma_wait3A_222, %dma_wait3A_223] : memref<6400x128xi32, #tpu.memory_space<hbm>> -> memref<5x128xi32, #tpu.memory_space<hbm>>
      tpu.wait_dma2 semaphore(%arg20 : memref<!tpu.dma_semaphore, #tpu.memory_space<semaphore_mem>>) src(%dma_wait3A_224 : memref<5x128xi32, #tpu.memory_space<hbm>>) dst(%arg10 : memref<5x128xi32, #tpu.memory_space<vmem>>)
      %gt3A_225 = arith.constant 0 : i32
      %gt3A_226 = arith.cmpi sgt, %add3A_212, %gt3A_225 : i32
      %convert_element_type3A_227 = arith.extui %gt3A_226 : i1 to i32
      %cond3A_228 = arith.constant 0 : i32
      %cond3A_229 = arith.cmpi ne, %convert_element_type3A_227, %cond3A_228 : i32
      scf.if %cond3A_229 {
        %dma_wait3A_362 = arith.constant 0 : i32
        %dma_wait3A_363 = arith.constant 0 : i32
        %dma_wait3A_364 = tpu.memref_slice %arg10[%dma_wait3A_362, %dma_wait3A_363] : memref<5x128xi32, #tpu.memory_space<vmem>> -> memref<1x128xi32, #tpu.memory_space<vmem>>
        %dma_wait3A_365 = tpu.memref_squeeze %dma_wait3A_364 : memref<1x128xi32, #tpu.memory_space<vmem>> -> memref<128xi32, #tpu.memory_space<vmem>>
        %dma_wait3A_366 = arith.constant 0 : i32
        %dma_wait3A_367 = arith.constant 0 : i32
        %dma_wait3A_368 = tpu.memref_slice %arg16[%dma_wait3A_366, %dma_wait3A_367] : memref<50176x16xf32, #tpu.memory_space<vmem_shared>> -> memref<50176x16xf32, #tpu.memory_space<vmem_shared>>
        tpu.wait_indirect_dma semaphore(%arg26 : memref<!tpu.dma_semaphore, #tpu.memory_space<semaphore_mem>>) src(%arg11 : memref<128x16xf32, #tpu.memory_space<vmem>>) dst(%dma_wait3A_368 : memref<50176x16xf32, #tpu.memory_space<vmem_shared>>)
      } else {
      }
      %dma_start3A_230 = arith.constant 0 : i32
      %dma_start3A_231 = arith.constant 0 : i32
      %dma_start3A_232 = tpu.memref_slice %arg8[%dma_start3A_230, %dma_start3A_231] : memref<5x128xi32, #tpu.memory_space<vmem>> -> memref<1x128xi32, #tpu.memory_space<vmem>>
      %dma_start3A_233 = tpu.memref_squeeze %dma_start3A_232 : memref<1x128xi32, #tpu.memory_space<vmem>> -> memref<128xi32, #tpu.memory_space<vmem>>
      %dma_start3A_234 = arith.constant 0 : i32
      %dma_start3A_235 = arith.constant 0 : i32
      %dma_start3A_236 = tpu.memref_slice %arg2[%dma_start3A_234, %dma_start3A_235] : memref<50176x16xf32, #tpu.memory_space<hbm>> -> memref<50176x16xf32, #tpu.memory_space<hbm>>
      tpu.enqueue_indirect_dma source(%dma_start3A_236 : memref<50176x16xf32, #tpu.memory_space<hbm>>) target(%arg11 : memref<128x16xf32, #tpu.memory_space<vmem>>) offsets(%dma_start3A_233 : memref<128xi32, #tpu.memory_space<vmem>>) semaphore(%arg21 : memref<!tpu.dma_semaphore, #tpu.memory_space<semaphore_mem>>)
      %gt3A_237 = arith.constant 0 : i32
      %gt3A_238 = arith.cmpi sgt, %add3A_212, %gt3A_237 : i32
      %convert_element_type3A_239 = arith.extui %gt3A_238 : i1 to i32
      %cond3A_240 = arith.constant 0 : i32
      %cond3A_241 = arith.cmpi ne, %convert_element_type3A_239, %cond3A_240 : i32
      scf.if %cond3A_241 {
        %dma_wait3A_362 = arith.constant 1 : i32
        %dma_wait3A_363 = arith.constant 0 : i32
        %dma_wait3A_364 = tpu.memref_slice %arg10[%dma_wait3A_362, %dma_wait3A_363] : memref<5x128xi32, #tpu.memory_space<vmem>> -> memref<1x128xi32, #tpu.memory_space<vmem>>
        %dma_wait3A_365 = tpu.memref_squeeze %dma_wait3A_364 : memref<1x128xi32, #tpu.memory_space<vmem>> -> memref<128xi32, #tpu.memory_space<vmem>>
        %dma_wait3A_366 = arith.constant 0 : i32
        %dma_wait3A_367 = arith.constant 0 : i32
        %dma_wait3A_368 = tpu.memref_slice %arg16[%dma_wait3A_366, %dma_wait3A_367] : memref<50176x16xf32, #tpu.memory_space<vmem_shared>> -> memref<50176x16xf32, #tpu.memory_space<vmem_shared>>
        tpu.wait_indirect_dma semaphore(%arg27 : memref<!tpu.dma_semaphore, #tpu.memory_space<semaphore_mem>>) src(%arg12 : memref<128x16xf32, #tpu.memory_space<vmem>>) dst(%dma_wait3A_368 : memref<50176x16xf32, #tpu.memory_space<vmem_shared>>)
      } else {
      }
      %dma_start3A_242 = arith.constant 1 : i32
      %dma_start3A_243 = arith.constant 0 : i32
      %dma_start3A_244 = tpu.memref_slice %arg8[%dma_start3A_242, %dma_start3A_243] : memref<5x128xi32, #tpu.memory_space<vmem>> -> memref<1x128xi32, #tpu.memory_space<vmem>>
      %dma_start3A_245 = tpu.memref_squeeze %dma_start3A_244 : memref<1x128xi32, #tpu.memory_space<vmem>> -> memref<128xi32, #tpu.memory_space<vmem>>
      %dma_start3A_246 = arith.constant 0 : i32
      %dma_start3A_247 = arith.constant 0 : i32
      %dma_start3A_248 = tpu.memref_slice %arg2[%dma_start3A_246, %dma_start3A_247] : memref<50176x16xf32, #tpu.memory_space<hbm>> -> memref<50176x16xf32, #tpu.memory_space<hbm>>
      tpu.enqueue_indirect_dma source(%dma_start3A_248 : memref<50176x16xf32, #tpu.memory_space<hbm>>) target(%arg12 : memref<128x16xf32, #tpu.memory_space<vmem>>) offsets(%dma_start3A_245 : memref<128xi32, #tpu.memory_space<vmem>>) semaphore(%arg22 : memref<!tpu.dma_semaphore, #tpu.memory_space<semaphore_mem>>)
      %gt3A_249 = arith.constant 0 : i32
      %gt3A_250 = arith.cmpi sgt, %add3A_212, %gt3A_249 : i32
      %convert_element_type3A_251 = arith.extui %gt3A_250 : i1 to i32
      %cond3A_252 = arith.constant 0 : i32
      %cond3A_253 = arith.cmpi ne, %convert_element_type3A_251, %cond3A_252 : i32
      scf.if %cond3A_253 {
        %dma_wait3A_362 = arith.constant 2 : i32
        %dma_wait3A_363 = arith.constant 0 : i32
        %dma_wait3A_364 = tpu.memref_slice %arg10[%dma_wait3A_362, %dma_wait3A_363] : memref<5x128xi32, #tpu.memory_space<vmem>> -> memref<1x128xi32, #tpu.memory_space<vmem>>
        %dma_wait3A_365 = tpu.memref_squeeze %dma_wait3A_364 : memref<1x128xi32, #tpu.memory_space<vmem>> -> memref<128xi32, #tpu.memory_space<vmem>>
        %dma_wait3A_366 = arith.constant 0 : i32
        %dma_wait3A_367 = arith.constant 0 : i32
        %dma_wait3A_368 = tpu.memref_slice %arg16[%dma_wait3A_366, %dma_wait3A_367] : memref<50176x16xf32, #tpu.memory_space<vmem_shared>> -> memref<50176x16xf32, #tpu.memory_space<vmem_shared>>
        tpu.wait_indirect_dma semaphore(%arg28 : memref<!tpu.dma_semaphore, #tpu.memory_space<semaphore_mem>>) src(%arg13 : memref<128x16xf32, #tpu.memory_space<vmem>>) dst(%dma_wait3A_368 : memref<50176x16xf32, #tpu.memory_space<vmem_shared>>)
      } else {
      }
      %dma_start3A_254 = arith.constant 2 : i32
      %dma_start3A_255 = arith.constant 0 : i32
      %dma_start3A_256 = tpu.memref_slice %arg8[%dma_start3A_254, %dma_start3A_255] : memref<5x128xi32, #tpu.memory_space<vmem>> -> memref<1x128xi32, #tpu.memory_space<vmem>>
      %dma_start3A_257 = tpu.memref_squeeze %dma_start3A_256 : memref<1x128xi32, #tpu.memory_space<vmem>> -> memref<128xi32, #tpu.memory_space<vmem>>
      %dma_start3A_258 = arith.constant 0 : i32
      %dma_start3A_259 = arith.constant 0 : i32
      %dma_start3A_260 = tpu.memref_slice %arg2[%dma_start3A_258, %dma_start3A_259] : memref<50176x16xf32, #tpu.memory_space<hbm>> -> memref<50176x16xf32, #tpu.memory_space<hbm>>
      tpu.enqueue_indirect_dma source(%dma_start3A_260 : memref<50176x16xf32, #tpu.memory_space<hbm>>) target(%arg13 : memref<128x16xf32, #tpu.memory_space<vmem>>) offsets(%dma_start3A_257 : memref<128xi32, #tpu.memory_space<vmem>>) semaphore(%arg23 : memref<!tpu.dma_semaphore, #tpu.memory_space<semaphore_mem>>)
      %gt3A_261 = arith.constant 0 : i32
      %gt3A_262 = arith.cmpi sgt, %add3A_212, %gt3A_261 : i32
      %convert_element_type3A_263 = arith.extui %gt3A_262 : i1 to i32
      %cond3A_264 = arith.constant 0 : i32
      %cond3A_265 = arith.cmpi ne, %convert_element_type3A_263, %cond3A_264 : i32
      scf.if %cond3A_265 {
        %dma_wait3A_362 = arith.constant 3 : i32
        %dma_wait3A_363 = arith.constant 0 : i32
        %dma_wait3A_364 = tpu.memref_slice %arg10[%dma_wait3A_362, %dma_wait3A_363] : memref<5x128xi32, #tpu.memory_space<vmem>> -> memref<1x128xi32, #tpu.memory_space<vmem>>
        %dma_wait3A_365 = tpu.memref_squeeze %dma_wait3A_364 : memref<1x128xi32, #tpu.memory_space<vmem>> -> memref<128xi32, #tpu.memory_space<vmem>>
        %dma_wait3A_366 = arith.constant 0 : i32
        %dma_wait3A_367 = arith.constant 0 : i32
        %dma_wait3A_368 = tpu.memref_slice %arg16[%dma_wait3A_366, %dma_wait3A_367] : memref<50176x16xf32, #tpu.memory_space<vmem_shared>> -> memref<50176x16xf32, #tpu.memory_space<vmem_shared>>
        tpu.wait_indirect_dma semaphore(%arg29 : memref<!tpu.dma_semaphore, #tpu.memory_space<semaphore_mem>>) src(%arg14 : memref<128x16xf32, #tpu.memory_space<vmem>>) dst(%dma_wait3A_368 : memref<50176x16xf32, #tpu.memory_space<vmem_shared>>)
      } else {
      }
      %dma_start3A_266 = arith.constant 3 : i32
      %dma_start3A_267 = arith.constant 0 : i32
      %dma_start3A_268 = tpu.memref_slice %arg8[%dma_start3A_266, %dma_start3A_267] : memref<5x128xi32, #tpu.memory_space<vmem>> -> memref<1x128xi32, #tpu.memory_space<vmem>>
      %dma_start3A_269 = tpu.memref_squeeze %dma_start3A_268 : memref<1x128xi32, #tpu.memory_space<vmem>> -> memref<128xi32, #tpu.memory_space<vmem>>
      %dma_start3A_270 = arith.constant 0 : i32
      %dma_start3A_271 = arith.constant 0 : i32
      %dma_start3A_272 = tpu.memref_slice %arg2[%dma_start3A_270, %dma_start3A_271] : memref<50176x16xf32, #tpu.memory_space<hbm>> -> memref<50176x16xf32, #tpu.memory_space<hbm>>
      tpu.enqueue_indirect_dma source(%dma_start3A_272 : memref<50176x16xf32, #tpu.memory_space<hbm>>) target(%arg14 : memref<128x16xf32, #tpu.memory_space<vmem>>) offsets(%dma_start3A_269 : memref<128xi32, #tpu.memory_space<vmem>>) semaphore(%arg24 : memref<!tpu.dma_semaphore, #tpu.memory_space<semaphore_mem>>)
      %gt3A_273 = arith.constant 0 : i32
      %gt3A_274 = arith.cmpi sgt, %add3A_212, %gt3A_273 : i32
      %convert_element_type3A_275 = arith.extui %gt3A_274 : i1 to i32
      %cond3A_276 = arith.constant 0 : i32
      %cond3A_277 = arith.cmpi ne, %convert_element_type3A_275, %cond3A_276 : i32
      scf.if %cond3A_277 {
        %dma_wait3A_362 = arith.constant 4 : i32
        %dma_wait3A_363 = arith.constant 0 : i32
        %dma_wait3A_364 = tpu.memref_slice %arg10[%dma_wait3A_362, %dma_wait3A_363] : memref<5x128xi32, #tpu.memory_space<vmem>> -> memref<1x128xi32, #tpu.memory_space<vmem>>
        %dma_wait3A_365 = tpu.memref_squeeze %dma_wait3A_364 : memref<1x128xi32, #tpu.memory_space<vmem>> -> memref<128xi32, #tpu.memory_space<vmem>>
        %dma_wait3A_366 = arith.constant 0 : i32
        %dma_wait3A_367 = arith.constant 0 : i32
        %dma_wait3A_368 = tpu.memref_slice %arg16[%dma_wait3A_366, %dma_wait3A_367] : memref<50176x16xf32, #tpu.memory_space<vmem_shared>> -> memref<50176x16xf32, #tpu.memory_space<vmem_shared>>
        tpu.wait_indirect_dma semaphore(%arg30 : memref<!tpu.dma_semaphore, #tpu.memory_space<semaphore_mem>>) src(%arg15 : memref<128x16xf32, #tpu.memory_space<vmem>>) dst(%dma_wait3A_368 : memref<50176x16xf32, #tpu.memory_space<vmem_shared>>)
      } else {
      }
      %dma_start3A_278 = arith.constant 4 : i32
      %dma_start3A_279 = arith.constant 0 : i32
      %dma_start3A_280 = tpu.memref_slice %arg8[%dma_start3A_278, %dma_start3A_279] : memref<5x128xi32, #tpu.memory_space<vmem>> -> memref<1x128xi32, #tpu.memory_space<vmem>>
      %dma_start3A_281 = tpu.memref_squeeze %dma_start3A_280 : memref<1x128xi32, #tpu.memory_space<vmem>> -> memref<128xi32, #tpu.memory_space<vmem>>
      %dma_start3A_282 = arith.constant 0 : i32
      %dma_start3A_283 = arith.constant 0 : i32
      %dma_start3A_284 = tpu.memref_slice %arg2[%dma_start3A_282, %dma_start3A_283] : memref<50176x16xf32, #tpu.memory_space<hbm>> -> memref<50176x16xf32, #tpu.memory_space<hbm>>
      tpu.enqueue_indirect_dma source(%dma_start3A_284 : memref<50176x16xf32, #tpu.memory_space<hbm>>) target(%arg15 : memref<128x16xf32, #tpu.memory_space<vmem>>) offsets(%dma_start3A_281 : memref<128xi32, #tpu.memory_space<vmem>>) semaphore(%arg25 : memref<!tpu.dma_semaphore, #tpu.memory_space<semaphore_mem>>)
      %add3A_285 = arith.constant 1 : i32
      %add3A_286 = arith.addi %add3A_212, %add3A_285 : i32
      %lt3A_287 = arith.constant 40 : i32
      %lt3A_288 = arith.cmpi slt, %add3A_286, %lt3A_287 : i32
      %convert_element_type3A_289 = arith.extui %lt3A_288 : i1 to i32
      %cond3A_290 = arith.constant 0 : i32
      %cond3A_291 = arith.cmpi ne, %convert_element_type3A_289, %cond3A_290 : i32
      scf.if %cond3A_291 {
        %add3A_362 = arith.constant 1 : i32
        %add3A_363 = arith.addi %add3A_212, %add3A_362 : i32
        %mul3A_364 = arith.constant 5 : i32
        %mul3A_365 = arith.muli %add3A_363, %mul3A_364 : i32
        %add3A_366 = arith.addi %mul3A_2, %mul3A_365 : i32
        %dma_start3A_367 = arith.constant 0 : i32
        %dma_start3A_368 = tpu.memref_slice %arg3[%add3A_366, %dma_start3A_367] : memref<6400x128xi32, #tpu.memory_space<hbm>> -> memref<5x128xi32, #tpu.memory_space<hbm>>
        %dma_start3A_369 = arith.constant 0 : i32
        %dma_start3A_370 = tpu.memref_slice %arg3[%add3A_366, %dma_start3A_369] : memref<6400x128xi32, #tpu.memory_space<hbm>> -> memref<5x128xi32, #tpu.memory_space<hbm>>
        tpu.enqueue_dma source(%dma_start3A_370 : memref<5x128xi32, #tpu.memory_space<hbm>>) target(%arg7 : memref<5x128xi32, #tpu.memory_space<vmem>>) target_semaphore(%arg17 : memref<!tpu.dma_semaphore, #tpu.memory_space<semaphore_mem>>)
        %dma_start3A_371 = arith.constant 0 : i32
        %dma_start3A_372 = tpu.memref_slice %arg4[%add3A_366, %dma_start3A_371] : memref<6400x128xi32, #tpu.memory_space<hbm>> -> memref<5x128xi32, #tpu.memory_space<hbm>>
        %dma_start3A_373 = arith.constant 0 : i32
        %dma_start3A_374 = tpu.memref_slice %arg4[%add3A_366, %dma_start3A_373] : memref<6400x128xi32, #tpu.memory_space<hbm>> -> memref<5x128xi32, #tpu.memory_space<hbm>>
        tpu.enqueue_dma source(%dma_start3A_374 : memref<5x128xi32, #tpu.memory_space<hbm>>) target(%arg9 : memref<5x128xi32, #tpu.memory_space<vmem>>) target_semaphore(%arg19 : memref<!tpu.dma_semaphore, #tpu.memory_space<semaphore_mem>>)
      } else {
      }
      %dma_wait3A_292 = arith.constant 0 : i32
      %dma_wait3A_293 = arith.constant 0 : i32
      %dma_wait3A_294 = tpu.memref_slice %arg8[%dma_wait3A_292, %dma_wait3A_293] : memref<5x128xi32, #tpu.memory_space<vmem>> -> memref<1x128xi32, #tpu.memory_space<vmem>>
      %dma_wait3A_295 = tpu.memref_squeeze %dma_wait3A_294 : memref<1x128xi32, #tpu.memory_space<vmem>> -> memref<128xi32, #tpu.memory_space<vmem>>
      %dma_wait3A_296 = arith.constant 0 : i32
      %dma_wait3A_297 = arith.constant 0 : i32
      %dma_wait3A_298 = tpu.memref_slice %arg2[%dma_wait3A_296, %dma_wait3A_297] : memref<50176x16xf32, #tpu.memory_space<hbm>> -> memref<50176x16xf32, #tpu.memory_space<hbm>>
      tpu.wait_indirect_dma semaphore(%arg21 : memref<!tpu.dma_semaphore, #tpu.memory_space<semaphore_mem>>) src(%dma_wait3A_298 : memref<50176x16xf32, #tpu.memory_space<hbm>>) dst(%arg11 : memref<128x16xf32, #tpu.memory_space<vmem>>)
      %dma_start3A_299 = arith.constant 0 : i32
      %dma_start3A_300 = arith.constant 0 : i32
      %dma_start3A_301 = tpu.memref_slice %arg10[%dma_start3A_299, %dma_start3A_300] : memref<5x128xi32, #tpu.memory_space<vmem>> -> memref<1x128xi32, #tpu.memory_space<vmem>>
      %dma_start3A_302 = tpu.memref_squeeze %dma_start3A_301 : memref<1x128xi32, #tpu.memory_space<vmem>> -> memref<128xi32, #tpu.memory_space<vmem>>
      %dma_start3A_303 = arith.constant 0 : i32
      %dma_start3A_304 = arith.constant 0 : i32
      %dma_start3A_305 = tpu.memref_slice %arg16[%dma_start3A_303, %dma_start3A_304] : memref<50176x16xf32, #tpu.memory_space<vmem_shared>> -> memref<50176x16xf32, #tpu.memory_space<vmem_shared>>
      tpu.enqueue_indirect_dma source(%arg11 : memref<128x16xf32, #tpu.memory_space<vmem>>) target(%dma_start3A_305 : memref<50176x16xf32, #tpu.memory_space<vmem_shared>>) offsets(%dma_start3A_302 : memref<128xi32, #tpu.memory_space<vmem>>) semaphore(%arg26 : memref<!tpu.dma_semaphore, #tpu.memory_space<semaphore_mem>>) {add = true}
      %dma_wait3A_306 = arith.constant 1 : i32
      %dma_wait3A_307 = arith.constant 0 : i32
      %dma_wait3A_308 = tpu.memref_slice %arg8[%dma_wait3A_306, %dma_wait3A_307] : memref<5x128xi32, #tpu.memory_space<vmem>> -> memref<1x128xi32, #tpu.memory_space<vmem>>
      %dma_wait3A_309 = tpu.memref_squeeze %dma_wait3A_308 : memref<1x128xi32, #tpu.memory_space<vmem>> -> memref<128xi32, #tpu.memory_space<vmem>>
      %dma_wait3A_310 = arith.constant 0 : i32
      %dma_wait3A_311 = arith.constant 0 : i32
      %dma_wait3A_312 = tpu.memref_slice %arg2[%dma_wait3A_310, %dma_wait3A_311] : memref<50176x16xf32, #tpu.memory_space<hbm>> -> memref<50176x16xf32, #tpu.memory_space<hbm>>
      tpu.wait_indirect_dma semaphore(%arg22 : memref<!tpu.dma_semaphore, #tpu.memory_space<semaphore_mem>>) src(%dma_wait3A_312 : memref<50176x16xf32, #tpu.memory_space<hbm>>) dst(%arg12 : memref<128x16xf32, #tpu.memory_space<vmem>>)
      %dma_start3A_313 = arith.constant 1 : i32
      %dma_start3A_314 = arith.constant 0 : i32
      %dma_start3A_315 = tpu.memref_slice %arg10[%dma_start3A_313, %dma_start3A_314] : memref<5x128xi32, #tpu.memory_space<vmem>> -> memref<1x128xi32, #tpu.memory_space<vmem>>
      %dma_start3A_316 = tpu.memref_squeeze %dma_start3A_315 : memref<1x128xi32, #tpu.memory_space<vmem>> -> memref<128xi32, #tpu.memory_space<vmem>>
      %dma_start3A_317 = arith.constant 0 : i32
      %dma_start3A_318 = arith.constant 0 : i32
      %dma_start3A_319 = tpu.memref_slice %arg16[%dma_start3A_317, %dma_start3A_318] : memref<50176x16xf32, #tpu.memory_space<vmem_shared>> -> memref<50176x16xf32, #tpu.memory_space<vmem_shared>>
      tpu.enqueue_indirect_dma source(%arg12 : memref<128x16xf32, #tpu.memory_space<vmem>>) target(%dma_start3A_319 : memref<50176x16xf32, #tpu.memory_space<vmem_shared>>) offsets(%dma_start3A_316 : memref<128xi32, #tpu.memory_space<vmem>>) semaphore(%arg27 : memref<!tpu.dma_semaphore, #tpu.memory_space<semaphore_mem>>) {add = true}
      %dma_wait3A_320 = arith.constant 2 : i32
      %dma_wait3A_321 = arith.constant 0 : i32
      %dma_wait3A_322 = tpu.memref_slice %arg8[%dma_wait3A_320, %dma_wait3A_321] : memref<5x128xi32, #tpu.memory_space<vmem>> -> memref<1x128xi32, #tpu.memory_space<vmem>>
      %dma_wait3A_323 = tpu.memref_squeeze %dma_wait3A_322 : memref<1x128xi32, #tpu.memory_space<vmem>> -> memref<128xi32, #tpu.memory_space<vmem>>
      %dma_wait3A_324 = arith.constant 0 : i32
      %dma_wait3A_325 = arith.constant 0 : i32
      %dma_wait3A_326 = tpu.memref_slice %arg2[%dma_wait3A_324, %dma_wait3A_325] : memref<50176x16xf32, #tpu.memory_space<hbm>> -> memref<50176x16xf32, #tpu.memory_space<hbm>>
      tpu.wait_indirect_dma semaphore(%arg23 : memref<!tpu.dma_semaphore, #tpu.memory_space<semaphore_mem>>) src(%dma_wait3A_326 : memref<50176x16xf32, #tpu.memory_space<hbm>>) dst(%arg13 : memref<128x16xf32, #tpu.memory_space<vmem>>)
      %dma_start3A_327 = arith.constant 2 : i32
      %dma_start3A_328 = arith.constant 0 : i32
      %dma_start3A_329 = tpu.memref_slice %arg10[%dma_start3A_327, %dma_start3A_328] : memref<5x128xi32, #tpu.memory_space<vmem>> -> memref<1x128xi32, #tpu.memory_space<vmem>>
      %dma_start3A_330 = tpu.memref_squeeze %dma_start3A_329 : memref<1x128xi32, #tpu.memory_space<vmem>> -> memref<128xi32, #tpu.memory_space<vmem>>
      %dma_start3A_331 = arith.constant 0 : i32
      %dma_start3A_332 = arith.constant 0 : i32
      %dma_start3A_333 = tpu.memref_slice %arg16[%dma_start3A_331, %dma_start3A_332] : memref<50176x16xf32, #tpu.memory_space<vmem_shared>> -> memref<50176x16xf32, #tpu.memory_space<vmem_shared>>
      tpu.enqueue_indirect_dma source(%arg13 : memref<128x16xf32, #tpu.memory_space<vmem>>) target(%dma_start3A_333 : memref<50176x16xf32, #tpu.memory_space<vmem_shared>>) offsets(%dma_start3A_330 : memref<128xi32, #tpu.memory_space<vmem>>) semaphore(%arg28 : memref<!tpu.dma_semaphore, #tpu.memory_space<semaphore_mem>>) {add = true}
      %dma_wait3A_334 = arith.constant 3 : i32
      %dma_wait3A_335 = arith.constant 0 : i32
      %dma_wait3A_336 = tpu.memref_slice %arg8[%dma_wait3A_334, %dma_wait3A_335] : memref<5x128xi32, #tpu.memory_space<vmem>> -> memref<1x128xi32, #tpu.memory_space<vmem>>
      %dma_wait3A_337 = tpu.memref_squeeze %dma_wait3A_336 : memref<1x128xi32, #tpu.memory_space<vmem>> -> memref<128xi32, #tpu.memory_space<vmem>>
      %dma_wait3A_338 = arith.constant 0 : i32
      %dma_wait3A_339 = arith.constant 0 : i32
      %dma_wait3A_340 = tpu.memref_slice %arg2[%dma_wait3A_338, %dma_wait3A_339] : memref<50176x16xf32, #tpu.memory_space<hbm>> -> memref<50176x16xf32, #tpu.memory_space<hbm>>
      tpu.wait_indirect_dma semaphore(%arg24 : memref<!tpu.dma_semaphore, #tpu.memory_space<semaphore_mem>>) src(%dma_wait3A_340 : memref<50176x16xf32, #tpu.memory_space<hbm>>) dst(%arg14 : memref<128x16xf32, #tpu.memory_space<vmem>>)
      %dma_start3A_341 = arith.constant 3 : i32
      %dma_start3A_342 = arith.constant 0 : i32
      %dma_start3A_343 = tpu.memref_slice %arg10[%dma_start3A_341, %dma_start3A_342] : memref<5x128xi32, #tpu.memory_space<vmem>> -> memref<1x128xi32, #tpu.memory_space<vmem>>
      %dma_start3A_344 = tpu.memref_squeeze %dma_start3A_343 : memref<1x128xi32, #tpu.memory_space<vmem>> -> memref<128xi32, #tpu.memory_space<vmem>>
      %dma_start3A_345 = arith.constant 0 : i32
      %dma_start3A_346 = arith.constant 0 : i32
      %dma_start3A_347 = tpu.memref_slice %arg16[%dma_start3A_345, %dma_start3A_346] : memref<50176x16xf32, #tpu.memory_space<vmem_shared>> -> memref<50176x16xf32, #tpu.memory_space<vmem_shared>>
      tpu.enqueue_indirect_dma source(%arg14 : memref<128x16xf32, #tpu.memory_space<vmem>>) target(%dma_start3A_347 : memref<50176x16xf32, #tpu.memory_space<vmem_shared>>) offsets(%dma_start3A_344 : memref<128xi32, #tpu.memory_space<vmem>>) semaphore(%arg29 : memref<!tpu.dma_semaphore, #tpu.memory_space<semaphore_mem>>) {add = true}
      %dma_wait3A_348 = arith.constant 4 : i32
      %dma_wait3A_349 = arith.constant 0 : i32
      %dma_wait3A_350 = tpu.memref_slice %arg8[%dma_wait3A_348, %dma_wait3A_349] : memref<5x128xi32, #tpu.memory_space<vmem>> -> memref<1x128xi32, #tpu.memory_space<vmem>>
      %dma_wait3A_351 = tpu.memref_squeeze %dma_wait3A_350 : memref<1x128xi32, #tpu.memory_space<vmem>> -> memref<128xi32, #tpu.memory_space<vmem>>
      %dma_wait3A_352 = arith.constant 0 : i32
      %dma_wait3A_353 = arith.constant 0 : i32
      %dma_wait3A_354 = tpu.memref_slice %arg2[%dma_wait3A_352, %dma_wait3A_353] : memref<50176x16xf32, #tpu.memory_space<hbm>> -> memref<50176x16xf32, #tpu.memory_space<hbm>>
      tpu.wait_indirect_dma semaphore(%arg25 : memref<!tpu.dma_semaphore, #tpu.memory_space<semaphore_mem>>) src(%dma_wait3A_354 : memref<50176x16xf32, #tpu.memory_space<hbm>>) dst(%arg15 : memref<128x16xf32, #tpu.memory_space<vmem>>)
      %dma_start3A_355 = arith.constant 4 : i32
      %dma_start3A_356 = arith.constant 0 : i32
      %dma_start3A_357 = tpu.memref_slice %arg10[%dma_start3A_355, %dma_start3A_356] : memref<5x128xi32, #tpu.memory_space<vmem>> -> memref<1x128xi32, #tpu.memory_space<vmem>>
      %dma_start3A_358 = tpu.memref_squeeze %dma_start3A_357 : memref<1x128xi32, #tpu.memory_space<vmem>> -> memref<128xi32, #tpu.memory_space<vmem>>
      %dma_start3A_359 = arith.constant 0 : i32
      %dma_start3A_360 = arith.constant 0 : i32
      %dma_start3A_361 = tpu.memref_slice %arg16[%dma_start3A_359, %dma_start3A_360] : memref<50176x16xf32, #tpu.memory_space<vmem_shared>> -> memref<50176x16xf32, #tpu.memory_space<vmem_shared>>
      tpu.enqueue_indirect_dma source(%arg15 : memref<128x16xf32, #tpu.memory_space<vmem>>) target(%dma_start3A_361 : memref<50176x16xf32, #tpu.memory_space<vmem_shared>>) offsets(%dma_start3A_358 : memref<128xi32, #tpu.memory_space<vmem>>) semaphore(%arg30 : memref<!tpu.dma_semaphore, #tpu.memory_space<semaphore_mem>>) {add = true}
    }
    %scan3A_19 = arith.constant 20 : i32
    %dma_wait3A = arith.constant 0 : i32
    %dma_wait3A_20 = arith.constant 0 : i32
    %dma_wait3A_21 = tpu.memref_slice %arg10[%dma_wait3A, %dma_wait3A_20] : memref<5x128xi32, #tpu.memory_space<vmem>> -> memref<1x128xi32, #tpu.memory_space<vmem>>
    %dma_wait3A_22 = tpu.memref_squeeze %dma_wait3A_21 : memref<1x128xi32, #tpu.memory_space<vmem>> -> memref<128xi32, #tpu.memory_space<vmem>>
    %dma_wait3A_23 = arith.constant 0 : i32
    %dma_wait3A_24 = arith.constant 0 : i32
    %dma_wait3A_25 = tpu.memref_slice %arg16[%dma_wait3A_23, %dma_wait3A_24] : memref<50176x16xf32, #tpu.memory_space<vmem_shared>> -> memref<50176x16xf32, #tpu.memory_space<vmem_shared>>
    tpu.wait_indirect_dma semaphore(%arg26 : memref<!tpu.dma_semaphore, #tpu.memory_space<semaphore_mem>>) src(%arg11 : memref<128x16xf32, #tpu.memory_space<vmem>>) dst(%dma_wait3A_25 : memref<50176x16xf32, #tpu.memory_space<vmem_shared>>)
    %dma_wait3A_26 = arith.constant 1 : i32
    %dma_wait3A_27 = arith.constant 0 : i32
    %dma_wait3A_28 = tpu.memref_slice %arg10[%dma_wait3A_26, %dma_wait3A_27] : memref<5x128xi32, #tpu.memory_space<vmem>> -> memref<1x128xi32, #tpu.memory_space<vmem>>
    %dma_wait3A_29 = tpu.memref_squeeze %dma_wait3A_28 : memref<1x128xi32, #tpu.memory_space<vmem>> -> memref<128xi32, #tpu.memory_space<vmem>>
    %dma_wait3A_30 = arith.constant 0 : i32
    %dma_wait3A_31 = arith.constant 0 : i32
    %dma_wait3A_32 = tpu.memref_slice %arg16[%dma_wait3A_30, %dma_wait3A_31] : memref<50176x16xf32, #tpu.memory_space<vmem_shared>> -> memref<50176x16xf32, #tpu.memory_space<vmem_shared>>
    tpu.wait_indirect_dma semaphore(%arg27 : memref<!tpu.dma_semaphore, #tpu.memory_space<semaphore_mem>>) src(%arg12 : memref<128x16xf32, #tpu.memory_space<vmem>>) dst(%dma_wait3A_32 : memref<50176x16xf32, #tpu.memory_space<vmem_shared>>)
    %dma_wait3A_33 = arith.constant 2 : i32
    %dma_wait3A_34 = arith.constant 0 : i32
    %dma_wait3A_35 = tpu.memref_slice %arg10[%dma_wait3A_33, %dma_wait3A_34] : memref<5x128xi32, #tpu.memory_space<vmem>> -> memref<1x128xi32, #tpu.memory_space<vmem>>
    %dma_wait3A_36 = tpu.memref_squeeze %dma_wait3A_35 : memref<1x128xi32, #tpu.memory_space<vmem>> -> memref<128xi32, #tpu.memory_space<vmem>>
    %dma_wait3A_37 = arith.constant 0 : i32
    %dma_wait3A_38 = arith.constant 0 : i32
    %dma_wait3A_39 = tpu.memref_slice %arg16[%dma_wait3A_37, %dma_wait3A_38] : memref<50176x16xf32, #tpu.memory_space<vmem_shared>> -> memref<50176x16xf32, #tpu.memory_space<vmem_shared>>
    tpu.wait_indirect_dma semaphore(%arg28 : memref<!tpu.dma_semaphore, #tpu.memory_space<semaphore_mem>>) src(%arg13 : memref<128x16xf32, #tpu.memory_space<vmem>>) dst(%dma_wait3A_39 : memref<50176x16xf32, #tpu.memory_space<vmem_shared>>)
    %dma_wait3A_40 = arith.constant 3 : i32
    %dma_wait3A_41 = arith.constant 0 : i32
    %dma_wait3A_42 = tpu.memref_slice %arg10[%dma_wait3A_40, %dma_wait3A_41] : memref<5x128xi32, #tpu.memory_space<vmem>> -> memref<1x128xi32, #tpu.memory_space<vmem>>
    %dma_wait3A_43 = tpu.memref_squeeze %dma_wait3A_42 : memref<1x128xi32, #tpu.memory_space<vmem>> -> memref<128xi32, #tpu.memory_space<vmem>>
    %dma_wait3A_44 = arith.constant 0 : i32
    %dma_wait3A_45 = arith.constant 0 : i32
    %dma_wait3A_46 = tpu.memref_slice %arg16[%dma_wait3A_44, %dma_wait3A_45] : memref<50176x16xf32, #tpu.memory_space<vmem_shared>> -> memref<50176x16xf32, #tpu.memory_space<vmem_shared>>
    tpu.wait_indirect_dma semaphore(%arg29 : memref<!tpu.dma_semaphore, #tpu.memory_space<semaphore_mem>>) src(%arg14 : memref<128x16xf32, #tpu.memory_space<vmem>>) dst(%dma_wait3A_46 : memref<50176x16xf32, #tpu.memory_space<vmem_shared>>)
    %dma_wait3A_47 = arith.constant 4 : i32
    %dma_wait3A_48 = arith.constant 0 : i32
    %dma_wait3A_49 = tpu.memref_slice %arg10[%dma_wait3A_47, %dma_wait3A_48] : memref<5x128xi32, #tpu.memory_space<vmem>> -> memref<1x128xi32, #tpu.memory_space<vmem>>
    %dma_wait3A_50 = tpu.memref_squeeze %dma_wait3A_49 : memref<1x128xi32, #tpu.memory_space<vmem>> -> memref<128xi32, #tpu.memory_space<vmem>>
    %dma_wait3A_51 = arith.constant 0 : i32
    %dma_wait3A_52 = arith.constant 0 : i32
    %dma_wait3A_53 = tpu.memref_slice %arg16[%dma_wait3A_51, %dma_wait3A_52] : memref<50176x16xf32, #tpu.memory_space<vmem_shared>> -> memref<50176x16xf32, #tpu.memory_space<vmem_shared>>
    tpu.wait_indirect_dma semaphore(%arg30 : memref<!tpu.dma_semaphore, #tpu.memory_space<semaphore_mem>>) src(%arg15 : memref<128x16xf32, #tpu.memory_space<vmem>>) dst(%dma_wait3A_53 : memref<50176x16xf32, #tpu.memory_space<vmem_shared>>)
    %barrier3A_54 = arith.constant 0 : index
    tpu.barrier barrier_id(%barrier3A_54)
    %mul3A_55 = arith.constant 3136 : i32
    %mul3A_56 = arith.muli %arg1, %mul3A_55 : i32
    %mul3A_57 = arith.constant 3136 : i32
    %mul3A_58 = arith.muli %arg1, %mul3A_57 : i32
    "tpu.region"() ({
      %run_scoped3A = tpu.sem_alloc : memref<!tpu.dma_semaphore, #tpu.memory_space<semaphore_mem>>
      %dma_start3A_59 = arith.constant 0 : i32
      %dma_start3A_60 = tpu.memref_slice %arg6[%arg0, %mul3A_58, %dma_start3A_59] : memref<2x50176x16xf32, #tpu.memory_space<hbm>> -> memref<1x3136x16xf32, #tpu.memory_space<hbm>>
      %dma_start3A_61 = tpu.memref_squeeze %dma_start3A_60 : memref<1x3136x16xf32, #tpu.memory_space<hbm>> -> memref<3136x16xf32, #tpu.memory_space<hbm>>
      %dma_start3A_62 = arith.constant 0 : i32
      %dma_start3A_63 = tpu.memref_slice %arg16[%mul3A_56, %dma_start3A_62] : memref<50176x16xf32, #tpu.memory_space<vmem_shared>> -> memref<3136x16xf32, #tpu.memory_space<vmem_shared>>
      tpu.enqueue_dma source(%dma_start3A_63 : memref<3136x16xf32, #tpu.memory_space<vmem_shared>>) target(%dma_start3A_61 : memref<3136x16xf32, #tpu.memory_space<hbm>>) target_semaphore(%run_scoped3A : memref<!tpu.dma_semaphore, #tpu.memory_space<semaphore_mem>>)
      %dma_wait3A_64 = arith.constant 0 : i32
      %dma_wait3A_65 = tpu.memref_slice %arg6[%arg0, %mul3A_58, %dma_wait3A_64] : memref<2x50176x16xf32, #tpu.memory_space<hbm>> -> memref<1x3136x16xf32, #tpu.memory_space<hbm>>
      %dma_wait3A_66 = tpu.memref_squeeze %dma_wait3A_65 : memref<1x3136x16xf32, #tpu.memory_space<hbm>> -> memref<3136x16xf32, #tpu.memory_space<hbm>>
      %dma_wait3A_67 = arith.constant 0 : i32
      %dma_wait3A_68 = tpu.memref_slice %arg16[%mul3A_56, %dma_wait3A_67] : memref<50176x16xf32, #tpu.memory_space<vmem_shared>> -> memref<3136x16xf32, #tpu.memory_space<vmem_shared>>
      tpu.wait_dma2 semaphore(%run_scoped3A : memref<!tpu.dma_semaphore, #tpu.memory_space<semaphore_mem>>) src(%dma_wait3A_68 : memref<3136x16xf32, #tpu.memory_space<vmem_shared>>) dst(%dma_wait3A_66 : memref<3136x16xf32, #tpu.memory_space<hbm>>)
      tpu.yield
    }) : () -> ()
    return
  }
}

#map = affine_map<(d0, d1) -> (0, 0)>
#map1 = affine_map<(d0, d1) -> (0, 0, 0)>
module attributes {stable_mosaic.version = 14 : i64} {
  func.func @seg(%arg0: i32, %arg1: i32, %arg2: memref<100352x32xf32, #tpu.memory_space<hbm>>, %arg3: memref<6400x128xi32, #tpu.memory_space<hbm>>, %arg4: memref<6400x128xi32, #tpu.memory_space<hbm>>, %arg5: memref<50176x32xf32, #tpu.memory_space<hbm>>, %arg6: memref<2x50176x32xf32, #tpu.memory_space<hbm>>, %arg7: memref<5x128xi32, #tpu.memory_space<vmem>>, %arg8: memref<5x128xi32, #tpu.memory_space<vmem>>, %arg9: memref<5x128xi32, #tpu.memory_space<vmem>>, %arg10: memref<5x128xi32, #tpu.memory_space<vmem>>, %arg11: memref<128x32xf32, #tpu.memory_space<vmem>>, %arg12: memref<128x32xf32, #tpu.memory_space<vmem>>, %arg13: memref<128x32xf32, #tpu.memory_space<vmem>>, %arg14: memref<128x32xf32, #tpu.memory_space<vmem>>, %arg15: memref<128x32xf32, #tpu.memory_space<vmem>>, %arg16: memref<50176x32xf32, #tpu.memory_space<vmem_shared>>, %arg17: memref<!tpu.dma_semaphore, #tpu.memory_space<semaphore_mem>>, %arg18: memref<!tpu.dma_semaphore, #tpu.memory_space<semaphore_mem>>, %arg19: memref<!tpu.dma_semaphore, #tpu.memory_space<semaphore_mem>>, %arg20: memref<!tpu.dma_semaphore, #tpu.memory_space<semaphore_mem>>, %arg21: memref<!tpu.dma_semaphore, #tpu.memory_space<semaphore_mem>>, %arg22: memref<!tpu.dma_semaphore, #tpu.memory_space<semaphore_mem>>, %arg23: memref<!tpu.dma_semaphore, #tpu.memory_space<semaphore_mem>>, %arg24: memref<!tpu.dma_semaphore, #tpu.memory_space<semaphore_mem>>, %arg25: memref<!tpu.dma_semaphore, #tpu.memory_space<semaphore_mem>>, %arg26: memref<!tpu.dma_semaphore, #tpu.memory_space<semaphore_mem>>, %arg27: memref<!tpu.dma_semaphore, #tpu.memory_space<semaphore_mem>>, %arg28: memref<!tpu.dma_semaphore, #tpu.memory_space<semaphore_mem>>, %arg29: memref<!tpu.dma_semaphore, #tpu.memory_space<semaphore_mem>>, %arg30: memref<!tpu.dma_semaphore, #tpu.memory_space<semaphore_mem>>) attributes {dimension_semantics = [#tpu.dimension_semantics<core_parallel>, #tpu.dimension_semantics<subcore_parallel>], iteration_bounds = array<i64: 2, 16>, scalar_prefetch = 0 : i64, scratch_operands = 24 : i64, tpu.core_type = #tpu.core_type<sc_vector_subcore>, window_params = [{transform_indices = #map}, {transform_indices = #map}, {transform_indices = #map}, {transform_indices = #map}, {transform_indices = #map1}]} {
    %mul3A = arith.constant 400 : i32
    %mul3A_0 = arith.muli %arg1, %mul3A : i32
    %add3A = arith.constant 0 : i32
    %add3A_1 = arith.addi %mul3A_0, %add3A : i32
    %dma_start3A = arith.constant 0 : i32
    %dma_start3A_2 = tpu.memref_slice %arg3[%add3A_1, %dma_start3A] : memref<6400x128xi32, #tpu.memory_space<hbm>> -> memref<5x128xi32, #tpu.memory_space<hbm>>
    %dma_start3A_3 = arith.constant 0 : i32
    %dma_start3A_4 = tpu.memref_slice %arg3[%add3A_1, %dma_start3A_3] : memref<6400x128xi32, #tpu.memory_space<hbm>> -> memref<5x128xi32, #tpu.memory_space<hbm>>
    tpu.enqueue_dma source(%dma_start3A_4 : memref<5x128xi32, #tpu.memory_space<hbm>>) target(%arg7 : memref<5x128xi32, #tpu.memory_space<vmem>>) target_semaphore(%arg17 : memref<!tpu.dma_semaphore, #tpu.memory_space<semaphore_mem>>)
    %dma_start3A_5 = arith.constant 0 : i32
    %dma_start3A_6 = tpu.memref_slice %arg4[%add3A_1, %dma_start3A_5] : memref<6400x128xi32, #tpu.memory_space<hbm>> -> memref<5x128xi32, #tpu.memory_space<hbm>>
    %dma_start3A_7 = arith.constant 0 : i32
    %dma_start3A_8 = tpu.memref_slice %arg4[%add3A_1, %dma_start3A_7] : memref<6400x128xi32, #tpu.memory_space<hbm>> -> memref<5x128xi32, #tpu.memory_space<hbm>>
    tpu.enqueue_dma source(%dma_start3A_8 : memref<5x128xi32, #tpu.memory_space<hbm>>) target(%arg9 : memref<5x128xi32, #tpu.memory_space<vmem>>) target_semaphore(%arg19 : memref<!tpu.dma_semaphore, #tpu.memory_space<semaphore_mem>>)
    %mul3A_9 = arith.constant 3136 : i32
    %mul3A_10 = arith.muli %arg1, %mul3A_9 : i32
    %mul3A_11 = arith.constant 3136 : i32
    %mul3A_12 = arith.muli %arg1, %mul3A_11 : i32
    "tpu.region"() ({
      %run_scoped3A = tpu.sem_alloc : memref<!tpu.dma_semaphore, #tpu.memory_space<semaphore_mem>>
      %dma_start3A_56 = arith.constant 0 : i32
      %dma_start3A_57 = tpu.memref_slice %arg16[%mul3A_12, %dma_start3A_56] : memref<50176x32xf32, #tpu.memory_space<vmem_shared>> -> memref<3136x32xf32, #tpu.memory_space<vmem_shared>>
      %dma_start3A_58 = arith.constant 0 : i32
      %dma_start3A_59 = tpu.memref_slice %arg5[%mul3A_10, %dma_start3A_58] : memref<50176x32xf32, #tpu.memory_space<hbm>> -> memref<3136x32xf32, #tpu.memory_space<hbm>>
      tpu.enqueue_dma source(%dma_start3A_59 : memref<3136x32xf32, #tpu.memory_space<hbm>>) target(%dma_start3A_57 : memref<3136x32xf32, #tpu.memory_space<vmem_shared>>) target_semaphore(%run_scoped3A : memref<!tpu.dma_semaphore, #tpu.memory_space<semaphore_mem>>)
      %dma_wait3A_60 = arith.constant 0 : i32
      %dma_wait3A_61 = tpu.memref_slice %arg16[%mul3A_12, %dma_wait3A_60] : memref<50176x32xf32, #tpu.memory_space<vmem_shared>> -> memref<3136x32xf32, #tpu.memory_space<vmem_shared>>
      %dma_wait3A_62 = arith.constant 0 : i32
      %dma_wait3A_63 = tpu.memref_slice %arg5[%mul3A_10, %dma_wait3A_62] : memref<50176x32xf32, #tpu.memory_space<hbm>> -> memref<3136x32xf32, #tpu.memory_space<hbm>>
      tpu.wait_dma2 semaphore(%run_scoped3A : memref<!tpu.dma_semaphore, #tpu.memory_space<semaphore_mem>>) src(%dma_wait3A_63 : memref<3136x32xf32, #tpu.memory_space<hbm>>) dst(%dma_wait3A_61 : memref<3136x32xf32, #tpu.memory_space<vmem_shared>>)
      tpu.yield
    }) : () -> ()
    %barrier3A = arith.constant 0 : index
    tpu.barrier barrier_id(%barrier3A)
    %scan3A = arith.constant 0 : i32
    %scan3A_13 = arith.constant 40 : i32
    %scan3A_14 = arith.addi %scan3A, %scan3A_13 : i32
    %scan3A_15 = arith.constant 1 : i32
    scf.for %scan3A_56 = %scan3A to %scan3A_14 step %scan3A_15  : i32 {
      %mul3A_57 = arith.constant 2 : i32
      %mul3A_58 = arith.muli %scan3A_56, %mul3A_57 : i32
      %add3A_59 = arith.constant 0 : i32
      %add3A_60 = arith.addi %add3A_59, %mul3A_58 : i32
      %add3A_61 = arith.constant 0 : i32
      %add3A_62 = arith.addi %add3A_60, %add3A_61 : i32
      %dma_wait3A_63 = arith.constant 0 : i32
      %dma_wait3A_64 = arith.constant 0 : i32
      %dma_wait3A_65 = tpu.memref_slice %arg3[%dma_wait3A_63, %dma_wait3A_64] : memref<6400x128xi32, #tpu.memory_space<hbm>> -> memref<5x128xi32, #tpu.memory_space<hbm>>
      %dma_wait3A_66 = arith.constant 0 : i32
      %dma_wait3A_67 = arith.constant 0 : i32
      %dma_wait3A_68 = tpu.memref_slice %arg3[%dma_wait3A_66, %dma_wait3A_67] : memref<6400x128xi32, #tpu.memory_space<hbm>> -> memref<5x128xi32, #tpu.memory_space<hbm>>
      tpu.wait_dma2 semaphore(%arg17 : memref<!tpu.dma_semaphore, #tpu.memory_space<semaphore_mem>>) src(%dma_wait3A_68 : memref<5x128xi32, #tpu.memory_space<hbm>>) dst(%arg7 : memref<5x128xi32, #tpu.memory_space<vmem>>)
      %dma_wait3A_69 = arith.constant 0 : i32
      %dma_wait3A_70 = arith.constant 0 : i32
      %dma_wait3A_71 = tpu.memref_slice %arg4[%dma_wait3A_69, %dma_wait3A_70] : memref<6400x128xi32, #tpu.memory_space<hbm>> -> memref<5x128xi32, #tpu.memory_space<hbm>>
      %dma_wait3A_72 = arith.constant 0 : i32
      %dma_wait3A_73 = arith.constant 0 : i32
      %dma_wait3A_74 = tpu.memref_slice %arg4[%dma_wait3A_72, %dma_wait3A_73] : memref<6400x128xi32, #tpu.memory_space<hbm>> -> memref<5x128xi32, #tpu.memory_space<hbm>>
      tpu.wait_dma2 semaphore(%arg19 : memref<!tpu.dma_semaphore, #tpu.memory_space<semaphore_mem>>) src(%dma_wait3A_74 : memref<5x128xi32, #tpu.memory_space<hbm>>) dst(%arg9 : memref<5x128xi32, #tpu.memory_space<vmem>>)
      %get3A = arith.constant 0 : i32
      %get3A_75 = arith.index_cast %get3A : i32 to index
      %get3A_76 = arith.constant 0 : index
      %get3A_77 = tpu.vector_load %arg7[%get3A_75, %get3A_76] {strides = array<i32>} : memref<5x128xi32, #tpu.memory_space<vmem>>, vector<1x16xi32>,
      %get3A_78 = vector.shape_cast %get3A_77 : vector<1x16xi32> to vector<16xi32>
      %add3A_79 = arith.addi %get3A_78, %get3A_78 : vector<16xi32>
      %add3A_80 = vector.broadcast %arg0 : i32 to vector<16xi32>
      %add3A_81 = arith.addi %add3A_79, %add3A_80 : vector<16xi32>
      %swap3A = arith.constant 0 : i32
      %swap3A_82 = arith.index_cast %swap3A : i32 to index
      %swap3A_83 = arith.constant 0 : index
      %swap3A_84 = tpu.vector_load %arg7[%swap3A_82, %swap3A_83] {strides = array<i32>} : memref<5x128xi32, #tpu.memory_space<vmem>>, vector<1x16xi32>,
      %swap3A_85 = vector.shape_cast %swap3A_84 : vector<1x16xi32> to vector<16xi32>
      %swap3A_86 = vector.shape_cast %add3A_81 : vector<16xi32> to vector<1x16xi32>
      tpu.vector_store %arg7[%swap3A_82, %swap3A_83], %swap3A_86 {strides = array<i32>} : memref<5x128xi32, #tpu.memory_space<vmem>>, vector<1x16xi32>,
      %get3A_87 = arith.constant 0 : i32
      %get3A_88 = arith.index_cast %get3A_87 : i32 to index
      %get3A_89 = arith.constant 16 : index
      %get3A_90 = tpu.vector_load %arg7[%get3A_88, %get3A_89] {strides = array<i32>} : memref<5x128xi32, #tpu.memory_space<vmem>>, vector<1x16xi32>,
      %get3A_91 = vector.shape_cast %get3A_90 : vector<1x16xi32> to vector<16xi32>
      %add3A_92 = arith.addi %get3A_91, %get3A_91 : vector<16xi32>
      %add3A_93 = vector.broadcast %arg0 : i32 to vector<16xi32>
      %add3A_94 = arith.addi %add3A_92, %add3A_93 : vector<16xi32>
      %swap3A_95 = arith.constant 0 : i32
      %swap3A_96 = arith.index_cast %swap3A_95 : i32 to index
      %swap3A_97 = arith.constant 16 : index
      %swap3A_98 = tpu.vector_load %arg7[%swap3A_96, %swap3A_97] {strides = array<i32>} : memref<5x128xi32, #tpu.memory_space<vmem>>, vector<1x16xi32>,
      %swap3A_99 = vector.shape_cast %swap3A_98 : vector<1x16xi32> to vector<16xi32>
      %swap3A_100 = vector.shape_cast %add3A_94 : vector<16xi32> to vector<1x16xi32>
      tpu.vector_store %arg7[%swap3A_96, %swap3A_97], %swap3A_100 {strides = array<i32>} : memref<5x128xi32, #tpu.memory_space<vmem>>, vector<1x16xi32>,
      %get3A_101 = arith.constant 0 : i32
      %get3A_102 = arith.index_cast %get3A_101 : i32 to index
      %get3A_103 = arith.constant 32 : index
      %get3A_104 = tpu.vector_load %arg7[%get3A_102, %get3A_103] {strides = array<i32>} : memref<5x128xi32, #tpu.memory_space<vmem>>, vector<1x16xi32>,
      %get3A_105 = vector.shape_cast %get3A_104 : vector<1x16xi32> to vector<16xi32>
      %add3A_106 = arith.addi %get3A_105, %get3A_105 : vector<16xi32>
      %add3A_107 = vector.broadcast %arg0 : i32 to vector<16xi32>
      %add3A_108 = arith.addi %add3A_106, %add3A_107 : vector<16xi32>
      %swap3A_109 = arith.constant 0 : i32
      %swap3A_110 = arith.index_cast %swap3A_109 : i32 to index
      %swap3A_111 = arith.constant 32 : index
      %swap3A_112 = tpu.vector_load %arg7[%swap3A_110, %swap3A_111] {strides = array<i32>} : memref<5x128xi32, #tpu.memory_space<vmem>>, vector<1x16xi32>,
      %swap3A_113 = vector.shape_cast %swap3A_112 : vector<1x16xi32> to vector<16xi32>
      %swap3A_114 = vector.shape_cast %add3A_108 : vector<16xi32> to vector<1x16xi32>
      tpu.vector_store %arg7[%swap3A_110, %swap3A_111], %swap3A_114 {strides = array<i32>} : memref<5x128xi32, #tpu.memory_space<vmem>>, vector<1x16xi32>,
      %get3A_115 = arith.constant 0 : i32
      %get3A_116 = arith.index_cast %get3A_115 : i32 to index
      %get3A_117 = arith.constant 48 : index
      %get3A_118 = tpu.vector_load %arg7[%get3A_116, %get3A_117] {strides = array<i32>} : memref<5x128xi32, #tpu.memory_space<vmem>>, vector<1x16xi32>,
      %get3A_119 = vector.shape_cast %get3A_118 : vector<1x16xi32> to vector<16xi32>
      %add3A_120 = arith.addi %get3A_119, %get3A_119 : vector<16xi32>
      %add3A_121 = vector.broadcast %arg0 : i32 to vector<16xi32>
      %add3A_122 = arith.addi %add3A_120, %add3A_121 : vector<16xi32>
      %swap3A_123 = arith.constant 0 : i32
      %swap3A_124 = arith.index_cast %swap3A_123 : i32 to index
      %swap3A_125 = arith.constant 48 : index
      %swap3A_126 = tpu.vector_load %arg7[%swap3A_124, %swap3A_125] {strides = array<i32>} : memref<5x128xi32, #tpu.memory_space<vmem>>, vector<1x16xi32>,
      %swap3A_127 = vector.shape_cast %swap3A_126 : vector<1x16xi32> to vector<16xi32>
      %swap3A_128 = vector.shape_cast %add3A_122 : vector<16xi32> to vector<1x16xi32>
      tpu.vector_store %arg7[%swap3A_124, %swap3A_125], %swap3A_128 {strides = array<i32>} : memref<5x128xi32, #tpu.memory_space<vmem>>, vector<1x16xi32>,
      %get3A_129 = arith.constant 0 : i32
      %get3A_130 = arith.index_cast %get3A_129 : i32 to index
      %get3A_131 = arith.constant 64 : index
      %get3A_132 = tpu.vector_load %arg7[%get3A_130, %get3A_131] {strides = array<i32>} : memref<5x128xi32, #tpu.memory_space<vmem>>, vector<1x16xi32>,
      %get3A_133 = vector.shape_cast %get3A_132 : vector<1x16xi32> to vector<16xi32>
      %add3A_134 = arith.addi %get3A_133, %get3A_133 : vector<16xi32>
      %add3A_135 = vector.broadcast %arg0 : i32 to vector<16xi32>
      %add3A_136 = arith.addi %add3A_134, %add3A_135 : vector<16xi32>
      %swap3A_137 = arith.constant 0 : i32
      %swap3A_138 = arith.index_cast %swap3A_137 : i32 to index
      %swap3A_139 = arith.constant 64 : index
      %swap3A_140 = tpu.vector_load %arg7[%swap3A_138, %swap3A_139] {strides = array<i32>} : memref<5x128xi32, #tpu.memory_space<vmem>>, vector<1x16xi32>,
      %swap3A_141 = vector.shape_cast %swap3A_140 : vector<1x16xi32> to vector<16xi32>
      %swap3A_142 = vector.shape_cast %add3A_136 : vector<16xi32> to vector<1x16xi32>
      tpu.vector_store %arg7[%swap3A_138, %swap3A_139], %swap3A_142 {strides = array<i32>} : memref<5x128xi32, #tpu.memory_space<vmem>>, vector<1x16xi32>,
      %get3A_143 = arith.constant 0 : i32
      %get3A_144 = arith.index_cast %get3A_143 : i32 to index
      %get3A_145 = arith.constant 80 : index
      %get3A_146 = tpu.vector_load %arg7[%get3A_144, %get3A_145] {strides = array<i32>} : memref<5x128xi32, #tpu.memory_space<vmem>>, vector<1x16xi32>,
      %get3A_147 = vector.shape_cast %get3A_146 : vector<1x16xi32> to vector<16xi32>
      %add3A_148 = arith.addi %get3A_147, %get3A_147 : vector<16xi32>
      %add3A_149 = vector.broadcast %arg0 : i32 to vector<16xi32>
      %add3A_150 = arith.addi %add3A_148, %add3A_149 : vector<16xi32>
      %swap3A_151 = arith.constant 0 : i32
      %swap3A_152 = arith.index_cast %swap3A_151 : i32 to index
      %swap3A_153 = arith.constant 80 : index
      %swap3A_154 = tpu.vector_load %arg7[%swap3A_152, %swap3A_153] {strides = array<i32>} : memref<5x128xi32, #tpu.memory_space<vmem>>, vector<1x16xi32>,
      %swap3A_155 = vector.shape_cast %swap3A_154 : vector<1x16xi32> to vector<16xi32>
      %swap3A_156 = vector.shape_cast %add3A_150 : vector<16xi32> to vector<1x16xi32>
      tpu.vector_store %arg7[%swap3A_152, %swap3A_153], %swap3A_156 {strides = array<i32>} : memref<5x128xi32, #tpu.memory_space<vmem>>, vector<1x16xi32>,
      %get3A_157 = arith.constant 0 : i32
      %get3A_158 = arith.index_cast %get3A_157 : i32 to index
      %get3A_159 = arith.constant 96 : index
      %get3A_160 = tpu.vector_load %arg7[%get3A_158, %get3A_159] {strides = array<i32>} : memref<5x128xi32, #tpu.memory_space<vmem>>, vector<1x16xi32>,
      %get3A_161 = vector.shape_cast %get3A_160 : vector<1x16xi32> to vector<16xi32>
      %add3A_162 = arith.addi %get3A_161, %get3A_161 : vector<16xi32>
      %add3A_163 = vector.broadcast %arg0 : i32 to vector<16xi32>
      %add3A_164 = arith.addi %add3A_162, %add3A_163 : vector<16xi32>
      %swap3A_165 = arith.constant 0 : i32
      %swap3A_166 = arith.index_cast %swap3A_165 : i32 to index
      %swap3A_167 = arith.constant 96 : index
      %swap3A_168 = tpu.vector_load %arg7[%swap3A_166, %swap3A_167] {strides = array<i32>} : memref<5x128xi32, #tpu.memory_space<vmem>>, vector<1x16xi32>,
      %swap3A_169 = vector.shape_cast %swap3A_168 : vector<1x16xi32> to vector<16xi32>
      %swap3A_170 = vector.shape_cast %add3A_164 : vector<16xi32> to vector<1x16xi32>
      tpu.vector_store %arg7[%swap3A_166, %swap3A_167], %swap3A_170 {strides = array<i32>} : memref<5x128xi32, #tpu.memory_space<vmem>>, vector<1x16xi32>,
      %get3A_171 = arith.constant 0 : i32
      %get3A_172 = arith.index_cast %get3A_171 : i32 to index
      %get3A_173 = arith.constant 112 : index
      %get3A_174 = tpu.vector_load %arg7[%get3A_172, %get3A_173] {strides = array<i32>} : memref<5x128xi32, #tpu.memory_space<vmem>>, vector<1x16xi32>,
      %get3A_175 = vector.shape_cast %get3A_174 : vector<1x16xi32> to vector<16xi32>
      %add3A_176 = arith.addi %get3A_175, %get3A_175 : vector<16xi32>
      %add3A_177 = vector.broadcast %arg0 : i32 to vector<16xi32>
      %add3A_178 = arith.addi %add3A_176, %add3A_177 : vector<16xi32>
      %swap3A_179 = arith.constant 0 : i32
      %swap3A_180 = arith.index_cast %swap3A_179 : i32 to index
      %swap3A_181 = arith.constant 112 : index
      %swap3A_182 = tpu.vector_load %arg7[%swap3A_180, %swap3A_181] {strides = array<i32>} : memref<5x128xi32, #tpu.memory_space<vmem>>, vector<1x16xi32>,
      %swap3A_183 = vector.shape_cast %swap3A_182 : vector<1x16xi32> to vector<16xi32>
      %swap3A_184 = vector.shape_cast %add3A_178 : vector<16xi32> to vector<1x16xi32>
      tpu.vector_store %arg7[%swap3A_180, %swap3A_181], %swap3A_184 {strides = array<i32>} : memref<5x128xi32, #tpu.memory_space<vmem>>, vector<1x16xi32>,
      %get3A_185 = arith.constant 1 : i32
      %get3A_186 = arith.index_cast %get3A_185 : i32 to index
      %get3A_187 = arith.constant 0 : index
      %get3A_188 = tpu.vector_load %arg7[%get3A_186, %get3A_187] {strides = array<i32>} : memref<5x128xi32, #tpu.memory_space<vmem>>, vector<1x16xi32>,
      %get3A_189 = vector.shape_cast %get3A_188 : vector<1x16xi32> to vector<16xi32>
      %add3A_190 = arith.addi %get3A_189, %get3A_189 : vector<16xi32>
      %add3A_191 = vector.broadcast %arg0 : i32 to vector<16xi32>
      %add3A_192 = arith.addi %add3A_190, %add3A_191 : vector<16xi32>
      %swap3A_193 = arith.constant 1 : i32
      %swap3A_194 = arith.index_cast %swap3A_193 : i32 to index
      %swap3A_195 = arith.constant 0 : index
      %swap3A_196 = tpu.vector_load %arg7[%swap3A_194, %swap3A_195] {strides = array<i32>} : memref<5x128xi32, #tpu.memory_space<vmem>>, vector<1x16xi32>,
      %swap3A_197 = vector.shape_cast %swap3A_196 : vector<1x16xi32> to vector<16xi32>
      %swap3A_198 = vector.shape_cast %add3A_192 : vector<16xi32> to vector<1x16xi32>
      tpu.vector_store %arg7[%swap3A_194, %swap3A_195], %swap3A_198 {strides = array<i32>} : memref<5x128xi32, #tpu.memory_space<vmem>>, vector<1x16xi32>,
      %get3A_199 = arith.constant 1 : i32
      %get3A_200 = arith.index_cast %get3A_199 : i32 to index
      %get3A_201 = arith.constant 16 : index
      %get3A_202 = tpu.vector_load %arg7[%get3A_200, %get3A_201] {strides = array<i32>} : memref<5x128xi32, #tpu.memory_space<vmem>>, vector<1x16xi32>,
      %get3A_203 = vector.shape_cast %get3A_202 : vector<1x16xi32> to vector<16xi32>
      %add3A_204 = arith.addi %get3A_203, %get3A_203 : vector<16xi32>
      %add3A_205 = vector.broadcast %arg0 : i32 to vector<16xi32>
      %add3A_206 = arith.addi %add3A_204, %add3A_205 : vector<16xi32>
      %swap3A_207 = arith.constant 1 : i32
      %swap3A_208 = arith.index_cast %swap3A_207 : i32 to index
      %swap3A_209 = arith.constant 16 : index
      %swap3A_210 = tpu.vector_load %arg7[%swap3A_208, %swap3A_209] {strides = array<i32>} : memref<5x128xi32, #tpu.memory_space<vmem>>, vector<1x16xi32>,
      %swap3A_211 = vector.shape_cast %swap3A_210 : vector<1x16xi32> to vector<16xi32>
      %swap3A_212 = vector.shape_cast %add3A_206 : vector<16xi32> to vector<1x16xi32>
      tpu.vector_store %arg7[%swap3A_208, %swap3A_209], %swap3A_212 {strides = array<i32>} : memref<5x128xi32, #tpu.memory_space<vmem>>, vector<1x16xi32>,
      %get3A_213 = arith.constant 1 : i32
      %get3A_214 = arith.index_cast %get3A_213 : i32 to index
      %get3A_215 = arith.constant 32 : index
      %get3A_216 = tpu.vector_load %arg7[%get3A_214, %get3A_215] {strides = array<i32>} : memref<5x128xi32, #tpu.memory_space<vmem>>, vector<1x16xi32>,
      %get3A_217 = vector.shape_cast %get3A_216 : vector<1x16xi32> to vector<16xi32>
      %add3A_218 = arith.addi %get3A_217, %get3A_217 : vector<16xi32>
      %add3A_219 = vector.broadcast %arg0 : i32 to vector<16xi32>
      %add3A_220 = arith.addi %add3A_218, %add3A_219 : vector<16xi32>
      %swap3A_221 = arith.constant 1 : i32
      %swap3A_222 = arith.index_cast %swap3A_221 : i32 to index
      %swap3A_223 = arith.constant 32 : index
      %swap3A_224 = tpu.vector_load %arg7[%swap3A_222, %swap3A_223] {strides = array<i32>} : memref<5x128xi32, #tpu.memory_space<vmem>>, vector<1x16xi32>,
      %swap3A_225 = vector.shape_cast %swap3A_224 : vector<1x16xi32> to vector<16xi32>
      %swap3A_226 = vector.shape_cast %add3A_220 : vector<16xi32> to vector<1x16xi32>
      tpu.vector_store %arg7[%swap3A_222, %swap3A_223], %swap3A_226 {strides = array<i32>} : memref<5x128xi32, #tpu.memory_space<vmem>>, vector<1x16xi32>,
      %get3A_227 = arith.constant 1 : i32
      %get3A_228 = arith.index_cast %get3A_227 : i32 to index
      %get3A_229 = arith.constant 48 : index
      %get3A_230 = tpu.vector_load %arg7[%get3A_228, %get3A_229] {strides = array<i32>} : memref<5x128xi32, #tpu.memory_space<vmem>>, vector<1x16xi32>,
      %get3A_231 = vector.shape_cast %get3A_230 : vector<1x16xi32> to vector<16xi32>
      %add3A_232 = arith.addi %get3A_231, %get3A_231 : vector<16xi32>
      %add3A_233 = vector.broadcast %arg0 : i32 to vector<16xi32>
      %add3A_234 = arith.addi %add3A_232, %add3A_233 : vector<16xi32>
      %swap3A_235 = arith.constant 1 : i32
      %swap3A_236 = arith.index_cast %swap3A_235 : i32 to index
      %swap3A_237 = arith.constant 48 : index
      %swap3A_238 = tpu.vector_load %arg7[%swap3A_236, %swap3A_237] {strides = array<i32>} : memref<5x128xi32, #tpu.memory_space<vmem>>, vector<1x16xi32>,
      %swap3A_239 = vector.shape_cast %swap3A_238 : vector<1x16xi32> to vector<16xi32>
      %swap3A_240 = vector.shape_cast %add3A_234 : vector<16xi32> to vector<1x16xi32>
      tpu.vector_store %arg7[%swap3A_236, %swap3A_237], %swap3A_240 {strides = array<i32>} : memref<5x128xi32, #tpu.memory_space<vmem>>, vector<1x16xi32>,
      %get3A_241 = arith.constant 1 : i32
      %get3A_242 = arith.index_cast %get3A_241 : i32 to index
      %get3A_243 = arith.constant 64 : index
      %get3A_244 = tpu.vector_load %arg7[%get3A_242, %get3A_243] {strides = array<i32>} : memref<5x128xi32, #tpu.memory_space<vmem>>, vector<1x16xi32>,
      %get3A_245 = vector.shape_cast %get3A_244 : vector<1x16xi32> to vector<16xi32>
      %add3A_246 = arith.addi %get3A_245, %get3A_245 : vector<16xi32>
      %add3A_247 = vector.broadcast %arg0 : i32 to vector<16xi32>
      %add3A_248 = arith.addi %add3A_246, %add3A_247 : vector<16xi32>
      %swap3A_249 = arith.constant 1 : i32
      %swap3A_250 = arith.index_cast %swap3A_249 : i32 to index
      %swap3A_251 = arith.constant 64 : index
      %swap3A_252 = tpu.vector_load %arg7[%swap3A_250, %swap3A_251] {strides = array<i32>} : memref<5x128xi32, #tpu.memory_space<vmem>>, vector<1x16xi32>,
      %swap3A_253 = vector.shape_cast %swap3A_252 : vector<1x16xi32> to vector<16xi32>
      %swap3A_254 = vector.shape_cast %add3A_248 : vector<16xi32> to vector<1x16xi32>
      tpu.vector_store %arg7[%swap3A_250, %swap3A_251], %swap3A_254 {strides = array<i32>} : memref<5x128xi32, #tpu.memory_space<vmem>>, vector<1x16xi32>,
      %get3A_255 = arith.constant 1 : i32
      %get3A_256 = arith.index_cast %get3A_255 : i32 to index
      %get3A_257 = arith.constant 80 : index
      %get3A_258 = tpu.vector_load %arg7[%get3A_256, %get3A_257] {strides = array<i32>} : memref<5x128xi32, #tpu.memory_space<vmem>>, vector<1x16xi32>,
      %get3A_259 = vector.shape_cast %get3A_258 : vector<1x16xi32> to vector<16xi32>
      %add3A_260 = arith.addi %get3A_259, %get3A_259 : vector<16xi32>
      %add3A_261 = vector.broadcast %arg0 : i32 to vector<16xi32>
      %add3A_262 = arith.addi %add3A_260, %add3A_261 : vector<16xi32>
      %swap3A_263 = arith.constant 1 : i32
      %swap3A_264 = arith.index_cast %swap3A_263 : i32 to index
      %swap3A_265 = arith.constant 80 : index
      %swap3A_266 = tpu.vector_load %arg7[%swap3A_264, %swap3A_265] {strides = array<i32>} : memref<5x128xi32, #tpu.memory_space<vmem>>, vector<1x16xi32>,
      %swap3A_267 = vector.shape_cast %swap3A_266 : vector<1x16xi32> to vector<16xi32>
      %swap3A_268 = vector.shape_cast %add3A_262 : vector<16xi32> to vector<1x16xi32>
      tpu.vector_store %arg7[%swap3A_264, %swap3A_265], %swap3A_268 {strides = array<i32>} : memref<5x128xi32, #tpu.memory_space<vmem>>, vector<1x16xi32>,
      %get3A_269 = arith.constant 1 : i32
      %get3A_270 = arith.index_cast %get3A_269 : i32 to index
      %get3A_271 = arith.constant 96 : index
      %get3A_272 = tpu.vector_load %arg7[%get3A_270, %get3A_271] {strides = array<i32>} : memref<5x128xi32, #tpu.memory_space<vmem>>, vector<1x16xi32>,
      %get3A_273 = vector.shape_cast %get3A_272 : vector<1x16xi32> to vector<16xi32>
      %add3A_274 = arith.addi %get3A_273, %get3A_273 : vector<16xi32>
      %add3A_275 = vector.broadcast %arg0 : i32 to vector<16xi32>
      %add3A_276 = arith.addi %add3A_274, %add3A_275 : vector<16xi32>
      %swap3A_277 = arith.constant 1 : i32
      %swap3A_278 = arith.index_cast %swap3A_277 : i32 to index
      %swap3A_279 = arith.constant 96 : index
      %swap3A_280 = tpu.vector_load %arg7[%swap3A_278, %swap3A_279] {strides = array<i32>} : memref<5x128xi32, #tpu.memory_space<vmem>>, vector<1x16xi32>,
      %swap3A_281 = vector.shape_cast %swap3A_280 : vector<1x16xi32> to vector<16xi32>
      %swap3A_282 = vector.shape_cast %add3A_276 : vector<16xi32> to vector<1x16xi32>
      tpu.vector_store %arg7[%swap3A_278, %swap3A_279], %swap3A_282 {strides = array<i32>} : memref<5x128xi32, #tpu.memory_space<vmem>>, vector<1x16xi32>,
      %get3A_283 = arith.constant 1 : i32
      %get3A_284 = arith.index_cast %get3A_283 : i32 to index
      %get3A_285 = arith.constant 112 : index
      %get3A_286 = tpu.vector_load %arg7[%get3A_284, %get3A_285] {strides = array<i32>} : memref<5x128xi32, #tpu.memory_space<vmem>>, vector<1x16xi32>,
      %get3A_287 = vector.shape_cast %get3A_286 : vector<1x16xi32> to vector<16xi32>
      %add3A_288 = arith.addi %get3A_287, %get3A_287 : vector<16xi32>
      %add3A_289 = vector.broadcast %arg0 : i32 to vector<16xi32>
      %add3A_290 = arith.addi %add3A_288, %add3A_289 : vector<16xi32>
      %swap3A_291 = arith.constant 1 : i32
      %swap3A_292 = arith.index_cast %swap3A_291 : i32 to index
      %swap3A_293 = arith.constant 112 : index
      %swap3A_294 = tpu.vector_load %arg7[%swap3A_292, %swap3A_293] {strides = array<i32>} : memref<5x128xi32, #tpu.memory_space<vmem>>, vector<1x16xi32>,
      %swap3A_295 = vector.shape_cast %swap3A_294 : vector<1x16xi32> to vector<16xi32>
      %swap3A_296 = vector.shape_cast %add3A_290 : vector<16xi32> to vector<1x16xi32>
      tpu.vector_store %arg7[%swap3A_292, %swap3A_293], %swap3A_296 {strides = array<i32>} : memref<5x128xi32, #tpu.memory_space<vmem>>, vector<1x16xi32>,
      %get3A_297 = arith.constant 2 : i32
      %get3A_298 = arith.index_cast %get3A_297 : i32 to index
      %get3A_299 = arith.constant 0 : index
      %get3A_300 = tpu.vector_load %arg7[%get3A_298, %get3A_299] {strides = array<i32>} : memref<5x128xi32, #tpu.memory_space<vmem>>, vector<1x16xi32>,
      %get3A_301 = vector.shape_cast %get3A_300 : vector<1x16xi32> to vector<16xi32>
      %add3A_302 = arith.addi %get3A_301, %get3A_301 : vector<16xi32>
      %add3A_303 = vector.broadcast %arg0 : i32 to vector<16xi32>
      %add3A_304 = arith.addi %add3A_302, %add3A_303 : vector<16xi32>
      %swap3A_305 = arith.constant 2 : i32
      %swap3A_306 = arith.index_cast %swap3A_305 : i32 to index
      %swap3A_307 = arith.constant 0 : index
      %swap3A_308 = tpu.vector_load %arg7[%swap3A_306, %swap3A_307] {strides = array<i32>} : memref<5x128xi32, #tpu.memory_space<vmem>>, vector<1x16xi32>,
      %swap3A_309 = vector.shape_cast %swap3A_308 : vector<1x16xi32> to vector<16xi32>
      %swap3A_310 = vector.shape_cast %add3A_304 : vector<16xi32> to vector<1x16xi32>
      tpu.vector_store %arg7[%swap3A_306, %swap3A_307], %swap3A_310 {strides = array<i32>} : memref<5x128xi32, #tpu.memory_space<vmem>>, vector<1x16xi32>,
      %get3A_311 = arith.constant 2 : i32
      %get3A_312 = arith.index_cast %get3A_311 : i32 to index
      %get3A_313 = arith.constant 16 : index
      %get3A_314 = tpu.vector_load %arg7[%get3A_312, %get3A_313] {strides = array<i32>} : memref<5x128xi32, #tpu.memory_space<vmem>>, vector<1x16xi32>,
      %get3A_315 = vector.shape_cast %get3A_314 : vector<1x16xi32> to vector<16xi32>
      %add3A_316 = arith.addi %get3A_315, %get3A_315 : vector<16xi32>
      %add3A_317 = vector.broadcast %arg0 : i32 to vector<16xi32>
      %add3A_318 = arith.addi %add3A_316, %add3A_317 : vector<16xi32>
      %swap3A_319 = arith.constant 2 : i32
      %swap3A_320 = arith.index_cast %swap3A_319 : i32 to index
      %swap3A_321 = arith.constant 16 : index
      %swap3A_322 = tpu.vector_load %arg7[%swap3A_320, %swap3A_321] {strides = array<i32>} : memref<5x128xi32, #tpu.memory_space<vmem>>, vector<1x16xi32>,
      %swap3A_323 = vector.shape_cast %swap3A_322 : vector<1x16xi32> to vector<16xi32>
      %swap3A_324 = vector.shape_cast %add3A_318 : vector<16xi32> to vector<1x16xi32>
      tpu.vector_store %arg7[%swap3A_320, %swap3A_321], %swap3A_324 {strides = array<i32>} : memref<5x128xi32, #tpu.memory_space<vmem>>, vector<1x16xi32>,
      %get3A_325 = arith.constant 2 : i32
      %get3A_326 = arith.index_cast %get3A_325 : i32 to index
      %get3A_327 = arith.constant 32 : index
      %get3A_328 = tpu.vector_load %arg7[%get3A_326, %get3A_327] {strides = array<i32>} : memref<5x128xi32, #tpu.memory_space<vmem>>, vector<1x16xi32>,
      %get3A_329 = vector.shape_cast %get3A_328 : vector<1x16xi32> to vector<16xi32>
      %add3A_330 = arith.addi %get3A_329, %get3A_329 : vector<16xi32>
      %add3A_331 = vector.broadcast %arg0 : i32 to vector<16xi32>
      %add3A_332 = arith.addi %add3A_330, %add3A_331 : vector<16xi32>
      %swap3A_333 = arith.constant 2 : i32
      %swap3A_334 = arith.index_cast %swap3A_333 : i32 to index
      %swap3A_335 = arith.constant 32 : index
      %swap3A_336 = tpu.vector_load %arg7[%swap3A_334, %swap3A_335] {strides = array<i32>} : memref<5x128xi32, #tpu.memory_space<vmem>>, vector<1x16xi32>,
      %swap3A_337 = vector.shape_cast %swap3A_336 : vector<1x16xi32> to vector<16xi32>
      %swap3A_338 = vector.shape_cast %add3A_332 : vector<16xi32> to vector<1x16xi32>
      tpu.vector_store %arg7[%swap3A_334, %swap3A_335], %swap3A_338 {strides = array<i32>} : memref<5x128xi32, #tpu.memory_space<vmem>>, vector<1x16xi32>,
      %get3A_339 = arith.constant 2 : i32
      %get3A_340 = arith.index_cast %get3A_339 : i32 to index
      %get3A_341 = arith.constant 48 : index
      %get3A_342 = tpu.vector_load %arg7[%get3A_340, %get3A_341] {strides = array<i32>} : memref<5x128xi32, #tpu.memory_space<vmem>>, vector<1x16xi32>,
      %get3A_343 = vector.shape_cast %get3A_342 : vector<1x16xi32> to vector<16xi32>
      %add3A_344 = arith.addi %get3A_343, %get3A_343 : vector<16xi32>
      %add3A_345 = vector.broadcast %arg0 : i32 to vector<16xi32>
      %add3A_346 = arith.addi %add3A_344, %add3A_345 : vector<16xi32>
      %swap3A_347 = arith.constant 2 : i32
      %swap3A_348 = arith.index_cast %swap3A_347 : i32 to index
      %swap3A_349 = arith.constant 48 : index
      %swap3A_350 = tpu.vector_load %arg7[%swap3A_348, %swap3A_349] {strides = array<i32>} : memref<5x128xi32, #tpu.memory_space<vmem>>, vector<1x16xi32>,
      %swap3A_351 = vector.shape_cast %swap3A_350 : vector<1x16xi32> to vector<16xi32>
      %swap3A_352 = vector.shape_cast %add3A_346 : vector<16xi32> to vector<1x16xi32>
      tpu.vector_store %arg7[%swap3A_348, %swap3A_349], %swap3A_352 {strides = array<i32>} : memref<5x128xi32, #tpu.memory_space<vmem>>, vector<1x16xi32>,
      %get3A_353 = arith.constant 2 : i32
      %get3A_354 = arith.index_cast %get3A_353 : i32 to index
      %get3A_355 = arith.constant 64 : index
      %get3A_356 = tpu.vector_load %arg7[%get3A_354, %get3A_355] {strides = array<i32>} : memref<5x128xi32, #tpu.memory_space<vmem>>, vector<1x16xi32>,
      %get3A_357 = vector.shape_cast %get3A_356 : vector<1x16xi32> to vector<16xi32>
      %add3A_358 = arith.addi %get3A_357, %get3A_357 : vector<16xi32>
      %add3A_359 = vector.broadcast %arg0 : i32 to vector<16xi32>
      %add3A_360 = arith.addi %add3A_358, %add3A_359 : vector<16xi32>
      %swap3A_361 = arith.constant 2 : i32
      %swap3A_362 = arith.index_cast %swap3A_361 : i32 to index
      %swap3A_363 = arith.constant 64 : index
      %swap3A_364 = tpu.vector_load %arg7[%swap3A_362, %swap3A_363] {strides = array<i32>} : memref<5x128xi32, #tpu.memory_space<vmem>>, vector<1x16xi32>,
      %swap3A_365 = vector.shape_cast %swap3A_364 : vector<1x16xi32> to vector<16xi32>
      %swap3A_366 = vector.shape_cast %add3A_360 : vector<16xi32> to vector<1x16xi32>
      tpu.vector_store %arg7[%swap3A_362, %swap3A_363], %swap3A_366 {strides = array<i32>} : memref<5x128xi32, #tpu.memory_space<vmem>>, vector<1x16xi32>,
      %get3A_367 = arith.constant 2 : i32
      %get3A_368 = arith.index_cast %get3A_367 : i32 to index
      %get3A_369 = arith.constant 80 : index
      %get3A_370 = tpu.vector_load %arg7[%get3A_368, %get3A_369] {strides = array<i32>} : memref<5x128xi32, #tpu.memory_space<vmem>>, vector<1x16xi32>,
      %get3A_371 = vector.shape_cast %get3A_370 : vector<1x16xi32> to vector<16xi32>
      %add3A_372 = arith.addi %get3A_371, %get3A_371 : vector<16xi32>
      %add3A_373 = vector.broadcast %arg0 : i32 to vector<16xi32>
      %add3A_374 = arith.addi %add3A_372, %add3A_373 : vector<16xi32>
      %swap3A_375 = arith.constant 2 : i32
      %swap3A_376 = arith.index_cast %swap3A_375 : i32 to index
      %swap3A_377 = arith.constant 80 : index
      %swap3A_378 = tpu.vector_load %arg7[%swap3A_376, %swap3A_377] {strides = array<i32>} : memref<5x128xi32, #tpu.memory_space<vmem>>, vector<1x16xi32>,
      %swap3A_379 = vector.shape_cast %swap3A_378 : vector<1x16xi32> to vector<16xi32>
      %swap3A_380 = vector.shape_cast %add3A_374 : vector<16xi32> to vector<1x16xi32>
      tpu.vector_store %arg7[%swap3A_376, %swap3A_377], %swap3A_380 {strides = array<i32>} : memref<5x128xi32, #tpu.memory_space<vmem>>, vector<1x16xi32>,
      %get3A_381 = arith.constant 2 : i32
      %get3A_382 = arith.index_cast %get3A_381 : i32 to index
      %get3A_383 = arith.constant 96 : index
      %get3A_384 = tpu.vector_load %arg7[%get3A_382, %get3A_383] {strides = array<i32>} : memref<5x128xi32, #tpu.memory_space<vmem>>, vector<1x16xi32>,
      %get3A_385 = vector.shape_cast %get3A_384 : vector<1x16xi32> to vector<16xi32>
      %add3A_386 = arith.addi %get3A_385, %get3A_385 : vector<16xi32>
      %add3A_387 = vector.broadcast %arg0 : i32 to vector<16xi32>
      %add3A_388 = arith.addi %add3A_386, %add3A_387 : vector<16xi32>
      %swap3A_389 = arith.constant 2 : i32
      %swap3A_390 = arith.index_cast %swap3A_389 : i32 to index
      %swap3A_391 = arith.constant 96 : index
      %swap3A_392 = tpu.vector_load %arg7[%swap3A_390, %swap3A_391] {strides = array<i32>} : memref<5x128xi32, #tpu.memory_space<vmem>>, vector<1x16xi32>,
      %swap3A_393 = vector.shape_cast %swap3A_392 : vector<1x16xi32> to vector<16xi32>
      %swap3A_394 = vector.shape_cast %add3A_388 : vector<16xi32> to vector<1x16xi32>
      tpu.vector_store %arg7[%swap3A_390, %swap3A_391], %swap3A_394 {strides = array<i32>} : memref<5x128xi32, #tpu.memory_space<vmem>>, vector<1x16xi32>,
      %get3A_395 = arith.constant 2 : i32
      %get3A_396 = arith.index_cast %get3A_395 : i32 to index
      %get3A_397 = arith.constant 112 : index
      %get3A_398 = tpu.vector_load %arg7[%get3A_396, %get3A_397] {strides = array<i32>} : memref<5x128xi32, #tpu.memory_space<vmem>>, vector<1x16xi32>,
      %get3A_399 = vector.shape_cast %get3A_398 : vector<1x16xi32> to vector<16xi32>
      %add3A_400 = arith.addi %get3A_399, %get3A_399 : vector<16xi32>
      %add3A_401 = vector.broadcast %arg0 : i32 to vector<16xi32>
      %add3A_402 = arith.addi %add3A_400, %add3A_401 : vector<16xi32>
      %swap3A_403 = arith.constant 2 : i32
      %swap3A_404 = arith.index_cast %swap3A_403 : i32 to index
      %swap3A_405 = arith.constant 112 : index
      %swap3A_406 = tpu.vector_load %arg7[%swap3A_404, %swap3A_405] {strides = array<i32>} : memref<5x128xi32, #tpu.memory_space<vmem>>, vector<1x16xi32>,
      %swap3A_407 = vector.shape_cast %swap3A_406 : vector<1x16xi32> to vector<16xi32>
      %swap3A_408 = vector.shape_cast %add3A_402 : vector<16xi32> to vector<1x16xi32>
      tpu.vector_store %arg7[%swap3A_404, %swap3A_405], %swap3A_408 {strides = array<i32>} : memref<5x128xi32, #tpu.memory_space<vmem>>, vector<1x16xi32>,
      %get3A_409 = arith.constant 3 : i32
      %get3A_410 = arith.index_cast %get3A_409 : i32 to index
      %get3A_411 = arith.constant 0 : index
      %get3A_412 = tpu.vector_load %arg7[%get3A_410, %get3A_411] {strides = array<i32>} : memref<5x128xi32, #tpu.memory_space<vmem>>, vector<1x16xi32>,
      %get3A_413 = vector.shape_cast %get3A_412 : vector<1x16xi32> to vector<16xi32>
      %add3A_414 = arith.addi %get3A_413, %get3A_413 : vector<16xi32>
      %add3A_415 = vector.broadcast %arg0 : i32 to vector<16xi32>
      %add3A_416 = arith.addi %add3A_414, %add3A_415 : vector<16xi32>
      %swap3A_417 = arith.constant 3 : i32
      %swap3A_418 = arith.index_cast %swap3A_417 : i32 to index
      %swap3A_419 = arith.constant 0 : index
      %swap3A_420 = tpu.vector_load %arg7[%swap3A_418, %swap3A_419] {strides = array<i32>} : memref<5x128xi32, #tpu.memory_space<vmem>>, vector<1x16xi32>,
      %swap3A_421 = vector.shape_cast %swap3A_420 : vector<1x16xi32> to vector<16xi32>
      %swap3A_422 = vector.shape_cast %add3A_416 : vector<16xi32> to vector<1x16xi32>
      tpu.vector_store %arg7[%swap3A_418, %swap3A_419], %swap3A_422 {strides = array<i32>} : memref<5x128xi32, #tpu.memory_space<vmem>>, vector<1x16xi32>,
      %get3A_423 = arith.constant 3 : i32
      %get3A_424 = arith.index_cast %get3A_423 : i32 to index
      %get3A_425 = arith.constant 16 : index
      %get3A_426 = tpu.vector_load %arg7[%get3A_424, %get3A_425] {strides = array<i32>} : memref<5x128xi32, #tpu.memory_space<vmem>>, vector<1x16xi32>,
      %get3A_427 = vector.shape_cast %get3A_426 : vector<1x16xi32> to vector<16xi32>
      %add3A_428 = arith.addi %get3A_427, %get3A_427 : vector<16xi32>
      %add3A_429 = vector.broadcast %arg0 : i32 to vector<16xi32>
      %add3A_430 = arith.addi %add3A_428, %add3A_429 : vector<16xi32>
      %swap3A_431 = arith.constant 3 : i32
      %swap3A_432 = arith.index_cast %swap3A_431 : i32 to index
      %swap3A_433 = arith.constant 16 : index
      %swap3A_434 = tpu.vector_load %arg7[%swap3A_432, %swap3A_433] {strides = array<i32>} : memref<5x128xi32, #tpu.memory_space<vmem>>, vector<1x16xi32>,
      %swap3A_435 = vector.shape_cast %swap3A_434 : vector<1x16xi32> to vector<16xi32>
      %swap3A_436 = vector.shape_cast %add3A_430 : vector<16xi32> to vector<1x16xi32>
      tpu.vector_store %arg7[%swap3A_432, %swap3A_433], %swap3A_436 {strides = array<i32>} : memref<5x128xi32, #tpu.memory_space<vmem>>, vector<1x16xi32>,
      %get3A_437 = arith.constant 3 : i32
      %get3A_438 = arith.index_cast %get3A_437 : i32 to index
      %get3A_439 = arith.constant 32 : index
      %get3A_440 = tpu.vector_load %arg7[%get3A_438, %get3A_439] {strides = array<i32>} : memref<5x128xi32, #tpu.memory_space<vmem>>, vector<1x16xi32>,
      %get3A_441 = vector.shape_cast %get3A_440 : vector<1x16xi32> to vector<16xi32>
      %add3A_442 = arith.addi %get3A_441, %get3A_441 : vector<16xi32>
      %add3A_443 = vector.broadcast %arg0 : i32 to vector<16xi32>
      %add3A_444 = arith.addi %add3A_442, %add3A_443 : vector<16xi32>
      %swap3A_445 = arith.constant 3 : i32
      %swap3A_446 = arith.index_cast %swap3A_445 : i32 to index
      %swap3A_447 = arith.constant 32 : index
      %swap3A_448 = tpu.vector_load %arg7[%swap3A_446, %swap3A_447] {strides = array<i32>} : memref<5x128xi32, #tpu.memory_space<vmem>>, vector<1x16xi32>,
      %swap3A_449 = vector.shape_cast %swap3A_448 : vector<1x16xi32> to vector<16xi32>
      %swap3A_450 = vector.shape_cast %add3A_444 : vector<16xi32> to vector<1x16xi32>
      tpu.vector_store %arg7[%swap3A_446, %swap3A_447], %swap3A_450 {strides = array<i32>} : memref<5x128xi32, #tpu.memory_space<vmem>>, vector<1x16xi32>,
      %get3A_451 = arith.constant 3 : i32
      %get3A_452 = arith.index_cast %get3A_451 : i32 to index
      %get3A_453 = arith.constant 48 : index
      %get3A_454 = tpu.vector_load %arg7[%get3A_452, %get3A_453] {strides = array<i32>} : memref<5x128xi32, #tpu.memory_space<vmem>>, vector<1x16xi32>,
      %get3A_455 = vector.shape_cast %get3A_454 : vector<1x16xi32> to vector<16xi32>
      %add3A_456 = arith.addi %get3A_455, %get3A_455 : vector<16xi32>
      %add3A_457 = vector.broadcast %arg0 : i32 to vector<16xi32>
      %add3A_458 = arith.addi %add3A_456, %add3A_457 : vector<16xi32>
      %swap3A_459 = arith.constant 3 : i32
      %swap3A_460 = arith.index_cast %swap3A_459 : i32 to index
      %swap3A_461 = arith.constant 48 : index
      %swap3A_462 = tpu.vector_load %arg7[%swap3A_460, %swap3A_461] {strides = array<i32>} : memref<5x128xi32, #tpu.memory_space<vmem>>, vector<1x16xi32>,
      %swap3A_463 = vector.shape_cast %swap3A_462 : vector<1x16xi32> to vector<16xi32>
      %swap3A_464 = vector.shape_cast %add3A_458 : vector<16xi32> to vector<1x16xi32>
      tpu.vector_store %arg7[%swap3A_460, %swap3A_461], %swap3A_464 {strides = array<i32>} : memref<5x128xi32, #tpu.memory_space<vmem>>, vector<1x16xi32>,
      %get3A_465 = arith.constant 3 : i32
      %get3A_466 = arith.index_cast %get3A_465 : i32 to index
      %get3A_467 = arith.constant 64 : index
      %get3A_468 = tpu.vector_load %arg7[%get3A_466, %get3A_467] {strides = array<i32>} : memref<5x128xi32, #tpu.memory_space<vmem>>, vector<1x16xi32>,
      %get3A_469 = vector.shape_cast %get3A_468 : vector<1x16xi32> to vector<16xi32>
      %add3A_470 = arith.addi %get3A_469, %get3A_469 : vector<16xi32>
      %add3A_471 = vector.broadcast %arg0 : i32 to vector<16xi32>
      %add3A_472 = arith.addi %add3A_470, %add3A_471 : vector<16xi32>
      %swap3A_473 = arith.constant 3 : i32
      %swap3A_474 = arith.index_cast %swap3A_473 : i32 to index
      %swap3A_475 = arith.constant 64 : index
      %swap3A_476 = tpu.vector_load %arg7[%swap3A_474, %swap3A_475] {strides = array<i32>} : memref<5x128xi32, #tpu.memory_space<vmem>>, vector<1x16xi32>,
      %swap3A_477 = vector.shape_cast %swap3A_476 : vector<1x16xi32> to vector<16xi32>
      %swap3A_478 = vector.shape_cast %add3A_472 : vector<16xi32> to vector<1x16xi32>
      tpu.vector_store %arg7[%swap3A_474, %swap3A_475], %swap3A_478 {strides = array<i32>} : memref<5x128xi32, #tpu.memory_space<vmem>>, vector<1x16xi32>,
      %get3A_479 = arith.constant 3 : i32
      %get3A_480 = arith.index_cast %get3A_479 : i32 to index
      %get3A_481 = arith.constant 80 : index
      %get3A_482 = tpu.vector_load %arg7[%get3A_480, %get3A_481] {strides = array<i32>} : memref<5x128xi32, #tpu.memory_space<vmem>>, vector<1x16xi32>,
      %get3A_483 = vector.shape_cast %get3A_482 : vector<1x16xi32> to vector<16xi32>
      %add3A_484 = arith.addi %get3A_483, %get3A_483 : vector<16xi32>
      %add3A_485 = vector.broadcast %arg0 : i32 to vector<16xi32>
      %add3A_486 = arith.addi %add3A_484, %add3A_485 : vector<16xi32>
      %swap3A_487 = arith.constant 3 : i32
      %swap3A_488 = arith.index_cast %swap3A_487 : i32 to index
      %swap3A_489 = arith.constant 80 : index
      %swap3A_490 = tpu.vector_load %arg7[%swap3A_488, %swap3A_489] {strides = array<i32>} : memref<5x128xi32, #tpu.memory_space<vmem>>, vector<1x16xi32>,
      %swap3A_491 = vector.shape_cast %swap3A_490 : vector<1x16xi32> to vector<16xi32>
      %swap3A_492 = vector.shape_cast %add3A_486 : vector<16xi32> to vector<1x16xi32>
      tpu.vector_store %arg7[%swap3A_488, %swap3A_489], %swap3A_492 {strides = array<i32>} : memref<5x128xi32, #tpu.memory_space<vmem>>, vector<1x16xi32>,
      %get3A_493 = arith.constant 3 : i32
      %get3A_494 = arith.index_cast %get3A_493 : i32 to index
      %get3A_495 = arith.constant 96 : index
      %get3A_496 = tpu.vector_load %arg7[%get3A_494, %get3A_495] {strides = array<i32>} : memref<5x128xi32, #tpu.memory_space<vmem>>, vector<1x16xi32>,
      %get3A_497 = vector.shape_cast %get3A_496 : vector<1x16xi32> to vector<16xi32>
      %add3A_498 = arith.addi %get3A_497, %get3A_497 : vector<16xi32>
      %add3A_499 = vector.broadcast %arg0 : i32 to vector<16xi32>
      %add3A_500 = arith.addi %add3A_498, %add3A_499 : vector<16xi32>
      %swap3A_501 = arith.constant 3 : i32
      %swap3A_502 = arith.index_cast %swap3A_501 : i32 to index
      %swap3A_503 = arith.constant 96 : index
      %swap3A_504 = tpu.vector_load %arg7[%swap3A_502, %swap3A_503] {strides = array<i32>} : memref<5x128xi32, #tpu.memory_space<vmem>>, vector<1x16xi32>,
      %swap3A_505 = vector.shape_cast %swap3A_504 : vector<1x16xi32> to vector<16xi32>
      %swap3A_506 = vector.shape_cast %add3A_500 : vector<16xi32> to vector<1x16xi32>
      tpu.vector_store %arg7[%swap3A_502, %swap3A_503], %swap3A_506 {strides = array<i32>} : memref<5x128xi32, #tpu.memory_space<vmem>>, vector<1x16xi32>,
      %get3A_507 = arith.constant 3 : i32
      %get3A_508 = arith.index_cast %get3A_507 : i32 to index
      %get3A_509 = arith.constant 112 : index
      %get3A_510 = tpu.vector_load %arg7[%get3A_508, %get3A_509] {strides = array<i32>} : memref<5x128xi32, #tpu.memory_space<vmem>>, vector<1x16xi32>,
      %get3A_511 = vector.shape_cast %get3A_510 : vector<1x16xi32> to vector<16xi32>
      %add3A_512 = arith.addi %get3A_511, %get3A_511 : vector<16xi32>
      %add3A_513 = vector.broadcast %arg0 : i32 to vector<16xi32>
      %add3A_514 = arith.addi %add3A_512, %add3A_513 : vector<16xi32>
      %swap3A_515 = arith.constant 3 : i32
      %swap3A_516 = arith.index_cast %swap3A_515 : i32 to index
      %swap3A_517 = arith.constant 112 : index
      %swap3A_518 = tpu.vector_load %arg7[%swap3A_516, %swap3A_517] {strides = array<i32>} : memref<5x128xi32, #tpu.memory_space<vmem>>, vector<1x16xi32>,
      %swap3A_519 = vector.shape_cast %swap3A_518 : vector<1x16xi32> to vector<16xi32>
      %swap3A_520 = vector.shape_cast %add3A_514 : vector<16xi32> to vector<1x16xi32>
      tpu.vector_store %arg7[%swap3A_516, %swap3A_517], %swap3A_520 {strides = array<i32>} : memref<5x128xi32, #tpu.memory_space<vmem>>, vector<1x16xi32>,
      %get3A_521 = arith.constant 4 : i32
      %get3A_522 = arith.index_cast %get3A_521 : i32 to index
      %get3A_523 = arith.constant 0 : index
      %get3A_524 = tpu.vector_load %arg7[%get3A_522, %get3A_523] {strides = array<i32>} : memref<5x128xi32, #tpu.memory_space<vmem>>, vector<1x16xi32>,
      %get3A_525 = vector.shape_cast %get3A_524 : vector<1x16xi32> to vector<16xi32>
      %add3A_526 = arith.addi %get3A_525, %get3A_525 : vector<16xi32>
      %add3A_527 = vector.broadcast %arg0 : i32 to vector<16xi32>
      %add3A_528 = arith.addi %add3A_526, %add3A_527 : vector<16xi32>
      %swap3A_529 = arith.constant 4 : i32
      %swap3A_530 = arith.index_cast %swap3A_529 : i32 to index
      %swap3A_531 = arith.constant 0 : index
      %swap3A_532 = tpu.vector_load %arg7[%swap3A_530, %swap3A_531] {strides = array<i32>} : memref<5x128xi32, #tpu.memory_space<vmem>>, vector<1x16xi32>,
      %swap3A_533 = vector.shape_cast %swap3A_532 : vector<1x16xi32> to vector<16xi32>
      %swap3A_534 = vector.shape_cast %add3A_528 : vector<16xi32> to vector<1x16xi32>
      tpu.vector_store %arg7[%swap3A_530, %swap3A_531], %swap3A_534 {strides = array<i32>} : memref<5x128xi32, #tpu.memory_space<vmem>>, vector<1x16xi32>,
      %get3A_535 = arith.constant 4 : i32
      %get3A_536 = arith.index_cast %get3A_535 : i32 to index
      %get3A_537 = arith.constant 16 : index
      %get3A_538 = tpu.vector_load %arg7[%get3A_536, %get3A_537] {strides = array<i32>} : memref<5x128xi32, #tpu.memory_space<vmem>>, vector<1x16xi32>,
      %get3A_539 = vector.shape_cast %get3A_538 : vector<1x16xi32> to vector<16xi32>
      %add3A_540 = arith.addi %get3A_539, %get3A_539 : vector<16xi32>
      %add3A_541 = vector.broadcast %arg0 : i32 to vector<16xi32>
      %add3A_542 = arith.addi %add3A_540, %add3A_541 : vector<16xi32>
      %swap3A_543 = arith.constant 4 : i32
      %swap3A_544 = arith.index_cast %swap3A_543 : i32 to index
      %swap3A_545 = arith.constant 16 : index
      %swap3A_546 = tpu.vector_load %arg7[%swap3A_544, %swap3A_545] {strides = array<i32>} : memref<5x128xi32, #tpu.memory_space<vmem>>, vector<1x16xi32>,
      %swap3A_547 = vector.shape_cast %swap3A_546 : vector<1x16xi32> to vector<16xi32>
      %swap3A_548 = vector.shape_cast %add3A_542 : vector<16xi32> to vector<1x16xi32>
      tpu.vector_store %arg7[%swap3A_544, %swap3A_545], %swap3A_548 {strides = array<i32>} : memref<5x128xi32, #tpu.memory_space<vmem>>, vector<1x16xi32>,
      %get3A_549 = arith.constant 4 : i32
      %get3A_550 = arith.index_cast %get3A_549 : i32 to index
      %get3A_551 = arith.constant 32 : index
      %get3A_552 = tpu.vector_load %arg7[%get3A_550, %get3A_551] {strides = array<i32>} : memref<5x128xi32, #tpu.memory_space<vmem>>, vector<1x16xi32>,
      %get3A_553 = vector.shape_cast %get3A_552 : vector<1x16xi32> to vector<16xi32>
      %add3A_554 = arith.addi %get3A_553, %get3A_553 : vector<16xi32>
      %add3A_555 = vector.broadcast %arg0 : i32 to vector<16xi32>
      %add3A_556 = arith.addi %add3A_554, %add3A_555 : vector<16xi32>
      %swap3A_557 = arith.constant 4 : i32
      %swap3A_558 = arith.index_cast %swap3A_557 : i32 to index
      %swap3A_559 = arith.constant 32 : index
      %swap3A_560 = tpu.vector_load %arg7[%swap3A_558, %swap3A_559] {strides = array<i32>} : memref<5x128xi32, #tpu.memory_space<vmem>>, vector<1x16xi32>,
      %swap3A_561 = vector.shape_cast %swap3A_560 : vector<1x16xi32> to vector<16xi32>
      %swap3A_562 = vector.shape_cast %add3A_556 : vector<16xi32> to vector<1x16xi32>
      tpu.vector_store %arg7[%swap3A_558, %swap3A_559], %swap3A_562 {strides = array<i32>} : memref<5x128xi32, #tpu.memory_space<vmem>>, vector<1x16xi32>,
      %get3A_563 = arith.constant 4 : i32
      %get3A_564 = arith.index_cast %get3A_563 : i32 to index
      %get3A_565 = arith.constant 48 : index
      %get3A_566 = tpu.vector_load %arg7[%get3A_564, %get3A_565] {strides = array<i32>} : memref<5x128xi32, #tpu.memory_space<vmem>>, vector<1x16xi32>,
      %get3A_567 = vector.shape_cast %get3A_566 : vector<1x16xi32> to vector<16xi32>
      %add3A_568 = arith.addi %get3A_567, %get3A_567 : vector<16xi32>
      %add3A_569 = vector.broadcast %arg0 : i32 to vector<16xi32>
      %add3A_570 = arith.addi %add3A_568, %add3A_569 : vector<16xi32>
      %swap3A_571 = arith.constant 4 : i32
      %swap3A_572 = arith.index_cast %swap3A_571 : i32 to index
      %swap3A_573 = arith.constant 48 : index
      %swap3A_574 = tpu.vector_load %arg7[%swap3A_572, %swap3A_573] {strides = array<i32>} : memref<5x128xi32, #tpu.memory_space<vmem>>, vector<1x16xi32>,
      %swap3A_575 = vector.shape_cast %swap3A_574 : vector<1x16xi32> to vector<16xi32>
      %swap3A_576 = vector.shape_cast %add3A_570 : vector<16xi32> to vector<1x16xi32>
      tpu.vector_store %arg7[%swap3A_572, %swap3A_573], %swap3A_576 {strides = array<i32>} : memref<5x128xi32, #tpu.memory_space<vmem>>, vector<1x16xi32>,
      %get3A_577 = arith.constant 4 : i32
      %get3A_578 = arith.index_cast %get3A_577 : i32 to index
      %get3A_579 = arith.constant 64 : index
      %get3A_580 = tpu.vector_load %arg7[%get3A_578, %get3A_579] {strides = array<i32>} : memref<5x128xi32, #tpu.memory_space<vmem>>, vector<1x16xi32>,
      %get3A_581 = vector.shape_cast %get3A_580 : vector<1x16xi32> to vector<16xi32>
      %add3A_582 = arith.addi %get3A_581, %get3A_581 : vector<16xi32>
      %add3A_583 = vector.broadcast %arg0 : i32 to vector<16xi32>
      %add3A_584 = arith.addi %add3A_582, %add3A_583 : vector<16xi32>
      %swap3A_585 = arith.constant 4 : i32
      %swap3A_586 = arith.index_cast %swap3A_585 : i32 to index
      %swap3A_587 = arith.constant 64 : index
      %swap3A_588 = tpu.vector_load %arg7[%swap3A_586, %swap3A_587] {strides = array<i32>} : memref<5x128xi32, #tpu.memory_space<vmem>>, vector<1x16xi32>,
      %swap3A_589 = vector.shape_cast %swap3A_588 : vector<1x16xi32> to vector<16xi32>
      %swap3A_590 = vector.shape_cast %add3A_584 : vector<16xi32> to vector<1x16xi32>
      tpu.vector_store %arg7[%swap3A_586, %swap3A_587], %swap3A_590 {strides = array<i32>} : memref<5x128xi32, #tpu.memory_space<vmem>>, vector<1x16xi32>,
      %get3A_591 = arith.constant 4 : i32
      %get3A_592 = arith.index_cast %get3A_591 : i32 to index
      %get3A_593 = arith.constant 80 : index
      %get3A_594 = tpu.vector_load %arg7[%get3A_592, %get3A_593] {strides = array<i32>} : memref<5x128xi32, #tpu.memory_space<vmem>>, vector<1x16xi32>,
      %get3A_595 = vector.shape_cast %get3A_594 : vector<1x16xi32> to vector<16xi32>
      %add3A_596 = arith.addi %get3A_595, %get3A_595 : vector<16xi32>
      %add3A_597 = vector.broadcast %arg0 : i32 to vector<16xi32>
      %add3A_598 = arith.addi %add3A_596, %add3A_597 : vector<16xi32>
      %swap3A_599 = arith.constant 4 : i32
      %swap3A_600 = arith.index_cast %swap3A_599 : i32 to index
      %swap3A_601 = arith.constant 80 : index
      %swap3A_602 = tpu.vector_load %arg7[%swap3A_600, %swap3A_601] {strides = array<i32>} : memref<5x128xi32, #tpu.memory_space<vmem>>, vector<1x16xi32>,
      %swap3A_603 = vector.shape_cast %swap3A_602 : vector<1x16xi32> to vector<16xi32>
      %swap3A_604 = vector.shape_cast %add3A_598 : vector<16xi32> to vector<1x16xi32>
      tpu.vector_store %arg7[%swap3A_600, %swap3A_601], %swap3A_604 {strides = array<i32>} : memref<5x128xi32, #tpu.memory_space<vmem>>, vector<1x16xi32>,
      %get3A_605 = arith.constant 4 : i32
      %get3A_606 = arith.index_cast %get3A_605 : i32 to index
      %get3A_607 = arith.constant 96 : index
      %get3A_608 = tpu.vector_load %arg7[%get3A_606, %get3A_607] {strides = array<i32>} : memref<5x128xi32, #tpu.memory_space<vmem>>, vector<1x16xi32>,
      %get3A_609 = vector.shape_cast %get3A_608 : vector<1x16xi32> to vector<16xi32>
      %add3A_610 = arith.addi %get3A_609, %get3A_609 : vector<16xi32>
      %add3A_611 = vector.broadcast %arg0 : i32 to vector<16xi32>
      %add3A_612 = arith.addi %add3A_610, %add3A_611 : vector<16xi32>
      %swap3A_613 = arith.constant 4 : i32
      %swap3A_614 = arith.index_cast %swap3A_613 : i32 to index
      %swap3A_615 = arith.constant 96 : index
      %swap3A_616 = tpu.vector_load %arg7[%swap3A_614, %swap3A_615] {strides = array<i32>} : memref<5x128xi32, #tpu.memory_space<vmem>>, vector<1x16xi32>,
      %swap3A_617 = vector.shape_cast %swap3A_616 : vector<1x16xi32> to vector<16xi32>
      %swap3A_618 = vector.shape_cast %add3A_612 : vector<16xi32> to vector<1x16xi32>
      tpu.vector_store %arg7[%swap3A_614, %swap3A_615], %swap3A_618 {strides = array<i32>} : memref<5x128xi32, #tpu.memory_space<vmem>>, vector<1x16xi32>,
      %get3A_619 = arith.constant 4 : i32
      %get3A_620 = arith.index_cast %get3A_619 : i32 to index
      %get3A_621 = arith.constant 112 : index
      %get3A_622 = tpu.vector_load %arg7[%get3A_620, %get3A_621] {strides = array<i32>} : memref<5x128xi32, #tpu.memory_space<vmem>>, vector<1x16xi32>,
      %get3A_623 = vector.shape_cast %get3A_622 : vector<1x16xi32> to vector<16xi32>
      %add3A_624 = arith.addi %get3A_623, %get3A_623 : vector<16xi32>
      %add3A_625 = vector.broadcast %arg0 : i32 to vector<16xi32>
      %add3A_626 = arith.addi %add3A_624, %add3A_625 : vector<16xi32>
      %swap3A_627 = arith.constant 4 : i32
      %swap3A_628 = arith.index_cast %swap3A_627 : i32 to index
      %swap3A_629 = arith.constant 112 : index
      %swap3A_630 = tpu.vector_load %arg7[%swap3A_628, %swap3A_629] {strides = array<i32>} : memref<5x128xi32, #tpu.memory_space<vmem>>, vector<1x16xi32>,
      %swap3A_631 = vector.shape_cast %swap3A_630 : vector<1x16xi32> to vector<16xi32>
      %swap3A_632 = vector.shape_cast %add3A_626 : vector<16xi32> to vector<1x16xi32>
      tpu.vector_store %arg7[%swap3A_628, %swap3A_629], %swap3A_632 {strides = array<i32>} : memref<5x128xi32, #tpu.memory_space<vmem>>, vector<1x16xi32>,
      %gt3A = arith.constant 0 : i32
      %gt3A_633 = arith.cmpi sgt, %add3A_62, %gt3A : i32
      %convert_element_type3A = arith.extui %gt3A_633 : i1 to i32
      %cond3A = arith.constant 0 : i32
      %cond3A_634 = arith.cmpi ne, %convert_element_type3A, %cond3A : i32
      scf.if %cond3A_634 {
        %dma_wait3A_1477 = arith.constant 0 : i32
        %dma_wait3A_1478 = arith.constant 0 : i32
        %dma_wait3A_1479 = tpu.memref_slice %arg9[%dma_wait3A_1477, %dma_wait3A_1478] : memref<5x128xi32, #tpu.memory_space<vmem>> -> memref<1x128xi32, #tpu.memory_space<vmem>>
        %dma_wait3A_1480 = tpu.memref_squeeze %dma_wait3A_1479 : memref<1x128xi32, #tpu.memory_space<vmem>> -> memref<128xi32, #tpu.memory_space<vmem>>
        %dma_wait3A_1481 = arith.constant 0 : i32
        %dma_wait3A_1482 = arith.constant 0 : i32
        %dma_wait3A_1483 = tpu.memref_slice %arg16[%dma_wait3A_1481, %dma_wait3A_1482] : memref<50176x32xf32, #tpu.memory_space<vmem_shared>> -> memref<50176x32xf32, #tpu.memory_space<vmem_shared>>
        tpu.wait_indirect_dma semaphore(%arg26 : memref<!tpu.dma_semaphore, #tpu.memory_space<semaphore_mem>>) src(%arg11 : memref<128x32xf32, #tpu.memory_space<vmem>>) dst(%dma_wait3A_1483 : memref<50176x32xf32, #tpu.memory_space<vmem_shared>>)
      } else {
      }
      %dma_start3A_635 = arith.constant 0 : i32
      %dma_start3A_636 = arith.constant 0 : i32
      %dma_start3A_637 = tpu.memref_slice %arg7[%dma_start3A_635, %dma_start3A_636] : memref<5x128xi32, #tpu.memory_space<vmem>> -> memref<1x128xi32, #tpu.memory_space<vmem>>
      %dma_start3A_638 = tpu.memref_squeeze %dma_start3A_637 : memref<1x128xi32, #tpu.memory_space<vmem>> -> memref<128xi32, #tpu.memory_space<vmem>>
      %dma_start3A_639 = arith.constant 0 : i32
      %dma_start3A_640 = arith.constant 0 : i32
      %dma_start3A_641 = tpu.memref_slice %arg2[%dma_start3A_639, %dma_start3A_640] : memref<100352x32xf32, #tpu.memory_space<hbm>> -> memref<100352x32xf32, #tpu.memory_space<hbm>>
      tpu.enqueue_indirect_dma source(%dma_start3A_641 : memref<100352x32xf32, #tpu.memory_space<hbm>>) target(%arg11 : memref<128x32xf32, #tpu.memory_space<vmem>>) offsets(%dma_start3A_638 : memref<128xi32, #tpu.memory_space<vmem>>) semaphore(%arg21 : memref<!tpu.dma_semaphore, #tpu.memory_space<semaphore_mem>>)
      %gt3A_642 = arith.constant 0 : i32
      %gt3A_643 = arith.cmpi sgt, %add3A_62, %gt3A_642 : i32
      %convert_element_type3A_644 = arith.extui %gt3A_643 : i1 to i32
      %cond3A_645 = arith.constant 0 : i32
      %cond3A_646 = arith.cmpi ne, %convert_element_type3A_644, %cond3A_645 : i32
      scf.if %cond3A_646 {
        %dma_wait3A_1477 = arith.constant 1 : i32
        %dma_wait3A_1478 = arith.constant 0 : i32
        %dma_wait3A_1479 = tpu.memref_slice %arg9[%dma_wait3A_1477, %dma_wait3A_1478] : memref<5x128xi32, #tpu.memory_space<vmem>> -> memref<1x128xi32, #tpu.memory_space<vmem>>
        %dma_wait3A_1480 = tpu.memref_squeeze %dma_wait3A_1479 : memref<1x128xi32, #tpu.memory_space<vmem>> -> memref<128xi32, #tpu.memory_space<vmem>>
        %dma_wait3A_1481 = arith.constant 0 : i32
        %dma_wait3A_1482 = arith.constant 0 : i32
        %dma_wait3A_1483 = tpu.memref_slice %arg16[%dma_wait3A_1481, %dma_wait3A_1482] : memref<50176x32xf32, #tpu.memory_space<vmem_shared>> -> memref<50176x32xf32, #tpu.memory_space<vmem_shared>>
        tpu.wait_indirect_dma semaphore(%arg27 : memref<!tpu.dma_semaphore, #tpu.memory_space<semaphore_mem>>) src(%arg12 : memref<128x32xf32, #tpu.memory_space<vmem>>) dst(%dma_wait3A_1483 : memref<50176x32xf32, #tpu.memory_space<vmem_shared>>)
      } else {
      }
      %dma_start3A_647 = arith.constant 1 : i32
      %dma_start3A_648 = arith.constant 0 : i32
      %dma_start3A_649 = tpu.memref_slice %arg7[%dma_start3A_647, %dma_start3A_648] : memref<5x128xi32, #tpu.memory_space<vmem>> -> memref<1x128xi32, #tpu.memory_space<vmem>>
      %dma_start3A_650 = tpu.memref_squeeze %dma_start3A_649 : memref<1x128xi32, #tpu.memory_space<vmem>> -> memref<128xi32, #tpu.memory_space<vmem>>
      %dma_start3A_651 = arith.constant 0 : i32
      %dma_start3A_652 = arith.constant 0 : i32
      %dma_start3A_653 = tpu.memref_slice %arg2[%dma_start3A_651, %dma_start3A_652] : memref<100352x32xf32, #tpu.memory_space<hbm>> -> memref<100352x32xf32, #tpu.memory_space<hbm>>
      tpu.enqueue_indirect_dma source(%dma_start3A_653 : memref<100352x32xf32, #tpu.memory_space<hbm>>) target(%arg12 : memref<128x32xf32, #tpu.memory_space<vmem>>) offsets(%dma_start3A_650 : memref<128xi32, #tpu.memory_space<vmem>>) semaphore(%arg22 : memref<!tpu.dma_semaphore, #tpu.memory_space<semaphore_mem>>)
      %gt3A_654 = arith.constant 0 : i32
      %gt3A_655 = arith.cmpi sgt, %add3A_62, %gt3A_654 : i32
      %convert_element_type3A_656 = arith.extui %gt3A_655 : i1 to i32
      %cond3A_657 = arith.constant 0 : i32
      %cond3A_658 = arith.cmpi ne, %convert_element_type3A_656, %cond3A_657 : i32
      scf.if %cond3A_658 {
        %dma_wait3A_1477 = arith.constant 2 : i32
        %dma_wait3A_1478 = arith.constant 0 : i32
        %dma_wait3A_1479 = tpu.memref_slice %arg9[%dma_wait3A_1477, %dma_wait3A_1478] : memref<5x128xi32, #tpu.memory_space<vmem>> -> memref<1x128xi32, #tpu.memory_space<vmem>>
        %dma_wait3A_1480 = tpu.memref_squeeze %dma_wait3A_1479 : memref<1x128xi32, #tpu.memory_space<vmem>> -> memref<128xi32, #tpu.memory_space<vmem>>
        %dma_wait3A_1481 = arith.constant 0 : i32
        %dma_wait3A_1482 = arith.constant 0 : i32
        %dma_wait3A_1483 = tpu.memref_slice %arg16[%dma_wait3A_1481, %dma_wait3A_1482] : memref<50176x32xf32, #tpu.memory_space<vmem_shared>> -> memref<50176x32xf32, #tpu.memory_space<vmem_shared>>
        tpu.wait_indirect_dma semaphore(%arg28 : memref<!tpu.dma_semaphore, #tpu.memory_space<semaphore_mem>>) src(%arg13 : memref<128x32xf32, #tpu.memory_space<vmem>>) dst(%dma_wait3A_1483 : memref<50176x32xf32, #tpu.memory_space<vmem_shared>>)
      } else {
      }
      %dma_start3A_659 = arith.constant 2 : i32
      %dma_start3A_660 = arith.constant 0 : i32
      %dma_start3A_661 = tpu.memref_slice %arg7[%dma_start3A_659, %dma_start3A_660] : memref<5x128xi32, #tpu.memory_space<vmem>> -> memref<1x128xi32, #tpu.memory_space<vmem>>
      %dma_start3A_662 = tpu.memref_squeeze %dma_start3A_661 : memref<1x128xi32, #tpu.memory_space<vmem>> -> memref<128xi32, #tpu.memory_space<vmem>>
      %dma_start3A_663 = arith.constant 0 : i32
      %dma_start3A_664 = arith.constant 0 : i32
      %dma_start3A_665 = tpu.memref_slice %arg2[%dma_start3A_663, %dma_start3A_664] : memref<100352x32xf32, #tpu.memory_space<hbm>> -> memref<100352x32xf32, #tpu.memory_space<hbm>>
      tpu.enqueue_indirect_dma source(%dma_start3A_665 : memref<100352x32xf32, #tpu.memory_space<hbm>>) target(%arg13 : memref<128x32xf32, #tpu.memory_space<vmem>>) offsets(%dma_start3A_662 : memref<128xi32, #tpu.memory_space<vmem>>) semaphore(%arg23 : memref<!tpu.dma_semaphore, #tpu.memory_space<semaphore_mem>>)
      %gt3A_666 = arith.constant 0 : i32
      %gt3A_667 = arith.cmpi sgt, %add3A_62, %gt3A_666 : i32
      %convert_element_type3A_668 = arith.extui %gt3A_667 : i1 to i32
      %cond3A_669 = arith.constant 0 : i32
      %cond3A_670 = arith.cmpi ne, %convert_element_type3A_668, %cond3A_669 : i32
      scf.if %cond3A_670 {
        %dma_wait3A_1477 = arith.constant 3 : i32
        %dma_wait3A_1478 = arith.constant 0 : i32
        %dma_wait3A_1479 = tpu.memref_slice %arg9[%dma_wait3A_1477, %dma_wait3A_1478] : memref<5x128xi32, #tpu.memory_space<vmem>> -> memref<1x128xi32, #tpu.memory_space<vmem>>
        %dma_wait3A_1480 = tpu.memref_squeeze %dma_wait3A_1479 : memref<1x128xi32, #tpu.memory_space<vmem>> -> memref<128xi32, #tpu.memory_space<vmem>>
        %dma_wait3A_1481 = arith.constant 0 : i32
        %dma_wait3A_1482 = arith.constant 0 : i32
        %dma_wait3A_1483 = tpu.memref_slice %arg16[%dma_wait3A_1481, %dma_wait3A_1482] : memref<50176x32xf32, #tpu.memory_space<vmem_shared>> -> memref<50176x32xf32, #tpu.memory_space<vmem_shared>>
        tpu.wait_indirect_dma semaphore(%arg29 : memref<!tpu.dma_semaphore, #tpu.memory_space<semaphore_mem>>) src(%arg14 : memref<128x32xf32, #tpu.memory_space<vmem>>) dst(%dma_wait3A_1483 : memref<50176x32xf32, #tpu.memory_space<vmem_shared>>)
      } else {
      }
      %dma_start3A_671 = arith.constant 3 : i32
      %dma_start3A_672 = arith.constant 0 : i32
      %dma_start3A_673 = tpu.memref_slice %arg7[%dma_start3A_671, %dma_start3A_672] : memref<5x128xi32, #tpu.memory_space<vmem>> -> memref<1x128xi32, #tpu.memory_space<vmem>>
      %dma_start3A_674 = tpu.memref_squeeze %dma_start3A_673 : memref<1x128xi32, #tpu.memory_space<vmem>> -> memref<128xi32, #tpu.memory_space<vmem>>
      %dma_start3A_675 = arith.constant 0 : i32
      %dma_start3A_676 = arith.constant 0 : i32
      %dma_start3A_677 = tpu.memref_slice %arg2[%dma_start3A_675, %dma_start3A_676] : memref<100352x32xf32, #tpu.memory_space<hbm>> -> memref<100352x32xf32, #tpu.memory_space<hbm>>
      tpu.enqueue_indirect_dma source(%dma_start3A_677 : memref<100352x32xf32, #tpu.memory_space<hbm>>) target(%arg14 : memref<128x32xf32, #tpu.memory_space<vmem>>) offsets(%dma_start3A_674 : memref<128xi32, #tpu.memory_space<vmem>>) semaphore(%arg24 : memref<!tpu.dma_semaphore, #tpu.memory_space<semaphore_mem>>)
      %gt3A_678 = arith.constant 0 : i32
      %gt3A_679 = arith.cmpi sgt, %add3A_62, %gt3A_678 : i32
      %convert_element_type3A_680 = arith.extui %gt3A_679 : i1 to i32
      %cond3A_681 = arith.constant 0 : i32
      %cond3A_682 = arith.cmpi ne, %convert_element_type3A_680, %cond3A_681 : i32
      scf.if %cond3A_682 {
        %dma_wait3A_1477 = arith.constant 4 : i32
        %dma_wait3A_1478 = arith.constant 0 : i32
        %dma_wait3A_1479 = tpu.memref_slice %arg9[%dma_wait3A_1477, %dma_wait3A_1478] : memref<5x128xi32, #tpu.memory_space<vmem>> -> memref<1x128xi32, #tpu.memory_space<vmem>>
        %dma_wait3A_1480 = tpu.memref_squeeze %dma_wait3A_1479 : memref<1x128xi32, #tpu.memory_space<vmem>> -> memref<128xi32, #tpu.memory_space<vmem>>
        %dma_wait3A_1481 = arith.constant 0 : i32
        %dma_wait3A_1482 = arith.constant 0 : i32
        %dma_wait3A_1483 = tpu.memref_slice %arg16[%dma_wait3A_1481, %dma_wait3A_1482] : memref<50176x32xf32, #tpu.memory_space<vmem_shared>> -> memref<50176x32xf32, #tpu.memory_space<vmem_shared>>
        tpu.wait_indirect_dma semaphore(%arg30 : memref<!tpu.dma_semaphore, #tpu.memory_space<semaphore_mem>>) src(%arg15 : memref<128x32xf32, #tpu.memory_space<vmem>>) dst(%dma_wait3A_1483 : memref<50176x32xf32, #tpu.memory_space<vmem_shared>>)
      } else {
      }
      %dma_start3A_683 = arith.constant 4 : i32
      %dma_start3A_684 = arith.constant 0 : i32
      %dma_start3A_685 = tpu.memref_slice %arg7[%dma_start3A_683, %dma_start3A_684] : memref<5x128xi32, #tpu.memory_space<vmem>> -> memref<1x128xi32, #tpu.memory_space<vmem>>
      %dma_start3A_686 = tpu.memref_squeeze %dma_start3A_685 : memref<1x128xi32, #tpu.memory_space<vmem>> -> memref<128xi32, #tpu.memory_space<vmem>>
      %dma_start3A_687 = arith.constant 0 : i32
      %dma_start3A_688 = arith.constant 0 : i32
      %dma_start3A_689 = tpu.memref_slice %arg2[%dma_start3A_687, %dma_start3A_688] : memref<100352x32xf32, #tpu.memory_space<hbm>> -> memref<100352x32xf32, #tpu.memory_space<hbm>>
      tpu.enqueue_indirect_dma source(%dma_start3A_689 : memref<100352x32xf32, #tpu.memory_space<hbm>>) target(%arg15 : memref<128x32xf32, #tpu.memory_space<vmem>>) offsets(%dma_start3A_686 : memref<128xi32, #tpu.memory_space<vmem>>) semaphore(%arg25 : memref<!tpu.dma_semaphore, #tpu.memory_space<semaphore_mem>>)
      %add3A_690 = arith.constant 1 : i32
      %add3A_691 = arith.addi %add3A_62, %add3A_690 : i32
      %lt3A = arith.constant 80 : i32
      %lt3A_692 = arith.cmpi slt, %add3A_691, %lt3A : i32
      %convert_element_type3A_693 = arith.extui %lt3A_692 : i1 to i32
      %cond3A_694 = arith.constant 0 : i32
      %cond3A_695 = arith.cmpi ne, %convert_element_type3A_693, %cond3A_694 : i32
      scf.if %cond3A_695 {
        %add3A_1477 = arith.constant 1 : i32
        %add3A_1478 = arith.addi %add3A_62, %add3A_1477 : i32
        %mul3A_1479 = arith.constant 5 : i32
        %mul3A_1480 = arith.muli %add3A_1478, %mul3A_1479 : i32
        %add3A_1481 = arith.addi %mul3A_0, %mul3A_1480 : i32
        %dma_start3A_1482 = arith.constant 0 : i32
        %dma_start3A_1483 = tpu.memref_slice %arg3[%add3A_1481, %dma_start3A_1482] : memref<6400x128xi32, #tpu.memory_space<hbm>> -> memref<5x128xi32, #tpu.memory_space<hbm>>
        %dma_start3A_1484 = arith.constant 0 : i32
        %dma_start3A_1485 = tpu.memref_slice %arg3[%add3A_1481, %dma_start3A_1484] : memref<6400x128xi32, #tpu.memory_space<hbm>> -> memref<5x128xi32, #tpu.memory_space<hbm>>
        tpu.enqueue_dma source(%dma_start3A_1485 : memref<5x128xi32, #tpu.memory_space<hbm>>) target(%arg8 : memref<5x128xi32, #tpu.memory_space<vmem>>) target_semaphore(%arg18 : memref<!tpu.dma_semaphore, #tpu.memory_space<semaphore_mem>>)
        %dma_start3A_1486 = arith.constant 0 : i32
        %dma_start3A_1487 = tpu.memref_slice %arg4[%add3A_1481, %dma_start3A_1486] : memref<6400x128xi32, #tpu.memory_space<hbm>> -> memref<5x128xi32, #tpu.memory_space<hbm>>
        %dma_start3A_1488 = arith.constant 0 : i32
        %dma_start3A_1489 = tpu.memref_slice %arg4[%add3A_1481, %dma_start3A_1488] : memref<6400x128xi32, #tpu.memory_space<hbm>> -> memref<5x128xi32, #tpu.memory_space<hbm>>
        tpu.enqueue_dma source(%dma_start3A_1489 : memref<5x128xi32, #tpu.memory_space<hbm>>) target(%arg10 : memref<5x128xi32, #tpu.memory_space<vmem>>) target_semaphore(%arg20 : memref<!tpu.dma_semaphore, #tpu.memory_space<semaphore_mem>>)
      } else {
      }
      %dma_wait3A_696 = arith.constant 0 : i32
      %dma_wait3A_697 = arith.constant 0 : i32
      %dma_wait3A_698 = tpu.memref_slice %arg7[%dma_wait3A_696, %dma_wait3A_697] : memref<5x128xi32, #tpu.memory_space<vmem>> -> memref<1x128xi32, #tpu.memory_space<vmem>>
      %dma_wait3A_699 = tpu.memref_squeeze %dma_wait3A_698 : memref<1x128xi32, #tpu.memory_space<vmem>> -> memref<128xi32, #tpu.memory_space<vmem>>
      %dma_wait3A_700 = arith.constant 0 : i32
      %dma_wait3A_701 = arith.constant 0 : i32
      %dma_wait3A_702 = tpu.memref_slice %arg2[%dma_wait3A_700, %dma_wait3A_701] : memref<100352x32xf32, #tpu.memory_space<hbm>> -> memref<100352x32xf32, #tpu.memory_space<hbm>>
      tpu.wait_indirect_dma semaphore(%arg21 : memref<!tpu.dma_semaphore, #tpu.memory_space<semaphore_mem>>) src(%dma_wait3A_702 : memref<100352x32xf32, #tpu.memory_space<hbm>>) dst(%arg11 : memref<128x32xf32, #tpu.memory_space<vmem>>)
      %dma_start3A_703 = arith.constant 0 : i32
      %dma_start3A_704 = arith.constant 0 : i32
      %dma_start3A_705 = tpu.memref_slice %arg9[%dma_start3A_703, %dma_start3A_704] : memref<5x128xi32, #tpu.memory_space<vmem>> -> memref<1x128xi32, #tpu.memory_space<vmem>>
      %dma_start3A_706 = tpu.memref_squeeze %dma_start3A_705 : memref<1x128xi32, #tpu.memory_space<vmem>> -> memref<128xi32, #tpu.memory_space<vmem>>
      %dma_start3A_707 = arith.constant 0 : i32
      %dma_start3A_708 = arith.constant 0 : i32
      %dma_start3A_709 = tpu.memref_slice %arg16[%dma_start3A_707, %dma_start3A_708] : memref<50176x32xf32, #tpu.memory_space<vmem_shared>> -> memref<50176x32xf32, #tpu.memory_space<vmem_shared>>
      tpu.enqueue_indirect_dma source(%arg11 : memref<128x32xf32, #tpu.memory_space<vmem>>) target(%dma_start3A_709 : memref<50176x32xf32, #tpu.memory_space<vmem_shared>>) offsets(%dma_start3A_706 : memref<128xi32, #tpu.memory_space<vmem>>) semaphore(%arg26 : memref<!tpu.dma_semaphore, #tpu.memory_space<semaphore_mem>>) {add = true}
      %dma_wait3A_710 = arith.constant 1 : i32
      %dma_wait3A_711 = arith.constant 0 : i32
      %dma_wait3A_712 = tpu.memref_slice %arg7[%dma_wait3A_710, %dma_wait3A_711] : memref<5x128xi32, #tpu.memory_space<vmem>> -> memref<1x128xi32, #tpu.memory_space<vmem>>
      %dma_wait3A_713 = tpu.memref_squeeze %dma_wait3A_712 : memref<1x128xi32, #tpu.memory_space<vmem>> -> memref<128xi32, #tpu.memory_space<vmem>>
      %dma_wait3A_714 = arith.constant 0 : i32
      %dma_wait3A_715 = arith.constant 0 : i32
      %dma_wait3A_716 = tpu.memref_slice %arg2[%dma_wait3A_714, %dma_wait3A_715] : memref<100352x32xf32, #tpu.memory_space<hbm>> -> memref<100352x32xf32, #tpu.memory_space<hbm>>
      tpu.wait_indirect_dma semaphore(%arg22 : memref<!tpu.dma_semaphore, #tpu.memory_space<semaphore_mem>>) src(%dma_wait3A_716 : memref<100352x32xf32, #tpu.memory_space<hbm>>) dst(%arg12 : memref<128x32xf32, #tpu.memory_space<vmem>>)
      %dma_start3A_717 = arith.constant 1 : i32
      %dma_start3A_718 = arith.constant 0 : i32
      %dma_start3A_719 = tpu.memref_slice %arg9[%dma_start3A_717, %dma_start3A_718] : memref<5x128xi32, #tpu.memory_space<vmem>> -> memref<1x128xi32, #tpu.memory_space<vmem>>
      %dma_start3A_720 = tpu.memref_squeeze %dma_start3A_719 : memref<1x128xi32, #tpu.memory_space<vmem>> -> memref<128xi32, #tpu.memory_space<vmem>>
      %dma_start3A_721 = arith.constant 0 : i32
      %dma_start3A_722 = arith.constant 0 : i32
      %dma_start3A_723 = tpu.memref_slice %arg16[%dma_start3A_721, %dma_start3A_722] : memref<50176x32xf32, #tpu.memory_space<vmem_shared>> -> memref<50176x32xf32, #tpu.memory_space<vmem_shared>>
      tpu.enqueue_indirect_dma source(%arg12 : memref<128x32xf32, #tpu.memory_space<vmem>>) target(%dma_start3A_723 : memref<50176x32xf32, #tpu.memory_space<vmem_shared>>) offsets(%dma_start3A_720 : memref<128xi32, #tpu.memory_space<vmem>>) semaphore(%arg27 : memref<!tpu.dma_semaphore, #tpu.memory_space<semaphore_mem>>) {add = true}
      %dma_wait3A_724 = arith.constant 2 : i32
      %dma_wait3A_725 = arith.constant 0 : i32
      %dma_wait3A_726 = tpu.memref_slice %arg7[%dma_wait3A_724, %dma_wait3A_725] : memref<5x128xi32, #tpu.memory_space<vmem>> -> memref<1x128xi32, #tpu.memory_space<vmem>>
      %dma_wait3A_727 = tpu.memref_squeeze %dma_wait3A_726 : memref<1x128xi32, #tpu.memory_space<vmem>> -> memref<128xi32, #tpu.memory_space<vmem>>
      %dma_wait3A_728 = arith.constant 0 : i32
      %dma_wait3A_729 = arith.constant 0 : i32
      %dma_wait3A_730 = tpu.memref_slice %arg2[%dma_wait3A_728, %dma_wait3A_729] : memref<100352x32xf32, #tpu.memory_space<hbm>> -> memref<100352x32xf32, #tpu.memory_space<hbm>>
      tpu.wait_indirect_dma semaphore(%arg23 : memref<!tpu.dma_semaphore, #tpu.memory_space<semaphore_mem>>) src(%dma_wait3A_730 : memref<100352x32xf32, #tpu.memory_space<hbm>>) dst(%arg13 : memref<128x32xf32, #tpu.memory_space<vmem>>)
      %dma_start3A_731 = arith.constant 2 : i32
      %dma_start3A_732 = arith.constant 0 : i32
      %dma_start3A_733 = tpu.memref_slice %arg9[%dma_start3A_731, %dma_start3A_732] : memref<5x128xi32, #tpu.memory_space<vmem>> -> memref<1x128xi32, #tpu.memory_space<vmem>>
      %dma_start3A_734 = tpu.memref_squeeze %dma_start3A_733 : memref<1x128xi32, #tpu.memory_space<vmem>> -> memref<128xi32, #tpu.memory_space<vmem>>
      %dma_start3A_735 = arith.constant 0 : i32
      %dma_start3A_736 = arith.constant 0 : i32
      %dma_start3A_737 = tpu.memref_slice %arg16[%dma_start3A_735, %dma_start3A_736] : memref<50176x32xf32, #tpu.memory_space<vmem_shared>> -> memref<50176x32xf32, #tpu.memory_space<vmem_shared>>
      tpu.enqueue_indirect_dma source(%arg13 : memref<128x32xf32, #tpu.memory_space<vmem>>) target(%dma_start3A_737 : memref<50176x32xf32, #tpu.memory_space<vmem_shared>>) offsets(%dma_start3A_734 : memref<128xi32, #tpu.memory_space<vmem>>) semaphore(%arg28 : memref<!tpu.dma_semaphore, #tpu.memory_space<semaphore_mem>>) {add = true}
      %dma_wait3A_738 = arith.constant 3 : i32
      %dma_wait3A_739 = arith.constant 0 : i32
      %dma_wait3A_740 = tpu.memref_slice %arg7[%dma_wait3A_738, %dma_wait3A_739] : memref<5x128xi32, #tpu.memory_space<vmem>> -> memref<1x128xi32, #tpu.memory_space<vmem>>
      %dma_wait3A_741 = tpu.memref_squeeze %dma_wait3A_740 : memref<1x128xi32, #tpu.memory_space<vmem>> -> memref<128xi32, #tpu.memory_space<vmem>>
      %dma_wait3A_742 = arith.constant 0 : i32
      %dma_wait3A_743 = arith.constant 0 : i32
      %dma_wait3A_744 = tpu.memref_slice %arg2[%dma_wait3A_742, %dma_wait3A_743] : memref<100352x32xf32, #tpu.memory_space<hbm>> -> memref<100352x32xf32, #tpu.memory_space<hbm>>
      tpu.wait_indirect_dma semaphore(%arg24 : memref<!tpu.dma_semaphore, #tpu.memory_space<semaphore_mem>>) src(%dma_wait3A_744 : memref<100352x32xf32, #tpu.memory_space<hbm>>) dst(%arg14 : memref<128x32xf32, #tpu.memory_space<vmem>>)
      %dma_start3A_745 = arith.constant 3 : i32
      %dma_start3A_746 = arith.constant 0 : i32
      %dma_start3A_747 = tpu.memref_slice %arg9[%dma_start3A_745, %dma_start3A_746] : memref<5x128xi32, #tpu.memory_space<vmem>> -> memref<1x128xi32, #tpu.memory_space<vmem>>
      %dma_start3A_748 = tpu.memref_squeeze %dma_start3A_747 : memref<1x128xi32, #tpu.memory_space<vmem>> -> memref<128xi32, #tpu.memory_space<vmem>>
      %dma_start3A_749 = arith.constant 0 : i32
      %dma_start3A_750 = arith.constant 0 : i32
      %dma_start3A_751 = tpu.memref_slice %arg16[%dma_start3A_749, %dma_start3A_750] : memref<50176x32xf32, #tpu.memory_space<vmem_shared>> -> memref<50176x32xf32, #tpu.memory_space<vmem_shared>>
      tpu.enqueue_indirect_dma source(%arg14 : memref<128x32xf32, #tpu.memory_space<vmem>>) target(%dma_start3A_751 : memref<50176x32xf32, #tpu.memory_space<vmem_shared>>) offsets(%dma_start3A_748 : memref<128xi32, #tpu.memory_space<vmem>>) semaphore(%arg29 : memref<!tpu.dma_semaphore, #tpu.memory_space<semaphore_mem>>) {add = true}
      %dma_wait3A_752 = arith.constant 4 : i32
      %dma_wait3A_753 = arith.constant 0 : i32
      %dma_wait3A_754 = tpu.memref_slice %arg7[%dma_wait3A_752, %dma_wait3A_753] : memref<5x128xi32, #tpu.memory_space<vmem>> -> memref<1x128xi32, #tpu.memory_space<vmem>>
      %dma_wait3A_755 = tpu.memref_squeeze %dma_wait3A_754 : memref<1x128xi32, #tpu.memory_space<vmem>> -> memref<128xi32, #tpu.memory_space<vmem>>
      %dma_wait3A_756 = arith.constant 0 : i32
      %dma_wait3A_757 = arith.constant 0 : i32
      %dma_wait3A_758 = tpu.memref_slice %arg2[%dma_wait3A_756, %dma_wait3A_757] : memref<100352x32xf32, #tpu.memory_space<hbm>> -> memref<100352x32xf32, #tpu.memory_space<hbm>>
      tpu.wait_indirect_dma semaphore(%arg25 : memref<!tpu.dma_semaphore, #tpu.memory_space<semaphore_mem>>) src(%dma_wait3A_758 : memref<100352x32xf32, #tpu.memory_space<hbm>>) dst(%arg15 : memref<128x32xf32, #tpu.memory_space<vmem>>)
      %dma_start3A_759 = arith.constant 4 : i32
      %dma_start3A_760 = arith.constant 0 : i32
      %dma_start3A_761 = tpu.memref_slice %arg9[%dma_start3A_759, %dma_start3A_760] : memref<5x128xi32, #tpu.memory_space<vmem>> -> memref<1x128xi32, #tpu.memory_space<vmem>>
      %dma_start3A_762 = tpu.memref_squeeze %dma_start3A_761 : memref<1x128xi32, #tpu.memory_space<vmem>> -> memref<128xi32, #tpu.memory_space<vmem>>
      %dma_start3A_763 = arith.constant 0 : i32
      %dma_start3A_764 = arith.constant 0 : i32
      %dma_start3A_765 = tpu.memref_slice %arg16[%dma_start3A_763, %dma_start3A_764] : memref<50176x32xf32, #tpu.memory_space<vmem_shared>> -> memref<50176x32xf32, #tpu.memory_space<vmem_shared>>
      tpu.enqueue_indirect_dma source(%arg15 : memref<128x32xf32, #tpu.memory_space<vmem>>) target(%dma_start3A_765 : memref<50176x32xf32, #tpu.memory_space<vmem_shared>>) offsets(%dma_start3A_762 : memref<128xi32, #tpu.memory_space<vmem>>) semaphore(%arg30 : memref<!tpu.dma_semaphore, #tpu.memory_space<semaphore_mem>>) {add = true}
      %add3A_766 = arith.constant 1 : i32
      %add3A_767 = arith.addi %add3A_60, %add3A_766 : i32
      %dma_wait3A_768 = arith.constant 0 : i32
      %dma_wait3A_769 = arith.constant 0 : i32
      %dma_wait3A_770 = tpu.memref_slice %arg3[%dma_wait3A_768, %dma_wait3A_769] : memref<6400x128xi32, #tpu.memory_space<hbm>> -> memref<5x128xi32, #tpu.memory_space<hbm>>
      %dma_wait3A_771 = arith.constant 0 : i32
      %dma_wait3A_772 = arith.constant 0 : i32
      %dma_wait3A_773 = tpu.memref_slice %arg3[%dma_wait3A_771, %dma_wait3A_772] : memref<6400x128xi32, #tpu.memory_space<hbm>> -> memref<5x128xi32, #tpu.memory_space<hbm>>
      tpu.wait_dma2 semaphore(%arg18 : memref<!tpu.dma_semaphore, #tpu.memory_space<semaphore_mem>>) src(%dma_wait3A_773 : memref<5x128xi32, #tpu.memory_space<hbm>>) dst(%arg8 : memref<5x128xi32, #tpu.memory_space<vmem>>)
      %dma_wait3A_774 = arith.constant 0 : i32
      %dma_wait3A_775 = arith.constant 0 : i32
      %dma_wait3A_776 = tpu.memref_slice %arg4[%dma_wait3A_774, %dma_wait3A_775] : memref<6400x128xi32, #tpu.memory_space<hbm>> -> memref<5x128xi32, #tpu.memory_space<hbm>>
      %dma_wait3A_777 = arith.constant 0 : i32
      %dma_wait3A_778 = arith.constant 0 : i32
      %dma_wait3A_779 = tpu.memref_slice %arg4[%dma_wait3A_777, %dma_wait3A_778] : memref<6400x128xi32, #tpu.memory_space<hbm>> -> memref<5x128xi32, #tpu.memory_space<hbm>>
      tpu.wait_dma2 semaphore(%arg20 : memref<!tpu.dma_semaphore, #tpu.memory_space<semaphore_mem>>) src(%dma_wait3A_779 : memref<5x128xi32, #tpu.memory_space<hbm>>) dst(%arg10 : memref<5x128xi32, #tpu.memory_space<vmem>>)
      %get3A_780 = arith.constant 0 : i32
      %get3A_781 = arith.index_cast %get3A_780 : i32 to index
      %get3A_782 = arith.constant 0 : index
      %get3A_783 = tpu.vector_load %arg8[%get3A_781, %get3A_782] {strides = array<i32>} : memref<5x128xi32, #tpu.memory_space<vmem>>, vector<1x16xi32>,
      %get3A_784 = vector.shape_cast %get3A_783 : vector<1x16xi32> to vector<16xi32>
      %add3A_785 = arith.addi %get3A_784, %get3A_784 : vector<16xi32>
      %add3A_786 = vector.broadcast %arg0 : i32 to vector<16xi32>
      %add3A_787 = arith.addi %add3A_785, %add3A_786 : vector<16xi32>
      %swap3A_788 = arith.constant 0 : i32
      %swap3A_789 = arith.index_cast %swap3A_788 : i32 to index
      %swap3A_790 = arith.constant 0 : index
      %swap3A_791 = tpu.vector_load %arg8[%swap3A_789, %swap3A_790] {strides = array<i32>} : memref<5x128xi32, #tpu.memory_space<vmem>>, vector<1x16xi32>,
      %swap3A_792 = vector.shape_cast %swap3A_791 : vector<1x16xi32> to vector<16xi32>
      %swap3A_793 = vector.shape_cast %add3A_787 : vector<16xi32> to vector<1x16xi32>
      tpu.vector_store %arg8[%swap3A_789, %swap3A_790], %swap3A_793 {strides = array<i32>} : memref<5x128xi32, #tpu.memory_space<vmem>>, vector<1x16xi32>,
      %get3A_794 = arith.constant 0 : i32
      %get3A_795 = arith.index_cast %get3A_794 : i32 to index
      %get3A_796 = arith.constant 16 : index
      %get3A_797 = tpu.vector_load %arg8[%get3A_795, %get3A_796] {strides = array<i32>} : memref<5x128xi32, #tpu.memory_space<vmem>>, vector<1x16xi32>,
      %get3A_798 = vector.shape_cast %get3A_797 : vector<1x16xi32> to vector<16xi32>
      %add3A_799 = arith.addi %get3A_798, %get3A_798 : vector<16xi32>
      %add3A_800 = vector.broadcast %arg0 : i32 to vector<16xi32>
      %add3A_801 = arith.addi %add3A_799, %add3A_800 : vector<16xi32>
      %swap3A_802 = arith.constant 0 : i32
      %swap3A_803 = arith.index_cast %swap3A_802 : i32 to index
      %swap3A_804 = arith.constant 16 : index
      %swap3A_805 = tpu.vector_load %arg8[%swap3A_803, %swap3A_804] {strides = array<i32>} : memref<5x128xi32, #tpu.memory_space<vmem>>, vector<1x16xi32>,
      %swap3A_806 = vector.shape_cast %swap3A_805 : vector<1x16xi32> to vector<16xi32>
      %swap3A_807 = vector.shape_cast %add3A_801 : vector<16xi32> to vector<1x16xi32>
      tpu.vector_store %arg8[%swap3A_803, %swap3A_804], %swap3A_807 {strides = array<i32>} : memref<5x128xi32, #tpu.memory_space<vmem>>, vector<1x16xi32>,
      %get3A_808 = arith.constant 0 : i32
      %get3A_809 = arith.index_cast %get3A_808 : i32 to index
      %get3A_810 = arith.constant 32 : index
      %get3A_811 = tpu.vector_load %arg8[%get3A_809, %get3A_810] {strides = array<i32>} : memref<5x128xi32, #tpu.memory_space<vmem>>, vector<1x16xi32>,
      %get3A_812 = vector.shape_cast %get3A_811 : vector<1x16xi32> to vector<16xi32>
      %add3A_813 = arith.addi %get3A_812, %get3A_812 : vector<16xi32>
      %add3A_814 = vector.broadcast %arg0 : i32 to vector<16xi32>
      %add3A_815 = arith.addi %add3A_813, %add3A_814 : vector<16xi32>
      %swap3A_816 = arith.constant 0 : i32
      %swap3A_817 = arith.index_cast %swap3A_816 : i32 to index
      %swap3A_818 = arith.constant 32 : index
      %swap3A_819 = tpu.vector_load %arg8[%swap3A_817, %swap3A_818] {strides = array<i32>} : memref<5x128xi32, #tpu.memory_space<vmem>>, vector<1x16xi32>,
      %swap3A_820 = vector.shape_cast %swap3A_819 : vector<1x16xi32> to vector<16xi32>
      %swap3A_821 = vector.shape_cast %add3A_815 : vector<16xi32> to vector<1x16xi32>
      tpu.vector_store %arg8[%swap3A_817, %swap3A_818], %swap3A_821 {strides = array<i32>} : memref<5x128xi32, #tpu.memory_space<vmem>>, vector<1x16xi32>,
      %get3A_822 = arith.constant 0 : i32
      %get3A_823 = arith.index_cast %get3A_822 : i32 to index
      %get3A_824 = arith.constant 48 : index
      %get3A_825 = tpu.vector_load %arg8[%get3A_823, %get3A_824] {strides = array<i32>} : memref<5x128xi32, #tpu.memory_space<vmem>>, vector<1x16xi32>,
      %get3A_826 = vector.shape_cast %get3A_825 : vector<1x16xi32> to vector<16xi32>
      %add3A_827 = arith.addi %get3A_826, %get3A_826 : vector<16xi32>
      %add3A_828 = vector.broadcast %arg0 : i32 to vector<16xi32>
      %add3A_829 = arith.addi %add3A_827, %add3A_828 : vector<16xi32>
      %swap3A_830 = arith.constant 0 : i32
      %swap3A_831 = arith.index_cast %swap3A_830 : i32 to index
      %swap3A_832 = arith.constant 48 : index
      %swap3A_833 = tpu.vector_load %arg8[%swap3A_831, %swap3A_832] {strides = array<i32>} : memref<5x128xi32, #tpu.memory_space<vmem>>, vector<1x16xi32>,
      %swap3A_834 = vector.shape_cast %swap3A_833 : vector<1x16xi32> to vector<16xi32>
      %swap3A_835 = vector.shape_cast %add3A_829 : vector<16xi32> to vector<1x16xi32>
      tpu.vector_store %arg8[%swap3A_831, %swap3A_832], %swap3A_835 {strides = array<i32>} : memref<5x128xi32, #tpu.memory_space<vmem>>, vector<1x16xi32>,
      %get3A_836 = arith.constant 0 : i32
      %get3A_837 = arith.index_cast %get3A_836 : i32 to index
      %get3A_838 = arith.constant 64 : index
      %get3A_839 = tpu.vector_load %arg8[%get3A_837, %get3A_838] {strides = array<i32>} : memref<5x128xi32, #tpu.memory_space<vmem>>, vector<1x16xi32>,
      %get3A_840 = vector.shape_cast %get3A_839 : vector<1x16xi32> to vector<16xi32>
      %add3A_841 = arith.addi %get3A_840, %get3A_840 : vector<16xi32>
      %add3A_842 = vector.broadcast %arg0 : i32 to vector<16xi32>
      %add3A_843 = arith.addi %add3A_841, %add3A_842 : vector<16xi32>
      %swap3A_844 = arith.constant 0 : i32
      %swap3A_845 = arith.index_cast %swap3A_844 : i32 to index
      %swap3A_846 = arith.constant 64 : index
      %swap3A_847 = tpu.vector_load %arg8[%swap3A_845, %swap3A_846] {strides = array<i32>} : memref<5x128xi32, #tpu.memory_space<vmem>>, vector<1x16xi32>,
      %swap3A_848 = vector.shape_cast %swap3A_847 : vector<1x16xi32> to vector<16xi32>
      %swap3A_849 = vector.shape_cast %add3A_843 : vector<16xi32> to vector<1x16xi32>
      tpu.vector_store %arg8[%swap3A_845, %swap3A_846], %swap3A_849 {strides = array<i32>} : memref<5x128xi32, #tpu.memory_space<vmem>>, vector<1x16xi32>,
      %get3A_850 = arith.constant 0 : i32
      %get3A_851 = arith.index_cast %get3A_850 : i32 to index
      %get3A_852 = arith.constant 80 : index
      %get3A_853 = tpu.vector_load %arg8[%get3A_851, %get3A_852] {strides = array<i32>} : memref<5x128xi32, #tpu.memory_space<vmem>>, vector<1x16xi32>,
      %get3A_854 = vector.shape_cast %get3A_853 : vector<1x16xi32> to vector<16xi32>
      %add3A_855 = arith.addi %get3A_854, %get3A_854 : vector<16xi32>
      %add3A_856 = vector.broadcast %arg0 : i32 to vector<16xi32>
      %add3A_857 = arith.addi %add3A_855, %add3A_856 : vector<16xi32>
      %swap3A_858 = arith.constant 0 : i32
      %swap3A_859 = arith.index_cast %swap3A_858 : i32 to index
      %swap3A_860 = arith.constant 80 : index
      %swap3A_861 = tpu.vector_load %arg8[%swap3A_859, %swap3A_860] {strides = array<i32>} : memref<5x128xi32, #tpu.memory_space<vmem>>, vector<1x16xi32>,
      %swap3A_862 = vector.shape_cast %swap3A_861 : vector<1x16xi32> to vector<16xi32>
      %swap3A_863 = vector.shape_cast %add3A_857 : vector<16xi32> to vector<1x16xi32>
      tpu.vector_store %arg8[%swap3A_859, %swap3A_860], %swap3A_863 {strides = array<i32>} : memref<5x128xi32, #tpu.memory_space<vmem>>, vector<1x16xi32>,
      %get3A_864 = arith.constant 0 : i32
      %get3A_865 = arith.index_cast %get3A_864 : i32 to index
      %get3A_866 = arith.constant 96 : index
      %get3A_867 = tpu.vector_load %arg8[%get3A_865, %get3A_866] {strides = array<i32>} : memref<5x128xi32, #tpu.memory_space<vmem>>, vector<1x16xi32>,
      %get3A_868 = vector.shape_cast %get3A_867 : vector<1x16xi32> to vector<16xi32>
      %add3A_869 = arith.addi %get3A_868, %get3A_868 : vector<16xi32>
      %add3A_870 = vector.broadcast %arg0 : i32 to vector<16xi32>
      %add3A_871 = arith.addi %add3A_869, %add3A_870 : vector<16xi32>
      %swap3A_872 = arith.constant 0 : i32
      %swap3A_873 = arith.index_cast %swap3A_872 : i32 to index
      %swap3A_874 = arith.constant 96 : index
      %swap3A_875 = tpu.vector_load %arg8[%swap3A_873, %swap3A_874] {strides = array<i32>} : memref<5x128xi32, #tpu.memory_space<vmem>>, vector<1x16xi32>,
      %swap3A_876 = vector.shape_cast %swap3A_875 : vector<1x16xi32> to vector<16xi32>
      %swap3A_877 = vector.shape_cast %add3A_871 : vector<16xi32> to vector<1x16xi32>
      tpu.vector_store %arg8[%swap3A_873, %swap3A_874], %swap3A_877 {strides = array<i32>} : memref<5x128xi32, #tpu.memory_space<vmem>>, vector<1x16xi32>,
      %get3A_878 = arith.constant 0 : i32
      %get3A_879 = arith.index_cast %get3A_878 : i32 to index
      %get3A_880 = arith.constant 112 : index
      %get3A_881 = tpu.vector_load %arg8[%get3A_879, %get3A_880] {strides = array<i32>} : memref<5x128xi32, #tpu.memory_space<vmem>>, vector<1x16xi32>,
      %get3A_882 = vector.shape_cast %get3A_881 : vector<1x16xi32> to vector<16xi32>
      %add3A_883 = arith.addi %get3A_882, %get3A_882 : vector<16xi32>
      %add3A_884 = vector.broadcast %arg0 : i32 to vector<16xi32>
      %add3A_885 = arith.addi %add3A_883, %add3A_884 : vector<16xi32>
      %swap3A_886 = arith.constant 0 : i32
      %swap3A_887 = arith.index_cast %swap3A_886 : i32 to index
      %swap3A_888 = arith.constant 112 : index
      %swap3A_889 = tpu.vector_load %arg8[%swap3A_887, %swap3A_888] {strides = array<i32>} : memref<5x128xi32, #tpu.memory_space<vmem>>, vector<1x16xi32>,
      %swap3A_890 = vector.shape_cast %swap3A_889 : vector<1x16xi32> to vector<16xi32>
      %swap3A_891 = vector.shape_cast %add3A_885 : vector<16xi32> to vector<1x16xi32>
      tpu.vector_store %arg8[%swap3A_887, %swap3A_888], %swap3A_891 {strides = array<i32>} : memref<5x128xi32, #tpu.memory_space<vmem>>, vector<1x16xi32>,
      %get3A_892 = arith.constant 1 : i32
      %get3A_893 = arith.index_cast %get3A_892 : i32 to index
      %get3A_894 = arith.constant 0 : index
      %get3A_895 = tpu.vector_load %arg8[%get3A_893, %get3A_894] {strides = array<i32>} : memref<5x128xi32, #tpu.memory_space<vmem>>, vector<1x16xi32>,
      %get3A_896 = vector.shape_cast %get3A_895 : vector<1x16xi32> to vector<16xi32>
      %add3A_897 = arith.addi %get3A_896, %get3A_896 : vector<16xi32>
      %add3A_898 = vector.broadcast %arg0 : i32 to vector<16xi32>
      %add3A_899 = arith.addi %add3A_897, %add3A_898 : vector<16xi32>
      %swap3A_900 = arith.constant 1 : i32
      %swap3A_901 = arith.index_cast %swap3A_900 : i32 to index
      %swap3A_902 = arith.constant 0 : index
      %swap3A_903 = tpu.vector_load %arg8[%swap3A_901, %swap3A_902] {strides = array<i32>} : memref<5x128xi32, #tpu.memory_space<vmem>>, vector<1x16xi32>,
      %swap3A_904 = vector.shape_cast %swap3A_903 : vector<1x16xi32> to vector<16xi32>
      %swap3A_905 = vector.shape_cast %add3A_899 : vector<16xi32> to vector<1x16xi32>
      tpu.vector_store %arg8[%swap3A_901, %swap3A_902], %swap3A_905 {strides = array<i32>} : memref<5x128xi32, #tpu.memory_space<vmem>>, vector<1x16xi32>,
      %get3A_906 = arith.constant 1 : i32
      %get3A_907 = arith.index_cast %get3A_906 : i32 to index
      %get3A_908 = arith.constant 16 : index
      %get3A_909 = tpu.vector_load %arg8[%get3A_907, %get3A_908] {strides = array<i32>} : memref<5x128xi32, #tpu.memory_space<vmem>>, vector<1x16xi32>,
      %get3A_910 = vector.shape_cast %get3A_909 : vector<1x16xi32> to vector<16xi32>
      %add3A_911 = arith.addi %get3A_910, %get3A_910 : vector<16xi32>
      %add3A_912 = vector.broadcast %arg0 : i32 to vector<16xi32>
      %add3A_913 = arith.addi %add3A_911, %add3A_912 : vector<16xi32>
      %swap3A_914 = arith.constant 1 : i32
      %swap3A_915 = arith.index_cast %swap3A_914 : i32 to index
      %swap3A_916 = arith.constant 16 : index
      %swap3A_917 = tpu.vector_load %arg8[%swap3A_915, %swap3A_916] {strides = array<i32>} : memref<5x128xi32, #tpu.memory_space<vmem>>, vector<1x16xi32>,
      %swap3A_918 = vector.shape_cast %swap3A_917 : vector<1x16xi32> to vector<16xi32>
      %swap3A_919 = vector.shape_cast %add3A_913 : vector<16xi32> to vector<1x16xi32>
      tpu.vector_store %arg8[%swap3A_915, %swap3A_916], %swap3A_919 {strides = array<i32>} : memref<5x128xi32, #tpu.memory_space<vmem>>, vector<1x16xi32>,
      %get3A_920 = arith.constant 1 : i32
      %get3A_921 = arith.index_cast %get3A_920 : i32 to index
      %get3A_922 = arith.constant 32 : index
      %get3A_923 = tpu.vector_load %arg8[%get3A_921, %get3A_922] {strides = array<i32>} : memref<5x128xi32, #tpu.memory_space<vmem>>, vector<1x16xi32>,
      %get3A_924 = vector.shape_cast %get3A_923 : vector<1x16xi32> to vector<16xi32>
      %add3A_925 = arith.addi %get3A_924, %get3A_924 : vector<16xi32>
      %add3A_926 = vector.broadcast %arg0 : i32 to vector<16xi32>
      %add3A_927 = arith.addi %add3A_925, %add3A_926 : vector<16xi32>
      %swap3A_928 = arith.constant 1 : i32
      %swap3A_929 = arith.index_cast %swap3A_928 : i32 to index
      %swap3A_930 = arith.constant 32 : index
      %swap3A_931 = tpu.vector_load %arg8[%swap3A_929, %swap3A_930] {strides = array<i32>} : memref<5x128xi32, #tpu.memory_space<vmem>>, vector<1x16xi32>,
      %swap3A_932 = vector.shape_cast %swap3A_931 : vector<1x16xi32> to vector<16xi32>
      %swap3A_933 = vector.shape_cast %add3A_927 : vector<16xi32> to vector<1x16xi32>
      tpu.vector_store %arg8[%swap3A_929, %swap3A_930], %swap3A_933 {strides = array<i32>} : memref<5x128xi32, #tpu.memory_space<vmem>>, vector<1x16xi32>,
      %get3A_934 = arith.constant 1 : i32
      %get3A_935 = arith.index_cast %get3A_934 : i32 to index
      %get3A_936 = arith.constant 48 : index
      %get3A_937 = tpu.vector_load %arg8[%get3A_935, %get3A_936] {strides = array<i32>} : memref<5x128xi32, #tpu.memory_space<vmem>>, vector<1x16xi32>,
      %get3A_938 = vector.shape_cast %get3A_937 : vector<1x16xi32> to vector<16xi32>
      %add3A_939 = arith.addi %get3A_938, %get3A_938 : vector<16xi32>
      %add3A_940 = vector.broadcast %arg0 : i32 to vector<16xi32>
      %add3A_941 = arith.addi %add3A_939, %add3A_940 : vector<16xi32>
      %swap3A_942 = arith.constant 1 : i32
      %swap3A_943 = arith.index_cast %swap3A_942 : i32 to index
      %swap3A_944 = arith.constant 48 : index
      %swap3A_945 = tpu.vector_load %arg8[%swap3A_943, %swap3A_944] {strides = array<i32>} : memref<5x128xi32, #tpu.memory_space<vmem>>, vector<1x16xi32>,
      %swap3A_946 = vector.shape_cast %swap3A_945 : vector<1x16xi32> to vector<16xi32>
      %swap3A_947 = vector.shape_cast %add3A_941 : vector<16xi32> to vector<1x16xi32>
      tpu.vector_store %arg8[%swap3A_943, %swap3A_944], %swap3A_947 {strides = array<i32>} : memref<5x128xi32, #tpu.memory_space<vmem>>, vector<1x16xi32>,
      %get3A_948 = arith.constant 1 : i32
      %get3A_949 = arith.index_cast %get3A_948 : i32 to index
      %get3A_950 = arith.constant 64 : index
      %get3A_951 = tpu.vector_load %arg8[%get3A_949, %get3A_950] {strides = array<i32>} : memref<5x128xi32, #tpu.memory_space<vmem>>, vector<1x16xi32>,
      %get3A_952 = vector.shape_cast %get3A_951 : vector<1x16xi32> to vector<16xi32>
      %add3A_953 = arith.addi %get3A_952, %get3A_952 : vector<16xi32>
      %add3A_954 = vector.broadcast %arg0 : i32 to vector<16xi32>
      %add3A_955 = arith.addi %add3A_953, %add3A_954 : vector<16xi32>
      %swap3A_956 = arith.constant 1 : i32
      %swap3A_957 = arith.index_cast %swap3A_956 : i32 to index
      %swap3A_958 = arith.constant 64 : index
      %swap3A_959 = tpu.vector_load %arg8[%swap3A_957, %swap3A_958] {strides = array<i32>} : memref<5x128xi32, #tpu.memory_space<vmem>>, vector<1x16xi32>,
      %swap3A_960 = vector.shape_cast %swap3A_959 : vector<1x16xi32> to vector<16xi32>
      %swap3A_961 = vector.shape_cast %add3A_955 : vector<16xi32> to vector<1x16xi32>
      tpu.vector_store %arg8[%swap3A_957, %swap3A_958], %swap3A_961 {strides = array<i32>} : memref<5x128xi32, #tpu.memory_space<vmem>>, vector<1x16xi32>,
      %get3A_962 = arith.constant 1 : i32
      %get3A_963 = arith.index_cast %get3A_962 : i32 to index
      %get3A_964 = arith.constant 80 : index
      %get3A_965 = tpu.vector_load %arg8[%get3A_963, %get3A_964] {strides = array<i32>} : memref<5x128xi32, #tpu.memory_space<vmem>>, vector<1x16xi32>,
      %get3A_966 = vector.shape_cast %get3A_965 : vector<1x16xi32> to vector<16xi32>
      %add3A_967 = arith.addi %get3A_966, %get3A_966 : vector<16xi32>
      %add3A_968 = vector.broadcast %arg0 : i32 to vector<16xi32>
      %add3A_969 = arith.addi %add3A_967, %add3A_968 : vector<16xi32>
      %swap3A_970 = arith.constant 1 : i32
      %swap3A_971 = arith.index_cast %swap3A_970 : i32 to index
      %swap3A_972 = arith.constant 80 : index
      %swap3A_973 = tpu.vector_load %arg8[%swap3A_971, %swap3A_972] {strides = array<i32>} : memref<5x128xi32, #tpu.memory_space<vmem>>, vector<1x16xi32>,
      %swap3A_974 = vector.shape_cast %swap3A_973 : vector<1x16xi32> to vector<16xi32>
      %swap3A_975 = vector.shape_cast %add3A_969 : vector<16xi32> to vector<1x16xi32>
      tpu.vector_store %arg8[%swap3A_971, %swap3A_972], %swap3A_975 {strides = array<i32>} : memref<5x128xi32, #tpu.memory_space<vmem>>, vector<1x16xi32>,
      %get3A_976 = arith.constant 1 : i32
      %get3A_977 = arith.index_cast %get3A_976 : i32 to index
      %get3A_978 = arith.constant 96 : index
      %get3A_979 = tpu.vector_load %arg8[%get3A_977, %get3A_978] {strides = array<i32>} : memref<5x128xi32, #tpu.memory_space<vmem>>, vector<1x16xi32>,
      %get3A_980 = vector.shape_cast %get3A_979 : vector<1x16xi32> to vector<16xi32>
      %add3A_981 = arith.addi %get3A_980, %get3A_980 : vector<16xi32>
      %add3A_982 = vector.broadcast %arg0 : i32 to vector<16xi32>
      %add3A_983 = arith.addi %add3A_981, %add3A_982 : vector<16xi32>
      %swap3A_984 = arith.constant 1 : i32
      %swap3A_985 = arith.index_cast %swap3A_984 : i32 to index
      %swap3A_986 = arith.constant 96 : index
      %swap3A_987 = tpu.vector_load %arg8[%swap3A_985, %swap3A_986] {strides = array<i32>} : memref<5x128xi32, #tpu.memory_space<vmem>>, vector<1x16xi32>,
      %swap3A_988 = vector.shape_cast %swap3A_987 : vector<1x16xi32> to vector<16xi32>
      %swap3A_989 = vector.shape_cast %add3A_983 : vector<16xi32> to vector<1x16xi32>
      tpu.vector_store %arg8[%swap3A_985, %swap3A_986], %swap3A_989 {strides = array<i32>} : memref<5x128xi32, #tpu.memory_space<vmem>>, vector<1x16xi32>,
      %get3A_990 = arith.constant 1 : i32
      %get3A_991 = arith.index_cast %get3A_990 : i32 to index
      %get3A_992 = arith.constant 112 : index
      %get3A_993 = tpu.vector_load %arg8[%get3A_991, %get3A_992] {strides = array<i32>} : memref<5x128xi32, #tpu.memory_space<vmem>>, vector<1x16xi32>,
      %get3A_994 = vector.shape_cast %get3A_993 : vector<1x16xi32> to vector<16xi32>
      %add3A_995 = arith.addi %get3A_994, %get3A_994 : vector<16xi32>
      %add3A_996 = vector.broadcast %arg0 : i32 to vector<16xi32>
      %add3A_997 = arith.addi %add3A_995, %add3A_996 : vector<16xi32>
      %swap3A_998 = arith.constant 1 : i32
      %swap3A_999 = arith.index_cast %swap3A_998 : i32 to index
      %swap3A_1000 = arith.constant 112 : index
      %swap3A_1001 = tpu.vector_load %arg8[%swap3A_999, %swap3A_1000] {strides = array<i32>} : memref<5x128xi32, #tpu.memory_space<vmem>>, vector<1x16xi32>,
      %swap3A_1002 = vector.shape_cast %swap3A_1001 : vector<1x16xi32> to vector<16xi32>
      %swap3A_1003 = vector.shape_cast %add3A_997 : vector<16xi32> to vector<1x16xi32>
      tpu.vector_store %arg8[%swap3A_999, %swap3A_1000], %swap3A_1003 {strides = array<i32>} : memref<5x128xi32, #tpu.memory_space<vmem>>, vector<1x16xi32>,
      %get3A_1004 = arith.constant 2 : i32
      %get3A_1005 = arith.index_cast %get3A_1004 : i32 to index
      %get3A_1006 = arith.constant 0 : index
      %get3A_1007 = tpu.vector_load %arg8[%get3A_1005, %get3A_1006] {strides = array<i32>} : memref<5x128xi32, #tpu.memory_space<vmem>>, vector<1x16xi32>,
      %get3A_1008 = vector.shape_cast %get3A_1007 : vector<1x16xi32> to vector<16xi32>
      %add3A_1009 = arith.addi %get3A_1008, %get3A_1008 : vector<16xi32>
      %add3A_1010 = vector.broadcast %arg0 : i32 to vector<16xi32>
      %add3A_1011 = arith.addi %add3A_1009, %add3A_1010 : vector<16xi32>
      %swap3A_1012 = arith.constant 2 : i32
      %swap3A_1013 = arith.index_cast %swap3A_1012 : i32 to index
      %swap3A_1014 = arith.constant 0 : index
      %swap3A_1015 = tpu.vector_load %arg8[%swap3A_1013, %swap3A_1014] {strides = array<i32>} : memref<5x128xi32, #tpu.memory_space<vmem>>, vector<1x16xi32>,
      %swap3A_1016 = vector.shape_cast %swap3A_1015 : vector<1x16xi32> to vector<16xi32>
      %swap3A_1017 = vector.shape_cast %add3A_1011 : vector<16xi32> to vector<1x16xi32>
      tpu.vector_store %arg8[%swap3A_1013, %swap3A_1014], %swap3A_1017 {strides = array<i32>} : memref<5x128xi32, #tpu.memory_space<vmem>>, vector<1x16xi32>,
      %get3A_1018 = arith.constant 2 : i32
      %get3A_1019 = arith.index_cast %get3A_1018 : i32 to index
      %get3A_1020 = arith.constant 16 : index
      %get3A_1021 = tpu.vector_load %arg8[%get3A_1019, %get3A_1020] {strides = array<i32>} : memref<5x128xi32, #tpu.memory_space<vmem>>, vector<1x16xi32>,
      %get3A_1022 = vector.shape_cast %get3A_1021 : vector<1x16xi32> to vector<16xi32>
      %add3A_1023 = arith.addi %get3A_1022, %get3A_1022 : vector<16xi32>
      %add3A_1024 = vector.broadcast %arg0 : i32 to vector<16xi32>
      %add3A_1025 = arith.addi %add3A_1023, %add3A_1024 : vector<16xi32>
      %swap3A_1026 = arith.constant 2 : i32
      %swap3A_1027 = arith.index_cast %swap3A_1026 : i32 to index
      %swap3A_1028 = arith.constant 16 : index
      %swap3A_1029 = tpu.vector_load %arg8[%swap3A_1027, %swap3A_1028] {strides = array<i32>} : memref<5x128xi32, #tpu.memory_space<vmem>>, vector<1x16xi32>,
      %swap3A_1030 = vector.shape_cast %swap3A_1029 : vector<1x16xi32> to vector<16xi32>
      %swap3A_1031 = vector.shape_cast %add3A_1025 : vector<16xi32> to vector<1x16xi32>
      tpu.vector_store %arg8[%swap3A_1027, %swap3A_1028], %swap3A_1031 {strides = array<i32>} : memref<5x128xi32, #tpu.memory_space<vmem>>, vector<1x16xi32>,
      %get3A_1032 = arith.constant 2 : i32
      %get3A_1033 = arith.index_cast %get3A_1032 : i32 to index
      %get3A_1034 = arith.constant 32 : index
      %get3A_1035 = tpu.vector_load %arg8[%get3A_1033, %get3A_1034] {strides = array<i32>} : memref<5x128xi32, #tpu.memory_space<vmem>>, vector<1x16xi32>,
      %get3A_1036 = vector.shape_cast %get3A_1035 : vector<1x16xi32> to vector<16xi32>
      %add3A_1037 = arith.addi %get3A_1036, %get3A_1036 : vector<16xi32>
      %add3A_1038 = vector.broadcast %arg0 : i32 to vector<16xi32>
      %add3A_1039 = arith.addi %add3A_1037, %add3A_1038 : vector<16xi32>
      %swap3A_1040 = arith.constant 2 : i32
      %swap3A_1041 = arith.index_cast %swap3A_1040 : i32 to index
      %swap3A_1042 = arith.constant 32 : index
      %swap3A_1043 = tpu.vector_load %arg8[%swap3A_1041, %swap3A_1042] {strides = array<i32>} : memref<5x128xi32, #tpu.memory_space<vmem>>, vector<1x16xi32>,
      %swap3A_1044 = vector.shape_cast %swap3A_1043 : vector<1x16xi32> to vector<16xi32>
      %swap3A_1045 = vector.shape_cast %add3A_1039 : vector<16xi32> to vector<1x16xi32>
      tpu.vector_store %arg8[%swap3A_1041, %swap3A_1042], %swap3A_1045 {strides = array<i32>} : memref<5x128xi32, #tpu.memory_space<vmem>>, vector<1x16xi32>,
      %get3A_1046 = arith.constant 2 : i32
      %get3A_1047 = arith.index_cast %get3A_1046 : i32 to index
      %get3A_1048 = arith.constant 48 : index
      %get3A_1049 = tpu.vector_load %arg8[%get3A_1047, %get3A_1048] {strides = array<i32>} : memref<5x128xi32, #tpu.memory_space<vmem>>, vector<1x16xi32>,
      %get3A_1050 = vector.shape_cast %get3A_1049 : vector<1x16xi32> to vector<16xi32>
      %add3A_1051 = arith.addi %get3A_1050, %get3A_1050 : vector<16xi32>
      %add3A_1052 = vector.broadcast %arg0 : i32 to vector<16xi32>
      %add3A_1053 = arith.addi %add3A_1051, %add3A_1052 : vector<16xi32>
      %swap3A_1054 = arith.constant 2 : i32
      %swap3A_1055 = arith.index_cast %swap3A_1054 : i32 to index
      %swap3A_1056 = arith.constant 48 : index
      %swap3A_1057 = tpu.vector_load %arg8[%swap3A_1055, %swap3A_1056] {strides = array<i32>} : memref<5x128xi32, #tpu.memory_space<vmem>>, vector<1x16xi32>,
      %swap3A_1058 = vector.shape_cast %swap3A_1057 : vector<1x16xi32> to vector<16xi32>
      %swap3A_1059 = vector.shape_cast %add3A_1053 : vector<16xi32> to vector<1x16xi32>
      tpu.vector_store %arg8[%swap3A_1055, %swap3A_1056], %swap3A_1059 {strides = array<i32>} : memref<5x128xi32, #tpu.memory_space<vmem>>, vector<1x16xi32>,
      %get3A_1060 = arith.constant 2 : i32
      %get3A_1061 = arith.index_cast %get3A_1060 : i32 to index
      %get3A_1062 = arith.constant 64 : index
      %get3A_1063 = tpu.vector_load %arg8[%get3A_1061, %get3A_1062] {strides = array<i32>} : memref<5x128xi32, #tpu.memory_space<vmem>>, vector<1x16xi32>,
      %get3A_1064 = vector.shape_cast %get3A_1063 : vector<1x16xi32> to vector<16xi32>
      %add3A_1065 = arith.addi %get3A_1064, %get3A_1064 : vector<16xi32>
      %add3A_1066 = vector.broadcast %arg0 : i32 to vector<16xi32>
      %add3A_1067 = arith.addi %add3A_1065, %add3A_1066 : vector<16xi32>
      %swap3A_1068 = arith.constant 2 : i32
      %swap3A_1069 = arith.index_cast %swap3A_1068 : i32 to index
      %swap3A_1070 = arith.constant 64 : index
      %swap3A_1071 = tpu.vector_load %arg8[%swap3A_1069, %swap3A_1070] {strides = array<i32>} : memref<5x128xi32, #tpu.memory_space<vmem>>, vector<1x16xi32>,
      %swap3A_1072 = vector.shape_cast %swap3A_1071 : vector<1x16xi32> to vector<16xi32>
      %swap3A_1073 = vector.shape_cast %add3A_1067 : vector<16xi32> to vector<1x16xi32>
      tpu.vector_store %arg8[%swap3A_1069, %swap3A_1070], %swap3A_1073 {strides = array<i32>} : memref<5x128xi32, #tpu.memory_space<vmem>>, vector<1x16xi32>,
      %get3A_1074 = arith.constant 2 : i32
      %get3A_1075 = arith.index_cast %get3A_1074 : i32 to index
      %get3A_1076 = arith.constant 80 : index
      %get3A_1077 = tpu.vector_load %arg8[%get3A_1075, %get3A_1076] {strides = array<i32>} : memref<5x128xi32, #tpu.memory_space<vmem>>, vector<1x16xi32>,
      %get3A_1078 = vector.shape_cast %get3A_1077 : vector<1x16xi32> to vector<16xi32>
      %add3A_1079 = arith.addi %get3A_1078, %get3A_1078 : vector<16xi32>
      %add3A_1080 = vector.broadcast %arg0 : i32 to vector<16xi32>
      %add3A_1081 = arith.addi %add3A_1079, %add3A_1080 : vector<16xi32>
      %swap3A_1082 = arith.constant 2 : i32
      %swap3A_1083 = arith.index_cast %swap3A_1082 : i32 to index
      %swap3A_1084 = arith.constant 80 : index
      %swap3A_1085 = tpu.vector_load %arg8[%swap3A_1083, %swap3A_1084] {strides = array<i32>} : memref<5x128xi32, #tpu.memory_space<vmem>>, vector<1x16xi32>,
      %swap3A_1086 = vector.shape_cast %swap3A_1085 : vector<1x16xi32> to vector<16xi32>
      %swap3A_1087 = vector.shape_cast %add3A_1081 : vector<16xi32> to vector<1x16xi32>
      tpu.vector_store %arg8[%swap3A_1083, %swap3A_1084], %swap3A_1087 {strides = array<i32>} : memref<5x128xi32, #tpu.memory_space<vmem>>, vector<1x16xi32>,
      %get3A_1088 = arith.constant 2 : i32
      %get3A_1089 = arith.index_cast %get3A_1088 : i32 to index
      %get3A_1090 = arith.constant 96 : index
      %get3A_1091 = tpu.vector_load %arg8[%get3A_1089, %get3A_1090] {strides = array<i32>} : memref<5x128xi32, #tpu.memory_space<vmem>>, vector<1x16xi32>,
      %get3A_1092 = vector.shape_cast %get3A_1091 : vector<1x16xi32> to vector<16xi32>
      %add3A_1093 = arith.addi %get3A_1092, %get3A_1092 : vector<16xi32>
      %add3A_1094 = vector.broadcast %arg0 : i32 to vector<16xi32>
      %add3A_1095 = arith.addi %add3A_1093, %add3A_1094 : vector<16xi32>
      %swap3A_1096 = arith.constant 2 : i32
      %swap3A_1097 = arith.index_cast %swap3A_1096 : i32 to index
      %swap3A_1098 = arith.constant 96 : index
      %swap3A_1099 = tpu.vector_load %arg8[%swap3A_1097, %swap3A_1098] {strides = array<i32>} : memref<5x128xi32, #tpu.memory_space<vmem>>, vector<1x16xi32>,
      %swap3A_1100 = vector.shape_cast %swap3A_1099 : vector<1x16xi32> to vector<16xi32>
      %swap3A_1101 = vector.shape_cast %add3A_1095 : vector<16xi32> to vector<1x16xi32>
      tpu.vector_store %arg8[%swap3A_1097, %swap3A_1098], %swap3A_1101 {strides = array<i32>} : memref<5x128xi32, #tpu.memory_space<vmem>>, vector<1x16xi32>,
      %get3A_1102 = arith.constant 2 : i32
      %get3A_1103 = arith.index_cast %get3A_1102 : i32 to index
      %get3A_1104 = arith.constant 112 : index
      %get3A_1105 = tpu.vector_load %arg8[%get3A_1103, %get3A_1104] {strides = array<i32>} : memref<5x128xi32, #tpu.memory_space<vmem>>, vector<1x16xi32>,
      %get3A_1106 = vector.shape_cast %get3A_1105 : vector<1x16xi32> to vector<16xi32>
      %add3A_1107 = arith.addi %get3A_1106, %get3A_1106 : vector<16xi32>
      %add3A_1108 = vector.broadcast %arg0 : i32 to vector<16xi32>
      %add3A_1109 = arith.addi %add3A_1107, %add3A_1108 : vector<16xi32>
      %swap3A_1110 = arith.constant 2 : i32
      %swap3A_1111 = arith.index_cast %swap3A_1110 : i32 to index
      %swap3A_1112 = arith.constant 112 : index
      %swap3A_1113 = tpu.vector_load %arg8[%swap3A_1111, %swap3A_1112] {strides = array<i32>} : memref<5x128xi32, #tpu.memory_space<vmem>>, vector<1x16xi32>,
      %swap3A_1114 = vector.shape_cast %swap3A_1113 : vector<1x16xi32> to vector<16xi32>
      %swap3A_1115 = vector.shape_cast %add3A_1109 : vector<16xi32> to vector<1x16xi32>
      tpu.vector_store %arg8[%swap3A_1111, %swap3A_1112], %swap3A_1115 {strides = array<i32>} : memref<5x128xi32, #tpu.memory_space<vmem>>, vector<1x16xi32>,
      %get3A_1116 = arith.constant 3 : i32
      %get3A_1117 = arith.index_cast %get3A_1116 : i32 to index
      %get3A_1118 = arith.constant 0 : index
      %get3A_1119 = tpu.vector_load %arg8[%get3A_1117, %get3A_1118] {strides = array<i32>} : memref<5x128xi32, #tpu.memory_space<vmem>>, vector<1x16xi32>,
      %get3A_1120 = vector.shape_cast %get3A_1119 : vector<1x16xi32> to vector<16xi32>
      %add3A_1121 = arith.addi %get3A_1120, %get3A_1120 : vector<16xi32>
      %add3A_1122 = vector.broadcast %arg0 : i32 to vector<16xi32>
      %add3A_1123 = arith.addi %add3A_1121, %add3A_1122 : vector<16xi32>
      %swap3A_1124 = arith.constant 3 : i32
      %swap3A_1125 = arith.index_cast %swap3A_1124 : i32 to index
      %swap3A_1126 = arith.constant 0 : index
      %swap3A_1127 = tpu.vector_load %arg8[%swap3A_1125, %swap3A_1126] {strides = array<i32>} : memref<5x128xi32, #tpu.memory_space<vmem>>, vector<1x16xi32>,
      %swap3A_1128 = vector.shape_cast %swap3A_1127 : vector<1x16xi32> to vector<16xi32>
      %swap3A_1129 = vector.shape_cast %add3A_1123 : vector<16xi32> to vector<1x16xi32>
      tpu.vector_store %arg8[%swap3A_1125, %swap3A_1126], %swap3A_1129 {strides = array<i32>} : memref<5x128xi32, #tpu.memory_space<vmem>>, vector<1x16xi32>,
      %get3A_1130 = arith.constant 3 : i32
      %get3A_1131 = arith.index_cast %get3A_1130 : i32 to index
      %get3A_1132 = arith.constant 16 : index
      %get3A_1133 = tpu.vector_load %arg8[%get3A_1131, %get3A_1132] {strides = array<i32>} : memref<5x128xi32, #tpu.memory_space<vmem>>, vector<1x16xi32>,
      %get3A_1134 = vector.shape_cast %get3A_1133 : vector<1x16xi32> to vector<16xi32>
      %add3A_1135 = arith.addi %get3A_1134, %get3A_1134 : vector<16xi32>
      %add3A_1136 = vector.broadcast %arg0 : i32 to vector<16xi32>
      %add3A_1137 = arith.addi %add3A_1135, %add3A_1136 : vector<16xi32>
      %swap3A_1138 = arith.constant 3 : i32
      %swap3A_1139 = arith.index_cast %swap3A_1138 : i32 to index
      %swap3A_1140 = arith.constant 16 : index
      %swap3A_1141 = tpu.vector_load %arg8[%swap3A_1139, %swap3A_1140] {strides = array<i32>} : memref<5x128xi32, #tpu.memory_space<vmem>>, vector<1x16xi32>,
      %swap3A_1142 = vector.shape_cast %swap3A_1141 : vector<1x16xi32> to vector<16xi32>
      %swap3A_1143 = vector.shape_cast %add3A_1137 : vector<16xi32> to vector<1x16xi32>
      tpu.vector_store %arg8[%swap3A_1139, %swap3A_1140], %swap3A_1143 {strides = array<i32>} : memref<5x128xi32, #tpu.memory_space<vmem>>, vector<1x16xi32>,
      %get3A_1144 = arith.constant 3 : i32
      %get3A_1145 = arith.index_cast %get3A_1144 : i32 to index
      %get3A_1146 = arith.constant 32 : index
      %get3A_1147 = tpu.vector_load %arg8[%get3A_1145, %get3A_1146] {strides = array<i32>} : memref<5x128xi32, #tpu.memory_space<vmem>>, vector<1x16xi32>,
      %get3A_1148 = vector.shape_cast %get3A_1147 : vector<1x16xi32> to vector<16xi32>
      %add3A_1149 = arith.addi %get3A_1148, %get3A_1148 : vector<16xi32>
      %add3A_1150 = vector.broadcast %arg0 : i32 to vector<16xi32>
      %add3A_1151 = arith.addi %add3A_1149, %add3A_1150 : vector<16xi32>
      %swap3A_1152 = arith.constant 3 : i32
      %swap3A_1153 = arith.index_cast %swap3A_1152 : i32 to index
      %swap3A_1154 = arith.constant 32 : index
      %swap3A_1155 = tpu.vector_load %arg8[%swap3A_1153, %swap3A_1154] {strides = array<i32>} : memref<5x128xi32, #tpu.memory_space<vmem>>, vector<1x16xi32>,
      %swap3A_1156 = vector.shape_cast %swap3A_1155 : vector<1x16xi32> to vector<16xi32>
      %swap3A_1157 = vector.shape_cast %add3A_1151 : vector<16xi32> to vector<1x16xi32>
      tpu.vector_store %arg8[%swap3A_1153, %swap3A_1154], %swap3A_1157 {strides = array<i32>} : memref<5x128xi32, #tpu.memory_space<vmem>>, vector<1x16xi32>,
      %get3A_1158 = arith.constant 3 : i32
      %get3A_1159 = arith.index_cast %get3A_1158 : i32 to index
      %get3A_1160 = arith.constant 48 : index
      %get3A_1161 = tpu.vector_load %arg8[%get3A_1159, %get3A_1160] {strides = array<i32>} : memref<5x128xi32, #tpu.memory_space<vmem>>, vector<1x16xi32>,
      %get3A_1162 = vector.shape_cast %get3A_1161 : vector<1x16xi32> to vector<16xi32>
      %add3A_1163 = arith.addi %get3A_1162, %get3A_1162 : vector<16xi32>
      %add3A_1164 = vector.broadcast %arg0 : i32 to vector<16xi32>
      %add3A_1165 = arith.addi %add3A_1163, %add3A_1164 : vector<16xi32>
      %swap3A_1166 = arith.constant 3 : i32
      %swap3A_1167 = arith.index_cast %swap3A_1166 : i32 to index
      %swap3A_1168 = arith.constant 48 : index
      %swap3A_1169 = tpu.vector_load %arg8[%swap3A_1167, %swap3A_1168] {strides = array<i32>} : memref<5x128xi32, #tpu.memory_space<vmem>>, vector<1x16xi32>,
      %swap3A_1170 = vector.shape_cast %swap3A_1169 : vector<1x16xi32> to vector<16xi32>
      %swap3A_1171 = vector.shape_cast %add3A_1165 : vector<16xi32> to vector<1x16xi32>
      tpu.vector_store %arg8[%swap3A_1167, %swap3A_1168], %swap3A_1171 {strides = array<i32>} : memref<5x128xi32, #tpu.memory_space<vmem>>, vector<1x16xi32>,
      %get3A_1172 = arith.constant 3 : i32
      %get3A_1173 = arith.index_cast %get3A_1172 : i32 to index
      %get3A_1174 = arith.constant 64 : index
      %get3A_1175 = tpu.vector_load %arg8[%get3A_1173, %get3A_1174] {strides = array<i32>} : memref<5x128xi32, #tpu.memory_space<vmem>>, vector<1x16xi32>,
      %get3A_1176 = vector.shape_cast %get3A_1175 : vector<1x16xi32> to vector<16xi32>
      %add3A_1177 = arith.addi %get3A_1176, %get3A_1176 : vector<16xi32>
      %add3A_1178 = vector.broadcast %arg0 : i32 to vector<16xi32>
      %add3A_1179 = arith.addi %add3A_1177, %add3A_1178 : vector<16xi32>
      %swap3A_1180 = arith.constant 3 : i32
      %swap3A_1181 = arith.index_cast %swap3A_1180 : i32 to index
      %swap3A_1182 = arith.constant 64 : index
      %swap3A_1183 = tpu.vector_load %arg8[%swap3A_1181, %swap3A_1182] {strides = array<i32>} : memref<5x128xi32, #tpu.memory_space<vmem>>, vector<1x16xi32>,
      %swap3A_1184 = vector.shape_cast %swap3A_1183 : vector<1x16xi32> to vector<16xi32>
      %swap3A_1185 = vector.shape_cast %add3A_1179 : vector<16xi32> to vector<1x16xi32>
      tpu.vector_store %arg8[%swap3A_1181, %swap3A_1182], %swap3A_1185 {strides = array<i32>} : memref<5x128xi32, #tpu.memory_space<vmem>>, vector<1x16xi32>,
      %get3A_1186 = arith.constant 3 : i32
      %get3A_1187 = arith.index_cast %get3A_1186 : i32 to index
      %get3A_1188 = arith.constant 80 : index
      %get3A_1189 = tpu.vector_load %arg8[%get3A_1187, %get3A_1188] {strides = array<i32>} : memref<5x128xi32, #tpu.memory_space<vmem>>, vector<1x16xi32>,
      %get3A_1190 = vector.shape_cast %get3A_1189 : vector<1x16xi32> to vector<16xi32>
      %add3A_1191 = arith.addi %get3A_1190, %get3A_1190 : vector<16xi32>
      %add3A_1192 = vector.broadcast %arg0 : i32 to vector<16xi32>
      %add3A_1193 = arith.addi %add3A_1191, %add3A_1192 : vector<16xi32>
      %swap3A_1194 = arith.constant 3 : i32
      %swap3A_1195 = arith.index_cast %swap3A_1194 : i32 to index
      %swap3A_1196 = arith.constant 80 : index
      %swap3A_1197 = tpu.vector_load %arg8[%swap3A_1195, %swap3A_1196] {strides = array<i32>} : memref<5x128xi32, #tpu.memory_space<vmem>>, vector<1x16xi32>,
      %swap3A_1198 = vector.shape_cast %swap3A_1197 : vector<1x16xi32> to vector<16xi32>
      %swap3A_1199 = vector.shape_cast %add3A_1193 : vector<16xi32> to vector<1x16xi32>
      tpu.vector_store %arg8[%swap3A_1195, %swap3A_1196], %swap3A_1199 {strides = array<i32>} : memref<5x128xi32, #tpu.memory_space<vmem>>, vector<1x16xi32>,
      %get3A_1200 = arith.constant 3 : i32
      %get3A_1201 = arith.index_cast %get3A_1200 : i32 to index
      %get3A_1202 = arith.constant 96 : index
      %get3A_1203 = tpu.vector_load %arg8[%get3A_1201, %get3A_1202] {strides = array<i32>} : memref<5x128xi32, #tpu.memory_space<vmem>>, vector<1x16xi32>,
      %get3A_1204 = vector.shape_cast %get3A_1203 : vector<1x16xi32> to vector<16xi32>
      %add3A_1205 = arith.addi %get3A_1204, %get3A_1204 : vector<16xi32>
      %add3A_1206 = vector.broadcast %arg0 : i32 to vector<16xi32>
      %add3A_1207 = arith.addi %add3A_1205, %add3A_1206 : vector<16xi32>
      %swap3A_1208 = arith.constant 3 : i32
      %swap3A_1209 = arith.index_cast %swap3A_1208 : i32 to index
      %swap3A_1210 = arith.constant 96 : index
      %swap3A_1211 = tpu.vector_load %arg8[%swap3A_1209, %swap3A_1210] {strides = array<i32>} : memref<5x128xi32, #tpu.memory_space<vmem>>, vector<1x16xi32>,
      %swap3A_1212 = vector.shape_cast %swap3A_1211 : vector<1x16xi32> to vector<16xi32>
      %swap3A_1213 = vector.shape_cast %add3A_1207 : vector<16xi32> to vector<1x16xi32>
      tpu.vector_store %arg8[%swap3A_1209, %swap3A_1210], %swap3A_1213 {strides = array<i32>} : memref<5x128xi32, #tpu.memory_space<vmem>>, vector<1x16xi32>,
      %get3A_1214 = arith.constant 3 : i32
      %get3A_1215 = arith.index_cast %get3A_1214 : i32 to index
      %get3A_1216 = arith.constant 112 : index
      %get3A_1217 = tpu.vector_load %arg8[%get3A_1215, %get3A_1216] {strides = array<i32>} : memref<5x128xi32, #tpu.memory_space<vmem>>, vector<1x16xi32>,
      %get3A_1218 = vector.shape_cast %get3A_1217 : vector<1x16xi32> to vector<16xi32>
      %add3A_1219 = arith.addi %get3A_1218, %get3A_1218 : vector<16xi32>
      %add3A_1220 = vector.broadcast %arg0 : i32 to vector<16xi32>
      %add3A_1221 = arith.addi %add3A_1219, %add3A_1220 : vector<16xi32>
      %swap3A_1222 = arith.constant 3 : i32
      %swap3A_1223 = arith.index_cast %swap3A_1222 : i32 to index
      %swap3A_1224 = arith.constant 112 : index
      %swap3A_1225 = tpu.vector_load %arg8[%swap3A_1223, %swap3A_1224] {strides = array<i32>} : memref<5x128xi32, #tpu.memory_space<vmem>>, vector<1x16xi32>,
      %swap3A_1226 = vector.shape_cast %swap3A_1225 : vector<1x16xi32> to vector<16xi32>
      %swap3A_1227 = vector.shape_cast %add3A_1221 : vector<16xi32> to vector<1x16xi32>
      tpu.vector_store %arg8[%swap3A_1223, %swap3A_1224], %swap3A_1227 {strides = array<i32>} : memref<5x128xi32, #tpu.memory_space<vmem>>, vector<1x16xi32>,
      %get3A_1228 = arith.constant 4 : i32
      %get3A_1229 = arith.index_cast %get3A_1228 : i32 to index
      %get3A_1230 = arith.constant 0 : index
      %get3A_1231 = tpu.vector_load %arg8[%get3A_1229, %get3A_1230] {strides = array<i32>} : memref<5x128xi32, #tpu.memory_space<vmem>>, vector<1x16xi32>,
      %get3A_1232 = vector.shape_cast %get3A_1231 : vector<1x16xi32> to vector<16xi32>
      %add3A_1233 = arith.addi %get3A_1232, %get3A_1232 : vector<16xi32>
      %add3A_1234 = vector.broadcast %arg0 : i32 to vector<16xi32>
      %add3A_1235 = arith.addi %add3A_1233, %add3A_1234 : vector<16xi32>
      %swap3A_1236 = arith.constant 4 : i32
      %swap3A_1237 = arith.index_cast %swap3A_1236 : i32 to index
      %swap3A_1238 = arith.constant 0 : index
      %swap3A_1239 = tpu.vector_load %arg8[%swap3A_1237, %swap3A_1238] {strides = array<i32>} : memref<5x128xi32, #tpu.memory_space<vmem>>, vector<1x16xi32>,
      %swap3A_1240 = vector.shape_cast %swap3A_1239 : vector<1x16xi32> to vector<16xi32>
      %swap3A_1241 = vector.shape_cast %add3A_1235 : vector<16xi32> to vector<1x16xi32>
      tpu.vector_store %arg8[%swap3A_1237, %swap3A_1238], %swap3A_1241 {strides = array<i32>} : memref<5x128xi32, #tpu.memory_space<vmem>>, vector<1x16xi32>,
      %get3A_1242 = arith.constant 4 : i32
      %get3A_1243 = arith.index_cast %get3A_1242 : i32 to index
      %get3A_1244 = arith.constant 16 : index
      %get3A_1245 = tpu.vector_load %arg8[%get3A_1243, %get3A_1244] {strides = array<i32>} : memref<5x128xi32, #tpu.memory_space<vmem>>, vector<1x16xi32>,
      %get3A_1246 = vector.shape_cast %get3A_1245 : vector<1x16xi32> to vector<16xi32>
      %add3A_1247 = arith.addi %get3A_1246, %get3A_1246 : vector<16xi32>
      %add3A_1248 = vector.broadcast %arg0 : i32 to vector<16xi32>
      %add3A_1249 = arith.addi %add3A_1247, %add3A_1248 : vector<16xi32>
      %swap3A_1250 = arith.constant 4 : i32
      %swap3A_1251 = arith.index_cast %swap3A_1250 : i32 to index
      %swap3A_1252 = arith.constant 16 : index
      %swap3A_1253 = tpu.vector_load %arg8[%swap3A_1251, %swap3A_1252] {strides = array<i32>} : memref<5x128xi32, #tpu.memory_space<vmem>>, vector<1x16xi32>,
      %swap3A_1254 = vector.shape_cast %swap3A_1253 : vector<1x16xi32> to vector<16xi32>
      %swap3A_1255 = vector.shape_cast %add3A_1249 : vector<16xi32> to vector<1x16xi32>
      tpu.vector_store %arg8[%swap3A_1251, %swap3A_1252], %swap3A_1255 {strides = array<i32>} : memref<5x128xi32, #tpu.memory_space<vmem>>, vector<1x16xi32>,
      %get3A_1256 = arith.constant 4 : i32
      %get3A_1257 = arith.index_cast %get3A_1256 : i32 to index
      %get3A_1258 = arith.constant 32 : index
      %get3A_1259 = tpu.vector_load %arg8[%get3A_1257, %get3A_1258] {strides = array<i32>} : memref<5x128xi32, #tpu.memory_space<vmem>>, vector<1x16xi32>,
      %get3A_1260 = vector.shape_cast %get3A_1259 : vector<1x16xi32> to vector<16xi32>
      %add3A_1261 = arith.addi %get3A_1260, %get3A_1260 : vector<16xi32>
      %add3A_1262 = vector.broadcast %arg0 : i32 to vector<16xi32>
      %add3A_1263 = arith.addi %add3A_1261, %add3A_1262 : vector<16xi32>
      %swap3A_1264 = arith.constant 4 : i32
      %swap3A_1265 = arith.index_cast %swap3A_1264 : i32 to index
      %swap3A_1266 = arith.constant 32 : index
      %swap3A_1267 = tpu.vector_load %arg8[%swap3A_1265, %swap3A_1266] {strides = array<i32>} : memref<5x128xi32, #tpu.memory_space<vmem>>, vector<1x16xi32>,
      %swap3A_1268 = vector.shape_cast %swap3A_1267 : vector<1x16xi32> to vector<16xi32>
      %swap3A_1269 = vector.shape_cast %add3A_1263 : vector<16xi32> to vector<1x16xi32>
      tpu.vector_store %arg8[%swap3A_1265, %swap3A_1266], %swap3A_1269 {strides = array<i32>} : memref<5x128xi32, #tpu.memory_space<vmem>>, vector<1x16xi32>,
      %get3A_1270 = arith.constant 4 : i32
      %get3A_1271 = arith.index_cast %get3A_1270 : i32 to index
      %get3A_1272 = arith.constant 48 : index
      %get3A_1273 = tpu.vector_load %arg8[%get3A_1271, %get3A_1272] {strides = array<i32>} : memref<5x128xi32, #tpu.memory_space<vmem>>, vector<1x16xi32>,
      %get3A_1274 = vector.shape_cast %get3A_1273 : vector<1x16xi32> to vector<16xi32>
      %add3A_1275 = arith.addi %get3A_1274, %get3A_1274 : vector<16xi32>
      %add3A_1276 = vector.broadcast %arg0 : i32 to vector<16xi32>
      %add3A_1277 = arith.addi %add3A_1275, %add3A_1276 : vector<16xi32>
      %swap3A_1278 = arith.constant 4 : i32
      %swap3A_1279 = arith.index_cast %swap3A_1278 : i32 to index
      %swap3A_1280 = arith.constant 48 : index
      %swap3A_1281 = tpu.vector_load %arg8[%swap3A_1279, %swap3A_1280] {strides = array<i32>} : memref<5x128xi32, #tpu.memory_space<vmem>>, vector<1x16xi32>,
      %swap3A_1282 = vector.shape_cast %swap3A_1281 : vector<1x16xi32> to vector<16xi32>
      %swap3A_1283 = vector.shape_cast %add3A_1277 : vector<16xi32> to vector<1x16xi32>
      tpu.vector_store %arg8[%swap3A_1279, %swap3A_1280], %swap3A_1283 {strides = array<i32>} : memref<5x128xi32, #tpu.memory_space<vmem>>, vector<1x16xi32>,
      %get3A_1284 = arith.constant 4 : i32
      %get3A_1285 = arith.index_cast %get3A_1284 : i32 to index
      %get3A_1286 = arith.constant 64 : index
      %get3A_1287 = tpu.vector_load %arg8[%get3A_1285, %get3A_1286] {strides = array<i32>} : memref<5x128xi32, #tpu.memory_space<vmem>>, vector<1x16xi32>,
      %get3A_1288 = vector.shape_cast %get3A_1287 : vector<1x16xi32> to vector<16xi32>
      %add3A_1289 = arith.addi %get3A_1288, %get3A_1288 : vector<16xi32>
      %add3A_1290 = vector.broadcast %arg0 : i32 to vector<16xi32>
      %add3A_1291 = arith.addi %add3A_1289, %add3A_1290 : vector<16xi32>
      %swap3A_1292 = arith.constant 4 : i32
      %swap3A_1293 = arith.index_cast %swap3A_1292 : i32 to index
      %swap3A_1294 = arith.constant 64 : index
      %swap3A_1295 = tpu.vector_load %arg8[%swap3A_1293, %swap3A_1294] {strides = array<i32>} : memref<5x128xi32, #tpu.memory_space<vmem>>, vector<1x16xi32>,
      %swap3A_1296 = vector.shape_cast %swap3A_1295 : vector<1x16xi32> to vector<16xi32>
      %swap3A_1297 = vector.shape_cast %add3A_1291 : vector<16xi32> to vector<1x16xi32>
      tpu.vector_store %arg8[%swap3A_1293, %swap3A_1294], %swap3A_1297 {strides = array<i32>} : memref<5x128xi32, #tpu.memory_space<vmem>>, vector<1x16xi32>,
      %get3A_1298 = arith.constant 4 : i32
      %get3A_1299 = arith.index_cast %get3A_1298 : i32 to index
      %get3A_1300 = arith.constant 80 : index
      %get3A_1301 = tpu.vector_load %arg8[%get3A_1299, %get3A_1300] {strides = array<i32>} : memref<5x128xi32, #tpu.memory_space<vmem>>, vector<1x16xi32>,
      %get3A_1302 = vector.shape_cast %get3A_1301 : vector<1x16xi32> to vector<16xi32>
      %add3A_1303 = arith.addi %get3A_1302, %get3A_1302 : vector<16xi32>
      %add3A_1304 = vector.broadcast %arg0 : i32 to vector<16xi32>
      %add3A_1305 = arith.addi %add3A_1303, %add3A_1304 : vector<16xi32>
      %swap3A_1306 = arith.constant 4 : i32
      %swap3A_1307 = arith.index_cast %swap3A_1306 : i32 to index
      %swap3A_1308 = arith.constant 80 : index
      %swap3A_1309 = tpu.vector_load %arg8[%swap3A_1307, %swap3A_1308] {strides = array<i32>} : memref<5x128xi32, #tpu.memory_space<vmem>>, vector<1x16xi32>,
      %swap3A_1310 = vector.shape_cast %swap3A_1309 : vector<1x16xi32> to vector<16xi32>
      %swap3A_1311 = vector.shape_cast %add3A_1305 : vector<16xi32> to vector<1x16xi32>
      tpu.vector_store %arg8[%swap3A_1307, %swap3A_1308], %swap3A_1311 {strides = array<i32>} : memref<5x128xi32, #tpu.memory_space<vmem>>, vector<1x16xi32>,
      %get3A_1312 = arith.constant 4 : i32
      %get3A_1313 = arith.index_cast %get3A_1312 : i32 to index
      %get3A_1314 = arith.constant 96 : index
      %get3A_1315 = tpu.vector_load %arg8[%get3A_1313, %get3A_1314] {strides = array<i32>} : memref<5x128xi32, #tpu.memory_space<vmem>>, vector<1x16xi32>,
      %get3A_1316 = vector.shape_cast %get3A_1315 : vector<1x16xi32> to vector<16xi32>
      %add3A_1317 = arith.addi %get3A_1316, %get3A_1316 : vector<16xi32>
      %add3A_1318 = vector.broadcast %arg0 : i32 to vector<16xi32>
      %add3A_1319 = arith.addi %add3A_1317, %add3A_1318 : vector<16xi32>
      %swap3A_1320 = arith.constant 4 : i32
      %swap3A_1321 = arith.index_cast %swap3A_1320 : i32 to index
      %swap3A_1322 = arith.constant 96 : index
      %swap3A_1323 = tpu.vector_load %arg8[%swap3A_1321, %swap3A_1322] {strides = array<i32>} : memref<5x128xi32, #tpu.memory_space<vmem>>, vector<1x16xi32>,
      %swap3A_1324 = vector.shape_cast %swap3A_1323 : vector<1x16xi32> to vector<16xi32>
      %swap3A_1325 = vector.shape_cast %add3A_1319 : vector<16xi32> to vector<1x16xi32>
      tpu.vector_store %arg8[%swap3A_1321, %swap3A_1322], %swap3A_1325 {strides = array<i32>} : memref<5x128xi32, #tpu.memory_space<vmem>>, vector<1x16xi32>,
      %get3A_1326 = arith.constant 4 : i32
      %get3A_1327 = arith.index_cast %get3A_1326 : i32 to index
      %get3A_1328 = arith.constant 112 : index
      %get3A_1329 = tpu.vector_load %arg8[%get3A_1327, %get3A_1328] {strides = array<i32>} : memref<5x128xi32, #tpu.memory_space<vmem>>, vector<1x16xi32>,
      %get3A_1330 = vector.shape_cast %get3A_1329 : vector<1x16xi32> to vector<16xi32>
      %add3A_1331 = arith.addi %get3A_1330, %get3A_1330 : vector<16xi32>
      %add3A_1332 = vector.broadcast %arg0 : i32 to vector<16xi32>
      %add3A_1333 = arith.addi %add3A_1331, %add3A_1332 : vector<16xi32>
      %swap3A_1334 = arith.constant 4 : i32
      %swap3A_1335 = arith.index_cast %swap3A_1334 : i32 to index
      %swap3A_1336 = arith.constant 112 : index
      %swap3A_1337 = tpu.vector_load %arg8[%swap3A_1335, %swap3A_1336] {strides = array<i32>} : memref<5x128xi32, #tpu.memory_space<vmem>>, vector<1x16xi32>,
      %swap3A_1338 = vector.shape_cast %swap3A_1337 : vector<1x16xi32> to vector<16xi32>
      %swap3A_1339 = vector.shape_cast %add3A_1333 : vector<16xi32> to vector<1x16xi32>
      tpu.vector_store %arg8[%swap3A_1335, %swap3A_1336], %swap3A_1339 {strides = array<i32>} : memref<5x128xi32, #tpu.memory_space<vmem>>, vector<1x16xi32>,
      %gt3A_1340 = arith.constant 0 : i32
      %gt3A_1341 = arith.cmpi sgt, %add3A_767, %gt3A_1340 : i32
      %convert_element_type3A_1342 = arith.extui %gt3A_1341 : i1 to i32
      %cond3A_1343 = arith.constant 0 : i32
      %cond3A_1344 = arith.cmpi ne, %convert_element_type3A_1342, %cond3A_1343 : i32
      scf.if %cond3A_1344 {
        %dma_wait3A_1477 = arith.constant 0 : i32
        %dma_wait3A_1478 = arith.constant 0 : i32
        %dma_wait3A_1479 = tpu.memref_slice %arg10[%dma_wait3A_1477, %dma_wait3A_1478] : memref<5x128xi32, #tpu.memory_space<vmem>> -> memref<1x128xi32, #tpu.memory_space<vmem>>
        %dma_wait3A_1480 = tpu.memref_squeeze %dma_wait3A_1479 : memref<1x128xi32, #tpu.memory_space<vmem>> -> memref<128xi32, #tpu.memory_space<vmem>>
        %dma_wait3A_1481 = arith.constant 0 : i32
        %dma_wait3A_1482 = arith.constant 0 : i32
        %dma_wait3A_1483 = tpu.memref_slice %arg16[%dma_wait3A_1481, %dma_wait3A_1482] : memref<50176x32xf32, #tpu.memory_space<vmem_shared>> -> memref<50176x32xf32, #tpu.memory_space<vmem_shared>>
        tpu.wait_indirect_dma semaphore(%arg26 : memref<!tpu.dma_semaphore, #tpu.memory_space<semaphore_mem>>) src(%arg11 : memref<128x32xf32, #tpu.memory_space<vmem>>) dst(%dma_wait3A_1483 : memref<50176x32xf32, #tpu.memory_space<vmem_shared>>)
      } else {
      }
      %dma_start3A_1345 = arith.constant 0 : i32
      %dma_start3A_1346 = arith.constant 0 : i32
      %dma_start3A_1347 = tpu.memref_slice %arg8[%dma_start3A_1345, %dma_start3A_1346] : memref<5x128xi32, #tpu.memory_space<vmem>> -> memref<1x128xi32, #tpu.memory_space<vmem>>
      %dma_start3A_1348 = tpu.memref_squeeze %dma_start3A_1347 : memref<1x128xi32, #tpu.memory_space<vmem>> -> memref<128xi32, #tpu.memory_space<vmem>>
      %dma_start3A_1349 = arith.constant 0 : i32
      %dma_start3A_1350 = arith.constant 0 : i32
      %dma_start3A_1351 = tpu.memref_slice %arg2[%dma_start3A_1349, %dma_start3A_1350] : memref<100352x32xf32, #tpu.memory_space<hbm>> -> memref<100352x32xf32, #tpu.memory_space<hbm>>
      tpu.enqueue_indirect_dma source(%dma_start3A_1351 : memref<100352x32xf32, #tpu.memory_space<hbm>>) target(%arg11 : memref<128x32xf32, #tpu.memory_space<vmem>>) offsets(%dma_start3A_1348 : memref<128xi32, #tpu.memory_space<vmem>>) semaphore(%arg21 : memref<!tpu.dma_semaphore, #tpu.memory_space<semaphore_mem>>)
      %gt3A_1352 = arith.constant 0 : i32
      %gt3A_1353 = arith.cmpi sgt, %add3A_767, %gt3A_1352 : i32
      %convert_element_type3A_1354 = arith.extui %gt3A_1353 : i1 to i32
      %cond3A_1355 = arith.constant 0 : i32
      %cond3A_1356 = arith.cmpi ne, %convert_element_type3A_1354, %cond3A_1355 : i32
      scf.if %cond3A_1356 {
        %dma_wait3A_1477 = arith.constant 1 : i32
        %dma_wait3A_1478 = arith.constant 0 : i32
        %dma_wait3A_1479 = tpu.memref_slice %arg10[%dma_wait3A_1477, %dma_wait3A_1478] : memref<5x128xi32, #tpu.memory_space<vmem>> -> memref<1x128xi32, #tpu.memory_space<vmem>>
        %dma_wait3A_1480 = tpu.memref_squeeze %dma_wait3A_1479 : memref<1x128xi32, #tpu.memory_space<vmem>> -> memref<128xi32, #tpu.memory_space<vmem>>
        %dma_wait3A_1481 = arith.constant 0 : i32
        %dma_wait3A_1482 = arith.constant 0 : i32
        %dma_wait3A_1483 = tpu.memref_slice %arg16[%dma_wait3A_1481, %dma_wait3A_1482] : memref<50176x32xf32, #tpu.memory_space<vmem_shared>> -> memref<50176x32xf32, #tpu.memory_space<vmem_shared>>
        tpu.wait_indirect_dma semaphore(%arg27 : memref<!tpu.dma_semaphore, #tpu.memory_space<semaphore_mem>>) src(%arg12 : memref<128x32xf32, #tpu.memory_space<vmem>>) dst(%dma_wait3A_1483 : memref<50176x32xf32, #tpu.memory_space<vmem_shared>>)
      } else {
      }
      %dma_start3A_1357 = arith.constant 1 : i32
      %dma_start3A_1358 = arith.constant 0 : i32
      %dma_start3A_1359 = tpu.memref_slice %arg8[%dma_start3A_1357, %dma_start3A_1358] : memref<5x128xi32, #tpu.memory_space<vmem>> -> memref<1x128xi32, #tpu.memory_space<vmem>>
      %dma_start3A_1360 = tpu.memref_squeeze %dma_start3A_1359 : memref<1x128xi32, #tpu.memory_space<vmem>> -> memref<128xi32, #tpu.memory_space<vmem>>
      %dma_start3A_1361 = arith.constant 0 : i32
      %dma_start3A_1362 = arith.constant 0 : i32
      %dma_start3A_1363 = tpu.memref_slice %arg2[%dma_start3A_1361, %dma_start3A_1362] : memref<100352x32xf32, #tpu.memory_space<hbm>> -> memref<100352x32xf32, #tpu.memory_space<hbm>>
      tpu.enqueue_indirect_dma source(%dma_start3A_1363 : memref<100352x32xf32, #tpu.memory_space<hbm>>) target(%arg12 : memref<128x32xf32, #tpu.memory_space<vmem>>) offsets(%dma_start3A_1360 : memref<128xi32, #tpu.memory_space<vmem>>) semaphore(%arg22 : memref<!tpu.dma_semaphore, #tpu.memory_space<semaphore_mem>>)
      %gt3A_1364 = arith.constant 0 : i32
      %gt3A_1365 = arith.cmpi sgt, %add3A_767, %gt3A_1364 : i32
      %convert_element_type3A_1366 = arith.extui %gt3A_1365 : i1 to i32
      %cond3A_1367 = arith.constant 0 : i32
      %cond3A_1368 = arith.cmpi ne, %convert_element_type3A_1366, %cond3A_1367 : i32
      scf.if %cond3A_1368 {
        %dma_wait3A_1477 = arith.constant 2 : i32
        %dma_wait3A_1478 = arith.constant 0 : i32
        %dma_wait3A_1479 = tpu.memref_slice %arg10[%dma_wait3A_1477, %dma_wait3A_1478] : memref<5x128xi32, #tpu.memory_space<vmem>> -> memref<1x128xi32, #tpu.memory_space<vmem>>
        %dma_wait3A_1480 = tpu.memref_squeeze %dma_wait3A_1479 : memref<1x128xi32, #tpu.memory_space<vmem>> -> memref<128xi32, #tpu.memory_space<vmem>>
        %dma_wait3A_1481 = arith.constant 0 : i32
        %dma_wait3A_1482 = arith.constant 0 : i32
        %dma_wait3A_1483 = tpu.memref_slice %arg16[%dma_wait3A_1481, %dma_wait3A_1482] : memref<50176x32xf32, #tpu.memory_space<vmem_shared>> -> memref<50176x32xf32, #tpu.memory_space<vmem_shared>>
        tpu.wait_indirect_dma semaphore(%arg28 : memref<!tpu.dma_semaphore, #tpu.memory_space<semaphore_mem>>) src(%arg13 : memref<128x32xf32, #tpu.memory_space<vmem>>) dst(%dma_wait3A_1483 : memref<50176x32xf32, #tpu.memory_space<vmem_shared>>)
      } else {
      }
      %dma_start3A_1369 = arith.constant 2 : i32
      %dma_start3A_1370 = arith.constant 0 : i32
      %dma_start3A_1371 = tpu.memref_slice %arg8[%dma_start3A_1369, %dma_start3A_1370] : memref<5x128xi32, #tpu.memory_space<vmem>> -> memref<1x128xi32, #tpu.memory_space<vmem>>
      %dma_start3A_1372 = tpu.memref_squeeze %dma_start3A_1371 : memref<1x128xi32, #tpu.memory_space<vmem>> -> memref<128xi32, #tpu.memory_space<vmem>>
      %dma_start3A_1373 = arith.constant 0 : i32
      %dma_start3A_1374 = arith.constant 0 : i32
      %dma_start3A_1375 = tpu.memref_slice %arg2[%dma_start3A_1373, %dma_start3A_1374] : memref<100352x32xf32, #tpu.memory_space<hbm>> -> memref<100352x32xf32, #tpu.memory_space<hbm>>
      tpu.enqueue_indirect_dma source(%dma_start3A_1375 : memref<100352x32xf32, #tpu.memory_space<hbm>>) target(%arg13 : memref<128x32xf32, #tpu.memory_space<vmem>>) offsets(%dma_start3A_1372 : memref<128xi32, #tpu.memory_space<vmem>>) semaphore(%arg23 : memref<!tpu.dma_semaphore, #tpu.memory_space<semaphore_mem>>)
      %gt3A_1376 = arith.constant 0 : i32
      %gt3A_1377 = arith.cmpi sgt, %add3A_767, %gt3A_1376 : i32
      %convert_element_type3A_1378 = arith.extui %gt3A_1377 : i1 to i32
      %cond3A_1379 = arith.constant 0 : i32
      %cond3A_1380 = arith.cmpi ne, %convert_element_type3A_1378, %cond3A_1379 : i32
      scf.if %cond3A_1380 {
        %dma_wait3A_1477 = arith.constant 3 : i32
        %dma_wait3A_1478 = arith.constant 0 : i32
        %dma_wait3A_1479 = tpu.memref_slice %arg10[%dma_wait3A_1477, %dma_wait3A_1478] : memref<5x128xi32, #tpu.memory_space<vmem>> -> memref<1x128xi32, #tpu.memory_space<vmem>>
        %dma_wait3A_1480 = tpu.memref_squeeze %dma_wait3A_1479 : memref<1x128xi32, #tpu.memory_space<vmem>> -> memref<128xi32, #tpu.memory_space<vmem>>
        %dma_wait3A_1481 = arith.constant 0 : i32
        %dma_wait3A_1482 = arith.constant 0 : i32
        %dma_wait3A_1483 = tpu.memref_slice %arg16[%dma_wait3A_1481, %dma_wait3A_1482] : memref<50176x32xf32, #tpu.memory_space<vmem_shared>> -> memref<50176x32xf32, #tpu.memory_space<vmem_shared>>
        tpu.wait_indirect_dma semaphore(%arg29 : memref<!tpu.dma_semaphore, #tpu.memory_space<semaphore_mem>>) src(%arg14 : memref<128x32xf32, #tpu.memory_space<vmem>>) dst(%dma_wait3A_1483 : memref<50176x32xf32, #tpu.memory_space<vmem_shared>>)
      } else {
      }
      %dma_start3A_1381 = arith.constant 3 : i32
      %dma_start3A_1382 = arith.constant 0 : i32
      %dma_start3A_1383 = tpu.memref_slice %arg8[%dma_start3A_1381, %dma_start3A_1382] : memref<5x128xi32, #tpu.memory_space<vmem>> -> memref<1x128xi32, #tpu.memory_space<vmem>>
      %dma_start3A_1384 = tpu.memref_squeeze %dma_start3A_1383 : memref<1x128xi32, #tpu.memory_space<vmem>> -> memref<128xi32, #tpu.memory_space<vmem>>
      %dma_start3A_1385 = arith.constant 0 : i32
      %dma_start3A_1386 = arith.constant 0 : i32
      %dma_start3A_1387 = tpu.memref_slice %arg2[%dma_start3A_1385, %dma_start3A_1386] : memref<100352x32xf32, #tpu.memory_space<hbm>> -> memref<100352x32xf32, #tpu.memory_space<hbm>>
      tpu.enqueue_indirect_dma source(%dma_start3A_1387 : memref<100352x32xf32, #tpu.memory_space<hbm>>) target(%arg14 : memref<128x32xf32, #tpu.memory_space<vmem>>) offsets(%dma_start3A_1384 : memref<128xi32, #tpu.memory_space<vmem>>) semaphore(%arg24 : memref<!tpu.dma_semaphore, #tpu.memory_space<semaphore_mem>>)
      %gt3A_1388 = arith.constant 0 : i32
      %gt3A_1389 = arith.cmpi sgt, %add3A_767, %gt3A_1388 : i32
      %convert_element_type3A_1390 = arith.extui %gt3A_1389 : i1 to i32
      %cond3A_1391 = arith.constant 0 : i32
      %cond3A_1392 = arith.cmpi ne, %convert_element_type3A_1390, %cond3A_1391 : i32
      scf.if %cond3A_1392 {
        %dma_wait3A_1477 = arith.constant 4 : i32
        %dma_wait3A_1478 = arith.constant 0 : i32
        %dma_wait3A_1479 = tpu.memref_slice %arg10[%dma_wait3A_1477, %dma_wait3A_1478] : memref<5x128xi32, #tpu.memory_space<vmem>> -> memref<1x128xi32, #tpu.memory_space<vmem>>
        %dma_wait3A_1480 = tpu.memref_squeeze %dma_wait3A_1479 : memref<1x128xi32, #tpu.memory_space<vmem>> -> memref<128xi32, #tpu.memory_space<vmem>>
        %dma_wait3A_1481 = arith.constant 0 : i32
        %dma_wait3A_1482 = arith.constant 0 : i32
        %dma_wait3A_1483 = tpu.memref_slice %arg16[%dma_wait3A_1481, %dma_wait3A_1482] : memref<50176x32xf32, #tpu.memory_space<vmem_shared>> -> memref<50176x32xf32, #tpu.memory_space<vmem_shared>>
        tpu.wait_indirect_dma semaphore(%arg30 : memref<!tpu.dma_semaphore, #tpu.memory_space<semaphore_mem>>) src(%arg15 : memref<128x32xf32, #tpu.memory_space<vmem>>) dst(%dma_wait3A_1483 : memref<50176x32xf32, #tpu.memory_space<vmem_shared>>)
      } else {
      }
      %dma_start3A_1393 = arith.constant 4 : i32
      %dma_start3A_1394 = arith.constant 0 : i32
      %dma_start3A_1395 = tpu.memref_slice %arg8[%dma_start3A_1393, %dma_start3A_1394] : memref<5x128xi32, #tpu.memory_space<vmem>> -> memref<1x128xi32, #tpu.memory_space<vmem>>
      %dma_start3A_1396 = tpu.memref_squeeze %dma_start3A_1395 : memref<1x128xi32, #tpu.memory_space<vmem>> -> memref<128xi32, #tpu.memory_space<vmem>>
      %dma_start3A_1397 = arith.constant 0 : i32
      %dma_start3A_1398 = arith.constant 0 : i32
      %dma_start3A_1399 = tpu.memref_slice %arg2[%dma_start3A_1397, %dma_start3A_1398] : memref<100352x32xf32, #tpu.memory_space<hbm>> -> memref<100352x32xf32, #tpu.memory_space<hbm>>
      tpu.enqueue_indirect_dma source(%dma_start3A_1399 : memref<100352x32xf32, #tpu.memory_space<hbm>>) target(%arg15 : memref<128x32xf32, #tpu.memory_space<vmem>>) offsets(%dma_start3A_1396 : memref<128xi32, #tpu.memory_space<vmem>>) semaphore(%arg25 : memref<!tpu.dma_semaphore, #tpu.memory_space<semaphore_mem>>)
      %add3A_1400 = arith.constant 1 : i32
      %add3A_1401 = arith.addi %add3A_767, %add3A_1400 : i32
      %lt3A_1402 = arith.constant 80 : i32
      %lt3A_1403 = arith.cmpi slt, %add3A_1401, %lt3A_1402 : i32
      %convert_element_type3A_1404 = arith.extui %lt3A_1403 : i1 to i32
      %cond3A_1405 = arith.constant 0 : i32
      %cond3A_1406 = arith.cmpi ne, %convert_element_type3A_1404, %cond3A_1405 : i32
      scf.if %cond3A_1406 {
        %add3A_1477 = arith.constant 1 : i32
        %add3A_1478 = arith.addi %add3A_767, %add3A_1477 : i32
        %mul3A_1479 = arith.constant 5 : i32
        %mul3A_1480 = arith.muli %add3A_1478, %mul3A_1479 : i32
        %add3A_1481 = arith.addi %mul3A_0, %mul3A_1480 : i32
        %dma_start3A_1482 = arith.constant 0 : i32
        %dma_start3A_1483 = tpu.memref_slice %arg3[%add3A_1481, %dma_start3A_1482] : memref<6400x128xi32, #tpu.memory_space<hbm>> -> memref<5x128xi32, #tpu.memory_space<hbm>>
        %dma_start3A_1484 = arith.constant 0 : i32
        %dma_start3A_1485 = tpu.memref_slice %arg3[%add3A_1481, %dma_start3A_1484] : memref<6400x128xi32, #tpu.memory_space<hbm>> -> memref<5x128xi32, #tpu.memory_space<hbm>>
        tpu.enqueue_dma source(%dma_start3A_1485 : memref<5x128xi32, #tpu.memory_space<hbm>>) target(%arg7 : memref<5x128xi32, #tpu.memory_space<vmem>>) target_semaphore(%arg17 : memref<!tpu.dma_semaphore, #tpu.memory_space<semaphore_mem>>)
        %dma_start3A_1486 = arith.constant 0 : i32
        %dma_start3A_1487 = tpu.memref_slice %arg4[%add3A_1481, %dma_start3A_1486] : memref<6400x128xi32, #tpu.memory_space<hbm>> -> memref<5x128xi32, #tpu.memory_space<hbm>>
        %dma_start3A_1488 = arith.constant 0 : i32
        %dma_start3A_1489 = tpu.memref_slice %arg4[%add3A_1481, %dma_start3A_1488] : memref<6400x128xi32, #tpu.memory_space<hbm>> -> memref<5x128xi32, #tpu.memory_space<hbm>>
        tpu.enqueue_dma source(%dma_start3A_1489 : memref<5x128xi32, #tpu.memory_space<hbm>>) target(%arg9 : memref<5x128xi32, #tpu.memory_space<vmem>>) target_semaphore(%arg19 : memref<!tpu.dma_semaphore, #tpu.memory_space<semaphore_mem>>)
      } else {
      }
      %dma_wait3A_1407 = arith.constant 0 : i32
      %dma_wait3A_1408 = arith.constant 0 : i32
      %dma_wait3A_1409 = tpu.memref_slice %arg8[%dma_wait3A_1407, %dma_wait3A_1408] : memref<5x128xi32, #tpu.memory_space<vmem>> -> memref<1x128xi32, #tpu.memory_space<vmem>>
      %dma_wait3A_1410 = tpu.memref_squeeze %dma_wait3A_1409 : memref<1x128xi32, #tpu.memory_space<vmem>> -> memref<128xi32, #tpu.memory_space<vmem>>
      %dma_wait3A_1411 = arith.constant 0 : i32
      %dma_wait3A_1412 = arith.constant 0 : i32
      %dma_wait3A_1413 = tpu.memref_slice %arg2[%dma_wait3A_1411, %dma_wait3A_1412] : memref<100352x32xf32, #tpu.memory_space<hbm>> -> memref<100352x32xf32, #tpu.memory_space<hbm>>
      tpu.wait_indirect_dma semaphore(%arg21 : memref<!tpu.dma_semaphore, #tpu.memory_space<semaphore_mem>>) src(%dma_wait3A_1413 : memref<100352x32xf32, #tpu.memory_space<hbm>>) dst(%arg11 : memref<128x32xf32, #tpu.memory_space<vmem>>)
      %dma_start3A_1414 = arith.constant 0 : i32
      %dma_start3A_1415 = arith.constant 0 : i32
      %dma_start3A_1416 = tpu.memref_slice %arg10[%dma_start3A_1414, %dma_start3A_1415] : memref<5x128xi32, #tpu.memory_space<vmem>> -> memref<1x128xi32, #tpu.memory_space<vmem>>
      %dma_start3A_1417 = tpu.memref_squeeze %dma_start3A_1416 : memref<1x128xi32, #tpu.memory_space<vmem>> -> memref<128xi32, #tpu.memory_space<vmem>>
      %dma_start3A_1418 = arith.constant 0 : i32
      %dma_start3A_1419 = arith.constant 0 : i32
      %dma_start3A_1420 = tpu.memref_slice %arg16[%dma_start3A_1418, %dma_start3A_1419] : memref<50176x32xf32, #tpu.memory_space<vmem_shared>> -> memref<50176x32xf32, #tpu.memory_space<vmem_shared>>
      tpu.enqueue_indirect_dma source(%arg11 : memref<128x32xf32, #tpu.memory_space<vmem>>) target(%dma_start3A_1420 : memref<50176x32xf32, #tpu.memory_space<vmem_shared>>) offsets(%dma_start3A_1417 : memref<128xi32, #tpu.memory_space<vmem>>) semaphore(%arg26 : memref<!tpu.dma_semaphore, #tpu.memory_space<semaphore_mem>>) {add = true}
      %dma_wait3A_1421 = arith.constant 1 : i32
      %dma_wait3A_1422 = arith.constant 0 : i32
      %dma_wait3A_1423 = tpu.memref_slice %arg8[%dma_wait3A_1421, %dma_wait3A_1422] : memref<5x128xi32, #tpu.memory_space<vmem>> -> memref<1x128xi32, #tpu.memory_space<vmem>>
      %dma_wait3A_1424 = tpu.memref_squeeze %dma_wait3A_1423 : memref<1x128xi32, #tpu.memory_space<vmem>> -> memref<128xi32, #tpu.memory_space<vmem>>
      %dma_wait3A_1425 = arith.constant 0 : i32
      %dma_wait3A_1426 = arith.constant 0 : i32
      %dma_wait3A_1427 = tpu.memref_slice %arg2[%dma_wait3A_1425, %dma_wait3A_1426] : memref<100352x32xf32, #tpu.memory_space<hbm>> -> memref<100352x32xf32, #tpu.memory_space<hbm>>
      tpu.wait_indirect_dma semaphore(%arg22 : memref<!tpu.dma_semaphore, #tpu.memory_space<semaphore_mem>>) src(%dma_wait3A_1427 : memref<100352x32xf32, #tpu.memory_space<hbm>>) dst(%arg12 : memref<128x32xf32, #tpu.memory_space<vmem>>)
      %dma_start3A_1428 = arith.constant 1 : i32
      %dma_start3A_1429 = arith.constant 0 : i32
      %dma_start3A_1430 = tpu.memref_slice %arg10[%dma_start3A_1428, %dma_start3A_1429] : memref<5x128xi32, #tpu.memory_space<vmem>> -> memref<1x128xi32, #tpu.memory_space<vmem>>
      %dma_start3A_1431 = tpu.memref_squeeze %dma_start3A_1430 : memref<1x128xi32, #tpu.memory_space<vmem>> -> memref<128xi32, #tpu.memory_space<vmem>>
      %dma_start3A_1432 = arith.constant 0 : i32
      %dma_start3A_1433 = arith.constant 0 : i32
      %dma_start3A_1434 = tpu.memref_slice %arg16[%dma_start3A_1432, %dma_start3A_1433] : memref<50176x32xf32, #tpu.memory_space<vmem_shared>> -> memref<50176x32xf32, #tpu.memory_space<vmem_shared>>
      tpu.enqueue_indirect_dma source(%arg12 : memref<128x32xf32, #tpu.memory_space<vmem>>) target(%dma_start3A_1434 : memref<50176x32xf32, #tpu.memory_space<vmem_shared>>) offsets(%dma_start3A_1431 : memref<128xi32, #tpu.memory_space<vmem>>) semaphore(%arg27 : memref<!tpu.dma_semaphore, #tpu.memory_space<semaphore_mem>>) {add = true}
      %dma_wait3A_1435 = arith.constant 2 : i32
      %dma_wait3A_1436 = arith.constant 0 : i32
      %dma_wait3A_1437 = tpu.memref_slice %arg8[%dma_wait3A_1435, %dma_wait3A_1436] : memref<5x128xi32, #tpu.memory_space<vmem>> -> memref<1x128xi32, #tpu.memory_space<vmem>>
      %dma_wait3A_1438 = tpu.memref_squeeze %dma_wait3A_1437 : memref<1x128xi32, #tpu.memory_space<vmem>> -> memref<128xi32, #tpu.memory_space<vmem>>
      %dma_wait3A_1439 = arith.constant 0 : i32
      %dma_wait3A_1440 = arith.constant 0 : i32
      %dma_wait3A_1441 = tpu.memref_slice %arg2[%dma_wait3A_1439, %dma_wait3A_1440] : memref<100352x32xf32, #tpu.memory_space<hbm>> -> memref<100352x32xf32, #tpu.memory_space<hbm>>
      tpu.wait_indirect_dma semaphore(%arg23 : memref<!tpu.dma_semaphore, #tpu.memory_space<semaphore_mem>>) src(%dma_wait3A_1441 : memref<100352x32xf32, #tpu.memory_space<hbm>>) dst(%arg13 : memref<128x32xf32, #tpu.memory_space<vmem>>)
      %dma_start3A_1442 = arith.constant 2 : i32
      %dma_start3A_1443 = arith.constant 0 : i32
      %dma_start3A_1444 = tpu.memref_slice %arg10[%dma_start3A_1442, %dma_start3A_1443] : memref<5x128xi32, #tpu.memory_space<vmem>> -> memref<1x128xi32, #tpu.memory_space<vmem>>
      %dma_start3A_1445 = tpu.memref_squeeze %dma_start3A_1444 : memref<1x128xi32, #tpu.memory_space<vmem>> -> memref<128xi32, #tpu.memory_space<vmem>>
      %dma_start3A_1446 = arith.constant 0 : i32
      %dma_start3A_1447 = arith.constant 0 : i32
      %dma_start3A_1448 = tpu.memref_slice %arg16[%dma_start3A_1446, %dma_start3A_1447] : memref<50176x32xf32, #tpu.memory_space<vmem_shared>> -> memref<50176x32xf32, #tpu.memory_space<vmem_shared>>
      tpu.enqueue_indirect_dma source(%arg13 : memref<128x32xf32, #tpu.memory_space<vmem>>) target(%dma_start3A_1448 : memref<50176x32xf32, #tpu.memory_space<vmem_shared>>) offsets(%dma_start3A_1445 : memref<128xi32, #tpu.memory_space<vmem>>) semaphore(%arg28 : memref<!tpu.dma_semaphore, #tpu.memory_space<semaphore_mem>>) {add = true}
      %dma_wait3A_1449 = arith.constant 3 : i32
      %dma_wait3A_1450 = arith.constant 0 : i32
      %dma_wait3A_1451 = tpu.memref_slice %arg8[%dma_wait3A_1449, %dma_wait3A_1450] : memref<5x128xi32, #tpu.memory_space<vmem>> -> memref<1x128xi32, #tpu.memory_space<vmem>>
      %dma_wait3A_1452 = tpu.memref_squeeze %dma_wait3A_1451 : memref<1x128xi32, #tpu.memory_space<vmem>> -> memref<128xi32, #tpu.memory_space<vmem>>
      %dma_wait3A_1453 = arith.constant 0 : i32
      %dma_wait3A_1454 = arith.constant 0 : i32
      %dma_wait3A_1455 = tpu.memref_slice %arg2[%dma_wait3A_1453, %dma_wait3A_1454] : memref<100352x32xf32, #tpu.memory_space<hbm>> -> memref<100352x32xf32, #tpu.memory_space<hbm>>
      tpu.wait_indirect_dma semaphore(%arg24 : memref<!tpu.dma_semaphore, #tpu.memory_space<semaphore_mem>>) src(%dma_wait3A_1455 : memref<100352x32xf32, #tpu.memory_space<hbm>>) dst(%arg14 : memref<128x32xf32, #tpu.memory_space<vmem>>)
      %dma_start3A_1456 = arith.constant 3 : i32
      %dma_start3A_1457 = arith.constant 0 : i32
      %dma_start3A_1458 = tpu.memref_slice %arg10[%dma_start3A_1456, %dma_start3A_1457] : memref<5x128xi32, #tpu.memory_space<vmem>> -> memref<1x128xi32, #tpu.memory_space<vmem>>
      %dma_start3A_1459 = tpu.memref_squeeze %dma_start3A_1458 : memref<1x128xi32, #tpu.memory_space<vmem>> -> memref<128xi32, #tpu.memory_space<vmem>>
      %dma_start3A_1460 = arith.constant 0 : i32
      %dma_start3A_1461 = arith.constant 0 : i32
      %dma_start3A_1462 = tpu.memref_slice %arg16[%dma_start3A_1460, %dma_start3A_1461] : memref<50176x32xf32, #tpu.memory_space<vmem_shared>> -> memref<50176x32xf32, #tpu.memory_space<vmem_shared>>
      tpu.enqueue_indirect_dma source(%arg14 : memref<128x32xf32, #tpu.memory_space<vmem>>) target(%dma_start3A_1462 : memref<50176x32xf32, #tpu.memory_space<vmem_shared>>) offsets(%dma_start3A_1459 : memref<128xi32, #tpu.memory_space<vmem>>) semaphore(%arg29 : memref<!tpu.dma_semaphore, #tpu.memory_space<semaphore_mem>>) {add = true}
      %dma_wait3A_1463 = arith.constant 4 : i32
      %dma_wait3A_1464 = arith.constant 0 : i32
      %dma_wait3A_1465 = tpu.memref_slice %arg8[%dma_wait3A_1463, %dma_wait3A_1464] : memref<5x128xi32, #tpu.memory_space<vmem>> -> memref<1x128xi32, #tpu.memory_space<vmem>>
      %dma_wait3A_1466 = tpu.memref_squeeze %dma_wait3A_1465 : memref<1x128xi32, #tpu.memory_space<vmem>> -> memref<128xi32, #tpu.memory_space<vmem>>
      %dma_wait3A_1467 = arith.constant 0 : i32
      %dma_wait3A_1468 = arith.constant 0 : i32
      %dma_wait3A_1469 = tpu.memref_slice %arg2[%dma_wait3A_1467, %dma_wait3A_1468] : memref<100352x32xf32, #tpu.memory_space<hbm>> -> memref<100352x32xf32, #tpu.memory_space<hbm>>
      tpu.wait_indirect_dma semaphore(%arg25 : memref<!tpu.dma_semaphore, #tpu.memory_space<semaphore_mem>>) src(%dma_wait3A_1469 : memref<100352x32xf32, #tpu.memory_space<hbm>>) dst(%arg15 : memref<128x32xf32, #tpu.memory_space<vmem>>)
      %dma_start3A_1470 = arith.constant 4 : i32
      %dma_start3A_1471 = arith.constant 0 : i32
      %dma_start3A_1472 = tpu.memref_slice %arg10[%dma_start3A_1470, %dma_start3A_1471] : memref<5x128xi32, #tpu.memory_space<vmem>> -> memref<1x128xi32, #tpu.memory_space<vmem>>
      %dma_start3A_1473 = tpu.memref_squeeze %dma_start3A_1472 : memref<1x128xi32, #tpu.memory_space<vmem>> -> memref<128xi32, #tpu.memory_space<vmem>>
      %dma_start3A_1474 = arith.constant 0 : i32
      %dma_start3A_1475 = arith.constant 0 : i32
      %dma_start3A_1476 = tpu.memref_slice %arg16[%dma_start3A_1474, %dma_start3A_1475] : memref<50176x32xf32, #tpu.memory_space<vmem_shared>> -> memref<50176x32xf32, #tpu.memory_space<vmem_shared>>
      tpu.enqueue_indirect_dma source(%arg15 : memref<128x32xf32, #tpu.memory_space<vmem>>) target(%dma_start3A_1476 : memref<50176x32xf32, #tpu.memory_space<vmem_shared>>) offsets(%dma_start3A_1473 : memref<128xi32, #tpu.memory_space<vmem>>) semaphore(%arg30 : memref<!tpu.dma_semaphore, #tpu.memory_space<semaphore_mem>>) {add = true}
    }
    %scan3A_16 = arith.constant 40 : i32
    %dma_wait3A = arith.constant 0 : i32
    %dma_wait3A_17 = arith.constant 0 : i32
    %dma_wait3A_18 = tpu.memref_slice %arg10[%dma_wait3A, %dma_wait3A_17] : memref<5x128xi32, #tpu.memory_space<vmem>> -> memref<1x128xi32, #tpu.memory_space<vmem>>
    %dma_wait3A_19 = tpu.memref_squeeze %dma_wait3A_18 : memref<1x128xi32, #tpu.memory_space<vmem>> -> memref<128xi32, #tpu.memory_space<vmem>>
    %dma_wait3A_20 = arith.constant 0 : i32
    %dma_wait3A_21 = arith.constant 0 : i32
    %dma_wait3A_22 = tpu.memref_slice %arg16[%dma_wait3A_20, %dma_wait3A_21] : memref<50176x32xf32, #tpu.memory_space<vmem_shared>> -> memref<50176x32xf32, #tpu.memory_space<vmem_shared>>
    tpu.wait_indirect_dma semaphore(%arg26 : memref<!tpu.dma_semaphore, #tpu.memory_space<semaphore_mem>>) src(%arg11 : memref<128x32xf32, #tpu.memory_space<vmem>>) dst(%dma_wait3A_22 : memref<50176x32xf32, #tpu.memory_space<vmem_shared>>)
    %dma_wait3A_23 = arith.constant 1 : i32
    %dma_wait3A_24 = arith.constant 0 : i32
    %dma_wait3A_25 = tpu.memref_slice %arg10[%dma_wait3A_23, %dma_wait3A_24] : memref<5x128xi32, #tpu.memory_space<vmem>> -> memref<1x128xi32, #tpu.memory_space<vmem>>
    %dma_wait3A_26 = tpu.memref_squeeze %dma_wait3A_25 : memref<1x128xi32, #tpu.memory_space<vmem>> -> memref<128xi32, #tpu.memory_space<vmem>>
    %dma_wait3A_27 = arith.constant 0 : i32
    %dma_wait3A_28 = arith.constant 0 : i32
    %dma_wait3A_29 = tpu.memref_slice %arg16[%dma_wait3A_27, %dma_wait3A_28] : memref<50176x32xf32, #tpu.memory_space<vmem_shared>> -> memref<50176x32xf32, #tpu.memory_space<vmem_shared>>
    tpu.wait_indirect_dma semaphore(%arg27 : memref<!tpu.dma_semaphore, #tpu.memory_space<semaphore_mem>>) src(%arg12 : memref<128x32xf32, #tpu.memory_space<vmem>>) dst(%dma_wait3A_29 : memref<50176x32xf32, #tpu.memory_space<vmem_shared>>)
    %dma_wait3A_30 = arith.constant 2 : i32
    %dma_wait3A_31 = arith.constant 0 : i32
    %dma_wait3A_32 = tpu.memref_slice %arg10[%dma_wait3A_30, %dma_wait3A_31] : memref<5x128xi32, #tpu.memory_space<vmem>> -> memref<1x128xi32, #tpu.memory_space<vmem>>
    %dma_wait3A_33 = tpu.memref_squeeze %dma_wait3A_32 : memref<1x128xi32, #tpu.memory_space<vmem>> -> memref<128xi32, #tpu.memory_space<vmem>>
    %dma_wait3A_34 = arith.constant 0 : i32
    %dma_wait3A_35 = arith.constant 0 : i32
    %dma_wait3A_36 = tpu.memref_slice %arg16[%dma_wait3A_34, %dma_wait3A_35] : memref<50176x32xf32, #tpu.memory_space<vmem_shared>> -> memref<50176x32xf32, #tpu.memory_space<vmem_shared>>
    tpu.wait_indirect_dma semaphore(%arg28 : memref<!tpu.dma_semaphore, #tpu.memory_space<semaphore_mem>>) src(%arg13 : memref<128x32xf32, #tpu.memory_space<vmem>>) dst(%dma_wait3A_36 : memref<50176x32xf32, #tpu.memory_space<vmem_shared>>)
    %dma_wait3A_37 = arith.constant 3 : i32
    %dma_wait3A_38 = arith.constant 0 : i32
    %dma_wait3A_39 = tpu.memref_slice %arg10[%dma_wait3A_37, %dma_wait3A_38] : memref<5x128xi32, #tpu.memory_space<vmem>> -> memref<1x128xi32, #tpu.memory_space<vmem>>
    %dma_wait3A_40 = tpu.memref_squeeze %dma_wait3A_39 : memref<1x128xi32, #tpu.memory_space<vmem>> -> memref<128xi32, #tpu.memory_space<vmem>>
    %dma_wait3A_41 = arith.constant 0 : i32
    %dma_wait3A_42 = arith.constant 0 : i32
    %dma_wait3A_43 = tpu.memref_slice %arg16[%dma_wait3A_41, %dma_wait3A_42] : memref<50176x32xf32, #tpu.memory_space<vmem_shared>> -> memref<50176x32xf32, #tpu.memory_space<vmem_shared>>
    tpu.wait_indirect_dma semaphore(%arg29 : memref<!tpu.dma_semaphore, #tpu.memory_space<semaphore_mem>>) src(%arg14 : memref<128x32xf32, #tpu.memory_space<vmem>>) dst(%dma_wait3A_43 : memref<50176x32xf32, #tpu.memory_space<vmem_shared>>)
    %dma_wait3A_44 = arith.constant 4 : i32
    %dma_wait3A_45 = arith.constant 0 : i32
    %dma_wait3A_46 = tpu.memref_slice %arg10[%dma_wait3A_44, %dma_wait3A_45] : memref<5x128xi32, #tpu.memory_space<vmem>> -> memref<1x128xi32, #tpu.memory_space<vmem>>
    %dma_wait3A_47 = tpu.memref_squeeze %dma_wait3A_46 : memref<1x128xi32, #tpu.memory_space<vmem>> -> memref<128xi32, #tpu.memory_space<vmem>>
    %dma_wait3A_48 = arith.constant 0 : i32
    %dma_wait3A_49 = arith.constant 0 : i32
    %dma_wait3A_50 = tpu.memref_slice %arg16[%dma_wait3A_48, %dma_wait3A_49] : memref<50176x32xf32, #tpu.memory_space<vmem_shared>> -> memref<50176x32xf32, #tpu.memory_space<vmem_shared>>
    tpu.wait_indirect_dma semaphore(%arg30 : memref<!tpu.dma_semaphore, #tpu.memory_space<semaphore_mem>>) src(%arg15 : memref<128x32xf32, #tpu.memory_space<vmem>>) dst(%dma_wait3A_50 : memref<50176x32xf32, #tpu.memory_space<vmem_shared>>)
    %barrier3A_51 = arith.constant 0 : index
    tpu.barrier barrier_id(%barrier3A_51)
    %mul3A_52 = arith.constant 3136 : i32
    %mul3A_53 = arith.muli %arg1, %mul3A_52 : i32
    %mul3A_54 = arith.constant 3136 : i32
    %mul3A_55 = arith.muli %arg1, %mul3A_54 : i32
    "tpu.region"() ({
      %run_scoped3A = tpu.sem_alloc : memref<!tpu.dma_semaphore, #tpu.memory_space<semaphore_mem>>
      %dma_start3A_56 = arith.constant 0 : i32
      %dma_start3A_57 = tpu.memref_slice %arg6[%arg0, %mul3A_55, %dma_start3A_56] : memref<2x50176x32xf32, #tpu.memory_space<hbm>> -> memref<1x3136x32xf32, #tpu.memory_space<hbm>>
      %dma_start3A_58 = tpu.memref_squeeze %dma_start3A_57 : memref<1x3136x32xf32, #tpu.memory_space<hbm>> -> memref<3136x32xf32, #tpu.memory_space<hbm>>
      %dma_start3A_59 = arith.constant 0 : i32
      %dma_start3A_60 = tpu.memref_slice %arg16[%mul3A_53, %dma_start3A_59] : memref<50176x32xf32, #tpu.memory_space<vmem_shared>> -> memref<3136x32xf32, #tpu.memory_space<vmem_shared>>
      tpu.enqueue_dma source(%dma_start3A_60 : memref<3136x32xf32, #tpu.memory_space<vmem_shared>>) target(%dma_start3A_58 : memref<3136x32xf32, #tpu.memory_space<hbm>>) target_semaphore(%run_scoped3A : memref<!tpu.dma_semaphore, #tpu.memory_space<semaphore_mem>>)
      %dma_wait3A_61 = arith.constant 0 : i32
      %dma_wait3A_62 = tpu.memref_slice %arg6[%arg0, %mul3A_55, %dma_wait3A_61] : memref<2x50176x32xf32, #tpu.memory_space<hbm>> -> memref<1x3136x32xf32, #tpu.memory_space<hbm>>
      %dma_wait3A_63 = tpu.memref_squeeze %dma_wait3A_62 : memref<1x3136x32xf32, #tpu.memory_space<hbm>> -> memref<3136x32xf32, #tpu.memory_space<hbm>>
      %dma_wait3A_64 = arith.constant 0 : i32
      %dma_wait3A_65 = tpu.memref_slice %arg16[%mul3A_53, %dma_wait3A_64] : memref<50176x32xf32, #tpu.memory_space<vmem_shared>> -> memref<3136x32xf32, #tpu.memory_space<vmem_shared>>
      tpu.wait_dma2 semaphore(%run_scoped3A : memref<!tpu.dma_semaphore, #tpu.memory_space<semaphore_mem>>) src(%dma_wait3A_65 : memref<3136x32xf32, #tpu.memory_space<vmem_shared>>) dst(%dma_wait3A_63 : memref<3136x32xf32, #tpu.memory_space<hbm>>)
      tpu.yield
    }) : () -> ()
    return
  }
}

#map = affine_map<(d0, d1) -> (0, 0)>
#map1 = affine_map<(d0, d1) -> (0, 0, 0)>
module attributes {stable_mosaic.version = 14 : i64} {
  func.func @cnt(%arg0: i32, %arg1: i32, %arg2: memref<6400x128xi32, #tpu.memory_space<hbm>>, %arg3: memref<128x8xf32, #tpu.memory_space<hbm>>, %arg4: memref<50176x8xf32, #tpu.memory_space<hbm>>, %arg5: memref<2x50176x8xf32, #tpu.memory_space<hbm>>, %arg6: memref<5x128xi32, #tpu.memory_space<vmem>>, %arg7: memref<5x128xi32, #tpu.memory_space<vmem>>, %arg8: memref<128x8xf32, #tpu.memory_space<vmem>>, %arg9: memref<50176x8xf32, #tpu.memory_space<vmem_shared>>, %arg10: memref<!tpu.dma_semaphore, #tpu.memory_space<semaphore_mem>>, %arg11: memref<!tpu.dma_semaphore, #tpu.memory_space<semaphore_mem>>, %arg12: memref<!tpu.dma_semaphore, #tpu.memory_space<semaphore_mem>>, %arg13: memref<!tpu.dma_semaphore, #tpu.memory_space<semaphore_mem>>, %arg14: memref<!tpu.dma_semaphore, #tpu.memory_space<semaphore_mem>>, %arg15: memref<!tpu.dma_semaphore, #tpu.memory_space<semaphore_mem>>, %arg16: memref<!tpu.dma_semaphore, #tpu.memory_space<semaphore_mem>>) attributes {dimension_semantics = [#tpu.dimension_semantics<core_parallel>, #tpu.dimension_semantics<subcore_parallel>], iteration_bounds = array<i64: 2, 16>, scalar_prefetch = 0 : i64, scratch_operands = 11 : i64, tpu.core_type = #tpu.core_type<sc_vector_subcore>, window_params = [{transform_indices = #map}, {transform_indices = #map}, {transform_indices = #map}, {transform_indices = #map1}]} {
    %mul3A = arith.constant 2 : i32
    %mul3A_0 = arith.muli %arg1, %mul3A : i32
    %add3A = arith.addi %mul3A_0, %arg0 : i32
    %mul3A_1 = arith.constant 200 : i32
    %mul3A_2 = arith.muli %add3A, %mul3A_1 : i32
    %add3A_3 = arith.constant 0 : i32
    %add3A_4 = arith.addi %mul3A_2, %add3A_3 : i32
    %dma_start3A = arith.constant 0 : i32
    %dma_start3A_5 = tpu.memref_slice %arg2[%add3A_4, %dma_start3A] : memref<6400x128xi32, #tpu.memory_space<hbm>> -> memref<5x128xi32, #tpu.memory_space<hbm>>
    %dma_start3A_6 = arith.constant 0 : i32
    %dma_start3A_7 = tpu.memref_slice %arg2[%add3A_4, %dma_start3A_6] : memref<6400x128xi32, #tpu.memory_space<hbm>> -> memref<5x128xi32, #tpu.memory_space<hbm>>
    tpu.enqueue_dma source(%dma_start3A_7 : memref<5x128xi32, #tpu.memory_space<hbm>>) target(%arg6 : memref<5x128xi32, #tpu.memory_space<vmem>>) target_semaphore(%arg10 : memref<!tpu.dma_semaphore, #tpu.memory_space<semaphore_mem>>)
    "tpu.region"() ({
      %run_scoped3A = tpu.sem_alloc : memref<!tpu.dma_semaphore, #tpu.memory_space<semaphore_mem>>
      tpu.enqueue_dma source(%arg3 : memref<128x8xf32, #tpu.memory_space<hbm>>) target(%arg8 : memref<128x8xf32, #tpu.memory_space<vmem>>) target_semaphore(%run_scoped3A : memref<!tpu.dma_semaphore, #tpu.memory_space<semaphore_mem>>)
      tpu.wait_dma2 semaphore(%run_scoped3A : memref<!tpu.dma_semaphore, #tpu.memory_space<semaphore_mem>>) src(%arg3 : memref<128x8xf32, #tpu.memory_space<hbm>>) dst(%arg8 : memref<128x8xf32, #tpu.memory_space<vmem>>)
      tpu.yield
    }) : () -> ()
    %mul3A_8 = arith.constant 3136 : i32
    %mul3A_9 = arith.muli %arg1, %mul3A_8 : i32
    %mul3A_10 = arith.constant 3136 : i32
    %mul3A_11 = arith.muli %arg1, %mul3A_10 : i32
    "tpu.region"() ({
      %run_scoped3A = tpu.sem_alloc : memref<!tpu.dma_semaphore, #tpu.memory_space<semaphore_mem>>
      %dma_start3A_55 = arith.constant 0 : i32
      %dma_start3A_56 = tpu.memref_slice %arg9[%mul3A_11, %dma_start3A_55] : memref<50176x8xf32, #tpu.memory_space<vmem_shared>> -> memref<3136x8xf32, #tpu.memory_space<vmem_shared>>
      %dma_start3A_57 = arith.constant 0 : i32
      %dma_start3A_58 = tpu.memref_slice %arg4[%mul3A_9, %dma_start3A_57] : memref<50176x8xf32, #tpu.memory_space<hbm>> -> memref<3136x8xf32, #tpu.memory_space<hbm>>
      tpu.enqueue_dma source(%dma_start3A_58 : memref<3136x8xf32, #tpu.memory_space<hbm>>) target(%dma_start3A_56 : memref<3136x8xf32, #tpu.memory_space<vmem_shared>>) target_semaphore(%run_scoped3A : memref<!tpu.dma_semaphore, #tpu.memory_space<semaphore_mem>>)
      %dma_wait3A_59 = arith.constant 0 : i32
      %dma_wait3A_60 = tpu.memref_slice %arg9[%mul3A_11, %dma_wait3A_59] : memref<50176x8xf32, #tpu.memory_space<vmem_shared>> -> memref<3136x8xf32, #tpu.memory_space<vmem_shared>>
      %dma_wait3A_61 = arith.constant 0 : i32
      %dma_wait3A_62 = tpu.memref_slice %arg4[%mul3A_9, %dma_wait3A_61] : memref<50176x8xf32, #tpu.memory_space<hbm>> -> memref<3136x8xf32, #tpu.memory_space<hbm>>
      tpu.wait_dma2 semaphore(%run_scoped3A : memref<!tpu.dma_semaphore, #tpu.memory_space<semaphore_mem>>) src(%dma_wait3A_62 : memref<3136x8xf32, #tpu.memory_space<hbm>>) dst(%dma_wait3A_60 : memref<3136x8xf32, #tpu.memory_space<vmem_shared>>)
      tpu.yield
    }) : () -> ()
    %barrier3A = arith.constant 0 : index
    tpu.barrier barrier_id(%barrier3A)
    %scan3A = arith.constant 0 : i32
    %scan3A_12 = arith.constant 20 : i32
    %scan3A_13 = arith.addi %scan3A, %scan3A_12 : i32
    %scan3A_14 = arith.constant 1 : i32
    scf.for %scan3A_55 = %scan3A to %scan3A_13 step %scan3A_14  : i32 {
      %mul3A_56 = arith.constant 2 : i32
      %mul3A_57 = arith.muli %scan3A_55, %mul3A_56 : i32
      %add3A_58 = arith.constant 0 : i32
      %add3A_59 = arith.addi %add3A_58, %mul3A_57 : i32
      %add3A_60 = arith.constant 0 : i32
      %add3A_61 = arith.addi %add3A_59, %add3A_60 : i32
      %dma_wait3A_62 = arith.constant 0 : i32
      %dma_wait3A_63 = arith.constant 0 : i32
      %dma_wait3A_64 = tpu.memref_slice %arg2[%dma_wait3A_62, %dma_wait3A_63] : memref<6400x128xi32, #tpu.memory_space<hbm>> -> memref<5x128xi32, #tpu.memory_space<hbm>>
      %dma_wait3A_65 = arith.constant 0 : i32
      %dma_wait3A_66 = arith.constant 0 : i32
      %dma_wait3A_67 = tpu.memref_slice %arg2[%dma_wait3A_65, %dma_wait3A_66] : memref<6400x128xi32, #tpu.memory_space<hbm>> -> memref<5x128xi32, #tpu.memory_space<hbm>>
      tpu.wait_dma2 semaphore(%arg10 : memref<!tpu.dma_semaphore, #tpu.memory_space<semaphore_mem>>) src(%dma_wait3A_67 : memref<5x128xi32, #tpu.memory_space<hbm>>) dst(%arg6 : memref<5x128xi32, #tpu.memory_space<vmem>>)
      %gt3A = arith.constant 0 : i32
      %gt3A_68 = arith.cmpi sgt, %add3A_61, %gt3A : i32
      %convert_element_type3A = arith.extui %gt3A_68 : i1 to i32
      %cond3A = arith.constant 0 : i32
      %cond3A_69 = arith.cmpi ne, %convert_element_type3A, %cond3A : i32
      scf.if %cond3A_69 {
        %dma_wait3A_206 = arith.constant 0 : i32
        %dma_wait3A_207 = arith.constant 0 : i32
        %dma_wait3A_208 = tpu.memref_slice %arg6[%dma_wait3A_206, %dma_wait3A_207] : memref<5x128xi32, #tpu.memory_space<vmem>> -> memref<1x128xi32, #tpu.memory_space<vmem>>
        %dma_wait3A_209 = tpu.memref_squeeze %dma_wait3A_208 : memref<1x128xi32, #tpu.memory_space<vmem>> -> memref<128xi32, #tpu.memory_space<vmem>>
        %dma_wait3A_210 = arith.constant 0 : i32
        %dma_wait3A_211 = arith.constant 0 : i32
        %dma_wait3A_212 = tpu.memref_slice %arg9[%dma_wait3A_210, %dma_wait3A_211] : memref<50176x8xf32, #tpu.memory_space<vmem_shared>> -> memref<50176x8xf32, #tpu.memory_space<vmem_shared>>
        tpu.wait_indirect_dma semaphore(%arg12 : memref<!tpu.dma_semaphore, #tpu.memory_space<semaphore_mem>>) src(%arg8 : memref<128x8xf32, #tpu.memory_space<vmem>>) dst(%dma_wait3A_212 : memref<50176x8xf32, #tpu.memory_space<vmem_shared>>)
      } else {
      }
      %dma_start3A_70 = arith.constant 0 : i32
      %dma_start3A_71 = arith.constant 0 : i32
      %dma_start3A_72 = tpu.memref_slice %arg6[%dma_start3A_70, %dma_start3A_71] : memref<5x128xi32, #tpu.memory_space<vmem>> -> memref<1x128xi32, #tpu.memory_space<vmem>>
      %dma_start3A_73 = tpu.memref_squeeze %dma_start3A_72 : memref<1x128xi32, #tpu.memory_space<vmem>> -> memref<128xi32, #tpu.memory_space<vmem>>
      %dma_start3A_74 = arith.constant 0 : i32
      %dma_start3A_75 = arith.constant 0 : i32
      %dma_start3A_76 = tpu.memref_slice %arg9[%dma_start3A_74, %dma_start3A_75] : memref<50176x8xf32, #tpu.memory_space<vmem_shared>> -> memref<50176x8xf32, #tpu.memory_space<vmem_shared>>
      tpu.enqueue_indirect_dma source(%arg8 : memref<128x8xf32, #tpu.memory_space<vmem>>) target(%dma_start3A_76 : memref<50176x8xf32, #tpu.memory_space<vmem_shared>>) offsets(%dma_start3A_73 : memref<128xi32, #tpu.memory_space<vmem>>) semaphore(%arg12 : memref<!tpu.dma_semaphore, #tpu.memory_space<semaphore_mem>>) {add = true}
      %gt3A_77 = arith.constant 0 : i32
      %gt3A_78 = arith.cmpi sgt, %add3A_61, %gt3A_77 : i32
      %convert_element_type3A_79 = arith.extui %gt3A_78 : i1 to i32
      %cond3A_80 = arith.constant 0 : i32
      %cond3A_81 = arith.cmpi ne, %convert_element_type3A_79, %cond3A_80 : i32
      scf.if %cond3A_81 {
        %dma_wait3A_206 = arith.constant 1 : i32
        %dma_wait3A_207 = arith.constant 0 : i32
        %dma_wait3A_208 = tpu.memref_slice %arg6[%dma_wait3A_206, %dma_wait3A_207] : memref<5x128xi32, #tpu.memory_space<vmem>> -> memref<1x128xi32, #tpu.memory_space<vmem>>
        %dma_wait3A_209 = tpu.memref_squeeze %dma_wait3A_208 : memref<1x128xi32, #tpu.memory_space<vmem>> -> memref<128xi32, #tpu.memory_space<vmem>>
        %dma_wait3A_210 = arith.constant 0 : i32
        %dma_wait3A_211 = arith.constant 0 : i32
        %dma_wait3A_212 = tpu.memref_slice %arg9[%dma_wait3A_210, %dma_wait3A_211] : memref<50176x8xf32, #tpu.memory_space<vmem_shared>> -> memref<50176x8xf32, #tpu.memory_space<vmem_shared>>
        tpu.wait_indirect_dma semaphore(%arg13 : memref<!tpu.dma_semaphore, #tpu.memory_space<semaphore_mem>>) src(%arg8 : memref<128x8xf32, #tpu.memory_space<vmem>>) dst(%dma_wait3A_212 : memref<50176x8xf32, #tpu.memory_space<vmem_shared>>)
      } else {
      }
      %dma_start3A_82 = arith.constant 1 : i32
      %dma_start3A_83 = arith.constant 0 : i32
      %dma_start3A_84 = tpu.memref_slice %arg6[%dma_start3A_82, %dma_start3A_83] : memref<5x128xi32, #tpu.memory_space<vmem>> -> memref<1x128xi32, #tpu.memory_space<vmem>>
      %dma_start3A_85 = tpu.memref_squeeze %dma_start3A_84 : memref<1x128xi32, #tpu.memory_space<vmem>> -> memref<128xi32, #tpu.memory_space<vmem>>
      %dma_start3A_86 = arith.constant 0 : i32
      %dma_start3A_87 = arith.constant 0 : i32
      %dma_start3A_88 = tpu.memref_slice %arg9[%dma_start3A_86, %dma_start3A_87] : memref<50176x8xf32, #tpu.memory_space<vmem_shared>> -> memref<50176x8xf32, #tpu.memory_space<vmem_shared>>
      tpu.enqueue_indirect_dma source(%arg8 : memref<128x8xf32, #tpu.memory_space<vmem>>) target(%dma_start3A_88 : memref<50176x8xf32, #tpu.memory_space<vmem_shared>>) offsets(%dma_start3A_85 : memref<128xi32, #tpu.memory_space<vmem>>) semaphore(%arg13 : memref<!tpu.dma_semaphore, #tpu.memory_space<semaphore_mem>>) {add = true}
      %gt3A_89 = arith.constant 0 : i32
      %gt3A_90 = arith.cmpi sgt, %add3A_61, %gt3A_89 : i32
      %convert_element_type3A_91 = arith.extui %gt3A_90 : i1 to i32
      %cond3A_92 = arith.constant 0 : i32
      %cond3A_93 = arith.cmpi ne, %convert_element_type3A_91, %cond3A_92 : i32
      scf.if %cond3A_93 {
        %dma_wait3A_206 = arith.constant 2 : i32
        %dma_wait3A_207 = arith.constant 0 : i32
        %dma_wait3A_208 = tpu.memref_slice %arg6[%dma_wait3A_206, %dma_wait3A_207] : memref<5x128xi32, #tpu.memory_space<vmem>> -> memref<1x128xi32, #tpu.memory_space<vmem>>
        %dma_wait3A_209 = tpu.memref_squeeze %dma_wait3A_208 : memref<1x128xi32, #tpu.memory_space<vmem>> -> memref<128xi32, #tpu.memory_space<vmem>>
        %dma_wait3A_210 = arith.constant 0 : i32
        %dma_wait3A_211 = arith.constant 0 : i32
        %dma_wait3A_212 = tpu.memref_slice %arg9[%dma_wait3A_210, %dma_wait3A_211] : memref<50176x8xf32, #tpu.memory_space<vmem_shared>> -> memref<50176x8xf32, #tpu.memory_space<vmem_shared>>
        tpu.wait_indirect_dma semaphore(%arg14 : memref<!tpu.dma_semaphore, #tpu.memory_space<semaphore_mem>>) src(%arg8 : memref<128x8xf32, #tpu.memory_space<vmem>>) dst(%dma_wait3A_212 : memref<50176x8xf32, #tpu.memory_space<vmem_shared>>)
      } else {
      }
      %dma_start3A_94 = arith.constant 2 : i32
      %dma_start3A_95 = arith.constant 0 : i32
      %dma_start3A_96 = tpu.memref_slice %arg6[%dma_start3A_94, %dma_start3A_95] : memref<5x128xi32, #tpu.memory_space<vmem>> -> memref<1x128xi32, #tpu.memory_space<vmem>>
      %dma_start3A_97 = tpu.memref_squeeze %dma_start3A_96 : memref<1x128xi32, #tpu.memory_space<vmem>> -> memref<128xi32, #tpu.memory_space<vmem>>
      %dma_start3A_98 = arith.constant 0 : i32
      %dma_start3A_99 = arith.constant 0 : i32
      %dma_start3A_100 = tpu.memref_slice %arg9[%dma_start3A_98, %dma_start3A_99] : memref<50176x8xf32, #tpu.memory_space<vmem_shared>> -> memref<50176x8xf32, #tpu.memory_space<vmem_shared>>
      tpu.enqueue_indirect_dma source(%arg8 : memref<128x8xf32, #tpu.memory_space<vmem>>) target(%dma_start3A_100 : memref<50176x8xf32, #tpu.memory_space<vmem_shared>>) offsets(%dma_start3A_97 : memref<128xi32, #tpu.memory_space<vmem>>) semaphore(%arg14 : memref<!tpu.dma_semaphore, #tpu.memory_space<semaphore_mem>>) {add = true}
      %gt3A_101 = arith.constant 0 : i32
      %gt3A_102 = arith.cmpi sgt, %add3A_61, %gt3A_101 : i32
      %convert_element_type3A_103 = arith.extui %gt3A_102 : i1 to i32
      %cond3A_104 = arith.constant 0 : i32
      %cond3A_105 = arith.cmpi ne, %convert_element_type3A_103, %cond3A_104 : i32
      scf.if %cond3A_105 {
        %dma_wait3A_206 = arith.constant 3 : i32
        %dma_wait3A_207 = arith.constant 0 : i32
        %dma_wait3A_208 = tpu.memref_slice %arg6[%dma_wait3A_206, %dma_wait3A_207] : memref<5x128xi32, #tpu.memory_space<vmem>> -> memref<1x128xi32, #tpu.memory_space<vmem>>
        %dma_wait3A_209 = tpu.memref_squeeze %dma_wait3A_208 : memref<1x128xi32, #tpu.memory_space<vmem>> -> memref<128xi32, #tpu.memory_space<vmem>>
        %dma_wait3A_210 = arith.constant 0 : i32
        %dma_wait3A_211 = arith.constant 0 : i32
        %dma_wait3A_212 = tpu.memref_slice %arg9[%dma_wait3A_210, %dma_wait3A_211] : memref<50176x8xf32, #tpu.memory_space<vmem_shared>> -> memref<50176x8xf32, #tpu.memory_space<vmem_shared>>
        tpu.wait_indirect_dma semaphore(%arg15 : memref<!tpu.dma_semaphore, #tpu.memory_space<semaphore_mem>>) src(%arg8 : memref<128x8xf32, #tpu.memory_space<vmem>>) dst(%dma_wait3A_212 : memref<50176x8xf32, #tpu.memory_space<vmem_shared>>)
      } else {
      }
      %dma_start3A_106 = arith.constant 3 : i32
      %dma_start3A_107 = arith.constant 0 : i32
      %dma_start3A_108 = tpu.memref_slice %arg6[%dma_start3A_106, %dma_start3A_107] : memref<5x128xi32, #tpu.memory_space<vmem>> -> memref<1x128xi32, #tpu.memory_space<vmem>>
      %dma_start3A_109 = tpu.memref_squeeze %dma_start3A_108 : memref<1x128xi32, #tpu.memory_space<vmem>> -> memref<128xi32, #tpu.memory_space<vmem>>
      %dma_start3A_110 = arith.constant 0 : i32
      %dma_start3A_111 = arith.constant 0 : i32
      %dma_start3A_112 = tpu.memref_slice %arg9[%dma_start3A_110, %dma_start3A_111] : memref<50176x8xf32, #tpu.memory_space<vmem_shared>> -> memref<50176x8xf32, #tpu.memory_space<vmem_shared>>
      tpu.enqueue_indirect_dma source(%arg8 : memref<128x8xf32, #tpu.memory_space<vmem>>) target(%dma_start3A_112 : memref<50176x8xf32, #tpu.memory_space<vmem_shared>>) offsets(%dma_start3A_109 : memref<128xi32, #tpu.memory_space<vmem>>) semaphore(%arg15 : memref<!tpu.dma_semaphore, #tpu.memory_space<semaphore_mem>>) {add = true}
      %gt3A_113 = arith.constant 0 : i32
      %gt3A_114 = arith.cmpi sgt, %add3A_61, %gt3A_113 : i32
      %convert_element_type3A_115 = arith.extui %gt3A_114 : i1 to i32
      %cond3A_116 = arith.constant 0 : i32
      %cond3A_117 = arith.cmpi ne, %convert_element_type3A_115, %cond3A_116 : i32
      scf.if %cond3A_117 {
        %dma_wait3A_206 = arith.constant 4 : i32
        %dma_wait3A_207 = arith.constant 0 : i32
        %dma_wait3A_208 = tpu.memref_slice %arg6[%dma_wait3A_206, %dma_wait3A_207] : memref<5x128xi32, #tpu.memory_space<vmem>> -> memref<1x128xi32, #tpu.memory_space<vmem>>
        %dma_wait3A_209 = tpu.memref_squeeze %dma_wait3A_208 : memref<1x128xi32, #tpu.memory_space<vmem>> -> memref<128xi32, #tpu.memory_space<vmem>>
        %dma_wait3A_210 = arith.constant 0 : i32
        %dma_wait3A_211 = arith.constant 0 : i32
        %dma_wait3A_212 = tpu.memref_slice %arg9[%dma_wait3A_210, %dma_wait3A_211] : memref<50176x8xf32, #tpu.memory_space<vmem_shared>> -> memref<50176x8xf32, #tpu.memory_space<vmem_shared>>
        tpu.wait_indirect_dma semaphore(%arg16 : memref<!tpu.dma_semaphore, #tpu.memory_space<semaphore_mem>>) src(%arg8 : memref<128x8xf32, #tpu.memory_space<vmem>>) dst(%dma_wait3A_212 : memref<50176x8xf32, #tpu.memory_space<vmem_shared>>)
      } else {
      }
      %dma_start3A_118 = arith.constant 4 : i32
      %dma_start3A_119 = arith.constant 0 : i32
      %dma_start3A_120 = tpu.memref_slice %arg6[%dma_start3A_118, %dma_start3A_119] : memref<5x128xi32, #tpu.memory_space<vmem>> -> memref<1x128xi32, #tpu.memory_space<vmem>>
      %dma_start3A_121 = tpu.memref_squeeze %dma_start3A_120 : memref<1x128xi32, #tpu.memory_space<vmem>> -> memref<128xi32, #tpu.memory_space<vmem>>
      %dma_start3A_122 = arith.constant 0 : i32
      %dma_start3A_123 = arith.constant 0 : i32
      %dma_start3A_124 = tpu.memref_slice %arg9[%dma_start3A_122, %dma_start3A_123] : memref<50176x8xf32, #tpu.memory_space<vmem_shared>> -> memref<50176x8xf32, #tpu.memory_space<vmem_shared>>
      tpu.enqueue_indirect_dma source(%arg8 : memref<128x8xf32, #tpu.memory_space<vmem>>) target(%dma_start3A_124 : memref<50176x8xf32, #tpu.memory_space<vmem_shared>>) offsets(%dma_start3A_121 : memref<128xi32, #tpu.memory_space<vmem>>) semaphore(%arg16 : memref<!tpu.dma_semaphore, #tpu.memory_space<semaphore_mem>>) {add = true}
      %add3A_125 = arith.constant 1 : i32
      %add3A_126 = arith.addi %add3A_61, %add3A_125 : i32
      %lt3A = arith.constant 40 : i32
      %lt3A_127 = arith.cmpi slt, %add3A_126, %lt3A : i32
      %convert_element_type3A_128 = arith.extui %lt3A_127 : i1 to i32
      %cond3A_129 = arith.constant 0 : i32
      %cond3A_130 = arith.cmpi ne, %convert_element_type3A_128, %cond3A_129 : i32
      scf.if %cond3A_130 {
        %add3A_206 = arith.constant 1 : i32
        %add3A_207 = arith.addi %add3A_61, %add3A_206 : i32
        %mul3A_208 = arith.constant 5 : i32
        %mul3A_209 = arith.muli %add3A_207, %mul3A_208 : i32
        %add3A_210 = arith.addi %mul3A_2, %mul3A_209 : i32
        %dma_start3A_211 = arith.constant 0 : i32
        %dma_start3A_212 = tpu.memref_slice %arg2[%add3A_210, %dma_start3A_211] : memref<6400x128xi32, #tpu.memory_space<hbm>> -> memref<5x128xi32, #tpu.memory_space<hbm>>
        %dma_start3A_213 = arith.constant 0 : i32
        %dma_start3A_214 = tpu.memref_slice %arg2[%add3A_210, %dma_start3A_213] : memref<6400x128xi32, #tpu.memory_space<hbm>> -> memref<5x128xi32, #tpu.memory_space<hbm>>
        tpu.enqueue_dma source(%dma_start3A_214 : memref<5x128xi32, #tpu.memory_space<hbm>>) target(%arg7 : memref<5x128xi32, #tpu.memory_space<vmem>>) target_semaphore(%arg11 : memref<!tpu.dma_semaphore, #tpu.memory_space<semaphore_mem>>)
      } else {
      }
      %add3A_131 = arith.constant 1 : i32
      %add3A_132 = arith.addi %add3A_59, %add3A_131 : i32
      %dma_wait3A_133 = arith.constant 0 : i32
      %dma_wait3A_134 = arith.constant 0 : i32
      %dma_wait3A_135 = tpu.memref_slice %arg2[%dma_wait3A_133, %dma_wait3A_134] : memref<6400x128xi32, #tpu.memory_space<hbm>> -> memref<5x128xi32, #tpu.memory_space<hbm>>
      %dma_wait3A_136 = arith.constant 0 : i32
      %dma_wait3A_137 = arith.constant 0 : i32
      %dma_wait3A_138 = tpu.memref_slice %arg2[%dma_wait3A_136, %dma_wait3A_137] : memref<6400x128xi32, #tpu.memory_space<hbm>> -> memref<5x128xi32, #tpu.memory_space<hbm>>
      tpu.wait_dma2 semaphore(%arg11 : memref<!tpu.dma_semaphore, #tpu.memory_space<semaphore_mem>>) src(%dma_wait3A_138 : memref<5x128xi32, #tpu.memory_space<hbm>>) dst(%arg7 : memref<5x128xi32, #tpu.memory_space<vmem>>)
      %gt3A_139 = arith.constant 0 : i32
      %gt3A_140 = arith.cmpi sgt, %add3A_132, %gt3A_139 : i32
      %convert_element_type3A_141 = arith.extui %gt3A_140 : i1 to i32
      %cond3A_142 = arith.constant 0 : i32
      %cond3A_143 = arith.cmpi ne, %convert_element_type3A_141, %cond3A_142 : i32
      scf.if %cond3A_143 {
        %dma_wait3A_206 = arith.constant 0 : i32
        %dma_wait3A_207 = arith.constant 0 : i32
        %dma_wait3A_208 = tpu.memref_slice %arg7[%dma_wait3A_206, %dma_wait3A_207] : memref<5x128xi32, #tpu.memory_space<vmem>> -> memref<1x128xi32, #tpu.memory_space<vmem>>
        %dma_wait3A_209 = tpu.memref_squeeze %dma_wait3A_208 : memref<1x128xi32, #tpu.memory_space<vmem>> -> memref<128xi32, #tpu.memory_space<vmem>>
        %dma_wait3A_210 = arith.constant 0 : i32
        %dma_wait3A_211 = arith.constant 0 : i32
        %dma_wait3A_212 = tpu.memref_slice %arg9[%dma_wait3A_210, %dma_wait3A_211] : memref<50176x8xf32, #tpu.memory_space<vmem_shared>> -> memref<50176x8xf32, #tpu.memory_space<vmem_shared>>
        tpu.wait_indirect_dma semaphore(%arg12 : memref<!tpu.dma_semaphore, #tpu.memory_space<semaphore_mem>>) src(%arg8 : memref<128x8xf32, #tpu.memory_space<vmem>>) dst(%dma_wait3A_212 : memref<50176x8xf32, #tpu.memory_space<vmem_shared>>)
      } else {
      }
      %dma_start3A_144 = arith.constant 0 : i32
      %dma_start3A_145 = arith.constant 0 : i32
      %dma_start3A_146 = tpu.memref_slice %arg7[%dma_start3A_144, %dma_start3A_145] : memref<5x128xi32, #tpu.memory_space<vmem>> -> memref<1x128xi32, #tpu.memory_space<vmem>>
      %dma_start3A_147 = tpu.memref_squeeze %dma_start3A_146 : memref<1x128xi32, #tpu.memory_space<vmem>> -> memref<128xi32, #tpu.memory_space<vmem>>
      %dma_start3A_148 = arith.constant 0 : i32
      %dma_start3A_149 = arith.constant 0 : i32
      %dma_start3A_150 = tpu.memref_slice %arg9[%dma_start3A_148, %dma_start3A_149] : memref<50176x8xf32, #tpu.memory_space<vmem_shared>> -> memref<50176x8xf32, #tpu.memory_space<vmem_shared>>
      tpu.enqueue_indirect_dma source(%arg8 : memref<128x8xf32, #tpu.memory_space<vmem>>) target(%dma_start3A_150 : memref<50176x8xf32, #tpu.memory_space<vmem_shared>>) offsets(%dma_start3A_147 : memref<128xi32, #tpu.memory_space<vmem>>) semaphore(%arg12 : memref<!tpu.dma_semaphore, #tpu.memory_space<semaphore_mem>>) {add = true}
      %gt3A_151 = arith.constant 0 : i32
      %gt3A_152 = arith.cmpi sgt, %add3A_132, %gt3A_151 : i32
      %convert_element_type3A_153 = arith.extui %gt3A_152 : i1 to i32
      %cond3A_154 = arith.constant 0 : i32
      %cond3A_155 = arith.cmpi ne, %convert_element_type3A_153, %cond3A_154 : i32
      scf.if %cond3A_155 {
        %dma_wait3A_206 = arith.constant 1 : i32
        %dma_wait3A_207 = arith.constant 0 : i32
        %dma_wait3A_208 = tpu.memref_slice %arg7[%dma_wait3A_206, %dma_wait3A_207] : memref<5x128xi32, #tpu.memory_space<vmem>> -> memref<1x128xi32, #tpu.memory_space<vmem>>
        %dma_wait3A_209 = tpu.memref_squeeze %dma_wait3A_208 : memref<1x128xi32, #tpu.memory_space<vmem>> -> memref<128xi32, #tpu.memory_space<vmem>>
        %dma_wait3A_210 = arith.constant 0 : i32
        %dma_wait3A_211 = arith.constant 0 : i32
        %dma_wait3A_212 = tpu.memref_slice %arg9[%dma_wait3A_210, %dma_wait3A_211] : memref<50176x8xf32, #tpu.memory_space<vmem_shared>> -> memref<50176x8xf32, #tpu.memory_space<vmem_shared>>
        tpu.wait_indirect_dma semaphore(%arg13 : memref<!tpu.dma_semaphore, #tpu.memory_space<semaphore_mem>>) src(%arg8 : memref<128x8xf32, #tpu.memory_space<vmem>>) dst(%dma_wait3A_212 : memref<50176x8xf32, #tpu.memory_space<vmem_shared>>)
      } else {
      }
      %dma_start3A_156 = arith.constant 1 : i32
      %dma_start3A_157 = arith.constant 0 : i32
      %dma_start3A_158 = tpu.memref_slice %arg7[%dma_start3A_156, %dma_start3A_157] : memref<5x128xi32, #tpu.memory_space<vmem>> -> memref<1x128xi32, #tpu.memory_space<vmem>>
      %dma_start3A_159 = tpu.memref_squeeze %dma_start3A_158 : memref<1x128xi32, #tpu.memory_space<vmem>> -> memref<128xi32, #tpu.memory_space<vmem>>
      %dma_start3A_160 = arith.constant 0 : i32
      %dma_start3A_161 = arith.constant 0 : i32
      %dma_start3A_162 = tpu.memref_slice %arg9[%dma_start3A_160, %dma_start3A_161] : memref<50176x8xf32, #tpu.memory_space<vmem_shared>> -> memref<50176x8xf32, #tpu.memory_space<vmem_shared>>
      tpu.enqueue_indirect_dma source(%arg8 : memref<128x8xf32, #tpu.memory_space<vmem>>) target(%dma_start3A_162 : memref<50176x8xf32, #tpu.memory_space<vmem_shared>>) offsets(%dma_start3A_159 : memref<128xi32, #tpu.memory_space<vmem>>) semaphore(%arg13 : memref<!tpu.dma_semaphore, #tpu.memory_space<semaphore_mem>>) {add = true}
      %gt3A_163 = arith.constant 0 : i32
      %gt3A_164 = arith.cmpi sgt, %add3A_132, %gt3A_163 : i32
      %convert_element_type3A_165 = arith.extui %gt3A_164 : i1 to i32
      %cond3A_166 = arith.constant 0 : i32
      %cond3A_167 = arith.cmpi ne, %convert_element_type3A_165, %cond3A_166 : i32
      scf.if %cond3A_167 {
        %dma_wait3A_206 = arith.constant 2 : i32
        %dma_wait3A_207 = arith.constant 0 : i32
        %dma_wait3A_208 = tpu.memref_slice %arg7[%dma_wait3A_206, %dma_wait3A_207] : memref<5x128xi32, #tpu.memory_space<vmem>> -> memref<1x128xi32, #tpu.memory_space<vmem>>
        %dma_wait3A_209 = tpu.memref_squeeze %dma_wait3A_208 : memref<1x128xi32, #tpu.memory_space<vmem>> -> memref<128xi32, #tpu.memory_space<vmem>>
        %dma_wait3A_210 = arith.constant 0 : i32
        %dma_wait3A_211 = arith.constant 0 : i32
        %dma_wait3A_212 = tpu.memref_slice %arg9[%dma_wait3A_210, %dma_wait3A_211] : memref<50176x8xf32, #tpu.memory_space<vmem_shared>> -> memref<50176x8xf32, #tpu.memory_space<vmem_shared>>
        tpu.wait_indirect_dma semaphore(%arg14 : memref<!tpu.dma_semaphore, #tpu.memory_space<semaphore_mem>>) src(%arg8 : memref<128x8xf32, #tpu.memory_space<vmem>>) dst(%dma_wait3A_212 : memref<50176x8xf32, #tpu.memory_space<vmem_shared>>)
      } else {
      }
      %dma_start3A_168 = arith.constant 2 : i32
      %dma_start3A_169 = arith.constant 0 : i32
      %dma_start3A_170 = tpu.memref_slice %arg7[%dma_start3A_168, %dma_start3A_169] : memref<5x128xi32, #tpu.memory_space<vmem>> -> memref<1x128xi32, #tpu.memory_space<vmem>>
      %dma_start3A_171 = tpu.memref_squeeze %dma_start3A_170 : memref<1x128xi32, #tpu.memory_space<vmem>> -> memref<128xi32, #tpu.memory_space<vmem>>
      %dma_start3A_172 = arith.constant 0 : i32
      %dma_start3A_173 = arith.constant 0 : i32
      %dma_start3A_174 = tpu.memref_slice %arg9[%dma_start3A_172, %dma_start3A_173] : memref<50176x8xf32, #tpu.memory_space<vmem_shared>> -> memref<50176x8xf32, #tpu.memory_space<vmem_shared>>
      tpu.enqueue_indirect_dma source(%arg8 : memref<128x8xf32, #tpu.memory_space<vmem>>) target(%dma_start3A_174 : memref<50176x8xf32, #tpu.memory_space<vmem_shared>>) offsets(%dma_start3A_171 : memref<128xi32, #tpu.memory_space<vmem>>) semaphore(%arg14 : memref<!tpu.dma_semaphore, #tpu.memory_space<semaphore_mem>>) {add = true}
      %gt3A_175 = arith.constant 0 : i32
      %gt3A_176 = arith.cmpi sgt, %add3A_132, %gt3A_175 : i32
      %convert_element_type3A_177 = arith.extui %gt3A_176 : i1 to i32
      %cond3A_178 = arith.constant 0 : i32
      %cond3A_179 = arith.cmpi ne, %convert_element_type3A_177, %cond3A_178 : i32
      scf.if %cond3A_179 {
        %dma_wait3A_206 = arith.constant 3 : i32
        %dma_wait3A_207 = arith.constant 0 : i32
        %dma_wait3A_208 = tpu.memref_slice %arg7[%dma_wait3A_206, %dma_wait3A_207] : memref<5x128xi32, #tpu.memory_space<vmem>> -> memref<1x128xi32, #tpu.memory_space<vmem>>
        %dma_wait3A_209 = tpu.memref_squeeze %dma_wait3A_208 : memref<1x128xi32, #tpu.memory_space<vmem>> -> memref<128xi32, #tpu.memory_space<vmem>>
        %dma_wait3A_210 = arith.constant 0 : i32
        %dma_wait3A_211 = arith.constant 0 : i32
        %dma_wait3A_212 = tpu.memref_slice %arg9[%dma_wait3A_210, %dma_wait3A_211] : memref<50176x8xf32, #tpu.memory_space<vmem_shared>> -> memref<50176x8xf32, #tpu.memory_space<vmem_shared>>
        tpu.wait_indirect_dma semaphore(%arg15 : memref<!tpu.dma_semaphore, #tpu.memory_space<semaphore_mem>>) src(%arg8 : memref<128x8xf32, #tpu.memory_space<vmem>>) dst(%dma_wait3A_212 : memref<50176x8xf32, #tpu.memory_space<vmem_shared>>)
      } else {
      }
      %dma_start3A_180 = arith.constant 3 : i32
      %dma_start3A_181 = arith.constant 0 : i32
      %dma_start3A_182 = tpu.memref_slice %arg7[%dma_start3A_180, %dma_start3A_181] : memref<5x128xi32, #tpu.memory_space<vmem>> -> memref<1x128xi32, #tpu.memory_space<vmem>>
      %dma_start3A_183 = tpu.memref_squeeze %dma_start3A_182 : memref<1x128xi32, #tpu.memory_space<vmem>> -> memref<128xi32, #tpu.memory_space<vmem>>
      %dma_start3A_184 = arith.constant 0 : i32
      %dma_start3A_185 = arith.constant 0 : i32
      %dma_start3A_186 = tpu.memref_slice %arg9[%dma_start3A_184, %dma_start3A_185] : memref<50176x8xf32, #tpu.memory_space<vmem_shared>> -> memref<50176x8xf32, #tpu.memory_space<vmem_shared>>
      tpu.enqueue_indirect_dma source(%arg8 : memref<128x8xf32, #tpu.memory_space<vmem>>) target(%dma_start3A_186 : memref<50176x8xf32, #tpu.memory_space<vmem_shared>>) offsets(%dma_start3A_183 : memref<128xi32, #tpu.memory_space<vmem>>) semaphore(%arg15 : memref<!tpu.dma_semaphore, #tpu.memory_space<semaphore_mem>>) {add = true}
      %gt3A_187 = arith.constant 0 : i32
      %gt3A_188 = arith.cmpi sgt, %add3A_132, %gt3A_187 : i32
      %convert_element_type3A_189 = arith.extui %gt3A_188 : i1 to i32
      %cond3A_190 = arith.constant 0 : i32
      %cond3A_191 = arith.cmpi ne, %convert_element_type3A_189, %cond3A_190 : i32
      scf.if %cond3A_191 {
        %dma_wait3A_206 = arith.constant 4 : i32
        %dma_wait3A_207 = arith.constant 0 : i32
        %dma_wait3A_208 = tpu.memref_slice %arg7[%dma_wait3A_206, %dma_wait3A_207] : memref<5x128xi32, #tpu.memory_space<vmem>> -> memref<1x128xi32, #tpu.memory_space<vmem>>
        %dma_wait3A_209 = tpu.memref_squeeze %dma_wait3A_208 : memref<1x128xi32, #tpu.memory_space<vmem>> -> memref<128xi32, #tpu.memory_space<vmem>>
        %dma_wait3A_210 = arith.constant 0 : i32
        %dma_wait3A_211 = arith.constant 0 : i32
        %dma_wait3A_212 = tpu.memref_slice %arg9[%dma_wait3A_210, %dma_wait3A_211] : memref<50176x8xf32, #tpu.memory_space<vmem_shared>> -> memref<50176x8xf32, #tpu.memory_space<vmem_shared>>
        tpu.wait_indirect_dma semaphore(%arg16 : memref<!tpu.dma_semaphore, #tpu.memory_space<semaphore_mem>>) src(%arg8 : memref<128x8xf32, #tpu.memory_space<vmem>>) dst(%dma_wait3A_212 : memref<50176x8xf32, #tpu.memory_space<vmem_shared>>)
      } else {
      }
      %dma_start3A_192 = arith.constant 4 : i32
      %dma_start3A_193 = arith.constant 0 : i32
      %dma_start3A_194 = tpu.memref_slice %arg7[%dma_start3A_192, %dma_start3A_193] : memref<5x128xi32, #tpu.memory_space<vmem>> -> memref<1x128xi32, #tpu.memory_space<vmem>>
      %dma_start3A_195 = tpu.memref_squeeze %dma_start3A_194 : memref<1x128xi32, #tpu.memory_space<vmem>> -> memref<128xi32, #tpu.memory_space<vmem>>
      %dma_start3A_196 = arith.constant 0 : i32
      %dma_start3A_197 = arith.constant 0 : i32
      %dma_start3A_198 = tpu.memref_slice %arg9[%dma_start3A_196, %dma_start3A_197] : memref<50176x8xf32, #tpu.memory_space<vmem_shared>> -> memref<50176x8xf32, #tpu.memory_space<vmem_shared>>
      tpu.enqueue_indirect_dma source(%arg8 : memref<128x8xf32, #tpu.memory_space<vmem>>) target(%dma_start3A_198 : memref<50176x8xf32, #tpu.memory_space<vmem_shared>>) offsets(%dma_start3A_195 : memref<128xi32, #tpu.memory_space<vmem>>) semaphore(%arg16 : memref<!tpu.dma_semaphore, #tpu.memory_space<semaphore_mem>>) {add = true}
      %add3A_199 = arith.constant 1 : i32
      %add3A_200 = arith.addi %add3A_132, %add3A_199 : i32
      %lt3A_201 = arith.constant 40 : i32
      %lt3A_202 = arith.cmpi slt, %add3A_200, %lt3A_201 : i32
      %convert_element_type3A_203 = arith.extui %lt3A_202 : i1 to i32
      %cond3A_204 = arith.constant 0 : i32
      %cond3A_205 = arith.cmpi ne, %convert_element_type3A_203, %cond3A_204 : i32
      scf.if %cond3A_205 {
        %add3A_206 = arith.constant 1 : i32
        %add3A_207 = arith.addi %add3A_132, %add3A_206 : i32
        %mul3A_208 = arith.constant 5 : i32
        %mul3A_209 = arith.muli %add3A_207, %mul3A_208 : i32
        %add3A_210 = arith.addi %mul3A_2, %mul3A_209 : i32
        %dma_start3A_211 = arith.constant 0 : i32
        %dma_start3A_212 = tpu.memref_slice %arg2[%add3A_210, %dma_start3A_211] : memref<6400x128xi32, #tpu.memory_space<hbm>> -> memref<5x128xi32, #tpu.memory_space<hbm>>
        %dma_start3A_213 = arith.constant 0 : i32
        %dma_start3A_214 = tpu.memref_slice %arg2[%add3A_210, %dma_start3A_213] : memref<6400x128xi32, #tpu.memory_space<hbm>> -> memref<5x128xi32, #tpu.memory_space<hbm>>
        tpu.enqueue_dma source(%dma_start3A_214 : memref<5x128xi32, #tpu.memory_space<hbm>>) target(%arg6 : memref<5x128xi32, #tpu.memory_space<vmem>>) target_semaphore(%arg10 : memref<!tpu.dma_semaphore, #tpu.memory_space<semaphore_mem>>)
      } else {
      }
    }
    %scan3A_15 = arith.constant 20 : i32
    %dma_wait3A = arith.constant 0 : i32
    %dma_wait3A_16 = arith.constant 0 : i32
    %dma_wait3A_17 = tpu.memref_slice %arg7[%dma_wait3A, %dma_wait3A_16] : memref<5x128xi32, #tpu.memory_space<vmem>> -> memref<1x128xi32, #tpu.memory_space<vmem>>
    %dma_wait3A_18 = tpu.memref_squeeze %dma_wait3A_17 : memref<1x128xi32, #tpu.memory_space<vmem>> -> memref<128xi32, #tpu.memory_space<vmem>>
    %dma_wait3A_19 = arith.constant 0 : i32
    %dma_wait3A_20 = arith.constant 0 : i32
    %dma_wait3A_21 = tpu.memref_slice %arg9[%dma_wait3A_19, %dma_wait3A_20] : memref<50176x8xf32, #tpu.memory_space<vmem_shared>> -> memref<50176x8xf32, #tpu.memory_space<vmem_shared>>
    tpu.wait_indirect_dma semaphore(%arg12 : memref<!tpu.dma_semaphore, #tpu.memory_space<semaphore_mem>>) src(%arg8 : memref<128x8xf32, #tpu.memory_space<vmem>>) dst(%dma_wait3A_21 : memref<50176x8xf32, #tpu.memory_space<vmem_shared>>)
    %dma_wait3A_22 = arith.constant 1 : i32
    %dma_wait3A_23 = arith.constant 0 : i32
    %dma_wait3A_24 = tpu.memref_slice %arg7[%dma_wait3A_22, %dma_wait3A_23] : memref<5x128xi32, #tpu.memory_space<vmem>> -> memref<1x128xi32, #tpu.memory_space<vmem>>
    %dma_wait3A_25 = tpu.memref_squeeze %dma_wait3A_24 : memref<1x128xi32, #tpu.memory_space<vmem>> -> memref<128xi32, #tpu.memory_space<vmem>>
    %dma_wait3A_26 = arith.constant 0 : i32
    %dma_wait3A_27 = arith.constant 0 : i32
    %dma_wait3A_28 = tpu.memref_slice %arg9[%dma_wait3A_26, %dma_wait3A_27] : memref<50176x8xf32, #tpu.memory_space<vmem_shared>> -> memref<50176x8xf32, #tpu.memory_space<vmem_shared>>
    tpu.wait_indirect_dma semaphore(%arg13 : memref<!tpu.dma_semaphore, #tpu.memory_space<semaphore_mem>>) src(%arg8 : memref<128x8xf32, #tpu.memory_space<vmem>>) dst(%dma_wait3A_28 : memref<50176x8xf32, #tpu.memory_space<vmem_shared>>)
    %dma_wait3A_29 = arith.constant 2 : i32
    %dma_wait3A_30 = arith.constant 0 : i32
    %dma_wait3A_31 = tpu.memref_slice %arg7[%dma_wait3A_29, %dma_wait3A_30] : memref<5x128xi32, #tpu.memory_space<vmem>> -> memref<1x128xi32, #tpu.memory_space<vmem>>
    %dma_wait3A_32 = tpu.memref_squeeze %dma_wait3A_31 : memref<1x128xi32, #tpu.memory_space<vmem>> -> memref<128xi32, #tpu.memory_space<vmem>>
    %dma_wait3A_33 = arith.constant 0 : i32
    %dma_wait3A_34 = arith.constant 0 : i32
    %dma_wait3A_35 = tpu.memref_slice %arg9[%dma_wait3A_33, %dma_wait3A_34] : memref<50176x8xf32, #tpu.memory_space<vmem_shared>> -> memref<50176x8xf32, #tpu.memory_space<vmem_shared>>
    tpu.wait_indirect_dma semaphore(%arg14 : memref<!tpu.dma_semaphore, #tpu.memory_space<semaphore_mem>>) src(%arg8 : memref<128x8xf32, #tpu.memory_space<vmem>>) dst(%dma_wait3A_35 : memref<50176x8xf32, #tpu.memory_space<vmem_shared>>)
    %dma_wait3A_36 = arith.constant 3 : i32
    %dma_wait3A_37 = arith.constant 0 : i32
    %dma_wait3A_38 = tpu.memref_slice %arg7[%dma_wait3A_36, %dma_wait3A_37] : memref<5x128xi32, #tpu.memory_space<vmem>> -> memref<1x128xi32, #tpu.memory_space<vmem>>
    %dma_wait3A_39 = tpu.memref_squeeze %dma_wait3A_38 : memref<1x128xi32, #tpu.memory_space<vmem>> -> memref<128xi32, #tpu.memory_space<vmem>>
    %dma_wait3A_40 = arith.constant 0 : i32
    %dma_wait3A_41 = arith.constant 0 : i32
    %dma_wait3A_42 = tpu.memref_slice %arg9[%dma_wait3A_40, %dma_wait3A_41] : memref<50176x8xf32, #tpu.memory_space<vmem_shared>> -> memref<50176x8xf32, #tpu.memory_space<vmem_shared>>
    tpu.wait_indirect_dma semaphore(%arg15 : memref<!tpu.dma_semaphore, #tpu.memory_space<semaphore_mem>>) src(%arg8 : memref<128x8xf32, #tpu.memory_space<vmem>>) dst(%dma_wait3A_42 : memref<50176x8xf32, #tpu.memory_space<vmem_shared>>)
    %dma_wait3A_43 = arith.constant 4 : i32
    %dma_wait3A_44 = arith.constant 0 : i32
    %dma_wait3A_45 = tpu.memref_slice %arg7[%dma_wait3A_43, %dma_wait3A_44] : memref<5x128xi32, #tpu.memory_space<vmem>> -> memref<1x128xi32, #tpu.memory_space<vmem>>
    %dma_wait3A_46 = tpu.memref_squeeze %dma_wait3A_45 : memref<1x128xi32, #tpu.memory_space<vmem>> -> memref<128xi32, #tpu.memory_space<vmem>>
    %dma_wait3A_47 = arith.constant 0 : i32
    %dma_wait3A_48 = arith.constant 0 : i32
    %dma_wait3A_49 = tpu.memref_slice %arg9[%dma_wait3A_47, %dma_wait3A_48] : memref<50176x8xf32, #tpu.memory_space<vmem_shared>> -> memref<50176x8xf32, #tpu.memory_space<vmem_shared>>
    tpu.wait_indirect_dma semaphore(%arg16 : memref<!tpu.dma_semaphore, #tpu.memory_space<semaphore_mem>>) src(%arg8 : memref<128x8xf32, #tpu.memory_space<vmem>>) dst(%dma_wait3A_49 : memref<50176x8xf32, #tpu.memory_space<vmem_shared>>)
    %barrier3A_50 = arith.constant 0 : index
    tpu.barrier barrier_id(%barrier3A_50)
    %mul3A_51 = arith.constant 3136 : i32
    %mul3A_52 = arith.muli %arg1, %mul3A_51 : i32
    %mul3A_53 = arith.constant 3136 : i32
    %mul3A_54 = arith.muli %arg1, %mul3A_53 : i32
    "tpu.region"() ({
      %run_scoped3A = tpu.sem_alloc : memref<!tpu.dma_semaphore, #tpu.memory_space<semaphore_mem>>
      %dma_start3A_55 = arith.constant 0 : i32
      %dma_start3A_56 = tpu.memref_slice %arg5[%arg0, %mul3A_54, %dma_start3A_55] : memref<2x50176x8xf32, #tpu.memory_space<hbm>> -> memref<1x3136x8xf32, #tpu.memory_space<hbm>>
      %dma_start3A_57 = tpu.memref_squeeze %dma_start3A_56 : memref<1x3136x8xf32, #tpu.memory_space<hbm>> -> memref<3136x8xf32, #tpu.memory_space<hbm>>
      %dma_start3A_58 = arith.constant 0 : i32
      %dma_start3A_59 = tpu.memref_slice %arg9[%mul3A_52, %dma_start3A_58] : memref<50176x8xf32, #tpu.memory_space<vmem_shared>> -> memref<3136x8xf32, #tpu.memory_space<vmem_shared>>
      tpu.enqueue_dma source(%dma_start3A_59 : memref<3136x8xf32, #tpu.memory_space<vmem_shared>>) target(%dma_start3A_57 : memref<3136x8xf32, #tpu.memory_space<hbm>>) target_semaphore(%run_scoped3A : memref<!tpu.dma_semaphore, #tpu.memory_space<semaphore_mem>>)
      %dma_wait3A_60 = arith.constant 0 : i32
      %dma_wait3A_61 = tpu.memref_slice %arg5[%arg0, %mul3A_54, %dma_wait3A_60] : memref<2x50176x8xf32, #tpu.memory_space<hbm>> -> memref<1x3136x8xf32, #tpu.memory_space<hbm>>
      %dma_wait3A_62 = tpu.memref_squeeze %dma_wait3A_61 : memref<1x3136x8xf32, #tpu.memory_space<hbm>> -> memref<3136x8xf32, #tpu.memory_space<hbm>>
      %dma_wait3A_63 = arith.constant 0 : i32
      %dma_wait3A_64 = tpu.memref_slice %arg9[%mul3A_52, %dma_wait3A_63] : memref<50176x8xf32, #tpu.memory_space<vmem_shared>> -> memref<3136x8xf32, #tpu.memory_space<vmem_shared>>
      tpu.wait_dma2 semaphore(%run_scoped3A : memref<!tpu.dma_semaphore, #tpu.memory_space<semaphore_mem>>) src(%dma_wait3A_64 : memref<3136x8xf32, #tpu.memory_space<vmem_shared>>) dst(%dma_wait3A_62 : memref<3136x8xf32, #tpu.memory_space<hbm>>)
      tpu.yield
    }) : () -> ()
    return
  }
}

module attributes {stable_mosaic.version = 14 : i64} {
  func.func @_mid_body(%arg0: i32, %arg1: memref<3136x32xf32, #tpu.memory_space<vmem>>, %arg2: memref<3136x32xf32, #tpu.memory_space<vmem>>, %arg3: memref<3136x8xf32, #tpu.memory_space<vmem>>, %arg4: memref<3136x8xf32, #tpu.memory_space<vmem>>, %arg5: memref<3136x64xf32, #tpu.memory_space<vmem>>, %arg6: memref<64x64xf32, #tpu.memory_space<vmem>>, %arg7: memref<1x64xf32, #tpu.memory_space<vmem>>, %arg8: memref<64x64xf32, #tpu.memory_space<vmem>>, %arg9: memref<1x64xf32, #tpu.memory_space<vmem>>, %arg10: memref<1x64xf32, #tpu.memory_space<vmem>>, %arg11: memref<64x16xf32, #tpu.memory_space<vmem>>, %arg12: memref<64x16xf32, #tpu.memory_space<vmem>>, %arg13: memref<1x16xf32, #tpu.memory_space<vmem>>, %arg14: memref<3136x128xf32, #tpu.memory_space<vmem>>) attributes {dimension_semantics = [#tpu.dimension_semantics<arbitrary>], iteration_bounds = array<i64: 16>, scalar_prefetch = 0 : i64, scratch_operands = 0 : i64, tpu.core_type = #tpu.core_type<tc>, window_params = [{transform_indices = @transform_0, window_bounds = array<i64: 3136, 32>}, {transform_indices = @transform_1, window_bounds = array<i64: 3136, 32>}, {transform_indices = @transform_2, window_bounds = array<i64: 3136, 8>}, {transform_indices = @transform_3, window_bounds = array<i64: 3136, 8>}, {transform_indices = @transform_4, window_bounds = array<i64: 3136, 64>}, {pipeline_mode = #tpu.pipeline_mode<synchronous>, transform_indices = @transform_5, window_bounds = array<i64: 64, 64>}, {pipeline_mode = #tpu.pipeline_mode<synchronous>, transform_indices = @transform_6, window_bounds = array<i64: 1, 64>}, {pipeline_mode = #tpu.pipeline_mode<synchronous>, transform_indices = @transform_7, window_bounds = array<i64: 64, 64>}, {pipeline_mode = #tpu.pipeline_mode<synchronous>, transform_indices = @transform_8, window_bounds = array<i64: 1, 64>}, {pipeline_mode = #tpu.pipeline_mode<synchronous>, transform_indices = @transform_9, window_bounds = array<i64: 1, 64>}, {pipeline_mode = #tpu.pipeline_mode<synchronous>, transform_indices = @transform_10, window_bounds = array<i64: 64, 16>}, {pipeline_mode = #tpu.pipeline_mode<synchronous>, transform_indices = @transform_11, window_bounds = array<i64: 64, 16>}, {pipeline_mode = #tpu.pipeline_mode<synchronous>, transform_indices = @transform_12, window_bounds = array<i64: 1, 16>}, {transform_indices = @transform_13, window_bounds = array<i64: 3136, 128>}]} {
    %get3A = arith.constant 0 : index
    %get3A_0 = arith.constant 0 : index
    %get3A_1 = vector.load %arg1[%get3A, %get3A_0] : memref<3136x32xf32, #tpu.memory_space<vmem>>, vector<3136x32xf32>
    %get3A_2 = arith.constant 0 : index
    %get3A_3 = arith.constant 0 : index
    %get3A_4 = vector.load %arg2[%get3A_2, %get3A_3] : memref<3136x32xf32, #tpu.memory_space<vmem>>, vector<3136x32xf32>
    %concatenate3A = tpu.concatenate %get3A_1, %get3A_4 in 1 : vector<3136x32xf32>, vector<3136x32xf32> -> vector<3136x64xf32>
    %get3A_5 = arith.constant 0 : index
    %get3A_6 = arith.constant 0 : index
    %get3A_7 = vector.load %arg3[%get3A_5, %get3A_6] : memref<3136x8xf32, #tpu.memory_space<vmem>>, vector<3136x8xf32>
    %get3A_8 = arith.constant 0 : index
    %get3A_9 = arith.constant 0 : index
    %get3A_10 = vector.load %arg4[%get3A_8, %get3A_9] : memref<3136x8xf32, #tpu.memory_space<vmem>>, vector<3136x8xf32>
    %add3A = arith.addf %get3A_7, %get3A_10 : vector<3136x8xf32>
    %slice3A = vector.extract_strided_slice %add3A {offsets = [0, 0], sizes = [3136, 1], strides = [1, 1]} : vector<3136x8xf32> to vector<3136x1xf32>
    %max3A = arith.constant 1.000000e+00 : f32
    %max3A_11 = vector.broadcast %max3A : f32 to vector<3136x1xf32>
    %max3A_12 = arith.maximumf %slice3A, %max3A_11 : vector<3136x1xf32>
    %div3A = arith.constant 1.000000e+00 : f32
    %div3A_13 = vector.broadcast %div3A : f32 to vector<3136x1xf32>
    %div3A_14 = arith.divf %div3A_13, %max3A_12 : vector<3136x1xf32>
    %mul3A = vector.broadcast %div3A_14 : vector<3136x1xf32> to vector<3136x64xf32>
    %mul3A_15 = arith.mulf %concatenate3A, %mul3A : vector<3136x64xf32>
    %get3A_16 = arith.constant 0 : index
    %get3A_17 = arith.constant 0 : index
    %get3A_18 = vector.load %arg6[%get3A_16, %get3A_17] : memref<64x64xf32, #tpu.memory_space<vmem>>, vector<64x64xf32>
    %dot_general3A = arith.constant dense<0.000000e+00> : vector<3136x64xf32>
    %dot_general3A_19 = tpu.matmul %mul3A_15, %get3A_18, %dot_general3A {dimension_numbers = #tpu.dot_dimension_numbers<[1], [0], [0], [1], [0, 0, 1, 1], [], []>, transpose_lhs_hint = false} : vector<3136x64xf32>, vector<64x64xf32>, vector<3136x64xf32> -> vector<3136x64xf32>
    %get3A_20 = arith.constant 0 : index
    %get3A_21 = arith.constant 0 : index
    %get3A_22 = vector.load %arg7[%get3A_20, %get3A_21] : memref<1x64xf32, #tpu.memory_space<vmem>>, vector<1x64xf32>
    %add3A_23 = vector.broadcast %get3A_22 : vector<1x64xf32> to vector<3136x64xf32>
    %add3A_24 = arith.addf %dot_general3A_19, %add3A_23 : vector<3136x64xf32>
    %get3A_25 = arith.constant 0 : index
    %get3A_26 = arith.constant 0 : index
    %get3A_27 = vector.load %arg5[%get3A_25, %get3A_26] : memref<3136x64xf32, #tpu.memory_space<vmem>>, vector<3136x64xf32>
    %get3A_28 = arith.constant 0 : index
    %get3A_29 = arith.constant 0 : index
    %get3A_30 = vector.load %arg8[%get3A_28, %get3A_29] : memref<64x64xf32, #tpu.memory_space<vmem>>, vector<64x64xf32>
    %dot_general3A_31 = arith.constant dense<0.000000e+00> : vector<3136x64xf32>
    %dot_general3A_32 = tpu.matmul %get3A_27, %get3A_30, %dot_general3A_31 {dimension_numbers = #tpu.dot_dimension_numbers<[1], [0], [0], [1], [0, 0, 1, 1], [], []>, transpose_lhs_hint = false} : vector<3136x64xf32>, vector<64x64xf32>, vector<3136x64xf32> -> vector<3136x64xf32>
    %add3A_33 = arith.addf %add3A_24, %dot_general3A_32 : vector<3136x64xf32>
    %reduce_sum3A = arith.constant dense<0.000000e+00> : vector<3136xf32>
    %reduce_sum3A_34 = vector.multi_reduction <add>, %add3A_33, %reduce_sum3A [1] : vector<3136x64xf32> to vector<3136xf32>
    %broadcast_in_dim3A = vector.shape_cast %reduce_sum3A_34 : vector<3136xf32> to vector<3136x1xf32>
    %div3A_35 = arith.constant 6.400000e+01 : f32
    %div3A_36 = vector.broadcast %div3A_35 : f32 to vector<3136x1xf32>
    %div3A_37 = arith.divf %broadcast_in_dim3A, %div3A_36 : vector<3136x1xf32>
    %sub3A = vector.broadcast %div3A_37 : vector<3136x1xf32> to vector<3136x64xf32>
    %sub3A_38 = arith.subf %add3A_33, %sub3A : vector<3136x64xf32>
    %integer_pow3A = arith.mulf %sub3A_38, %sub3A_38 : vector<3136x64xf32>
    %reduce_sum3A_39 = arith.constant dense<0.000000e+00> : vector<3136xf32>
    %reduce_sum3A_40 = vector.multi_reduction <add>, %integer_pow3A, %reduce_sum3A_39 [1] : vector<3136x64xf32> to vector<3136xf32>
    %broadcast_in_dim3A_41 = vector.shape_cast %reduce_sum3A_40 : vector<3136xf32> to vector<3136x1xf32>
    %div3A_42 = arith.constant 6.400000e+01 : f32
    %div3A_43 = vector.broadcast %div3A_42 : f32 to vector<3136x1xf32>
    %div3A_44 = arith.divf %broadcast_in_dim3A_41, %div3A_43 : vector<3136x1xf32>
    %sub3A_45 = vector.broadcast %div3A_37 : vector<3136x1xf32> to vector<3136x64xf32>
    %sub3A_46 = arith.subf %add3A_33, %sub3A_45 : vector<3136x64xf32>
    %add3A_47 = arith.constant 9.99999974E-6 : f32
    %add3A_48 = vector.broadcast %add3A_47 : f32 to vector<3136x1xf32>
    %add3A_49 = arith.addf %div3A_44, %add3A_48 : vector<3136x1xf32>
    %sqrt3A = math.sqrt %add3A_49 : vector<3136x1xf32>
    %div3A_50 = vector.broadcast %sqrt3A : vector<3136x1xf32> to vector<3136x64xf32>
    %div3A_51 = arith.divf %sub3A_46, %div3A_50 : vector<3136x64xf32>
    %get3A_52 = arith.constant 0 : index
    %get3A_53 = arith.constant 0 : index
    %get3A_54 = vector.load %arg9[%get3A_52, %get3A_53] : memref<1x64xf32, #tpu.memory_space<vmem>>, vector<1x64xf32>
    %mul3A_55 = vector.broadcast %get3A_54 : vector<1x64xf32> to vector<3136x64xf32>
    %mul3A_56 = arith.mulf %div3A_51, %mul3A_55 : vector<3136x64xf32>
    %get3A_57 = arith.constant 0 : index
    %get3A_58 = arith.constant 0 : index
    %get3A_59 = vector.load %arg10[%get3A_57, %get3A_58] : memref<1x64xf32, #tpu.memory_space<vmem>>, vector<1x64xf32>
    %add3A_60 = vector.broadcast %get3A_59 : vector<1x64xf32> to vector<3136x64xf32>
    %add3A_61 = arith.addf %mul3A_56, %add3A_60 : vector<3136x64xf32>
    %max3A_62 = arith.constant 0.000000e+00 : f32
    %max3A_63 = vector.broadcast %max3A_62 : f32 to vector<3136x64xf32>
    %max3A_64 = arith.maximumf %add3A_61, %max3A_63 : vector<3136x64xf32>
    %get3A_65 = arith.constant 0 : index
    %get3A_66 = arith.constant 0 : index
    %get3A_67 = vector.load %arg11[%get3A_65, %get3A_66] : memref<64x16xf32, #tpu.memory_space<vmem>>, vector<64x16xf32>
    %dot_general3A_68 = arith.constant dense<0.000000e+00> : vector<3136x16xf32>
    %dot_general3A_69 = tpu.matmul %max3A_64, %get3A_67, %dot_general3A_68 {dimension_numbers = #tpu.dot_dimension_numbers<[1], [0], [0], [1], [0, 0, 1, 1], [], []>, transpose_lhs_hint = false} : vector<3136x64xf32>, vector<64x16xf32>, vector<3136x16xf32> -> vector<3136x16xf32>
    %get3A_70 = arith.constant 0 : index
    %get3A_71 = arith.constant 0 : index
    %get3A_72 = vector.load %arg12[%get3A_70, %get3A_71] : memref<64x16xf32, #tpu.memory_space<vmem>>, vector<64x16xf32>
    %dot_general3A_73 = arith.constant dense<0.000000e+00> : vector<3136x16xf32>
    %dot_general3A_74 = tpu.matmul %max3A_64, %get3A_72, %dot_general3A_73 {dimension_numbers = #tpu.dot_dimension_numbers<[1], [0], [0], [1], [0, 0, 1, 1], [], []>, transpose_lhs_hint = false} : vector<3136x64xf32>, vector<64x16xf32>, vector<3136x16xf32> -> vector<3136x16xf32>
    %get3A_75 = arith.constant 0 : index
    %get3A_76 = arith.constant 0 : index
    %get3A_77 = vector.load %arg13[%get3A_75, %get3A_76] : memref<1x16xf32, #tpu.memory_space<vmem>>, vector<1x16xf32>
    %add3A_78 = vector.broadcast %get3A_77 : vector<1x16xf32> to vector<3136x16xf32>
    %add3A_79 = arith.addf %dot_general3A_74, %add3A_78 : vector<3136x16xf32>
    %broadcast_in_dim3A_80 = vector.shape_cast %div3A_14 : vector<3136x1xf32> to vector<3136x1xf32>
    %broadcast_in_dim3A_81 = vector.broadcast %broadcast_in_dim3A_80 : vector<3136x1xf32> to vector<3136x16xf32>
    %broadcast_in_dim3A_82 = arith.constant 0.000000e+00 : f32
    %broadcast_in_dim3A_83 = vector.broadcast %broadcast_in_dim3A_82 : f32 to vector<3136x80xf32>
    %concatenate3A_84 = tpu.concatenate %dot_general3A_69, %add3A_79, %broadcast_in_dim3A_81, %broadcast_in_dim3A_83 in 1 : vector<3136x16xf32>, vector<3136x16xf32>, vector<3136x16xf32>, vector<3136x80xf32> -> vector<3136x128xf32>
    %swap3A = arith.constant 0 : index
    %swap3A_85 = arith.constant 0 : index
    %swap3A_86 = vector.load %arg14[%swap3A, %swap3A_85] : memref<3136x128xf32, #tpu.memory_space<vmem>>, vector<3136x128xf32>
    tpu.vector_store %arg14[%swap3A, %swap3A_85], %concatenate3A_84 {strides = array<i32>} : memref<3136x128xf32, #tpu.memory_space<vmem>>, vector<3136x128xf32>,
    return
  }
  func.func @transform_0(%arg0: i32) -> (i32, i32) {
    %c0_i32 = arith.constant 0 : i32
    %c0_i32_0 = arith.constant 0 : i32
    return %arg0, %c0_i32 : i32, i32
  }
  func.func @transform_1(%arg0: i32) -> (i32, i32) {
    %c0_i32 = arith.constant 0 : i32
    %c0_i32_0 = arith.constant 0 : i32
    return %arg0, %c0_i32 : i32, i32
  }
  func.func @transform_2(%arg0: i32) -> (i32, i32) {
    %c0_i32 = arith.constant 0 : i32
    %c0_i32_0 = arith.constant 0 : i32
    return %arg0, %c0_i32 : i32, i32
  }
  func.func @transform_3(%arg0: i32) -> (i32, i32) {
    %c0_i32 = arith.constant 0 : i32
    %c0_i32_0 = arith.constant 0 : i32
    return %arg0, %c0_i32 : i32, i32
  }
  func.func @transform_4(%arg0: i32) -> (i32, i32) {
    %c0_i32 = arith.constant 0 : i32
    %c0_i32_0 = arith.constant 0 : i32
    return %arg0, %c0_i32 : i32, i32
  }
  func.func @transform_5(%arg0: i32) -> (i32, i32) {
    %c0_i32 = arith.constant 0 : i32
    %c0_i32_0 = arith.constant 0 : i32
    %c0_i32_1 = arith.constant 0 : i32
    return %c0_i32, %c0_i32_0 : i32, i32
  }
  func.func @transform_6(%arg0: i32) -> (i32, i32) {
    %c0_i32 = arith.constant 0 : i32
    %c0_i32_0 = arith.constant 0 : i32
    %c0_i32_1 = arith.constant 0 : i32
    return %c0_i32, %c0_i32_0 : i32, i32
  }
  func.func @transform_7(%arg0: i32) -> (i32, i32) {
    %c0_i32 = arith.constant 0 : i32
    %c0_i32_0 = arith.constant 0 : i32
    %c0_i32_1 = arith.constant 0 : i32
    return %c0_i32, %c0_i32_0 : i32, i32
  }
  func.func @transform_8(%arg0: i32) -> (i32, i32) {
    %c0_i32 = arith.constant 0 : i32
    %c0_i32_0 = arith.constant 0 : i32
    %c0_i32_1 = arith.constant 0 : i32
    return %c0_i32, %c0_i32_0 : i32, i32
  }
  func.func @transform_9(%arg0: i32) -> (i32, i32) {
    %c0_i32 = arith.constant 0 : i32
    %c0_i32_0 = arith.constant 0 : i32
    %c0_i32_1 = arith.constant 0 : i32
    return %c0_i32, %c0_i32_0 : i32, i32
  }
  func.func @transform_10(%arg0: i32) -> (i32, i32) {
    %c0_i32 = arith.constant 0 : i32
    %c0_i32_0 = arith.constant 0 : i32
    %c0_i32_1 = arith.constant 0 : i32
    return %c0_i32, %c0_i32_0 : i32, i32
  }
  func.func @transform_11(%arg0: i32) -> (i32, i32) {
    %c0_i32 = arith.constant 0 : i32
    %c0_i32_0 = arith.constant 0 : i32
    %c0_i32_1 = arith.constant 0 : i32
    return %c0_i32, %c0_i32_0 : i32, i32
  }
  func.func @transform_12(%arg0: i32) -> (i32, i32) {
    %c0_i32 = arith.constant 0 : i32
    %c0_i32_0 = arith.constant 0 : i32
    %c0_i32_1 = arith.constant 0 : i32
    return %c0_i32, %c0_i32_0 : i32, i32
  }
  func.func @transform_13(%arg0: i32) -> (i32, i32) {
    %c0_i32 = arith.constant 0 : i32
    %c0_i32_0 = arith.constant 0 : i32
    return %arg0, %c0_i32 : i32, i32
  }
}

module attributes {stable_mosaic.version = 14 : i64} {
  func.func @_fin_body(%arg0: i32, %arg1: memref<3136x16xf32, #tpu.memory_space<vmem>>, %arg2: memref<3136x16xf32, #tpu.memory_space<vmem>>, %arg3: memref<3136x128xf32, #tpu.memory_space<vmem>>, %arg4: memref<3136x16xf32, #tpu.memory_space<vmem>>) attributes {dimension_semantics = [#tpu.dimension_semantics<arbitrary>], iteration_bounds = array<i64: 16>, scalar_prefetch = 0 : i64, scratch_operands = 0 : i64, tpu.core_type = #tpu.core_type<tc>, window_params = [{transform_indices = @transform_0, window_bounds = array<i64: 3136, 16>}, {transform_indices = @transform_1, window_bounds = array<i64: 3136, 16>}, {transform_indices = @transform_2, window_bounds = array<i64: 3136, 128>}, {transform_indices = @transform_3, window_bounds = array<i64: 3136, 16>}]} {
    %get3A = arith.constant 0 : index
    %get3A_0 = arith.constant 0 : index
    %get3A_1 = vector.load %arg3[%get3A, %get3A_0] : memref<3136x128xf32, #tpu.memory_space<vmem>>, vector<3136x128xf32>
    %get3A_2 = arith.constant 0 : index
    %get3A_3 = arith.constant 0 : index
    %get3A_4 = vector.load %arg1[%get3A_2, %get3A_3] : memref<3136x16xf32, #tpu.memory_space<vmem>>, vector<3136x16xf32>
    %get3A_5 = arith.constant 0 : index
    %get3A_6 = arith.constant 0 : index
    %get3A_7 = vector.load %arg2[%get3A_5, %get3A_6] : memref<3136x16xf32, #tpu.memory_space<vmem>>, vector<3136x16xf32>
    %add3A = arith.addf %get3A_4, %get3A_7 : vector<3136x16xf32>
    %slice3A = vector.extract_strided_slice %get3A_1 {offsets = [0, 32], sizes = [3136, 16], strides = [1, 1]} : vector<3136x128xf32> to vector<3136x16xf32>
    %mul3A = arith.mulf %add3A, %slice3A : vector<3136x16xf32>
    %slice3A_8 = vector.extract_strided_slice %get3A_1 {offsets = [0, 16], sizes = [3136, 16], strides = [1, 1]} : vector<3136x128xf32> to vector<3136x16xf32>
    %add3A_9 = arith.addf %mul3A, %slice3A_8 : vector<3136x16xf32>
    %iota3A = tpu.iota {dimensions = array<i32: 1>} : vector<3136x16xi32>
    %lt3A = arith.constant 4 : i32
    %lt3A_10 = vector.broadcast %lt3A : i32 to vector<3136x16xi32>
    %lt3A_11 = arith.cmpi slt, %iota3A, %lt3A_10 : vector<3136x16xi32>
    %tanh3A = math.tanh %add3A_9 : vector<3136x16xf32>
    %eq3A = arith.constant 4 : i32
    %eq3A_12 = vector.broadcast %eq3A : i32 to vector<3136x16xi32>
    %eq3A_13 = arith.cmpi eq, %iota3A, %eq3A_12 : vector<3136x16xi32>
    %min3A = arith.constant 2.30258512 : f32
    %min3A_14 = vector.broadcast %min3A : f32 to vector<3136x16xf32>
    %min3A_15 = arith.minimumf %add3A_9, %min3A_14 : vector<3136x16xf32>
    %exp3A = math.exp %min3A_15 : vector<3136x16xf32>
    %jit3A = arith.constant 0.000000e+00 : f32
    %broadcast_in_dim3A = vector.broadcast %jit3A : f32 to vector<3136x16xf32>
    %select_n3A = arith.select %eq3A_13, %exp3A, %broadcast_in_dim3A : vector<3136x16xi1>, vector<3136x16xf32>
    %select_n3A_16 = arith.select %lt3A_11, %tanh3A, %select_n3A : vector<3136x16xi1>, vector<3136x16xf32>
    %swap3A = arith.constant 0 : index
    %swap3A_17 = arith.constant 0 : index
    %swap3A_18 = vector.load %arg4[%swap3A, %swap3A_17] : memref<3136x16xf32, #tpu.memory_space<vmem>>, vector<3136x16xf32>
    tpu.vector_store %arg4[%swap3A, %swap3A_17], %select_n3A_16 {strides = array<i32>} : memref<3136x16xf32, #tpu.memory_space<vmem>>, vector<3136x16xf32>,
    return
  }
  func.func @transform_0(%arg0: i32) -> (i32, i32) {
    %c0_i32 = arith.constant 0 : i32
    %c0_i32_0 = arith.constant 0 : i32
    return %arg0, %c0_i32 : i32, i32
  }
  func.func @transform_1(%arg0: i32) -> (i32, i32) {
    %c0_i32 = arith.constant 0 : i32
    %c0_i32_0 = arith.constant 0 : i32
    return %arg0, %c0_i32 : i32, i32
  }
  func.func @transform_2(%arg0: i32) -> (i32, i32) {
    %c0_i32 = arith.constant 0 : i32
    %c0_i32_0 = arith.constant 0 : i32
    return %arg0, %c0_i32 : i32, i32
  }
  func.func @transform_3(%arg0: i32) -> (i32, i32) {
    %c0_i32 = arith.constant 0 : i32
    %c0_i32_0 = arith.constant 0 : i32
    return %arg0, %c0_i32 : i32, i32
  }
}

</mosaic_0001>

<sc_bundles>
// kernel: kernel.10.cloned.1.call-start
scs
__scs_entry_jumppad:
0x0: {  	(pc) =	sbr.rel $0x88, $3  }
0x1: {  	(tag) =	ssettag $0x0;
	lr =	simm.s32 $0x1  }
0x2: {  	[smem:$0x3F97] =	sst lr;
	_ =	strace $0xD0000000  }
0x3: {  	_ = 	snop  }
0x4: {  	_ = 	snop  }
0x5: {  	_ = 	snop  }
0x6: {  	_ = 	snop  }
0x7: {  	_ = 	snop  }
__scs_overlays_trampoline_lowered:
0x8: {  	[smem:$0x3FA6] =	sst s0  }
0x9: {  	[smem:$0x3FA7] =	sst s1  }
0xa: {  	[smem:$0x3FA8] =	sst s2  }
0xb: {  	[smem:$0x3FA9] =	sst s3  }
0xc: {  	[smem:$0x3FAA] =	sst s4  }
0xd: {  	[smem:$0x3FAB] =	sst s5  }
0xe: {  	[smem:$0x3FAC] =	sst s6  }
0xf: {  	[smem:$0x3FAD] =	sst s7  }
0x10: {  	[smem:$0x3FAE] =	sst s8  }
0x11: {  	[smem:$0x3FAF] =	sst s9;
	s0 =	simm.s32 @!p0 $0x0  }
0x12: {  	s1 =	sld [smem:$0x3F95];
	s0 =	simm.s32 @p0 $0x1  }
0x13: {  	[smem:$0x3FB0] =	sst s0;
	s0 =	simm.s32 @!p1 $0x0  }
0x14: {  	s2 =	sld [smem:$0x3F94];
	s0 =	simm.s32 @p1 $0x1  }
0x15: {  	[smem:$0x3FB1] =	sst s0;
	s0 =	simm.s32 @!p2 $0x0  }
0x16: {  	s3 =	sld [smem:$0x3FDB];
	s0 =	simm.s32 @p2 $0x1  }
0x17: {  	s4 =	simm.s32 $0x1BF5;
	[smem:$0x3FB3] =	sst s0  }
0x18: {  	s0 =	sld [smem:$0x3F96];
	_ =	swait.ge [sflag:s4], $0x0  }
0x19: {  	s7 =	sld [smem:$0x3F97]  }
0x1a: {  	s8 =	sadd.s32 $0xFFFFE003, lr  }
0x1b: {  	s9 =	sadd.s32 $0xFFFFFEF7, lr;
	s5 =	simm.s32 $0xFFFFFFFF;
	p2 =	slt.u32 s8, $0xFFFFF086  }
0x1c: {  	p1 =	slt.u32 s9, $0xF7A;
	s5 =	simm.s32 @!p2 $0x0  }
0x1d: {  	s5 =	simm.s32 @p1 $0x1;
	p0 =	seq.s32 s7, s2  }
0x1e: {  	s7 =	smul.u32 @!p0 $0xF7A, s2;
	p2 =	seq.s32 @!p0 s5, $0x0  }
0x1f: {  	s9 =	smul.u32 $0xF7A, s1;
	s8 =	simm.s32 @!p0 $0x1BF5;
	p2 =	por !p2, p0  }
0x20: {  	[sflag:s8] =	ssyncset.s32 @!p0 $0xFFFFF086;
	s6 =	sadd.s32 @!p0 s3, s7;
	s7 =	simm.s32 @!p0 $0x108  }
0x21: {  	s3 =	sadd.s32 s3, s9;
	s6 =	sadd.s32 @!p0 $0x88, s6;
	s7 =	simm.s32 @p2 $0x1082  }
0x22: {  	[simem:s7], [sflag:s8] =	dma.local @!p0 [hbm:s6], $0xF7A  }
0x23: {  	s9 =	sor.u32 $0xD0000000, s2;
	s6 =	simm.s32 $0x108;
	_ =	swait.ge @!p0 [sflag:s8], $0x0  }
0x24: {  	s3 =	sadd.s32 $0x88, s3;
	s6 =	simm.s32 @!p1 $0x1082;
	[sflag:s4] =	ssyncset.s32 $0xFFFFF086  }
0x25: {  	[simem:s6], [sflag:s4] =	dma.local [hbm:s3], $0xF7A  }
0x26: {  	[smem:$0x3F97] =	sst s1;
	(tag) =	ssettag s2;
	_ =	strace s9  }
0x27: {  	s1 =	sld [smem:$0x3FA7]  }
0x28: {  	s2 =	sld [smem:$0x3FA8]  }
0x29: {  	s4 =	sld [smem:$0x3FAA]  }
0x2a: {  	p0 =	seq.s32 s5, $0x0;
	s5 =	sld [smem:$0x3FAB]  }
0x2b: {  	s6 =	sld [smem:$0x3FAC]  }
0x2c: {  	s7 =	sld [smem:$0x3FAD]  }
0x2d: {  	s3 =	simm.s32 $0x108;
	s8 =	sld [smem:$0x3FAE]  }
0x2e: {  	s3 =	simm.s32 @!p0 $0x1082;
	s9 =	sld [smem:$0x3FAF]  }
0x2f: {  	lr =	sadd.s32 s0, s3;
	s0 =	sld [smem:$0x3FA6]  }
0x30: {  	s3 =	sld [smem:$0x3FA9]  }
0x31: {  	[smem:$0x3FB2] =	sst s10  }
0x32: {  	s10 =	sld [smem:$0x3FB0];
	_ =	sdelay $0x3  }
0x33: {  	p0 =	seq.s32 s10, $0x1;
	s10 =	sld [smem:$0x3FB2];
	_ =	sdelay $0x3  }
0x34: {  	[smem:$0x3FB2] =	sst s10  }
0x35: {  	s10 =	sld [smem:$0x3FB1];
	_ =	sdelay $0x3  }
0x36: {  	p1 =	seq.s32 s10, $0x1;
	s10 =	sld [smem:$0x3FB2];
	_ =	sdelay $0x3  }
0x37: {  	[smem:$0x3FB2] =	sst s10  }
0x38: {  	s10 =	sld [smem:$0x3FB3]  }
0x39: {  	_ = 	snop;
	(pc) =	sbr.ind lr, $3  }
0x3a: {  	_ = 	snop  }
0x3b: {  	_ = 	snop  }
0x3c: {  	p2 =	seq.s32 s10, $0x1;
	s10 =	sld [smem:$0x3FB2]  }
0x3d: {  	_ =	shalt  }
0x3e: {  	_ =	shalt  }
0x3f: {  	_ =	shalt  }
0x40: {  	_ =	shalt  }
0x41: {  	_ =	shalt  }
0x42: {  	_ =	shalt  }
0x43: {  	_ =	shalt  }
0x44: {  	_ =	shalt  }
0x45: {  	_ =	shalt  }
0x46: {  	_ =	shalt  }
0x47: {  	_ =	shalt  }
0x48: {  	_ =	shalt  }
0x49: {  	_ =	shalt  }
0x4a: {  	_ =	shalt  }
0x4b: {  	_ =	shalt  }
0x4c: {  	_ =	shalt  }
0x4d: {  	_ =	shalt  }
0x4e: {  	_ =	shalt  }
0x4f: {  	_ =	shalt  }
0x50: {  	_ =	shalt  }
0x51: {  	_ =	shalt  }
0x52: {  	_ =	shalt  }
0x53: {  	_ =	shalt  }
0x54: {  	_ =	shalt  }
0x55: {  	_ =	shalt  }
0x56: {  	_ =	shalt  }
0x57: {  	_ =	shalt  }
0x58: {  	_ =	shalt  }
0x59: {  	_ =	shalt  }
0x5a: {  	_ =	shalt  }
0x5b: {  	_ =	shalt  }
0x5c: {  	_ =	shalt  }
0x5d: {  	_ =	shalt  }
0x5e: {  	_ =	shalt  }
0x5f: {  	_ =	shalt  }
0x60: {  	_ =	shalt  }
0x61: {  	_ =	shalt  }
0x62: {  	_ =	shalt  }
0x63: {  	_ =	shalt  }
0x64: {  	_ =	shalt  }
0x65: {  	_ =	shalt  }
0x66: {  	_ =	shalt  }
0x67: {  	_ =	shalt  }
0x68: {  	_ =	shalt  }
0x69: {  	_ =	shalt  }
0x6a: {  	_ =	shalt  }
0x6b: {  	_ =	shalt  }
0x6c: {  	_ =	shalt  }
0x6d: {  	_ =	shalt  }
0x6e: {  	_ =	shalt  }
0x6f: {  	_ =	shalt  }
0x70: {  	_ =	shalt  }
0x71: {  	_ =	shalt  }
0x72: {  	_ =	shalt  }
0x73: {  	_ =	shalt  }
0x74: {  	_ =	shalt  }
0x75: {  	_ =	shalt  }
0x76: {  	_ =	shalt  }
0x77: {  	_ =	shalt  }
0x78: {  	_ =	shalt  }
0x79: {  	_ =	shalt  }
0x7a: {  	_ =	shalt  }
0x7b: {  	_ =	shalt  }
0x7c: {  	_ =	shalt  }
0x7d: {  	_ =	shalt  }
0x7e: {  	_ =	shalt  }
0x7f: {  	_ =	shalt  }
0x80: {  	_ =	shalt  }
0x81: {  	_ =	shalt  }
0x82: {  	_ =	shalt  }
0x83: {  	_ =	shalt  }
0x84: {  	_ =	shalt  }
0x85: {  	_ =	shalt  }
0x86: {  	_ =	shalt  }
0x87: {  	_ =	shalt  }
.Lfunc_end0:
.L_simem_size_0:
called_computation.1_lowered:
.L_overlay_start_0:
0x88: {  	s2 =	sld [smem:$0x3FD9]  }
0x89: {  	s3 =	sld [smem:$0x3FFE];
	_ =	sdelay $0x1  }
0x8a: {  	s1 =	srdreg.scid  }
0x8b: {  	s0 =	sand.u32 $0x1, s1  }
0x8c: {  	s16 =	sshll.u32 s0, $0xA;
	s2 =	sadd.s32 s3, s2  }
0x8d: {  	s2 =	sadd.s32 s2, s16  }
0x8e: {  	[smem:$0x3FBE] =	sst s2  }
0x8f: {  	_ = 	snop  }
0x90: {  	(tm) =	ssettm $0x1  }
0x91: {  	s17 =	sld [smem:$0x3FFB];
	_ =	sdelay $0x3  }
0x92: {  	_ =	strace s17  }
0x93: {  	s2 =	sld [smem:$0x3FFC];
	_ =	sdelay $0x3  }
0x94: {  	_ =	strace s2  }
0x95: {  	s2 =	sld [smem:$0x3FFD];
	_ =	sdelay $0x3  }
0x96: {  	_ =	strace s2  }
0x97: {  	_ =	strace $0x8FFFFFFF  }
0x98: {  	s18 =	sld [smem:$0x3FDB];
	_ =	sdelay $0x1  }
0x99: {  	s19 =	simm.s32 $_scs_section_size  }
0x9a: {  	s4 =	simm.s32 $_size__tile_overlayer_lowered;
	s5 =	simm.s32 $_tile_overlayer_lowered  }
0x9b: {  	s22 =	simm.s32 $0x1BFF;
	s21 =	sshll.u32 s5, $0x1;
	s2 =	sadd.s32 s19, s18  }
0x9c: {  	s6 =	simm.s32 $0x0;
	s20 =	sshll.u32 s4, $0x1;
	s4 =	sadd.s32 s21, s2  }
0x9d: {  	[timem:s6], [sflag:s22] =	dma.local [hbm:s4], s20  }
0x9e: {  	_ =	swait.ge [sflag:s22], s20  }
0x9f: {  	s3 =	ssub.s32 $0x0, s20;
	[sflag:s22] =	ssyncset.done $0x0  }
0xa0: {  	[sflag:s22] =	ssyncadd.s32 s3;
	_ =	sdelay $0x1  }
0xa1: {  	s23 =	simm.s32 $0x1B8B  }
0xa2: {  	_ =	swait.ge [sflag:s23], $0x1  }
0xa3: {  	[sflag:s23] =	ssyncset.done $0x0  }
0xa4: {  	s25 =	simm.s32 $0x1B8E;
	s24 =	sld [smem:$0x3FFE];
	[sflag:s23] =	ssyncadd.s32 $0xFFFFFFFF  }
0xa5: {  	s26 =	simm.s32 $execute0_lowered;
	[smem:$0x3FD2] =	sst s25  }
0xa6: {  	s4 =	sshll.u32 s26, $0x1;
	_ =	strace $0x80000046;
	[dreg:$0x1] =	wrdreg $0xFFFFFFFF  }
0xa7: {  	s28 =	simm.s32 $_size_execute0_lowered;
	s2 =	sadd.s32 s2, s4;
	[dreg:$0x0] =	wrdreg $0x0  }
0xa8: {  	s4 =	sshll.u32 s28, $0x1;
	[dreg:$0x2] =	wrdreg s2  }
0xa9: {  	[dreg:$0x3] =	wrdreg s4  }
0xaa: {  	[dreg:$0x4] =	wrdreg $0xC0  }
0xab: {  	_ =	task [dreg:s6], $0x5FFFF  }
0xac: {  	[dreg:$0x1] =	wrdreg $0xFFFFFFFF  }
0xad: {  	[dreg:$0x0] =	wrdreg $0x60  }
0xae: {  	[dreg:$0x2] =	wrdreg s24  }
0xaf: {  	[dreg:$0x3] =	wrdreg $0x5A000  }
0xb0: {  	[dreg:$0x4] =	wrdreg $0xA  }
0xb1: {  	_ =	task.clear_ibuf [dreg:s6], $0x5FFFF;
	_ =	strace $0x90000046  }
0xb2: {  	s29 =	simm.s32 $0xA;
	_ =	strace $0x80000048  }
0xb3: {  	_ =	swait.ge [sflag:s29], $0x1  }
0xb4: {  	[sflag:s29] =	ssyncadd.s32 $0xFFFFFFFF  }
0xb5: {  	_ =	strace $0x90000048  }
0xb6: {  	_ =	sfence  }
0xb7: {  	s30 =	sld [smem:$0x0];
	_ =	sdelay $0x2  }
0xb8: {  	s31 =	sshll.u32 s1, $0xD;
	s1 =	sshrl.u32 s1, $0x2  }
0xb9: {  	s3 =	sand.u32 $0x4000, s31;
	s1 =	sadd.s32 s1, s30  }
0xba: {  	s0 =	sor.u32 s3, s0;
	s1 =	sshll.u32 s1, $0x11  }
0xbb: {  	s0 =	sor.u32 s1, s0  }
0xbc: {  	s0 =	sadd.s32 $0x8F2B, s0  }
0xbd: {  	[sflag:s0] =	ssyncadd.remote.s32 $0x1  }
0xbe: {  	_ =	sfence.sel $0xFFFF  }
0xbf: {  	[dreg:$0x0] =	wrdreg $0xFFFFFFFF;
	(pc) =	sbr.abs _section_cstart, $3  }
0xc0: {  	[dreg:$0x1] =	wrdreg $0xFFFFFFFF  }
0xc1: {  	_ =	task.clear_ibuf [dreg:s6], $0x2FFFF;
	_ =	strace $0x9FFFFFFF  }
0xc2: {  	(tm) =	ssettm $0x7FFFFFFF  }
0xc3: {  	_ =	shalt  }
tec
execute0_lowered:
.L_overlay_start_1:
0x0: {  	(tag) =	ssettag $0x1  }
0x1: {  	s0 =	rddreg [dreg:$0x0]  }
0x2: {  	s2 =	rddreg [dreg:$0x1];
	s3 =	stileid.u32  }
0x3: {  	s4 =	srdreg.scid;
	s13 =	simm.s32 $0x0;
	s14 =	simm.s32 $0x200  }
0x4: {  	s15 =	simm.s32 $0x580;
	s16 =	simm.s32 $0x600;
	s17 =	simm.s32 $0x680  }
0x5: {  	s18 =	simm.s32 $0x700;
	s19 =	simm.s32 $0x300;
	s20 =	simm.s32 $0x380  }
0x6: {  	s21 =	simm.s32 $0x400;
	s22 =	simm.s32 $0x480;
	s23 =	simm.s32 $0x800  }
0x7: {  	s24 =	simm.s32 $0x880;
	s25 =	simm.s32 $0x900;
	[smem:$0x7FF] =	sst s13  }
0x8: {  	s28 =	simm.s32 $0x3A00;
	_ =	strace $0x80000047;
	[dreg:$0x3] =	wrdreg s14  }
0x9: {  	s29 =	simm.s32 $0x9;
	s30 =	simm.s32 $0x2;
	[dreg:$0x4] =	wrdreg s15  }
0xa: {  	s31 =	simm.s32 $0x4;
	s1 =	smul.u32 $0x1900, s3;
	[dreg:$0x5] =	wrdreg s16  }
0xb: {  	s7 =	smul.u32 $0x18800, s3;
	s8 =	sand.u32 $0x1, s4;
	[dreg:$0x6] =	wrdreg s17  }
0xc: {  	s4 =	sadd.s32 $0xC5400, s0;
	s26 =	sshll.u32 s3, $0x6;
	[dreg:$0x7] =	wrdreg s18  }
0xd: {  	s3 =	simm.s32 $0x0;
	s5 =	smul.u32 $0x188000, s8;
	[dreg:$0x8] =	wrdreg s19  }
0xe: {  	s6 =	ssub.s32 $0x2, s8;
	s14 =	simm.s32 $0x1;
	[dreg:$0x9] =	wrdreg s20  }
0xf: {  	s15 =	simm.s32 $0x3;
	s16 =	simm.s32 $0x80;
	[dreg:$0xa] =	wrdreg s21  }
0x10: {  	s17 =	simm.s32 $0x4A00;
	s18 =	simm.s32 $0x280;
	[dreg:$0xb] =	wrdreg s22  }
0x11: {  	s19 =	simm.s32 $0x780;
	s20 =	simm.s32 $0x5;
	[dreg:$0xc] =	wrdreg s23  }
0x12: {  	s21 =	simm.s32 $0xA00;
	[dreg:$0xd] =	wrdreg s24;
	s22 =	simm.s32 $0x6  }
0x13: {  	[dreg:$0xe] =	wrdreg s25;
	s23 =	simm.s32 $0x1A00;
	s24 =	simm.s32 $0x7  }
0x14: {  	s25 =	simm.s32 $0x2A00;
	v0 =	vmov s8;
	s8 =	simm.s32 $0xF;
	[dreg:$0x15] =	wrdreg s3  }
0x15: {  	s3 =	simm.s32 $0x500;
	s1 =	sadd.s32 s1, s0;
	s9 =	sshrl.u32 s7, $0x3  }
0x16: {  	s10 =	sshrl.u32 s6, $0x1;
	s5 =	sadd.s32 s7, s5;
	s9 =	sadd.s32 s9, s0  }
0x17: {  	s10 =	ssub.s32 s6, s10;
	s6 =	sadd.s32 $0x127400, s1;
	s7 =	sadd.s32 s7, s2  }
0x18: {  	s5 =	sshrl.u32 s5, $0x3;
	s11 =	sadd.s32 $0x159400, s9;
	s12 =	smax.u32 s10, $0x1  }
0x19: {  	s9 =	simm.s32 $0xD;
	s10 =	simm.s32 $0xE;
	[dreg:$0x10] =	wrdreg s11  }
0x1a: {  	s11 =	sor.u32 $0x1C0F, s26;
	[dreg:$0x13] =	wrdreg s12;
	s26 =	simm.s32 $0x980  }
0x1b: {  	s0 =	sadd.s32 s5, s0;
	s5 =	sadd.s32 $0x140400, s1;
	[dreg:$0xf] =	wrdreg s26  }
0x1c: {  	s12 =	sshrl.u32 s7, $0x3;
	s1 =	simm.s32 $0xB;
	[dreg:$0x11] =	wrdreg s11  }
0x1d: {  	s7 =	simm.s32 $0xC;
	s0 =	sadd.s32 $0x18A400, s0;
	[dreg:$0x14] =	wrdreg s12  }
0x1e: {  	s26 =	simm.s32 $0x8;
	[dreg:$0x12] =	wrdreg s0;
	s0 =	simm.s32 $0xA  }
.LBB2_1:
0x1f: {  	[tilespmem:s13], [sflag:$0x1] =	stream.linear.gather [hbm4b:s5+s13], $0x280, $0x38;
	[tilespmem:$0x1E200] =	vst v63  }
0x20: {  	_ = 	snop  }
0x21: {  	[tilespmem:s3], [sflag:$0x3] =	stream.linear.gather [hbm4b:s6+s13], $0x280, $0x38;
	[tilespmem:$0x1E200] =	vst v63  }
0x22: {  	s13 =	rddreg [dreg:$0x10]  }
0x23: {  	[spmem:s12], [sflag:s11] =	dma.local [hbm:s13], $0x3100  }
0x24: {  	_ =	swait.ge [sflag:s8], $0x3100  }
0x25: {  	[sflag:s8] =	ssyncset.done $0x0  }
0x26: {  	[sflag:s8] =	ssyncadd.s32 $0xFFFFCF00  }
0x27: {  	s12 =	simm.s32 $0x0;
	[bflag:$0x0] =	sbarrier.arrive $0xFFFF  }
.LBB2_2:
0x28: {  	_ =	swait.ge [sflag:s14], $0x280  }
0x29: {  	[sflag:s14] =	ssyncset.done $0x0  }
0x2a: {  	[sflag:s14] =	ssyncadd.s32 $0xFFFFFD80  }
0x2b: {  	_ =	swait.ge [sflag:s15], $0x280  }
0x2c: {  	[sflag:s15] =	ssyncset.done $0x0  }
0x2d: {  	[sflag:s15] =	ssyncadd.s32 $0xFFFFFD80  }
0x2e: {  	v1 =	vld [tilespmem:$0x0]  }
0x2f: {  	v2 =	vld [tilespmem:$0x10]  }
0x30: {  	v3 =	vld [tilespmem:$0x20]  }
0x31: {  	v4 =	vld [tilespmem:$0x30]  }
0x32: {  	v5 =	vld [tilespmem:$0x40]  }
0x33: {  	v6 =	vld [tilespmem:$0x50];
	v1 =	vshll.u32 v1, $0x1  }
0x34: {  	v7 =	vld [tilespmem:$0x60];
	v2 =	vshll.u32 v2, $0x1;
	v1 =	vor.u32 v0, v1  }
0x35: {  	[tilespmem:$0x0] =	vst v1;
	v1 =	vor.u32 v0, v2;
	v2 =	vshll.u32 v3, $0x1;
	v3 =	vld [tilespmem:$0x70]  }
0x36: {  	v63 =	vld [tilespmem:$0x80];
	[tilespmem:$0x10] =	vst v1;
	v1 =	vor.u32 v0, v2;
	v2 =	vshll.u32 v4, $0x1  }
0x37: {  	v9 =	vld [tilespmem:$0x90];
	[tilespmem:$0x20] =	vst v1;
	v1 =	vor.u32 v0, v2;
	v2 =	vshll.u32 v5, $0x1  }
0x38: {  	v10 =	vld [tilespmem:$0xA0];
	[tilespmem:$0x30] =	vst v1;
	v1 =	vor.u32 v0, v2;
	v2 =	vshll.u32 v6, $0x1  }
0x39: {  	v11 =	vld [tilespmem:$0xB0];
	[tilespmem:$0x40] =	vst v1;
	v1 =	vor.u32 v0, v2;
	v2 =	vshll.u32 v7, $0x1  }
0x3a: {  	[tilespmem:$0x50] =	vst v1;
	v1 =	vor.u32 v0, v2;
	v2 =	vshll.u32 v3, $0x1;
	v3 =	vld [tilespmem:$0xC0]  }
0x3b: {  	v12 =	vld [tilespmem:$0xD0];
	[tilespmem:$0x60] =	vst v1;
	v1 =	vor.u32 v0, v2;
	v2 =	vshll.u32 v63, $0x1  }
0x3c: {  	v13 =	vld [tilespmem:$0xE0];
	[tilespmem:$0x70] =	vst v1;
	v1 =	vor.u32 v0, v2;
	v2 =	vshll.u32 v9, $0x1  }
0x3d: {  	v14 =	vld [tilespmem:$0xF0];
	[tilespmem:$0x80] =	vst v1;
	v1 =	vor.u32 v0, v2;
	v2 =	vshll.u32 v10, $0x1  }
0x3e: {  	v15 =	vld [tilespmem:$0x100];
	[tilespmem:$0x90] =	vst v1;
	v1 =	vor.u32 v0, v2;
	v2 =	vshll.u32 v11, $0x1  }
0x3f: {  	[tilespmem:$0xA0] =	vst v1;
	v1 =	vor.u32 v0, v2;
	v2 =	vshll.u32 v3, $0x1;
	v3 =	vld [tilespmem:$0x110]  }
0x40: {  	v16 =	vld [tilespmem:$0x120];
	[tilespmem:$0xB0] =	vst v1;
	v1 =	vor.u32 v0, v2;
	v2 =	vshll.u32 v12, $0x1  }
0x41: {  	v17 =	vld [tilespmem:$0x130];
	[tilespmem:$0xC0] =	vst v1;
	v1 =	vor.u32 v0, v2;
	v2 =	vshll.u32 v13, $0x1  }
0x42: {  	v18 =	vld [tilespmem:$0x140];
	[tilespmem:$0xD0] =	vst v1;
	v1 =	vor.u32 v0, v2;
	v2 =	vshll.u32 v14, $0x1  }
0x43: {  	v19 =	vld [tilespmem:$0x150];
	[tilespmem:$0xE0] =	vst v1;
	v1 =	vor.u32 v0, v2;
	v2 =	vshll.u32 v15, $0x1  }
0x44: {  	[tilespmem:$0xF0] =	vst v1;
	v1 =	vor.u32 v0, v2;
	v2 =	vshll.u32 v3, $0x1;
	v3 =	vld [tilespmem:$0x160]  }
0x45: {  	v20 =	vld [tilespmem:$0x170];
	[tilespmem:$0x100] =	vst v1;
	v1 =	vor.u32 v0, v2;
	v2 =	vshll.u32 v16, $0x1  }
0x46: {  	v21 =	vld [tilespmem:$0x180];
	[tilespmem:$0x110] =	vst v1;
	v1 =	vor.u32 v0, v2;
	v2 =	vshll.u32 v17, $0x1  }
0x47: {  	v22 =	vld [tilespmem:$0x190];
	[tilespmem:$0x120] =	vst v1;
	v1 =	vor.u32 v0, v2;
	v2 =	vshll.u32 v18, $0x1  }
0x48: {  	v23 =	vld [tilespmem:$0x1A0];
	[tilespmem:$0x130] =	vst v1;
	v1 =	vor.u32 v0, v2;
	v2 =	vshll.u32 v19, $0x1  }
0x49: {  	[tilespmem:$0x140] =	vst v1;
	v1 =	vor.u32 v0, v2;
	v2 =	vshll.u32 v3, $0x1;
	v3 =	vld [tilespmem:$0x1B0]  }
0x4a: {  	v24 =	vld [tilespmem:$0x1C0];
	[tilespmem:$0x150] =	vst v1;
	v1 =	vor.u32 v0, v2;
	v2 =	vshll.u32 v20, $0x1  }
0x4b: {  	v25 =	vld [tilespmem:$0x1D0];
	[tilespmem:$0x160] =	vst v1;
	v1 =	vor.u32 v0, v2;
	v2 =	vshll.u32 v21, $0x1  }
0x4c: {  	v26 =	vld [tilespmem:$0x1E0];
	[tilespmem:$0x170] =	vst v1;
	v1 =	vor.u32 v0, v2;
	v2 =	vshll.u32 v22, $0x1  }
0x4d: {  	v27 =	vld [tilespmem:$0x1F0];
	[tilespmem:$0x180] =	vst v1;
	v1 =	vor.u32 v0, v2;
	v2 =	vshll.u32 v23, $0x1  }
0x4e: {  	[tilespmem:$0x190] =	vst v1;
	v1 =	vor.u32 v0, v2;
	v2 =	vshll.u32 v3, $0x1;
	v3 =	vld [tilespmem:$0x200]  }
0x4f: {  	v28 =	vld [tilespmem:$0x210];
	[tilespmem:$0x1A0] =	vst v1;
	v1 =	vor.u32 v0, v2;
	v2 =	vshll.u32 v24, $0x1  }
0x50: {  	v29 =	vld [tilespmem:$0x220];
	[tilespmem:$0x1B0] =	vst v1;
	v1 =	vor.u32 v0, v2;
	v2 =	vshll.u32 v25, $0x1  }
0x51: {  	v30 =	vld [tilespmem:$0x230];
	[tilespmem:$0x1C0] =	vst v1;
	v1 =	vor.u32 v0, v2;
	v2 =	vshll.u32 v26, $0x1  }
0x52: {  	v31 =	vld [tilespmem:$0x240];
	[tilespmem:$0x1D0] =	vst v1;
	v1 =	vor.u32 v0, v2;
	v2 =	vshll.u32 v27, $0x1  }
0x53: {  	[tilespmem:$0x1E0] =	vst v1;
	v1 =	vor.u32 v0, v2;
	v2 =	vshll.u32 v3, $0x1;
	v3 =	vld [tilespmem:$0x250]  }
0x54: {  	v32 =	vld [tilespmem:$0x260];
	[tilespmem:$0x1F0] =	vst v1;
	v1 =	vor.u32 v0, v2;
	v2 =	vshll.u32 v28, $0x1  }
0x55: {  	v33 =	vld [tilespmem:$0x270];
	[tilespmem:$0x200] =	vst v1;
	v1 =	vor.u32 v0, v2;
	v2 =	vshll.u32 v29, $0x1  }
0x56: {  	[tilespmem:$0x210] =	vst v1;
	v1 =	vor.u32 v0, v2;
	v2 =	vshll.u32 v30, $0x1  }
0x57: {  	[tilespmem:$0x220] =	vst v1;
	v1 =	vor.u32 v0, v2;
	v2 =	vshll.u32 v31, $0x1  }
0x58: {  	[tilespmem:$0x230] =	vst v1;
	v1 =	vor.u32 v0, v2;
	v2 =	vshll.u32 v3, $0x1  }
0x59: {  	[tilespmem:$0x240] =	vst v1;
	v1 =	vor.u32 v0, v2;
	v2 =	vshll.u32 v32, $0x1  }
0x5a: {  	[tilespmem:$0x250] =	vst v1;
	v1 =	vor.u32 v0, v2;
	v2 =	vshll.u32 v33, $0x1  }
0x5b: {  	p0 =	sne.s32 s12, $0x0;
	[tilespmem:$0x260] =	vst v1;
	v1 =	vor.u32 v0, v2  }
0x5c: {  	s13 =	simm.s32 @p0 $0xA;
	[tilespmem:$0x270] =	vst v1  }
0x5d: {  	_ =	swait.ge @p0 [sflag:s13], $0x1000  }
0x5e: {  	s8 =	simm.s32 @p0 $0x0;
	[sflag:s13] =	ssyncset.done @p0 $0x0  }
0x5f: {  	s11 =	simm.s32 @p0 $0xA00;
	[sflag:s13] =	ssyncadd.s32 @p0 $0xFFFFF000;
	s13 =	simm.s32 @p0 $0x80  }
0x60: {  	[tilespmem:s11], [sflag:$0x5] =	stream.indirect.gather @p0 [hbm4b:s4+s13], $0x20, s8, s13, $0xb8;
	[tilespmem:$0x1E200] =	vst v63  }
0x61: {  	s8 =	simm.s32 @p0 $0xB  }
0x62: {  	_ =	swait.ge @p0 [sflag:s8], $0x1000  }
0x63: {  	[sflag:s8] =	ssyncset.done @p0 $0x0  }
0x64: {  	[sflag:s8] =	ssyncadd.s32 @p0 $0xFFFFF000;
	s8 =	simm.s32 @p0 $0x1A00  }
0x65: {  	[tilespmem:s8], [sflag:$0x6] =	stream.indirect.gather @p0 [hbm4b:s4+s13], $0x20, s13, s13, $0xb8;
	[tilespmem:$0x1E200] =	vst v63  }
0x66: {  	s8 =	simm.s32 @p0 $0xC  }
0x67: {  	_ =	swait.ge @p0 [sflag:s8], $0x1000  }
0x68: {  	[sflag:s8] =	ssyncset.done @p0 $0x0  }
0x69: {  	s11 =	simm.s32 @p0 $0x2A00;
	[sflag:s8] =	ssyncadd.s32 @p0 $0xFFFFF000;
	s8 =	simm.s32 @p0 $0x100  }
0x6a: {  	[tilespmem:s11], [sflag:$0x7] =	stream.indirect.gather @p0 [hbm4b:s4+s13], $0x20, s8, s13, $0xb8;
	[tilespmem:$0x1E200] =	vst v63  }
0x6b: {  	s8 =	simm.s32 @p0 $0xD  }
0x6c: {  	_ =	swait.ge @p0 [sflag:s8], $0x1000  }
0x6d: {  	[sflag:s8] =	ssyncset.done @p0 $0x0  }
0x6e: {  	s11 =	simm.s32 @p0 $0x3A00;
	[sflag:s8] =	ssyncadd.s32 @p0 $0xFFFFF000;
	s8 =	simm.s32 @p0 $0x180  }
0x6f: {  	[tilespmem:s11], [sflag:$0x8] =	stream.indirect.gather @p0 [hbm4b:s4+s13], $0x20, s8, s13, $0xb8;
	[tilespmem:$0x1E200] =	vst v63  }
0x70: {  	s8 =	simm.s32 @p0 $0xE  }
0x71: {  	_ =	swait.ge @p0 [sflag:s8], $0x1000  }
0x72: {  	s11 =	simm.s32 @!p0 $0x0;
	[sflag:s8] =	ssyncset.done @p0 $0x0  }
0x73: {  	s13 =	simm.s32 @!p0 $0xA00;
	[sflag:s8] =	ssyncadd.s32 @p0 $0xFFFFF000;
	s8 =	simm.s32 @!p0 $0x80  }
0x74: {  	[tilespmem:s13], [sflag:$0x5] =	stream.indirect.gather @!p0 [hbm4b:s4+s8], $0x20, s11, s8, $0xb8;
	[tilespmem:$0x1E200] =	vst v63  }
0x75: {  	s11 =	simm.s32 @!p0 $0x1A00  }
0x76: {  	[tilespmem:s11], [sflag:$0x6] =	stream.indirect.gather @!p0 [hbm4b:s4+s8], $0x20, s8, s8, $0xb8;
	[tilespmem:$0x1E200] =	vst v63  }
0x77: {  	s13 =	simm.s32 @!p0 $0x2A00;
	s11 =	simm.s32 @!p0 $0x100  }
0x78: {  	[tilespmem:s13], [sflag:$0x7] =	stream.indirect.gather @!p0 [hbm4b:s4+s8], $0x20, s11, s8, $0xb8;
	[tilespmem:$0x1E200] =	vst v63  }
0x79: {  	s11 =	simm.s32 @!p0 $0x180;
	s13 =	simm.s32 @!p0 $0x3A00  }
0x7a: {  	[tilespmem:s13], [sflag:$0x8] =	stream.indirect.gather @!p0 [hbm4b:s4+s8], $0x20, s11, s8, $0xb8;
	[tilespmem:$0x1E200] =	vst v63  }
0x7b: {  	s3 =	rddreg [dreg:$0x3];
	s11 =	sadd.s32 s12, s5  }
0x7c: {  	[tilespmem:s17], [sflag:$0x9] =	stream.indirect.gather [hbm4b:s4+s16], $0x20, s3, s16, $0xb8;
	[tilespmem:$0x1E200] =	vst v63  }
0x7d: {  	s13 =	simm.s32 $0x0;
	s8 =	sadd.s32 s12, s6;
	s3 =	sadd.s32 $0x50, s11  }
0x7e: {  	[tilespmem:s18], [sflag:$0x2] =	stream.linear.gather [hbm4b:s3+s13], $0x280, $0x38;
	[tilespmem:$0x1E200] =	vst v63  }
0x7f: {  	s3 =	sadd.s32 $0x50, s8  }
0x80: {  	[tilespmem:s19], [sflag:$0x4] =	stream.linear.gather [hbm4b:s3+s13], $0x280, $0x38;
	[tilespmem:$0x1E200] =	vst v63  }
0x81: {  	_ =	swait.ge [sflag:s20], $0x1000  }
0x82: {  	[sflag:s20] =	ssyncset.done $0x0  }
0x83: {  	s11 =	simm.s32 $0x500;
	[sflag:s20] =	ssyncadd.s32 $0xFFFFF000  }
0x84: {  	[spmem:s2] =	stream.indirect.scatter.add.f32 [tilespmem:s21], [sflag:$0xA], $0x20, s11, s16, $0xb8;
	[tilespmem:$0x1E200] =	vst v63  }
0x85: {  	_ =	swait.ge [sflag:s22], $0x1000  }
0x86: {  	[sflag:s22] =	ssyncset.done $0x0  }
0x87: {  	s8 =	rddreg [dreg:$0x4];
	[sflag:s22] =	ssyncadd.s32 $0xFFFFF000  }
0x88: {  	[spmem:s2] =	stream.indirect.scatter.add.f32 [tilespmem:s23], [sflag:$0xB], $0x20, s8, s16, $0xb8;
	[tilespmem:$0x1E200] =	vst v63  }
0x89: {  	_ =	swait.ge [sflag:s24], $0x1000  }
0x8a: {  	[sflag:s24] =	ssyncset.done $0x0  }
0x8b: {  	s11 =	rddreg [dreg:$0x5];
	[sflag:s24] =	ssyncadd.s32 $0xFFFFF000  }
0x8c: {  	[spmem:s2] =	stream.indirect.scatter.add.f32 [tilespmem:s25], [sflag:$0xC], $0x20, s11, s16, $0xb8;
	[tilespmem:$0x1E200] =	vst v63  }
0x8d: {  	_ =	swait.ge [sflag:s26], $0x1000  }
0x8e: {  	[sflag:s26] =	ssyncset.done $0x0  }
0x8f: {  	s8 =	rddreg [dreg:$0x6];
	[sflag:s26] =	ssyncadd.s32 $0xFFFFF000  }
0x90: {  	[spmem:s2] =	stream.indirect.scatter.add.f32 [tilespmem:s28], [sflag:$0xD], $0x20, s8, s16, $0xb8;
	[tilespmem:$0x1E200] =	vst v63  }
0x91: {  	_ =	swait.ge [sflag:s29], $0x1000  }
0x92: {  	[sflag:s29] =	ssyncset.done $0x0  }
0x93: {  	s11 =	rddreg [dreg:$0x7];
	[sflag:s29] =	ssyncadd.s32 $0xFFFFF000  }
0x94: {  	[spmem:s2] =	stream.indirect.scatter.add.f32 [tilespmem:s17], [sflag:$0xE], $0x20, s11, s16, $0xb8;
	[tilespmem:$0x1E200] =	vst v63  }
0x95: {  	_ =	swait.ge [sflag:s30], $0x280  }
0x96: {  	[sflag:s30] =	ssyncset.done $0x0  }
0x97: {  	[sflag:s30] =	ssyncadd.s32 $0xFFFFFD80  }
0x98: {  	_ =	swait.ge [sflag:s31], $0x280  }
0x99: {  	[sflag:s31] =	ssyncset.done $0x0  }
0x9a: {  	[sflag:s31] =	ssyncadd.s32 $0xFFFFFD80  }
0x9b: {  	v1 =	vld [tilespmem:$0x280]  }
0x9c: {  	v2 =	vld [tilespmem:$0x290]  }
0x9d: {  	v3 =	vld [tilespmem:$0x2A0]  }
0x9e: {  	v34 =	vld [tilespmem:$0x2B0]  }
0x9f: {  	v35 =	vld [tilespmem:$0x2C0]  }
0xa0: {  	v36 =	vld [tilespmem:$0x2D0];
	v1 =	vshll.u32 v1, $0x1  }
0xa1: {  	v37 =	vld [tilespmem:$0x2E0];
	v2 =	vshll.u32 v2, $0x1;
	v1 =	vor.u32 v0, v1  }
0xa2: {  	[tilespmem:$0x280] =	vst v1;
	v1 =	vor.u32 v0, v2;
	v2 =	vshll.u32 v3, $0x1;
	v3 =	vld [tilespmem:$0x2F0]  }
0xa3: {  	v38 =	vld [tilespmem:$0x300];
	[tilespmem:$0x290] =	vst v1;
	v1 =	vor.u32 v0, v2;
	v2 =	vshll.u32 v34, $0x1  }
0xa4: {  	v39 =	vld [tilespmem:$0x310];
	[tilespmem:$0x2A0] =	vst v1;
	v1 =	vor.u32 v0, v2;
	v2 =	vshll.u32 v35, $0x1  }
0xa5: {  	v40 =	vld [tilespmem:$0x320];
	[tilespmem:$0x2B0] =	vst v1;
	v1 =	vor.u32 v0, v2;
	v2 =	vshll.u32 v36, $0x1  }
0xa6: {  	v41 =	vld [tilespmem:$0x330];
	[tilespmem:$0x2C0] =	vst v1;
	v1 =	vor.u32 v0, v2;
	v2 =	vshll.u32 v37, $0x1  }
0xa7: {  	[tilespmem:$0x2D0] =	vst v1;
	v1 =	vor.u32 v0, v2;
	v2 =	vshll.u32 v3, $0x1;
	v3 =	vld [tilespmem:$0x340]  }
0xa8: {  	v42 =	vld [tilespmem:$0x350];
	[tilespmem:$0x2E0] =	vst v1;
	v1 =	vor.u32 v0, v2;
	v2 =	vshll.u32 v38, $0x1  }
0xa9: {  	v43 =	vld [tilespmem:$0x360];
	[tilespmem:$0x2F0] =	vst v1;
	v1 =	vor.u32 v0, v2;
	v2 =	vshll.u32 v39, $0x1  }
0xaa: {  	v44 =	vld [tilespmem:$0x370];
	[tilespmem:$0x300] =	vst v1;
	v1 =	vor.u32 v0, v2;
	v2 =	vshll.u32 v40, $0x1  }
0xab: {  	v45 =	vld [tilespmem:$0x380];
	[tilespmem:$0x310] =	vst v1;
	v1 =	vor.u32 v0, v2;
	v2 =	vshll.u32 v41, $0x1  }
0xac: {  	[tilespmem:$0x320] =	vst v1;
	v1 =	vor.u32 v0, v2;
	v2 =	vshll.u32 v3, $0x1;
	v3 =	vld [tilespmem:$0x390]  }
0xad: {  	v46 =	vld [tilespmem:$0x3A0];
	[tilespmem:$0x330] =	vst v1;
	v1 =	vor.u32 v0, v2;
	v2 =	vshll.u32 v42, $0x1  }
0xae: {  	v47 =	vld [tilespmem:$0x3B0];
	[tilespmem:$0x340] =	vst v1;
	v1 =	vor.u32 v0, v2;
	v2 =	vshll.u32 v43, $0x1  }
0xaf: {  	v48 =	vld [tilespmem:$0x3C0];
	[tilespmem:$0x350] =	vst v1;
	v1 =	vor.u32 v0, v2;
	v2 =	vshll.u32 v44, $0x1  }
0xb0: {  	v49 =	vld [tilespmem:$0x3D0];
	[tilespmem:$0x360] =	vst v1;
	v1 =	vor.u32 v0, v2;
	v2 =	vshll.u32 v45, $0x1  }
0xb1: {  	[tilespmem:$0x370] =	vst v1;
	v1 =	vor.u32 v0, v2;
	v2 =	vshll.u32 v3, $0x1;
	v3 =	vld [tilespmem:$0x3E0]  }
0xb2: {  	v50 =	vld [tilespmem:$0x3F0];
	[tilespmem:$0x380] =	vst v1;
	v1 =	vor.u32 v0, v2;
	v2 =	vshll.u32 v46, $0x1  }
0xb3: {  	v51 =	vld [tilespmem:$0x400];
	[tilespmem:$0x390] =	vst v1;
	v1 =	vor.u32 v0, v2;
	v2 =	vshll.u32 v47, $0x1  }
0xb4: {  	v52 =	vld [tilespmem:$0x410];
	[tilespmem:$0x3A0] =	vst v1;
	v1 =	vor.u32 v0, v2;
	v2 =	vshll.u32 v48, $0x1  }
0xb5: {  	v53 =	vld [tilespmem:$0x420];
	[tilespmem:$0x3B0] =	vst v1;
	v1 =	vor.u32 v0, v2;
	v2 =	vshll.u32 v49, $0x1  }
0xb6: {  	[tilespmem:$0x3C0] =	vst v1;
	v1 =	vor.u32 v0, v2;
	v2 =	vshll.u32 v3, $0x1;
	v3 =	vld [tilespmem:$0x430]  }
0xb7: {  	v54 =	vld [tilespmem:$0x440];
	[tilespmem:$0x3D0] =	vst v1;
	v1 =	vor.u32 v0, v2;
	v2 =	vshll.u32 v50, $0x1  }
0xb8: {  	v55 =	vld [tilespmem:$0x450];
	[tilespmem:$0x3E0] =	vst v1;
	v1 =	vor.u32 v0, v2;
	v2 =	vshll.u32 v51, $0x1  }
0xb9: {  	v56 =	vld [tilespmem:$0x460];
	[tilespmem:$0x3F0] =	vst v1;
	v1 =	vor.u32 v0, v2;
	v2 =	vshll.u32 v52, $0x1  }
0xba: {  	v57 =	vld [tilespmem:$0x470];
	[tilespmem:$0x400] =	vst v1;
	v1 =	vor.u32 v0, v2;
	v2 =	vshll.u32 v53, $0x1  }
0xbb: {  	[tilespmem:$0x410] =	vst v1;
	v1 =	vor.u32 v0, v2;
	v2 =	vshll.u32 v3, $0x1;
	v3 =	vld [tilespmem:$0x480]  }
0xbc: {  	v58 =	vld [tilespmem:$0x490];
	[tilespmem:$0x420] =	vst v1;
	v1 =	vor.u32 v0, v2;
	v2 =	vshll.u32 v54, $0x1  }
0xbd: {  	v59 =	vld [tilespmem:$0x4A0];
	[tilespmem:$0x430] =	vst v1;
	v1 =	vor.u32 v0, v2;
	v2 =	vshll.u32 v55, $0x1  }
0xbe: {  	v60 =	vld [tilespmem:$0x4B0];
	[tilespmem:$0x440] =	vst v1;
	v1 =	vor.u32 v0, v2;
	v2 =	vshll.u32 v56, $0x1  }
0xbf: {  	v61 =	vld [tilespmem:$0x4C0];
	[tilespmem:$0x450] =	vst v1;
	v1 =	vor.u32 v0, v2;
	v2 =	vshll.u32 v57, $0x1  }
0xc0: {  	[tilespmem:$0x460] =	vst v1;
	v1 =	vor.u32 v0, v2;
	v2 =	vshll.u32 v3, $0x1;
	v3 =	vld [tilespmem:$0x4D0]  }
0xc1: {  	v62 =	vld [tilespmem:$0x4E0];
	[tilespmem:$0x470] =	vst v1;
	v1 =	vor.u32 v0, v2;
	v2 =	vshll.u32 v58, $0x1  }
0xc2: {  	v63 =	vld [tilespmem:$0x4F0];
	[tilespmem:$0x480] =	vst v1;
	v1 =	vor.u32 v0, v2;
	v2 =	vshll.u32 v59, $0x1  }
0xc3: {  	[tilespmem:$0x490] =	vst v1;
	v1 =	vor.u32 v0, v2;
	v2 =	vshll.u32 v60, $0x1  }
0xc4: {  	[tilespmem:$0x4A0] =	vst v1;
	v1 =	vor.u32 v0, v2;
	v2 =	vshll.u32 v61, $0x1  }
0xc5: {  	[tilespmem:$0x4B0] =	vst v1;
	v1 =	vor.u32 v0, v2;
	v2 =	vshll.u32 v3, $0x1  }
0xc6: {  	[tilespmem:$0x4C0] =	vst v1;
	v1 =	vor.u32 v0, v2;
	v2 =	vshll.u32 v62, $0x1  }
0xc7: {  	[tilespmem:$0x4D0] =	vst v1;
	v1 =	vor.u32 v0, v2;
	v2 =	vshll.u32 v63, $0x1  }
0xc8: {  	[tilespmem:$0x4E0] =	vst v1;
	v1 =	vor.u32 v0, v2  }
0xc9: {  	[tilespmem:$0x4F0] =	vst v1  }
0xca: {  	_ =	swait.ge [sflag:s0], $0x1000  }
0xcb: {  	[sflag:s0] =	ssyncset.done $0x0  }
0xcc: {  	[sflag:s0] =	ssyncadd.s32 $0xFFFFF000  }
0xcd: {  	[tilespmem:s21], [sflag:$0x5] =	stream.indirect.gather [hbm4b:s4+s16], $0x20, s18, s16, $0xb8;
	[tilespmem:$0x1E200] =	vst v63  }
0xce: {  	_ =	swait.ge [sflag:s1], $0x1000  }
0xcf: {  	[sflag:s1] =	ssyncset.done $0x0  }
0xd0: {  	s8 =	rddreg [dreg:$0x8];
	[sflag:s1] =	ssyncadd.s32 $0xFFFFF000  }
0xd1: {  	[tilespmem:s23], [sflag:$0x6] =	stream.indirect.gather [hbm4b:s4+s16], $0x20, s8, s16, $0xb8;
	[tilespmem:$0x1E200] =	vst v63  }
0xd2: {  	_ =	swait.ge [sflag:s7], $0x1000  }
0xd3: {  	[sflag:s7] =	ssyncset.done $0x0  }
0xd4: {  	s11 =	rddreg [dreg:$0x9];
	[sflag:s7] =	ssyncadd.s32 $0xFFFFF000  }
0xd5: {  	[tilespmem:s25], [sflag:$0x7] =	stream.indirect.gather [hbm4b:s4+s16], $0x20, s11, s16, $0xb8;
	[tilespmem:$0x1E200] =	vst v63  }
0xd6: {  	_ =	swait.ge [sflag:s9], $0x1000  }
0xd7: {  	[sflag:s9] =	ssyncset.done $0x0  }
0xd8: {  	s8 =	rddreg [dreg:$0xa];
	[sflag:s9] =	ssyncadd.s32 $0xFFFFF000  }
0xd9: {  	[tilespmem:s28], [sflag:$0x8] =	stream.indirect.gather [hbm4b:s4+s16], $0x20, s8, s16, $0xb8;
	[tilespmem:$0x1E200] =	vst v63  }
0xda: {  	_ =	swait.ge [sflag:s10], $0x1000  }
0xdb: {  	p0 =	seq.s32 s12, $0x1860;
	[sflag:s10] =	ssyncset.done $0x0  }
0xdc: {  	s3 =	sadd.s32 @!p0 s12, s5;
	s11 =	rddreg [dreg:$0xb];
	[sflag:s10] =	ssyncadd.s32 $0xFFFFF000  }
0xdd: {  	[tilespmem:s17], [sflag:$0x9] =	stream.indirect.gather [hbm4b:s4+s16], $0x20, s11, s16, $0xb8;
	[tilespmem:$0x1E200] =	vst v63  }
0xde: {  	s3 =	sadd.s32 @!p0 $0xA0, s3;
	s8 =	simm.s32 @!p0 $0x0  }
0xdf: {  	[tilespmem:s8], [sflag:$0x1] =	stream.linear.gather @!p0 [hbm4b:s3+s8], $0x280, $0x38;
	[tilespmem:$0x1E200] =	vst v63  }
0xe0: {  	s3 =	sadd.s32 @!p0 s12, s6  }
0xe1: {  	s11 =	simm.s32 @!p0 $0x500;
	s3 =	sadd.s32 @!p0 $0xA0, s3  }
0xe2: {  	[tilespmem:s11], [sflag:$0x3] =	stream.linear.gather @!p0 [hbm4b:s3+s8], $0x280, $0x38;
	[tilespmem:$0x1E200] =	vst v63  }
0xe3: {  	_ =	swait.ge [sflag:s20], $0x1000  }
0xe4: {  	[sflag:s20] =	ssyncset.done $0x0  }
0xe5: {  	[sflag:s20] =	ssyncadd.s32 $0xFFFFF000  }
0xe6: {  	[spmem:s2] =	stream.indirect.scatter.add.f32 [tilespmem:s21], [sflag:$0xA], $0x20, s19, s16, $0xb8;
	[tilespmem:$0x1E200] =	vst v63  }
0xe7: {  	_ =	swait.ge [sflag:s22], $0x1000  }
0xe8: {  	[sflag:s22] =	ssyncset.done $0x0  }
0xe9: {  	s8 =	rddreg [dreg:$0xc];
	[sflag:s22] =	ssyncadd.s32 $0xFFFFF000  }
0xea: {  	[spmem:s2] =	stream.indirect.scatter.add.f32 [tilespmem:s23], [sflag:$0xB], $0x20, s8, s16, $0xb8;
	[tilespmem:$0x1E200] =	vst v63  }
0xeb: {  	_ =	swait.ge [sflag:s24], $0x1000  }
0xec: {  	[sflag:s24] =	ssyncset.done $0x0  }
0xed: {  	s11 =	rddreg [dreg:$0xd];
	[sflag:s24] =	ssyncadd.s32 $0xFFFFF000  }
0xee: {  	[spmem:s2] =	stream.indirect.scatter.add.f32 [tilespmem:s25], [sflag:$0xC], $0x20, s11, s16, $0xb8;
	[tilespmem:$0x1E200] =	vst v63  }
0xef: {  	_ =	swait.ge [sflag:s26], $0x1000  }
0xf0: {  	s12 =	sadd.s32 $0xA0, s12;
	[sflag:s26] =	ssyncset.done $0x0  }
0xf1: {  	p0 =	sne.s32 s12, $0x1900;
	s8 =	rddreg [dreg:$0xe];
	[sflag:s26] =	ssyncadd.s32 $0xFFFFF000  }
0xf2: {  	[spmem:s2] =	stream.indirect.scatter.add.f32 [tilespmem:s28], [sflag:$0xD], $0x20, s8, s16, $0xb8;
	[tilespmem:$0x1E200] =	vst v63  }
.Ltmp0:
0xf3: {  	_ = 	snop;
	(pc) =	sbr.rel @p0 .LBB2_2-.Ltmp0, $4  }
0xf4: {  	_ =	swait.ge [sflag:s29], $0x1000  }
0xf5: {  	[sflag:s29] =	ssyncset.done $0x0  }
0xf6: {  	s11 =	rddreg [dreg:$0xf];
	[sflag:s29] =	ssyncadd.s32 $0xFFFFF000  }
0xf7: {  	[spmem:s2] =	stream.indirect.scatter.add.f32 [tilespmem:s17], [sflag:$0xE], $0x20, s11, s16, $0xb8;
	[tilespmem:$0x1E200] =	vst v63  }
0xf8: {  	_ =	swait.ge [sflag:s0], $0x1000  }
0xf9: {  	[sflag:s0] =	ssyncset.done $0x0  }
0xfa: {  	[sflag:s0] =	ssyncadd.s32 $0xFFFFF000  }
0xfb: {  	_ =	swait.ge [sflag:s1], $0x1000  }
0xfc: {  	[sflag:s1] =	ssyncset.done $0x0  }
0xfd: {  	[sflag:s1] =	ssyncadd.s32 $0xFFFFF000  }
0xfe: {  	_ =	swait.ge [sflag:s7], $0x1000  }
0xff: {  	[sflag:s7] =	ssyncset.done $0x0  }
0x100: {  	[sflag:s7] =	ssyncadd.s32 $0xFFFFF000  }
0x101: {  	_ =	swait.ge [sflag:s9], $0x1000  }
0x102: {  	[sflag:s9] =	ssyncset.done $0x0  }
0x103: {  	[sflag:s9] =	ssyncadd.s32 $0xFFFFF000  }
0x104: {  	_ =	swait.ge [sflag:s10], $0x1000  }
0x105: {  	[sflag:s10] =	ssyncset.done $0x0  }
0x106: {  	[sflag:s10] =	ssyncadd.s32 $0xFFFFF000  }
0x107: {  	[bflag:$0x0] =	sbarrier.arrive $0xFFFF  }
0x108: {  	s11 =	rddreg [dreg:$0x11]  }
0x109: {  	s3 =	rddreg [dreg:$0x12]  }
0x10a: {  	s8 =	simm.s32 $0xF;
	s12 =	rddreg [dreg:$0x14]  }
0x10b: {  	[hbm:s3], [sflag:s11] =	dma.local [spmem:s12], $0x3100  }
0x10c: {  	_ =	swait.ge [sflag:s8], $0x3100  }
0x10d: {  	s18 =	rddreg [dreg:$0x15]  }
0x10e: {  	s3 =	rddreg [dreg:$0x13];
	s18 =	sadd.s32 $0x1, s18  }
0x10f: {  	p0 =	sne.s32 s18, s3  }
.Ltmp1:
0x110: {  	_ = 	snop;
	(pc) =	sbr.rel @p0 .LBB2_1-.Ltmp1, $4  }
0x111: {  	_ = 	snop  }
0x112: {  	[sflag:s8] =	ssyncset.done $0x0  }
0x113: {  	[sflag:s8] =	ssyncadd.s32 $0xFFFFCF00  }
0x114: {  	[dreg:$0x15] =	wrdreg s18;
	s18 =	simm.s32 $0x280;
	s3 =	simm.s32 $0x500  }
0x115: {  	_ =	sfence.sel $0x180000  }
0x116: {  	[bflag:$0x0] =	sbarrier.arrive $0xFFFF  }
0x117: {  	_ =	strace $0x90000047  }
0x118: {  	s0 =	stileid.u32;
	[bflag:$0x2] =	sbarrier.arrive $0xFFFF  }
0x119: {  	p0 =	sne.s32 s0, $0x0;
	s0 =	rddreg [dreg:$0x2]  }
0x11a: {  	s0 =	sadd.s32 @!p0 $0x100000, s0  }
0x11b: {  	[sflag:s0] =	ssyncadd.tile.s32 @!p0 $0x1;
	_ =	shalt  }
.Lfunc_end2:
_tile_overlayer_lowered:
.L_overlay_start_2:
0x11c: {  	(tag) =	ssettag $0x2  }
0x11d: {  	s0 =	rddreg [dreg:$0x0];
	s2 =	stileid.u32  }
0x11e: {  	s1 =	rddreg [dreg:$0x1];
	p0 =	sne.s32 s2, $0x0  }
0x11f: {  	s3 =	rddreg [dreg:$0x2];
	[bflag:$0x3] =	sbarrier.arrive $0xFFFF;
	s2 =	simm.s32 @!p0 $0x1C0F  }
0x120: {  	[timem:s3], [sflag:s2] =	dma.local @!p0 [hbm:s0], s1  }
0x121: {  	s0 =	simm.s32 @!p0 $0xF  }
0x122: {  	_ =	swait.ge @!p0 [sflag:s0], s1  }
0x123: {  	s1 =	ssub.s32 @!p0 $0x0, s1;
	[sflag:s0] =	ssyncset.done @!p0 $0x0  }
0x124: {  	[sflag:s0] =	ssyncadd.s32 @!p0 s1  }
0x125: {  	[bflag:$0x3] =	sbarrier.arrive $0xFFFF  }
0x126: {  	_ =	shalt  }

// kernel: kernel.13.cloned.1.call-start
scs
__scs_entry_jumppad:
0x0: {  	(pc) =	sbr.rel $0x88, $3  }
0x1: {  	(tag) =	ssettag $0x0;
	lr =	simm.s32 $0x1  }
0x2: {  	[smem:$0x3F97] =	sst lr;
	_ =	strace $0xD0000000  }
0x3: {  	_ = 	snop  }
0x4: {  	_ = 	snop  }
0x5: {  	_ = 	snop  }
0x6: {  	_ = 	snop  }
0x7: {  	_ = 	snop  }
__scs_overlays_trampoline_lowered:
0x8: {  	[smem:$0x3FA6] =	sst s0  }
0x9: {  	[smem:$0x3FA7] =	sst s1  }
0xa: {  	[smem:$0x3FA8] =	sst s2  }
0xb: {  	[smem:$0x3FA9] =	sst s3  }
0xc: {  	[smem:$0x3FAA] =	sst s4  }
0xd: {  	[smem:$0x3FAB] =	sst s5  }
0xe: {  	[smem:$0x3FAC] =	sst s6  }
0xf: {  	[smem:$0x3FAD] =	sst s7  }
0x10: {  	[smem:$0x3FAE] =	sst s8  }
0x11: {  	[smem:$0x3FAF] =	sst s9;
	s0 =	simm.s32 @!p0 $0x0  }
0x12: {  	s1 =	sld [smem:$0x3F95];
	s0 =	simm.s32 @p0 $0x1  }
0x13: {  	[smem:$0x3FB0] =	sst s0;
	s0 =	simm.s32 @!p1 $0x0  }
0x14: {  	s2 =	sld [smem:$0x3F94];
	s0 =	simm.s32 @p1 $0x1  }
0x15: {  	[smem:$0x3FB1] =	sst s0;
	s0 =	simm.s32 @!p2 $0x0  }
0x16: {  	s3 =	sld [smem:$0x3FDB];
	s0 =	simm.s32 @p2 $0x1  }
0x17: {  	s4 =	simm.s32 $0x1BF5;
	[smem:$0x3FB3] =	sst s0  }
0x18: {  	s0 =	sld [smem:$0x3F96];
	_ =	swait.ge [sflag:s4], $0x0  }
0x19: {  	s7 =	sld [smem:$0x3F97]  }
0x1a: {  	s8 =	sadd.s32 $0xFFFFE003, lr  }
0x1b: {  	s9 =	sadd.s32 $0xFFFFFEF7, lr;
	s5 =	simm.s32 $0xFFFFFFFF;
	p2 =	slt.u32 s8, $0xFFFFF086  }
0x1c: {  	p1 =	slt.u32 s9, $0xF7A;
	s5 =	simm.s32 @!p2 $0x0  }
0x1d: {  	s5 =	simm.s32 @p1 $0x1;
	p0 =	seq.s32 s7, s2  }
0x1e: {  	s7 =	smul.u32 @!p0 $0xF7A, s2;
	p2 =	seq.s32 @!p0 s5, $0x0  }
0x1f: {  	s9 =	smul.u32 $0xF7A, s1;
	s8 =	simm.s32 @!p0 $0x1BF5;
	p2 =	por !p2, p0  }
0x20: {  	[sflag:s8] =	ssyncset.s32 @!p0 $0xFFFFF086;
	s6 =	sadd.s32 @!p0 s3, s7;
	s7 =	simm.s32 @!p0 $0x108  }
0x21: {  	s3 =	sadd.s32 s3, s9;
	s6 =	sadd.s32 @!p0 $0x88, s6;
	s7 =	simm.s32 @p2 $0x1082  }
0x22: {  	[simem:s7], [sflag:s8] =	dma.local @!p0 [hbm:s6], $0xF7A  }
0x23: {  	s9 =	sor.u32 $0xD0000000, s2;
	s6 =	simm.s32 $0x108;
	_ =	swait.ge @!p0 [sflag:s8], $0x0  }
0x24: {  	s3 =	sadd.s32 $0x88, s3;
	s6 =	simm.s32 @!p1 $0x1082;
	[sflag:s4] =	ssyncset.s32 $0xFFFFF086  }
0x25: {  	[simem:s6], [sflag:s4] =	dma.local [hbm:s3], $0xF7A  }
0x26: {  	[smem:$0x3F97] =	sst s1;
	(tag) =	ssettag s2;
	_ =	strace s9  }
0x27: {  	s1 =	sld [smem:$0x3FA7]  }
0x28: {  	s2 =	sld [smem:$0x3FA8]  }
0x29: {  	s4 =	sld [smem:$0x3FAA]  }
0x2a: {  	p0 =	seq.s32 s5, $0x0;
	s5 =	sld [smem:$0x3FAB]  }
0x2b: {  	s6 =	sld [smem:$0x3FAC]  }
0x2c: {  	s7 =	sld [smem:$0x3FAD]  }
0x2d: {  	s3 =	simm.s32 $0x108;
	s8 =	sld [smem:$0x3FAE]  }
0x2e: {  	s3 =	simm.s32 @!p0 $0x1082;
	s9 =	sld [smem:$0x3FAF]  }
0x2f: {  	lr =	sadd.s32 s0, s3;
	s0 =	sld [smem:$0x3FA6]  }
0x30: {  	s3 =	sld [smem:$0x3FA9]  }
0x31: {  	[smem:$0x3FB2] =	sst s10  }
0x32: {  	s10 =	sld [smem:$0x3FB0];
	_ =	sdelay $0x3  }
0x33: {  	p0 =	seq.s32 s10, $0x1;
	s10 =	sld [smem:$0x3FB2];
	_ =	sdelay $0x3  }
0x34: {  	[smem:$0x3FB2] =	sst s10  }
0x35: {  	s10 =	sld [smem:$0x3FB1];
	_ =	sdelay $0x3  }
0x36: {  	p1 =	seq.s32 s10, $0x1;
	s10 =	sld [smem:$0x3FB2];
	_ =	sdelay $0x3  }
0x37: {  	[smem:$0x3FB2] =	sst s10  }
0x38: {  	s10 =	sld [smem:$0x3FB3]  }
0x39: {  	_ = 	snop;
	(pc) =	sbr.ind lr, $3  }
0x3a: {  	_ = 	snop  }
0x3b: {  	_ = 	snop  }
0x3c: {  	p2 =	seq.s32 s10, $0x1;
	s10 =	sld [smem:$0x3FB2]  }
0x3d: {  	_ =	shalt  }
0x3e: {  	_ =	shalt  }
0x3f: {  	_ =	shalt  }
0x40: {  	_ =	shalt  }
0x41: {  	_ =	shalt  }
0x42: {  	_ =	shalt  }
0x43: {  	_ =	shalt  }
0x44: {  	_ =	shalt  }
0x45: {  	_ =	shalt  }
0x46: {  	_ =	shalt  }
0x47: {  	_ =	shalt  }
0x48: {  	_ =	shalt  }
0x49: {  	_ =	shalt  }
0x4a: {  	_ =	shalt  }
0x4b: {  	_ =	shalt  }
0x4c: {  	_ =	shalt  }
0x4d: {  	_ =	shalt  }
0x4e: {  	_ =	shalt  }
0x4f: {  	_ =	shalt  }
0x50: {  	_ =	shalt  }
0x51: {  	_ =	shalt  }
0x52: {  	_ =	shalt  }
0x53: {  	_ =	shalt  }
0x54: {  	_ =	shalt  }
0x55: {  	_ =	shalt  }
0x56: {  	_ =	shalt  }
0x57: {  	_ =	shalt  }
0x58: {  	_ =	shalt  }
0x59: {  	_ =	shalt  }
0x5a: {  	_ =	shalt  }
0x5b: {  	_ =	shalt  }
0x5c: {  	_ =	shalt  }
0x5d: {  	_ =	shalt  }
0x5e: {  	_ =	shalt  }
0x5f: {  	_ =	shalt  }
0x60: {  	_ =	shalt  }
0x61: {  	_ =	shalt  }
0x62: {  	_ =	shalt  }
0x63: {  	_ =	shalt  }
0x64: {  	_ =	shalt  }
0x65: {  	_ =	shalt  }
0x66: {  	_ =	shalt  }
0x67: {  	_ =	shalt  }
0x68: {  	_ =	shalt  }
0x69: {  	_ =	shalt  }
0x6a: {  	_ =	shalt  }
0x6b: {  	_ =	shalt  }
0x6c: {  	_ =	shalt  }
0x6d: {  	_ =	shalt  }
0x6e: {  	_ =	shalt  }
0x6f: {  	_ =	shalt  }
0x70: {  	_ =	shalt  }
0x71: {  	_ =	shalt  }
0x72: {  	_ =	shalt  }
0x73: {  	_ =	shalt  }
0x74: {  	_ =	shalt  }
0x75: {  	_ =	shalt  }
0x76: {  	_ =	shalt  }
0x77: {  	_ =	shalt  }
0x78: {  	_ =	shalt  }
0x79: {  	_ =	shalt  }
0x7a: {  	_ =	shalt  }
0x7b: {  	_ =	shalt  }
0x7c: {  	_ =	shalt  }
0x7d: {  	_ =	shalt  }
0x7e: {  	_ =	shalt  }
0x7f: {  	_ =	shalt  }
0x80: {  	_ =	shalt  }
0x81: {  	_ =	shalt  }
0x82: {  	_ =	shalt  }
0x83: {  	_ =	shalt  }
0x84: {  	_ =	shalt  }
0x85: {  	_ =	shalt  }
0x86: {  	_ =	shalt  }
0x87: {  	_ =	shalt  }
.Lfunc_end0:
.L_simem_size_0:
called_computation.2_lowered:
.L_overlay_start_0:
0x88: {  	s2 =	sld [smem:$0x3FD9]  }
0x89: {  	s3 =	sld [smem:$0x3FFE];
	_ =	sdelay $0x1  }
0x8a: {  	s1 =	srdreg.scid  }
0x8b: {  	s0 =	sand.u32 $0x1, s1  }
0x8c: {  	s16 =	sshll.u32 s0, $0xA;
	s2 =	sadd.s32 s3, s2  }
0x8d: {  	s2 =	sadd.s32 s2, s16  }
0x8e: {  	[smem:$0x3FBE] =	sst s2  }
0x8f: {  	_ = 	snop  }
0x90: {  	(tm) =	ssettm $0x1  }
0x91: {  	s17 =	sld [smem:$0x3FFB];
	_ =	sdelay $0x3  }
0x92: {  	_ =	strace s17  }
0x93: {  	s2 =	sld [smem:$0x3FFC];
	_ =	sdelay $0x3  }
0x94: {  	_ =	strace s2  }
0x95: {  	s2 =	sld [smem:$0x3FFD];
	_ =	sdelay $0x3  }
0x96: {  	_ =	strace s2  }
0x97: {  	_ =	strace $0x8FFFFFFF  }
0x98: {  	s18 =	sld [smem:$0x3FDB];
	_ =	sdelay $0x1  }
0x99: {  	s19 =	simm.s32 $_scs_section_size  }
0x9a: {  	s4 =	simm.s32 $_size__tile_overlayer_lowered;
	s5 =	simm.s32 $_tile_overlayer_lowered  }
0x9b: {  	s22 =	simm.s32 $0x1BFF;
	s21 =	sshll.u32 s5, $0x1;
	s2 =	sadd.s32 s19, s18  }
0x9c: {  	s6 =	simm.s32 $0x0;
	s20 =	sshll.u32 s4, $0x1;
	s4 =	sadd.s32 s21, s2  }
0x9d: {  	[timem:s6], [sflag:s22] =	dma.local [hbm:s4], s20  }
0x9e: {  	_ =	swait.ge [sflag:s22], s20  }
0x9f: {  	s3 =	ssub.s32 $0x0, s20;
	[sflag:s22] =	ssyncset.done $0x0  }
0xa0: {  	[sflag:s22] =	ssyncadd.s32 s3;
	_ =	sdelay $0x1  }
0xa1: {  	s23 =	simm.s32 $0x1B8B  }
0xa2: {  	_ =	swait.ge [sflag:s23], $0x1  }
0xa3: {  	[sflag:s23] =	ssyncset.done $0x0  }
0xa4: {  	s25 =	simm.s32 $0x1B8E;
	s24 =	sld [smem:$0x3FFE];
	[sflag:s23] =	ssyncadd.s32 $0xFFFFFFFF  }
0xa5: {  	s26 =	simm.s32 $execute0_lowered;
	[smem:$0x3FD2] =	sst s25  }
0xa6: {  	s4 =	sshll.u32 s26, $0x1;
	_ =	strace $0x8000004C;
	[dreg:$0x1] =	wrdreg $0xFFFFFFFF  }
0xa7: {  	s28 =	simm.s32 $_size_execute0_lowered;
	s2 =	sadd.s32 s2, s4;
	[dreg:$0x0] =	wrdreg $0x0  }
0xa8: {  	s4 =	sshll.u32 s28, $0x1;
	[dreg:$0x2] =	wrdreg s2  }
0xa9: {  	[dreg:$0x3] =	wrdreg s4  }
0xaa: {  	[dreg:$0x4] =	wrdreg $0xC0  }
0xab: {  	_ =	task [dreg:s6], $0x5FFFF  }
0xac: {  	[dreg:$0x1] =	wrdreg $0xFFFFFFFF  }
0xad: {  	[dreg:$0x0] =	wrdreg $0x60  }
0xae: {  	[dreg:$0x2] =	wrdreg s24  }
0xaf: {  	[dreg:$0x3] =	wrdreg $0x32000  }
0xb0: {  	[dreg:$0x4] =	wrdreg $0x9  }
0xb1: {  	_ =	task.clear_ibuf [dreg:s6], $0x5FFFF;
	_ =	strace $0x9000004C  }
0xb2: {  	s29 =	simm.s32 $0x9;
	_ =	strace $0x8000004E  }
0xb3: {  	_ =	swait.ge [sflag:s29], $0x1  }
0xb4: {  	[sflag:s29] =	ssyncadd.s32 $0xFFFFFFFF  }
0xb5: {  	_ =	strace $0x9000004E  }
0xb6: {  	_ =	sfence  }
0xb7: {  	s30 =	sld [smem:$0x0];
	_ =	sdelay $0x2  }
0xb8: {  	s31 =	sshll.u32 s1, $0xD;
	s1 =	sshrl.u32 s1, $0x2  }
0xb9: {  	s3 =	sand.u32 $0x4000, s31;
	s1 =	sadd.s32 s1, s30  }
0xba: {  	s0 =	sor.u32 s3, s0;
	s1 =	sshll.u32 s1, $0x11  }
0xbb: {  	s0 =	sor.u32 s1, s0  }
0xbc: {  	s0 =	sadd.s32 $0x8F2B, s0  }
0xbd: {  	[sflag:s0] =	ssyncadd.remote.s32 $0x1  }
0xbe: {  	_ =	sfence.sel $0xFFFF  }
0xbf: {  	[dreg:$0x0] =	wrdreg $0xFFFFFFFF;
	(pc) =	sbr.abs _section_cstart, $3  }
0xc0: {  	[dreg:$0x1] =	wrdreg $0xFFFFFFFF  }
0xc1: {  	_ =	task.clear_ibuf [dreg:s6], $0x2FFFF;
	_ =	strace $0x9FFFFFFF  }
0xc2: {  	(tm) =	ssettm $0x7FFFFFFF  }
0xc3: {  	_ =	shalt  }
tec
execute0_lowered:
.L_overlay_start_1:
0x0: {  	(tag) =	ssettag $0x1  }
0x1: {  	s0 =	rddreg [dreg:$0x0]  }
0x2: {  	s2 =	rddreg [dreg:$0x1]  }
0x3: {  	s1 =	simm.s32 $0x0;
	s3 =	stileid.u32;
	s4 =	srdreg.scid  }
0x4: {  	s14 =	simm.s32 $0x200;
	s15 =	simm.s32 $0x580;
	s16 =	simm.s32 $0x600  }
0x5: {  	s17 =	simm.s32 $0x680;
	s18 =	simm.s32 $0x700;
	s19 =	simm.s32 $0x300  }
0x6: {  	s28 =	simm.s32 $0x2200;
	s29 =	simm.s32 $0x9;
	s30 =	simm.s32 $0x2  }
0x7: {  	s31 =	simm.s32 $0x4;
	[smem:$0x7FF] =	sst s1;
	s20 =	smul.u32 $0xC400, s3  }
0x8: {  	s5 =	sand.u32 $0x1, s4;
	s4 =	sadd.s32 $0x1400, s0;
	s8 =	sadd.s32 $0x140400, s0  }
0x9: {  	s9 =	sadd.s32 $0x127400, s0;
	_ =	strace $0x8000004D;
	[dreg:$0x7] =	wrdreg s14  }
0xa: {  	s10 =	sshll.u32 s3, $0x1;
	s11 =	smul.u32 $0x190, s3;
	[dreg:$0x8] =	wrdreg s15  }
0xb: {  	s23 =	sshll.u32 s3, $0x6;
	s7 =	smul.u32 $0xC4000, s5;
	[dreg:$0x9] =	wrdreg s16  }
0xc: {  	s12 =	ssub.s32 $0x2, s5;
	s10 =	sor.u32 s5, s10;
	[dreg:$0xa] =	wrdreg s17  }
0xd: {  	s5 =	smul.u32 $0xC8, s5;
	s14 =	simm.s32 $0x1;
	[dreg:$0xb] =	wrdreg s18  }
0xe: {  	s15 =	simm.s32 $0x3;
	s16 =	simm.s32 $0x80;
	[dreg:$0xc] =	wrdreg s19  }
0xf: {  	s17 =	simm.s32 $0x2A00;
	s18 =	simm.s32 $0x280;
	s19 =	simm.s32 $0x780  }
0x10: {  	s6 =	sshrl.u32 s20, $0x3;
	s13 =	sshrl.u32 s12, $0x1;
	s10 =	smul.u32 $0xC80, s10  }
0x11: {  	s1 =	sadd.s32 s20, s2;
	s6 =	sadd.s32 s6, s0;
	s7 =	sadd.s32 s20, s7  }
0x12: {  	s21 =	ssub.s32 s12, s13;
	s13 =	simm.s32 $0x0;
	s5 =	sadd.s32 s5, s11  }
0x13: {  	s20 =	simm.s32 $0x380;
	s7 =	sshrl.u32 s7, $0x3;
	s22 =	sadd.s32 s8, s10  }
0x14: {  	s10 =	sadd.s32 s9, s10;
	s5 =	sshll.u32 s5, $0x4;
	[dreg:$0xd] =	wrdreg s20  }
0x15: {  	s25 =	sadd.s32 $0x19C00, s6;
	s12 =	smax.u32 s21, $0x1;
	[dreg:$0x14] =	wrdreg s22  }
0x16: {  	s21 =	simm.s32 $0x400;
	s20 =	simm.s32 $0x5;
	[dreg:$0x15] =	wrdreg s10  }
0x17: {  	s6 =	simm.s32 $0xD;
	s0 =	sadd.s32 s7, s0;
	[dreg:$0x16] =	wrdreg s25  }
0x18: {  	s24 =	sadd.s32 $0xA0, s5;
	s10 =	sor.u32 $0x1C0F, s23;
	[dreg:$0x19] =	wrdreg s12  }
0x19: {  	[dreg:$0xe] =	wrdreg s21;
	s22 =	simm.s32 $0x480;
	s23 =	simm.s32 $0x800  }
0x1a: {  	s21 =	simm.s32 $0xA00;
	s25 =	simm.s32 $0x900;
	[dreg:$0xf] =	wrdreg s22  }
0x1b: {  	s7 =	simm.s32 $0xE;
	s12 =	simm.s32 $0x0;
	[dreg:$0x10] =	wrdreg s23  }
0x1c: {  	s26 =	sadd.s32 s24, s8;
	s3 =	sadd.s32 s24, s9;
	[dreg:$0x12] =	wrdreg s25  }
0x1d: {  	s8 =	sadd.s32 s5, s8;
	s5 =	sadd.s32 s5, s9;
	[dreg:$0x17] =	wrdreg s10  }
0x1e: {  	s0 =	sadd.s32 $0x32400, s0;
	s9 =	simm.s32 $0x500;
	[dreg:$0x3] =	wrdreg s26  }
0x1f: {  	s24 =	simm.s32 $0x880;
	s22 =	simm.s32 $0x6;
	[dreg:$0x4] =	wrdreg s3  }
0x20: {  	s23 =	simm.s32 $0x1200;
	s25 =	simm.s32 $0x1A00;
	[dreg:$0x18] =	wrdreg s0  }
0x21: {  	s8 =	sadd.s32 $0x50, s8;
	s11 =	sadd.s32 $0x50, s5;
	[dreg:$0x11] =	wrdreg s24  }
0x22: {  	s26 =	simm.s32 $0x980;
	s24 =	simm.s32 $0x7;
	[dreg:$0x5] =	wrdreg s8  }
0x23: {  	s0 =	simm.s32 $0xA;
	s5 =	simm.s32 $0xC;
	[dreg:$0x6] =	wrdreg s11  }
0x24: {  	s8 =	sshrl.u32 s1, $0x3;
	s11 =	simm.s32 $0xF;
	[dreg:$0x13] =	wrdreg s26  }
0x25: {  	s26 =	simm.s32 $0x8;
	s1 =	simm.s32 $0xB;
	[dreg:$0x1a] =	wrdreg s8  }
.LBB2_1:
0x26: {  	[dreg:$0x1b] =	wrdreg s12  }
0x27: {  	s3 =	rddreg [dreg:$0x14]  }
0x28: {  	[tilespmem:s13], [sflag:$0x1] =	stream.linear.gather [hbm4b:s3+s13], $0x280, $0x38;
	[tilespmem:$0xF600] =	vst v63  }
0x29: {  	s12 =	rddreg [dreg:$0x15]  }
0x2a: {  	[tilespmem:s9], [sflag:$0x3] =	stream.linear.gather [hbm4b:s12+s13], $0x280, $0x38;
	[tilespmem:$0xF600] =	vst v63  }
0x2b: {  	s12 =	rddreg [dreg:$0x16]  }
0x2c: {  	[spmem:s8], [sflag:s10] =	dma.local [hbm:s12], $0x1880  }
0x2d: {  	_ =	swait.ge [sflag:s11], $0x1880  }
0x2e: {  	[sflag:s11] =	ssyncset.done $0x0  }
0x2f: {  	[sflag:s11] =	ssyncadd.s32 $0xFFFFE780  }
0x30: {  	[bflag:$0x0] =	sbarrier.arrive $0xFFFF  }
0x31: {  	_ =	swait.ge [sflag:s14], $0x280  }
0x32: {  	[sflag:s14] =	ssyncset.done $0x0  }
0x33: {  	[sflag:s14] =	ssyncadd.s32 $0xFFFFFD80  }
0x34: {  	_ =	swait.ge [sflag:s15], $0x280  }
0x35: {  	p0 =	por $0x0, $0x0;
	[sflag:s15] =	ssyncset.done $0x0  }
0x36: {  	s8 =	simm.s32 @p0 $0xA;
	[sflag:s15] =	ssyncadd.s32 $0xFFFFFD80  }
0x37: {  	_ =	swait.ge @p0 [sflag:s8], $0x800  }
0x38: {  	s10 =	simm.s32 @p0 $0x0;
	[sflag:s8] =	ssyncset.done @p0 $0x0  }
0x39: {  	s12 =	simm.s32 @p0 $0xA00;
	[sflag:s8] =	ssyncadd.s32 @p0 $0xFFFFF800;
	s8 =	simm.s32 @p0 $0x80  }
0x3a: {  	[tilespmem:s12], [sflag:$0x5] =	stream.indirect.gather @p0 [hbm4b:s4+s8], $0x10, s10, s8, $0xb8;
	[tilespmem:$0xF600] =	vst v63  }
0x3b: {  	s10 =	simm.s32 @p0 $0xB  }
0x3c: {  	_ =	swait.ge @p0 [sflag:s10], $0x800  }
0x3d: {  	[sflag:s10] =	ssyncset.done @p0 $0x0  }
0x3e: {  	s12 =	simm.s32 @p0 $0xC;
	[sflag:s10] =	ssyncadd.s32 @p0 $0xFFFFF800;
	s10 =	simm.s32 @p0 $0x1200  }
0x3f: {  	[tilespmem:s10], [sflag:$0x6] =	stream.indirect.gather @p0 [hbm4b:s4+s8], $0x10, s8, s8, $0xb8;
	[tilespmem:$0xF600] =	vst v63  }
0x40: {  	_ =	swait.ge @p0 [sflag:s12], $0x800  }
0x41: {  	[sflag:s12] =	ssyncset.done @p0 $0x0  }
0x42: {  	s10 =	simm.s32 @p0 $0x100;
	[sflag:s12] =	ssyncadd.s32 @p0 $0xFFFFF800;
	s12 =	simm.s32 @p0 $0x1A00  }
0x43: {  	[tilespmem:s12], [sflag:$0x7] =	stream.indirect.gather @p0 [hbm4b:s4+s8], $0x10, s10, s8, $0xb8;
	[tilespmem:$0xF600] =	vst v63  }
0x44: {  	s10 =	simm.s32 @p0 $0xD  }
0x45: {  	_ =	swait.ge @p0 [sflag:s10], $0x800  }
0x46: {  	[sflag:s10] =	ssyncset.done @p0 $0x0  }
0x47: {  	s12 =	simm.s32 @p0 $0x2200;
	[sflag:s10] =	ssyncadd.s32 @p0 $0xFFFFF800;
	s10 =	simm.s32 @p0 $0x180  }
0x48: {  	[tilespmem:s12], [sflag:$0x8] =	stream.indirect.gather @p0 [hbm4b:s4+s8], $0x10, s10, s8, $0xb8;
	[tilespmem:$0xF600] =	vst v63  }
0x49: {  	s8 =	simm.s32 @p0 $0xE  }
0x4a: {  	_ =	swait.ge @p0 [sflag:s8], $0x800  }
0x4b: {  	s10 =	simm.s32 @!p0 $0xA00;
	[sflag:s8] =	ssyncset.done @p0 $0x0  }
0x4c: {  	s12 =	simm.s32 @!p0 $0x0;
	[sflag:s8] =	ssyncadd.s32 @p0 $0xFFFFF800;
	s8 =	simm.s32 @!p0 $0x80  }
0x4d: {  	[tilespmem:s10], [sflag:$0x5] =	stream.indirect.gather @!p0 [hbm4b:s4+s8], $0x10, s12, s8, $0xb8;
	[tilespmem:$0xF600] =	vst v63  }
0x4e: {  	s10 =	simm.s32 @!p0 $0x1200  }
0x4f: {  	[tilespmem:s10], [sflag:$0x6] =	stream.indirect.gather @!p0 [hbm4b:s4+s8], $0x10, s8, s8, $0xb8;
	[tilespmem:$0xF600] =	vst v63  }
0x50: {  	s12 =	simm.s32 @!p0 $0x1A00;
	s10 =	simm.s32 @!p0 $0x100  }
0x51: {  	[tilespmem:s12], [sflag:$0x7] =	stream.indirect.gather @!p0 [hbm4b:s4+s8], $0x10, s10, s8, $0xb8;
	[tilespmem:$0xF600] =	vst v63  }
0x52: {  	s11 =	rddreg [dreg:$0x7];
	s10 =	simm.s32 @!p0 $0x180;
	s12 =	simm.s32 @!p0 $0x2200  }
0x53: {  	[tilespmem:s12], [sflag:$0x8] =	stream.indirect.gather @!p0 [hbm4b:s4+s8], $0x10, s10, s8, $0xb8;
	[tilespmem:$0xF600] =	vst v63  }
0x54: {  	s12 =	rddreg [dreg:$0x5]  }
0x55: {  	[tilespmem:s17], [sflag:$0x9] =	stream.indirect.gather [hbm4b:s4+s16], $0x10, s11, s16, $0xb8;
	[tilespmem:$0xF600] =	vst v63  }
0x56: {  	s3 =	rddreg [dreg:$0x6];
	s11 =	sadd.s32 $0x0, s12  }
0x57: {  	[tilespmem:s18], [sflag:$0x2] =	stream.linear.gather [hbm4b:s11+s13], $0x280, $0x38;
	[tilespmem:$0xF600] =	vst v63  }
0x58: {  	s12 =	sadd.s32 $0x0, s3  }
0x59: {  	[tilespmem:s19], [sflag:$0x4] =	stream.linear.gather [hbm4b:s12+s13], $0x280, $0x38;
	[tilespmem:$0xF600] =	vst v63  }
0x5a: {  	_ =	swait.ge [sflag:s20], $0x800  }
0x5b: {  	[sflag:s20] =	ssyncset.done $0x0  }
0x5c: {  	[sflag:s20] =	ssyncadd.s32 $0xFFFFF800  }
0x5d: {  	[spmem:s2] =	stream.indirect.scatter.add.f32 [tilespmem:s21], [sflag:$0xA], $0x10, s9, s16, $0xb8;
	[tilespmem:$0xF600] =	vst v63  }
0x5e: {  	_ =	swait.ge [sflag:s22], $0x800  }
0x5f: {  	[sflag:s22] =	ssyncset.done $0x0  }
0x60: {  	s3 =	rddreg [dreg:$0x8];
	[sflag:s22] =	ssyncadd.s32 $0xFFFFF800  }
0x61: {  	[spmem:s2] =	stream.indirect.scatter.add.f32 [tilespmem:s23], [sflag:$0xB], $0x10, s3, s16, $0xb8;
	[tilespmem:$0xF600] =	vst v63  }
0x62: {  	_ =	swait.ge [sflag:s24], $0x800  }
0x63: {  	[sflag:s24] =	ssyncset.done $0x0  }
0x64: {  	s9 =	rddreg [dreg:$0x9];
	[sflag:s24] =	ssyncadd.s32 $0xFFFFF800  }
0x65: {  	[spmem:s2] =	stream.indirect.scatter.add.f32 [tilespmem:s25], [sflag:$0xC], $0x10, s9, s16, $0xb8;
	[tilespmem:$0xF600] =	vst v63  }
0x66: {  	_ =	swait.ge [sflag:s26], $0x800  }
0x67: {  	[sflag:s26] =	ssyncset.done $0x0  }
0x68: {  	s10 =	rddreg [dreg:$0xa];
	[sflag:s26] =	ssyncadd.s32 $0xFFFFF800  }
0x69: {  	[spmem:s2] =	stream.indirect.scatter.add.f32 [tilespmem:s28], [sflag:$0xD], $0x10, s10, s16, $0xb8;
	[tilespmem:$0xF600] =	vst v63  }
0x6a: {  	_ =	swait.ge [sflag:s29], $0x800  }
0x6b: {  	[sflag:s29] =	ssyncset.done $0x0  }
0x6c: {  	s11 =	rddreg [dreg:$0xb];
	[sflag:s29] =	ssyncadd.s32 $0xFFFFF800  }
0x6d: {  	[spmem:s2] =	stream.indirect.scatter.add.f32 [tilespmem:s17], [sflag:$0xE], $0x10, s11, s16, $0xb8;
	[tilespmem:$0xF600] =	vst v63  }
0x6e: {  	_ =	swait.ge [sflag:s30], $0x280  }
0x6f: {  	[sflag:s30] =	ssyncset.done $0x0  }
0x70: {  	[sflag:s30] =	ssyncadd.s32 $0xFFFFFD80  }
0x71: {  	_ =	swait.ge [sflag:s31], $0x280  }
0x72: {  	[sflag:s31] =	ssyncset.done $0x0  }
0x73: {  	[sflag:s31] =	ssyncadd.s32 $0xFFFFFD80  }
0x74: {  	_ =	swait.ge [sflag:s0], $0x800  }
0x75: {  	[sflag:s0] =	ssyncset.done $0x0  }
0x76: {  	[sflag:s0] =	ssyncadd.s32 $0xFFFFF800  }
0x77: {  	[tilespmem:s21], [sflag:$0x5] =	stream.indirect.gather [hbm4b:s4+s16], $0x10, s18, s16, $0xb8;
	[tilespmem:$0xF600] =	vst v63  }
0x78: {  	_ =	swait.ge [sflag:s1], $0x800  }
0x79: {  	[sflag:s1] =	ssyncset.done $0x0  }
0x7a: {  	s12 =	rddreg [dreg:$0xc];
	[sflag:s1] =	ssyncadd.s32 $0xFFFFF800  }
0x7b: {  	[tilespmem:s23], [sflag:$0x6] =	stream.indirect.gather [hbm4b:s4+s16], $0x10, s12, s16, $0xb8;
	[tilespmem:$0xF600] =	vst v63  }
0x7c: {  	_ =	swait.ge [sflag:s5], $0x800  }
0x7d: {  	[sflag:s5] =	ssyncset.done $0x0  }
0x7e: {  	s13 =	rddreg [dreg:$0xd];
	[sflag:s5] =	ssyncadd.s32 $0xFFFFF800  }
0x7f: {  	[tilespmem:s25], [sflag:$0x7] =	stream.indirect.gather [hbm4b:s4+s16], $0x10, s13, s16, $0xb8;
	[tilespmem:$0xF600] =	vst v63  }
0x80: {  	_ =	swait.ge [sflag:s6], $0x800  }
0x81: {  	[sflag:s6] =	ssyncset.done $0x0  }
0x82: {  	s3 =	rddreg [dreg:$0xe];
	[sflag:s6] =	ssyncadd.s32 $0xFFFFF800  }
0x83: {  	[tilespmem:s28], [sflag:$0x8] =	stream.indirect.gather [hbm4b:s4+s16], $0x10, s3, s16, $0xb8;
	[tilespmem:$0xF600] =	vst v63  }
0x84: {  	_ =	swait.ge [sflag:s7], $0x800  }
0x85: {  	s9 =	rddreg [dreg:$0xf];
	[sflag:s7] =	ssyncset.done $0x0  }
0x86: {  	p0 =	por $0x0, $0x0;
	s10 =	rddreg [dreg:$0x3];
	[sflag:s7] =	ssyncadd.s32 $0xFFFFF800  }
0x87: {  	[tilespmem:s17], [sflag:$0x9] =	stream.indirect.gather [hbm4b:s4+s16], $0x10, s9, s16, $0xb8;
	[tilespmem:$0xF600] =	vst v63  }
0x88: {  	s12 =	rddreg [dreg:$0x4];
	s8 =	sadd.s32 @!p0 $0x0, s10;
	s10 =	simm.s32 @!p0 $0x0  }
0x89: {  	[tilespmem:s10], [sflag:$0x1] =	stream.linear.gather @!p0 [hbm4b:s8+s10], $0x280, $0x38;
	[tilespmem:$0xF600] =	vst v63  }
0x8a: {  	s8 =	sadd.s32 @!p0 $0x0, s12;
	s12 =	simm.s32 @!p0 $0x500  }
0x8b: {  	[tilespmem:s12], [sflag:$0x3] =	stream.linear.gather @!p0 [hbm4b:s8+s10], $0x280, $0x38;
	[tilespmem:$0xF600] =	vst v63  }
0x8c: {  	_ =	swait.ge [sflag:s20], $0x800  }
0x8d: {  	[sflag:s20] =	ssyncset.done $0x0  }
0x8e: {  	[sflag:s20] =	ssyncadd.s32 $0xFFFFF800  }
0x8f: {  	[spmem:s2] =	stream.indirect.scatter.add.f32 [tilespmem:s21], [sflag:$0xA], $0x10, s19, s16, $0xb8;
	[tilespmem:$0xF600] =	vst v63  }
0x90: {  	_ =	swait.ge [sflag:s22], $0x800  }
0x91: {  	[sflag:s22] =	ssyncset.done $0x0  }
0x92: {  	s11 =	rddreg [dreg:$0x10];
	[sflag:s22] =	ssyncadd.s32 $0xFFFFF800  }
0x93: {  	[spmem:s2] =	stream.indirect.scatter.add.f32 [tilespmem:s23], [sflag:$0xB], $0x10, s11, s16, $0xb8;
	[tilespmem:$0xF600] =	vst v63  }
0x94: {  	_ =	swait.ge [sflag:s24], $0x800  }
0x95: {  	[sflag:s24] =	ssyncset.done $0x0  }
0x96: {  	s12 =	rddreg [dreg:$0x11];
	[sflag:s24] =	ssyncadd.s32 $0xFFFFF800  }
0x97: {  	[spmem:s2] =	stream.indirect.scatter.add.f32 [tilespmem:s25], [sflag:$0xC], $0x10, s12, s16, $0xb8;
	[tilespmem:$0xF600] =	vst v63  }
0x98: {  	_ =	swait.ge [sflag:s26], $0x800  }
0x99: {  	[sflag:s26] =	ssyncset.done $0x0  }
0x9a: {  	s13 =	rddreg [dreg:$0x12];
	[sflag:s26] =	ssyncadd.s32 $0xFFFFF800  }
0x9b: {  	[spmem:s2] =	stream.indirect.scatter.add.f32 [tilespmem:s28], [sflag:$0xD], $0x10, s13, s16, $0xb8;
	[tilespmem:$0xF600] =	vst v63  }
0x9c: {  	_ =	swait.ge [sflag:s29], $0x800  }
0x9d: {  	[sflag:s29] =	ssyncset.done $0x0  }
0x9e: {  	s10 =	simm.s32 $0xA0;
	s8 =	rddreg [dreg:$0x13];
	[sflag:s29] =	ssyncadd.s32 $0xFFFFF800  }
.LBB2_2:
0x9f: {  	[spmem:s2] =	stream.indirect.scatter.add.f32 [tilespmem:s17], [sflag:$0xE], $0x10, s8, s16, $0xb8;
	[tilespmem:$0xF600] =	vst v63  }
0xa0: {  	_ =	swait.ge [sflag:s14], $0x280  }
0xa1: {  	[sflag:s14] =	ssyncset.done $0x0  }
0xa2: {  	[sflag:s14] =	ssyncadd.s32 $0xFFFFFD80  }
0xa3: {  	s8 =	smov.u32 s10;
	_ =	swait.ge [sflag:s15], $0x280  }
0xa4: {  	p1 =	sne.s32 s8, $0x0;
	[sflag:s15] =	ssyncset.done $0x0  }
0xa5: {  	s12 =	simm.s32 @p1 $0xA;
	[sflag:s15] =	ssyncadd.s32 $0xFFFFFD80  }
0xa6: {  	_ =	swait.ge @p1 [sflag:s12], $0x800  }
0xa7: {  	s13 =	simm.s32 @p1 $0x0;
	s9 =	simm.s32 @p1 $0xA00;
	[sflag:s12] =	ssyncset.done @p1 $0x0  }
0xa8: {  	s11 =	simm.s32 @p1 $0xB;
	[sflag:s12] =	ssyncadd.s32 @p1 $0xFFFFF800;
	s12 =	simm.s32 @p1 $0x80  }
0xa9: {  	[tilespmem:s9], [sflag:$0x5] =	stream.indirect.gather @p1 [hbm4b:s4+s12], $0x10, s13, s12, $0xb8;
	[tilespmem:$0xF600] =	vst v63  }
0xaa: {  	_ =	swait.ge @p1 [sflag:s11], $0x800  }
0xab: {  	[sflag:s11] =	ssyncset.done @p1 $0x0  }
0xac: {  	s9 =	simm.s32 @p1 $0x1200;
	[sflag:s11] =	ssyncadd.s32 @p1 $0xFFFFF800;
	s11 =	simm.s32 @p1 $0xC  }
0xad: {  	[tilespmem:s9], [sflag:$0x6] =	stream.indirect.gather @p1 [hbm4b:s4+s12], $0x10, s12, s12, $0xb8;
	[tilespmem:$0xF600] =	vst v63  }
0xae: {  	_ =	swait.ge @p1 [sflag:s11], $0x800  }
0xaf: {  	s13 =	simm.s32 @p1 $0x1A00;
	[sflag:s11] =	ssyncset.done @p1 $0x0  }
0xb0: {  	s9 =	simm.s32 @p1 $0xD;
	[sflag:s11] =	ssyncadd.s32 @p1 $0xFFFFF800;
	s11 =	simm.s32 @p1 $0x100  }
0xb1: {  	[tilespmem:s13], [sflag:$0x7] =	stream.indirect.gather @p1 [hbm4b:s4+s12], $0x10, s11, s12, $0xb8;
	[tilespmem:$0xF600] =	vst v63  }
0xb2: {  	_ =	swait.ge @p1 [sflag:s9], $0x800  }
0xb3: {  	s11 =	simm.s32 @p1 $0xE;
	[sflag:s9] =	ssyncset.done @p1 $0x0  }
0xb4: {  	s13 =	simm.s32 @p1 $0x2200;
	[sflag:s9] =	ssyncadd.s32 @p1 $0xFFFFF800;
	s9 =	simm.s32 @p1 $0x180  }
0xb5: {  	[tilespmem:s13], [sflag:$0x8] =	stream.indirect.gather @p1 [hbm4b:s4+s12], $0x10, s9, s12, $0xb8;
	[tilespmem:$0xF600] =	vst v63  }
0xb6: {  	_ =	swait.ge @p1 [sflag:s11], $0x800  }
0xb7: {  	s9 =	simm.s32 @!p1 $0xA00;
	[sflag:s11] =	ssyncset.done @p1 $0x0  }
0xb8: {  	s12 =	simm.s32 @!p1 $0x0;
	[sflag:s11] =	ssyncadd.s32 @p1 $0xFFFFF800;
	s11 =	simm.s32 @!p1 $0x80  }
0xb9: {  	[tilespmem:s9], [sflag:$0x5] =	stream.indirect.gather @!p1 [hbm4b:s4+s11], $0x10, s12, s11, $0xb8;
	[tilespmem:$0xF600] =	vst v63  }
0xba: {  	s9 =	simm.s32 @!p1 $0x1200  }
0xbb: {  	[tilespmem:s9], [sflag:$0x6] =	stream.indirect.gather @!p1 [hbm4b:s4+s11], $0x10, s11, s11, $0xb8;
	[tilespmem:$0xF600] =	vst v63  }
0xbc: {  	s12 =	simm.s32 @!p1 $0x1A00;
	s9 =	simm.s32 @!p1 $0x100  }
0xbd: {  	[tilespmem:s12], [sflag:$0x7] =	stream.indirect.gather @!p1 [hbm4b:s4+s11], $0x10, s9, s11, $0xb8;
	[tilespmem:$0xF600] =	vst v63  }
0xbe: {  	s13 =	rddreg [dreg:$0x5];
	s9 =	simm.s32 @!p1 $0x180;
	s12 =	simm.s32 @!p1 $0x2200  }
0xbf: {  	[tilespmem:s12], [sflag:$0x8] =	stream.indirect.gather @!p1 [hbm4b:s4+s11], $0x10, s9, s11, $0xb8;
	[tilespmem:$0xF600] =	vst v63  }
0xc0: {  	s3 =	rddreg [dreg:$0x7]  }
0xc1: {  	[tilespmem:s17], [sflag:$0x9] =	stream.indirect.gather [hbm4b:s4+s16], $0x10, s3, s16, $0xb8;
	[tilespmem:$0xF600] =	vst v63  }
0xc2: {  	s12 =	rddreg [dreg:$0x6];
	s11 =	sadd.s32 s8, s13;
	s13 =	simm.s32 $0x0  }
0xc3: {  	[tilespmem:s18], [sflag:$0x2] =	stream.linear.gather [hbm4b:s11+s13], $0x280, $0x38;
	[tilespmem:$0xF600] =	vst v63  }
0xc4: {  	s12 =	sadd.s32 s8, s12  }
0xc5: {  	[tilespmem:s19], [sflag:$0x4] =	stream.linear.gather [hbm4b:s12+s13], $0x280, $0x38;
	[tilespmem:$0xF600] =	vst v63  }
0xc6: {  	_ =	swait.ge [sflag:s20], $0x800  }
0xc7: {  	[sflag:s20] =	ssyncset.done $0x0  }
0xc8: {  	s9 =	simm.s32 $0x500;
	[sflag:s20] =	ssyncadd.s32 $0xFFFFF800  }
0xc9: {  	[spmem:s2] =	stream.indirect.scatter.add.f32 [tilespmem:s21], [sflag:$0xA], $0x10, s9, s16, $0xb8;
	[tilespmem:$0xF600] =	vst v63  }
0xca: {  	_ =	swait.ge [sflag:s22], $0x800  }
0xcb: {  	[sflag:s22] =	ssyncset.done $0x0  }
0xcc: {  	s11 =	rddreg [dreg:$0x8];
	[sflag:s22] =	ssyncadd.s32 $0xFFFFF800  }
0xcd: {  	[spmem:s2] =	stream.indirect.scatter.add.f32 [tilespmem:s23], [sflag:$0xB], $0x10, s11, s16, $0xb8;
	[tilespmem:$0xF600] =	vst v63  }
0xce: {  	_ =	swait.ge [sflag:s24], $0x800  }
0xcf: {  	[sflag:s24] =	ssyncset.done $0x0  }
0xd0: {  	s12 =	rddreg [dreg:$0x9];
	[sflag:s24] =	ssyncadd.s32 $0xFFFFF800  }
0xd1: {  	[spmem:s2] =	stream.indirect.scatter.add.f32 [tilespmem:s25], [sflag:$0xC], $0x10, s12, s16, $0xb8;
	[tilespmem:$0xF600] =	vst v63  }
0xd2: {  	_ =	swait.ge [sflag:s26], $0x800  }
0xd3: {  	[sflag:s26] =	ssyncset.done $0x0  }
0xd4: {  	s9 =	rddreg [dreg:$0xa];
	[sflag:s26] =	ssyncadd.s32 $0xFFFFF800  }
0xd5: {  	[spmem:s2] =	stream.indirect.scatter.add.f32 [tilespmem:s28], [sflag:$0xD], $0x10, s9, s16, $0xb8;
	[tilespmem:$0xF600] =	vst v63  }
0xd6: {  	_ =	swait.ge [sflag:s29], $0x800  }
0xd7: {  	[sflag:s29] =	ssyncset.done $0x0  }
0xd8: {  	s11 =	rddreg [dreg:$0xb];
	[sflag:s29] =	ssyncadd.s32 $0xFFFFF800  }
0xd9: {  	[spmem:s2] =	stream.indirect.scatter.add.f32 [tilespmem:s17], [sflag:$0xE], $0x10, s11, s16, $0xb8;
	[tilespmem:$0xF600] =	vst v63  }
0xda: {  	_ =	swait.ge [sflag:s30], $0x280  }
0xdb: {  	[sflag:s30] =	ssyncset.done $0x0  }
0xdc: {  	[sflag:s30] =	ssyncadd.s32 $0xFFFFFD80  }
0xdd: {  	_ =	swait.ge [sflag:s31], $0x280  }
0xde: {  	[sflag:s31] =	ssyncset.done $0x0  }
0xdf: {  	[sflag:s31] =	ssyncadd.s32 $0xFFFFFD80  }
0xe0: {  	_ =	swait.ge [sflag:s0], $0x800  }
0xe1: {  	[sflag:s0] =	ssyncset.done $0x0  }
0xe2: {  	[sflag:s0] =	ssyncadd.s32 $0xFFFFF800  }
0xe3: {  	[tilespmem:s21], [sflag:$0x5] =	stream.indirect.gather [hbm4b:s4+s16], $0x10, s18, s16, $0xb8;
	[tilespmem:$0xF600] =	vst v63  }
0xe4: {  	_ =	swait.ge [sflag:s1], $0x800  }
0xe5: {  	[sflag:s1] =	ssyncset.done $0x0  }
0xe6: {  	s12 =	rddreg [dreg:$0xc];
	[sflag:s1] =	ssyncadd.s32 $0xFFFFF800  }
0xe7: {  	[tilespmem:s23], [sflag:$0x6] =	stream.indirect.gather [hbm4b:s4+s16], $0x10, s12, s16, $0xb8;
	[tilespmem:$0xF600] =	vst v63  }
0xe8: {  	_ =	swait.ge [sflag:s5], $0x800  }
0xe9: {  	[sflag:s5] =	ssyncset.done $0x0  }
0xea: {  	s9 =	rddreg [dreg:$0xd];
	[sflag:s5] =	ssyncadd.s32 $0xFFFFF800  }
0xeb: {  	[tilespmem:s25], [sflag:$0x7] =	stream.indirect.gather [hbm4b:s4+s16], $0x10, s9, s16, $0xb8;
	[tilespmem:$0xF600] =	vst v63  }
0xec: {  	_ =	swait.ge [sflag:s6], $0x800  }
0xed: {  	[sflag:s6] =	ssyncset.done $0x0  }
0xee: {  	s11 =	rddreg [dreg:$0xe];
	[sflag:s6] =	ssyncadd.s32 $0xFFFFF800  }
0xef: {  	[tilespmem:s28], [sflag:$0x8] =	stream.indirect.gather [hbm4b:s4+s16], $0x10, s11, s16, $0xb8;
	[tilespmem:$0xF600] =	vst v63  }
0xf0: {  	_ =	swait.ge [sflag:s7], $0x800  }
0xf1: {  	s12 =	rddreg [dreg:$0xf];
	[sflag:s7] =	ssyncset.done $0x0  }
0xf2: {  	p1 =	seq.s32 s8, $0xBE0;
	s9 =	rddreg [dreg:$0x3];
	[sflag:s7] =	ssyncadd.s32 $0xFFFFF800  }
0xf3: {  	[tilespmem:s17], [sflag:$0x9] =	stream.indirect.gather [hbm4b:s4+s16], $0x10, s12, s16, $0xb8;
	[tilespmem:$0xF600] =	vst v63  }
0xf4: {  	s11 =	rddreg [dreg:$0x4];
	s3 =	sadd.s32 @!p1 s8, s9;
	s9 =	simm.s32 @!p1 $0x0  }
0xf5: {  	[tilespmem:s9], [sflag:$0x1] =	stream.linear.gather @!p1 [hbm4b:s3+s9], $0x280, $0x38;
	[tilespmem:$0xF600] =	vst v63  }
0xf6: {  	s3 =	sadd.s32 @!p1 s8, s11;
	s8 =	simm.s32 @!p1 $0x500  }
0xf7: {  	[tilespmem:s8], [sflag:$0x3] =	stream.linear.gather @!p1 [hbm4b:s3+s9], $0x280, $0x38;
	[tilespmem:$0xF600] =	vst v63  }
0xf8: {  	_ =	swait.ge [sflag:s20], $0x800  }
0xf9: {  	[sflag:s20] =	ssyncset.done $0x0  }
0xfa: {  	[sflag:s20] =	ssyncadd.s32 $0xFFFFF800  }
0xfb: {  	[spmem:s2] =	stream.indirect.scatter.add.f32 [tilespmem:s21], [sflag:$0xA], $0x10, s19, s16, $0xb8;
	[tilespmem:$0xF600] =	vst v63  }
0xfc: {  	_ =	swait.ge [sflag:s22], $0x800  }
0xfd: {  	[sflag:s22] =	ssyncset.done $0x0  }
0xfe: {  	s9 =	rddreg [dreg:$0x10];
	[sflag:s22] =	ssyncadd.s32 $0xFFFFF800  }
0xff: {  	[spmem:s2] =	stream.indirect.scatter.add.f32 [tilespmem:s23], [sflag:$0xB], $0x10, s9, s16, $0xb8;
	[tilespmem:$0xF600] =	vst v63  }
0x100: {  	_ =	swait.ge [sflag:s24], $0x800  }
0x101: {  	[sflag:s24] =	ssyncset.done $0x0  }
0x102: {  	s11 =	rddreg [dreg:$0x11];
	[sflag:s24] =	ssyncadd.s32 $0xFFFFF800  }
0x103: {  	[spmem:s2] =	stream.indirect.scatter.add.f32 [tilespmem:s25], [sflag:$0xC], $0x10, s11, s16, $0xb8;
	[tilespmem:$0xF600] =	vst v63  }
0x104: {  	s10 =	sadd.s32 $0xA0, s10;
	_ =	swait.ge [sflag:s26], $0x800  }
0x105: {  	p0 =	sne.s32 s10, $0xC80;
	[sflag:s26] =	ssyncset.done $0x0  }
.Ltmp0:
0x106: {  	s12 =	rddreg [dreg:$0x12];
	[sflag:s26] =	ssyncadd.s32 $0xFFFFF800;
	(pc) =	sbr.rel @p0 .LBB2_2-.Ltmp0, $4  }
0x107: {  	[spmem:s2] =	stream.indirect.scatter.add.f32 [tilespmem:s28], [sflag:$0xD], $0x10, s12, s16, $0xb8;
	[tilespmem:$0xF600] =	vst v63  }
0x108: {  	_ =	swait.ge [sflag:s29], $0x800  }
0x109: {  	[sflag:s29] =	ssyncset.done $0x0  }
0x10a: {  	s8 =	rddreg [dreg:$0x13];
	[sflag:s29] =	ssyncadd.s32 $0xFFFFF800  }
0x10b: {  	[spmem:s2] =	stream.indirect.scatter.add.f32 [tilespmem:s17], [sflag:$0xE], $0x10, s8, s16, $0xb8;
	[tilespmem:$0xF600] =	vst v63  }
0x10c: {  	_ =	swait.ge [sflag:s0], $0x800  }
0x10d: {  	[sflag:s0] =	ssyncset.done $0x0  }
0x10e: {  	[sflag:s0] =	ssyncadd.s32 $0xFFFFF800  }
0x10f: {  	_ =	swait.ge [sflag:s1], $0x800  }
0x110: {  	[sflag:s1] =	ssyncset.done $0x0  }
0x111: {  	[sflag:s1] =	ssyncadd.s32 $0xFFFFF800  }
0x112: {  	_ =	swait.ge [sflag:s5], $0x800  }
0x113: {  	[sflag:s5] =	ssyncset.done $0x0  }
0x114: {  	[sflag:s5] =	ssyncadd.s32 $0xFFFFF800  }
0x115: {  	_ =	swait.ge [sflag:s6], $0x800  }
0x116: {  	[sflag:s6] =	ssyncset.done $0x0  }
0x117: {  	[sflag:s6] =	ssyncadd.s32 $0xFFFFF800  }
0x118: {  	_ =	swait.ge [sflag:s7], $0x800  }
0x119: {  	[sflag:s7] =	ssyncset.done $0x0  }
0x11a: {  	[sflag:s7] =	ssyncadd.s32 $0xFFFFF800  }
0x11b: {  	[bflag:$0x0] =	sbarrier.arrive $0xFFFF  }
0x11c: {  	s10 =	rddreg [dreg:$0x17]  }
0x11d: {  	s3 =	rddreg [dreg:$0x18]  }
0x11e: {  	s11 =	simm.s32 $0xF;
	s8 =	rddreg [dreg:$0x1a]  }
0x11f: {  	[hbm:s3], [sflag:s10] =	dma.local [spmem:s8], $0x1880  }
0x120: {  	_ =	swait.ge [sflag:s11], $0x1880  }
0x121: {  	s12 =	rddreg [dreg:$0x1b]  }
0x122: {  	s9 =	rddreg [dreg:$0x19];
	s12 =	sadd.s32 $0x1, s12  }
0x123: {  	p0 =	sne.s32 s12, s9  }
.Ltmp1:
0x124: {  	_ = 	snop;
	(pc) =	sbr.rel @p0 .LBB2_1-.Ltmp1, $3  }
0x125: {  	_ =	sdelay $0x1  }
0x126: {  	[sflag:s11] =	ssyncset.done $0x0  }
0x127: {  	[sflag:s11] =	ssyncadd.s32 $0xFFFFE780;
	s9 =	simm.s32 $0x500  }
0x128: {  	_ =	sfence.sel $0x180000  }
0x129: {  	[bflag:$0x0] =	sbarrier.arrive $0xFFFF  }
0x12a: {  	_ =	strace $0x9000004D  }
0x12b: {  	s0 =	stileid.u32;
	[bflag:$0x2] =	sbarrier.arrive $0xFFFF  }
0x12c: {  	p0 =	sne.s32 s0, $0x0;
	s0 =	rddreg [dreg:$0x2]  }
0x12d: {  	s0 =	sadd.s32 @!p0 $0x100000, s0  }
0x12e: {  	[sflag:s0] =	ssyncadd.tile.s32 @!p0 $0x1;
	_ =	shalt  }
.Lfunc_end2:
_tile_overlayer_lowered:
.L_overlay_start_2:
0x12f: {  	(tag) =	ssettag $0x2  }
0x130: {  	s0 =	rddreg [dreg:$0x0];
	s2 =	stileid.u32  }
0x131: {  	s1 =	rddreg [dreg:$0x1];
	p0 =	sne.s32 s2, $0x0  }
0x132: {  	s3 =	rddreg [dreg:$0x2];
	[bflag:$0x3] =	sbarrier.arrive $0xFFFF;
	s2 =	simm.s32 @!p0 $0x1C0F  }
0x133: {  	[timem:s3], [sflag:s2] =	dma.local @!p0 [hbm:s0], s1  }
0x134: {  	s0 =	simm.s32 @!p0 $0xF  }
0x135: {  	_ =	swait.ge @!p0 [sflag:s0], s1  }
0x136: {  	s1 =	ssub.s32 @!p0 $0x0, s1;
	[sflag:s0] =	ssyncset.done @!p0 $0x0  }
0x137: {  	[sflag:s0] =	ssyncadd.s32 @!p0 s1  }
0x138: {  	[bflag:$0x3] =	sbarrier.arrive $0xFFFF  }
0x139: {  	_ =	shalt  }

// kernel: kernel.7.cloned.1.call-start
scs
__scs_entry_jumppad:
0x0: {  	(pc) =	sbr.rel $0x88, $3  }
0x1: {  	(tag) =	ssettag $0x0;
	lr =	simm.s32 $0x1  }
0x2: {  	[smem:$0x3F97] =	sst lr;
	_ =	strace $0xD0000000  }
0x3: {  	_ = 	snop  }
0x4: {  	_ = 	snop  }
0x5: {  	_ = 	snop  }
0x6: {  	_ = 	snop  }
0x7: {  	_ = 	snop  }
__scs_overlays_trampoline_lowered:
0x8: {  	[smem:$0x3FA6] =	sst s0  }
0x9: {  	[smem:$0x3FA7] =	sst s1  }
0xa: {  	[smem:$0x3FA8] =	sst s2  }
0xb: {  	[smem:$0x3FA9] =	sst s3  }
0xc: {  	[smem:$0x3FAA] =	sst s4  }
0xd: {  	[smem:$0x3FAB] =	sst s5  }
0xe: {  	[smem:$0x3FAC] =	sst s6  }
0xf: {  	[smem:$0x3FAD] =	sst s7  }
0x10: {  	[smem:$0x3FAE] =	sst s8  }
0x11: {  	[smem:$0x3FAF] =	sst s9;
	s0 =	simm.s32 @!p0 $0x0  }
0x12: {  	s1 =	sld [smem:$0x3F95];
	s0 =	simm.s32 @p0 $0x1  }
0x13: {  	[smem:$0x3FB0] =	sst s0;
	s0 =	simm.s32 @!p1 $0x0  }
0x14: {  	s2 =	sld [smem:$0x3F94];
	s0 =	simm.s32 @p1 $0x1  }
0x15: {  	[smem:$0x3FB1] =	sst s0;
	s0 =	simm.s32 @!p2 $0x0  }
0x16: {  	s3 =	sld [smem:$0x3FDB];
	s0 =	simm.s32 @p2 $0x1  }
0x17: {  	s4 =	simm.s32 $0x1BF5;
	[smem:$0x3FB3] =	sst s0  }
0x18: {  	s0 =	sld [smem:$0x3F96];
	_ =	swait.ge [sflag:s4], $0x0  }
0x19: {  	s7 =	sld [smem:$0x3F97]  }
0x1a: {  	s8 =	sadd.s32 $0xFFFFE003, lr  }
0x1b: {  	s9 =	sadd.s32 $0xFFFFFEF7, lr;
	s5 =	simm.s32 $0xFFFFFFFF;
	p2 =	slt.u32 s8, $0xFFFFF086  }
0x1c: {  	p1 =	slt.u32 s9, $0xF7A;
	s5 =	simm.s32 @!p2 $0x0  }
0x1d: {  	s5 =	simm.s32 @p1 $0x1;
	p0 =	seq.s32 s7, s2  }
0x1e: {  	s7 =	smul.u32 @!p0 $0xF7A, s2;
	p2 =	seq.s32 @!p0 s5, $0x0  }
0x1f: {  	s9 =	smul.u32 $0xF7A, s1;
	s8 =	simm.s32 @!p0 $0x1BF5;
	p2 =	por !p2, p0  }
0x20: {  	[sflag:s8] =	ssyncset.s32 @!p0 $0xFFFFF086;
	s6 =	sadd.s32 @!p0 s3, s7;
	s7 =	simm.s32 @!p0 $0x108  }
0x21: {  	s3 =	sadd.s32 s3, s9;
	s6 =	sadd.s32 @!p0 $0x88, s6;
	s7 =	simm.s32 @p2 $0x1082  }
0x22: {  	[simem:s7], [sflag:s8] =	dma.local @!p0 [hbm:s6], $0xF7A  }
0x23: {  	s9 =	sor.u32 $0xD0000000, s2;
	s6 =	simm.s32 $0x108;
	_ =	swait.ge @!p0 [sflag:s8], $0x0  }
0x24: {  	s3 =	sadd.s32 $0x88, s3;
	s6 =	simm.s32 @!p1 $0x1082;
	[sflag:s4] =	ssyncset.s32 $0xFFFFF086  }
0x25: {  	[simem:s6], [sflag:s4] =	dma.local [hbm:s3], $0xF7A  }
0x26: {  	[smem:$0x3F97] =	sst s1;
	(tag) =	ssettag s2;
	_ =	strace s9  }
0x27: {  	s1 =	sld [smem:$0x3FA7]  }
0x28: {  	s2 =	sld [smem:$0x3FA8]  }
0x29: {  	s4 =	sld [smem:$0x3FAA]  }
0x2a: {  	p0 =	seq.s32 s5, $0x0;
	s5 =	sld [smem:$0x3FAB]  }
0x2b: {  	s6 =	sld [smem:$0x3FAC]  }
0x2c: {  	s7 =	sld [smem:$0x3FAD]  }
0x2d: {  	s3 =	simm.s32 $0x108;
	s8 =	sld [smem:$0x3FAE]  }
0x2e: {  	s3 =	simm.s32 @!p0 $0x1082;
	s9 =	sld [smem:$0x3FAF]  }
0x2f: {  	lr =	sadd.s32 s0, s3;
	s0 =	sld [smem:$0x3FA6]  }
0x30: {  	s3 =	sld [smem:$0x3FA9]  }
0x31: {  	[smem:$0x3FB2] =	sst s10  }
0x32: {  	s10 =	sld [smem:$0x3FB0];
	_ =	sdelay $0x3  }
0x33: {  	p0 =	seq.s32 s10, $0x1;
	s10 =	sld [smem:$0x3FB2];
	_ =	sdelay $0x3  }
0x34: {  	[smem:$0x3FB2] =	sst s10  }
0x35: {  	s10 =	sld [smem:$0x3FB1];
	_ =	sdelay $0x3  }
0x36: {  	p1 =	seq.s32 s10, $0x1;
	s10 =	sld [smem:$0x3FB2];
	_ =	sdelay $0x3  }
0x37: {  	[smem:$0x3FB2] =	sst s10  }
0x38: {  	s10 =	sld [smem:$0x3FB3]  }
0x39: {  	_ = 	snop;
	(pc) =	sbr.ind lr, $3  }
0x3a: {  	_ = 	snop  }
0x3b: {  	_ = 	snop  }
0x3c: {  	p2 =	seq.s32 s10, $0x1;
	s10 =	sld [smem:$0x3FB2]  }
0x3d: {  	_ =	shalt  }
0x3e: {  	_ =	shalt  }
0x3f: {  	_ =	shalt  }
0x40: {  	_ =	shalt  }
0x41: {  	_ =	shalt  }
0x42: {  	_ =	shalt  }
0x43: {  	_ =	shalt  }
0x44: {  	_ =	shalt  }
0x45: {  	_ =	shalt  }
0x46: {  	_ =	shalt  }
0x47: {  	_ =	shalt  }
0x48: {  	_ =	shalt  }
0x49: {  	_ =	shalt  }
0x4a: {  	_ =	shalt  }
0x4b: {  	_ =	shalt  }
0x4c: {  	_ =	shalt  }
0x4d: {  	_ =	shalt  }
0x4e: {  	_ =	shalt  }
0x4f: {  	_ =	shalt  }
0x50: {  	_ =	shalt  }
0x51: {  	_ =	shalt  }
0x52: {  	_ =	shalt  }
0x53: {  	_ =	shalt  }
0x54: {  	_ =	shalt  }
0x55: {  	_ =	shalt  }
0x56: {  	_ =	shalt  }
0x57: {  	_ =	shalt  }
0x58: {  	_ =	shalt  }
0x59: {  	_ =	shalt  }
0x5a: {  	_ =	shalt  }
0x5b: {  	_ =	shalt  }
0x5c: {  	_ =	shalt  }
0x5d: {  	_ =	shalt  }
0x5e: {  	_ =	shalt  }
0x5f: {  	_ =	shalt  }
0x60: {  	_ =	shalt  }
0x61: {  	_ =	shalt  }
0x62: {  	_ =	shalt  }
0x63: {  	_ =	shalt  }
0x64: {  	_ =	shalt  }
0x65: {  	_ =	shalt  }
0x66: {  	_ =	shalt  }
0x67: {  	_ =	shalt  }
0x68: {  	_ =	shalt  }
0x69: {  	_ =	shalt  }
0x6a: {  	_ =	shalt  }
0x6b: {  	_ =	shalt  }
0x6c: {  	_ =	shalt  }
0x6d: {  	_ =	shalt  }
0x6e: {  	_ =	shalt  }
0x6f: {  	_ =	shalt  }
0x70: {  	_ =	shalt  }
0x71: {  	_ =	shalt  }
0x72: {  	_ =	shalt  }
0x73: {  	_ =	shalt  }
0x74: {  	_ =	shalt  }
0x75: {  	_ =	shalt  }
0x76: {  	_ =	shalt  }
0x77: {  	_ =	shalt  }
0x78: {  	_ =	shalt  }
0x79: {  	_ =	shalt  }
0x7a: {  	_ =	shalt  }
0x7b: {  	_ =	shalt  }
0x7c: {  	_ =	shalt  }
0x7d: {  	_ =	shalt  }
0x7e: {  	_ =	shalt  }
0x7f: {  	_ =	shalt  }
0x80: {  	_ =	shalt  }
0x81: {  	_ =	shalt  }
0x82: {  	_ =	shalt  }
0x83: {  	_ =	shalt  }
0x84: {  	_ =	shalt  }
0x85: {  	_ =	shalt  }
0x86: {  	_ =	shalt  }
0x87: {  	_ =	shalt  }
.Lfunc_end0:
.L_simem_size_0:
called_computation_lowered:
.L_overlay_start_0:
0x88: {  	s2 =	sld [smem:$0x3FD9]  }
0x89: {  	s3 =	sld [smem:$0x3FFE];
	_ =	sdelay $0x1  }
0x8a: {  	s1 =	srdreg.scid  }
0x8b: {  	s0 =	sand.u32 $0x1, s1  }
0x8c: {  	s15 =	sshll.u32 s0, $0xA;
	s2 =	sadd.s32 s3, s2  }
0x8d: {  	s2 =	sadd.s32 s2, s15  }
0x8e: {  	[smem:$0x3FBE] =	sst s2  }
0x8f: {  	_ = 	snop  }
0x90: {  	s2 =	sld [smem:$0x3FD0];
	_ =	sdelay $0x2  }
0x91: {  	s16 =	simm.s32 $0xB;
	s4 =	simm.s32 $0x10  }
0x92: {  	[smem:s4], [sflag:s16] =	dma.local [hbm:s2], $0x1  }
0x93: {  	_ =	swait.eq [sflag:s16], $0x1  }
0x94: {  	[sflag:s16] =	ssyncset.done $0x0  }
0x95: {  	[sflag:s16] =	ssyncadd.s32 $0xFFFFFFFF  }
0x96: {  	s17 =	sld [smem:$0x11];
	(tm) =	ssettm $0x1  }
0x97: {  	s18 =	sld [smem:$0x3FFB];
	_ =	sdelay $0x3  }
0x98: {  	_ =	strace s18  }
0x99: {  	s2 =	sld [smem:$0x3FFC];
	_ =	sdelay $0x3  }
0x9a: {  	_ =	strace s2  }
0x9b: {  	s2 =	sld [smem:$0x3FFD];
	_ =	sdelay $0x3  }
0x9c: {  	_ =	strace s2  }
0x9d: {  	_ =	strace $0x8FFFFFFF  }
0x9e: {  	s19 =	sld [smem:$0x3FDB];
	_ =	sdelay $0x1  }
0x9f: {  	s20 =	simm.s32 $_scs_section_size  }
0xa0: {  	s5 =	simm.s32 $_size__tile_overlayer_lowered;
	s6 =	simm.s32 $_tile_overlayer_lowered  }
0xa1: {  	s7 =	simm.s32 $0x1BFF;
	s21 =	sshll.u32 s6, $0x1;
	s4 =	sadd.s32 s20, s19  }
0xa2: {  	s22 =	simm.s32 $0x0;
	s5 =	sshll.u32 s5, $0x1;
	s6 =	sadd.s32 s21, s4  }
0xa3: {  	[timem:s22], [sflag:s7] =	dma.local [hbm:s6], s5  }
0xa4: {  	_ =	swait.ge [sflag:s7], s5  }
0xa5: {  	s5 =	ssub.s32 $0x0, s5;
	[sflag:s7] =	ssyncset.done $0x0  }
0xa6: {  	[sflag:s7] =	ssyncadd.s32 s5;
	_ =	sdelay $0x1  }
0xa7: {  	s23 =	simm.s32 $0x1B8B  }
0xa8: {  	_ =	swait.ge [sflag:s23], $0x1  }
0xa9: {  	[sflag:s23] =	ssyncset.done $0x0  }
0xaa: {  	[sflag:s23] =	ssyncadd.s32 $0xFFFFFFFF  }
0xab: {  	s5 =	sld [smem:$0x0]  }
0xac: {  	s6 =	sand.u32 $0xFFFFFFFE, s1  }
0xad: {  	p0 =	sne.s32 s1, s6  }
0xae: {  	s6 =	sshll.u32 @p0 s6, $0xE  }
0xaf: {  	s6 =	sadd.s32 @p0 $0x11B8D, s6;
	s7 =	sshll.u32 @p0 s5, $0x11  }
0xb0: {  	s6 =	sor.u32 @p0 s7, s6  }
0xb1: {  	[sflag:s6] =	ssyncadd.remote.s32 @p0 $0x1;
	_ =	sdelay $0x1  }
0xb2: {  	s6 =	simm.s32 @p0 $0x1B8D  }
0xb3: {  	_ =	swait.eq @p0 [sflag:s6], $0x1  }
0xb4: {  	[sflag:s6] =	ssyncadd.s32 @p0 $0xFFFFFFFF  }
0xb5: {  	s7 =	sshll.u32 @!p0 s1, $0xE  }
0xb6: {  	s7 =	sor.u32 @!p0 $0x4000, s7;
	s6 =	simm.s32 @!p0 $0x1B8D  }
0xb7: {  	s5 =	sshll.u32 @!p0 s5, $0x11;
	s7 =	sadd.s32 @!p0 $0x11B8D, s7;
	_ =	swait.eq @!p0 [sflag:s6], $0x1  }
0xb8: {  	s5 =	sor.u32 @!p0 s5, s7;
	[sflag:s6] =	ssyncadd.s32 @!p0 $0xFFFFFFFF  }
0xb9: {  	s25 =	simm.s32 $0x1B8E;
	s24 =	sld [smem:$0x3FFE];
	[sflag:s5] =	ssyncadd.remote.s32 @!p0 $0x1  }
0xba: {  	s26 =	simm.s32 $execute0_lowered;
	[smem:$0x3FD2] =	sst s25  }
0xbb: {  	s6 =	sshll.u32 s26, $0x1;
	_ =	strace $0x80000049;
	[dreg:$0x1] =	wrdreg $0xFFFFFFFF  }
0xbc: {  	s28 =	simm.s32 $_size_execute0_lowered;
	s4 =	sadd.s32 s4, s6;
	[dreg:$0x0] =	wrdreg $0x0  }
0xbd: {  	s6 =	sshll.u32 s28, $0x1;
	[dreg:$0x2] =	wrdreg s4  }
0xbe: {  	[dreg:$0x3] =	wrdreg s6  }
0xbf: {  	[dreg:$0x4] =	wrdreg $0xC0  }
0xc0: {  	_ =	task [dreg:s22], $0x5FFFF  }
0xc1: {  	[dreg:$0x1] =	wrdreg $0xFFFFFFFF  }
0xc2: {  	[dreg:$0x0] =	wrdreg $0x60  }
0xc3: {  	[dreg:$0x2] =	wrdreg s24  }
0xc4: {  	[dreg:$0x3] =	wrdreg s17  }
0xc5: {  	[dreg:$0x4] =	wrdreg $0x9000  }
0xc6: {  	[dreg:$0x5] =	wrdreg $0x9  }
0xc7: {  	_ =	task.clear_ibuf [dreg:s22], $0x6FFFF;
	_ =	strace $0x90000049  }
0xc8: {  	s29 =	simm.s32 $0x9;
	_ =	strace $0x8000004B  }
0xc9: {  	_ =	swait.ge [sflag:s29], $0x1  }
0xca: {  	[sflag:s29] =	ssyncadd.s32 $0xFFFFFFFF  }
0xcb: {  	_ =	strace $0x9000004B  }
0xcc: {  	_ =	sfence  }
0xcd: {  	s30 =	sld [smem:$0x0];
	_ =	sdelay $0x2  }
0xce: {  	s31 =	sshll.u32 s1, $0xD;
	s1 =	sshrl.u32 s1, $0x2  }
0xcf: {  	s4 =	sand.u32 $0x4000, s31;
	s1 =	sadd.s32 s1, s30  }
0xd0: {  	s0 =	sor.u32 s4, s0;
	s1 =	sshll.u32 s1, $0x11  }
0xd1: {  	s0 =	sor.u32 s1, s0  }
0xd2: {  	s0 =	sadd.s32 $0x8F2B, s0  }
0xd3: {  	[sflag:s0] =	ssyncadd.remote.s32 $0x1  }
0xd4: {  	_ =	sfence.sel $0xFFFF  }
0xd5: {  	[dreg:$0x0] =	wrdreg $0xFFFFFFFF;
	(pc) =	sbr.abs _section_cstart, $3  }
0xd6: {  	[dreg:$0x1] =	wrdreg $0xFFFFFFFF  }
0xd7: {  	_ =	task.clear_ibuf [dreg:s22], $0x2FFFF;
	_ =	strace $0x9FFFFFFF  }
0xd8: {  	(tm) =	ssettm $0x7FFFFFFF  }
0xd9: {  	_ =	shalt  }
tec
execute0_lowered:
.L_overlay_start_1:
0x0: {  	(tag) =	ssettag $0x1  }
0x1: {  	s0 =	rddreg [dreg:$0x0]  }
0x2: {  	s3 =	rddreg [dreg:$0x2];
	s4 =	simm.s32 $0x0;
	s13 =	stileid.u32  }
0x3: {  	s2 =	srdreg.scid;
	s14 =	simm.s32 $0x8;
	s17 =	simm.s32 $0x1  }
0x4: {  	s18 =	simm.s32 $0x80;
	s19 =	simm.s32 $0x100;
	s20 =	simm.s32 $0x180  }
0x5: {  	s21 =	simm.s32 $0x200;
	s22 =	simm.s32 $0x280;
	s23 =	simm.s32 $0x2  }
0x6: {  	s24 =	simm.s32 $0x3;
	s28 =	simm.s32 $0x5;
	s29 =	simm.s32 $0x380  }
0x7: {  	s30 =	simm.s32 $0x6;
	s31 =	simm.s32 $0x400;
	[smem:$0x7FF] =	sst s4  }
0x8: {  	s1 =	smul.u32 $0x6200, s13;
	s2 =	sand.u32 $0x1, s2;
	s5 =	sshll.u32 s13, $0x1  }
0x9: {  	s11 =	sadd.s32 $0x127400, s0;
	s9 =	smul.u32 $0x190, s13;
	s26 =	sshll.u32 s13, $0x6  }
0xa: {  	s13 =	simm.s32 $0x500;
	_ =	strace $0x8000004A;
	s7 =	smul.u32 $0x62000, s2  }
0xb: {  	s5 =	sor.u32 s2, s5;
	s8 =	ssub.s32 $0x2, s2;
	s2 =	smul.u32 $0xC8, s2  }
0xc: {  	s15 =	sor.u32 $0x1C08, s26;
	s26 =	simm.s32 $0x300;
	s6 =	sshrl.u32 s1, $0x3  }
0xd: {  	s5 =	smul.u32 $0xC80, s5;
	s10 =	sshrl.u32 s8, $0x1;
	s6 =	sadd.s32 s6, s0  }
0xe: {  	s7 =	sadd.s32 s1, s7;
	s8 =	ssub.s32 s8, s10;
	s1 =	sadd.s32 s1, s3  }
0xf: {  	s2 =	sadd.s32 s2, s9;
	s7 =	sshrl.u32 s7, $0x3;
	s5 =	sadd.s32 s11, s5  }
0x10: {  	s6 =	sadd.s32 $0x1EC400, s6;
	s8 =	smax.u32 s8, $0x1;
	s25 =	sshll.u32 s2, $0x4  }
.Ltmp0:
0x11: {  	s16 =	sshrl.u32 s1, $0x3;
	s2 =	simm.s32 $0x480;
	(pc) =	sbr.rel .LBB2_1-.Ltmp0, $4  }
0x12: {  	s1 =	simm.s32 $0x0;
	s0 =	sadd.s32 s7, s0;
	[dreg:$0x4] =	wrdreg s6  }
0x13: {  	s9 =	sadd.s32 $0x50, s5;
	s10 =	sadd.s32 $0xA0, s5;
	s0 =	sadd.s32 $0x1F8800, s0  }
0x14: {  	[dreg:$0x5] =	wrdreg s0;
	s0 =	sadd.s32 s11, s25;
	s25 =	simm.s32 $0x4  }
0x15: {  	s11 =	sadd.s32 $0x140, s0;
	s12 =	sadd.s32 $0xF0, s0;
	s0 =	simm.s32 $0x7  }
.LBB2_4:
0x16: {  	_ =	swait.ge [sflag:s24], $0x400  }
0x17: {  	[sflag:s24] =	ssyncset.done $0x0  }
0x18: {  	[sflag:s24] =	ssyncadd.s32 $0xFFFFFC00  }
0x19: {  	_ =	swait.ge [sflag:s25], $0x400  }
0x1a: {  	[sflag:s25] =	ssyncset.done $0x0  }
0x1b: {  	[sflag:s25] =	ssyncadd.s32 $0xFFFFFC00  }
0x1c: {  	_ =	swait.ge [sflag:s28], $0x400  }
0x1d: {  	[sflag:s28] =	ssyncset.done $0x0  }
0x1e: {  	[sflag:s28] =	ssyncadd.s32 $0xFFFFFC00  }
0x1f: {  	_ =	swait.ge [sflag:s30], $0x400  }
0x20: {  	[sflag:s30] =	ssyncset.done $0x0  }
0x21: {  	[sflag:s30] =	ssyncadd.s32 $0xFFFFFC00  }
0x22: {  	_ =	swait.ge [sflag:s0], $0x400  }
0x23: {  	[sflag:s0] =	ssyncset.done $0x0  }
0x24: {  	s1 =	sadd.s32 $0x1, s1;
	[sflag:s0] =	ssyncadd.s32 $0xFFFFFC00  }
0x25: {  	p0 =	sne.s32 s1, s8;
	[bflag:$0x0] =	sbarrier.arrive $0xFFFF  }
.Ltmp1:
0x26: {  	s6 =	rddreg [dreg:$0x5];
	(pc) =	sbr.rel @!p0 .LBB2_5-.Ltmp1, $4  }
0x27: {  	[hbm:s6], [sflag:s15] =	dma.local [spmem:s16], $0xC40  }
0x28: {  	_ =	swait.ge [sflag:s14], $0xC40  }
0x29: {  	[sflag:s14] =	ssyncset.done $0x0  }
0x2a: {  	[sflag:s14] =	ssyncadd.s32 $0xFFFFF3C0  }
.LBB2_1:
0x2b: {  	[tilespmem:s4], [sflag:$0x1] =	stream.linear.gather [hbm4b:s5+s4], $0x280, $0x38;
	[tilespmem:$0x6B00] =	vst v63  }
0x2c: {  	s6 =	rddreg [dreg:$0x1]  }
0x2d: {  	[tilespmem:s13], [sflag:$0x8] =	stream.linear.gather [hbm4b:s6+s4], $0x400, $0x38;
	[tilespmem:$0x6B00] =	vst v63  }
0x2e: {  	_ =	swait.ge [sflag:s14], $0x400  }
0x2f: {  	[sflag:s14] =	ssyncset.done $0x0  }
0x30: {  	s7 =	rddreg [dreg:$0x4];
	[sflag:s14] =	ssyncadd.s32 $0xFFFFFC00  }
0x31: {  	[spmem:s16], [sflag:s15] =	dma.local [hbm:s7], $0xC40  }
0x32: {  	_ =	swait.ge [sflag:s14], $0xC40  }
0x33: {  	[sflag:s14] =	ssyncset.done $0x0  }
0x34: {  	[sflag:s14] =	ssyncadd.s32 $0xFFFFF3C0  }
0x35: {  	[bflag:$0x0] =	sbarrier.arrive $0xFFFF  }
0x36: {  	_ =	swait.ge [sflag:s17], $0x280  }
0x37: {  	[sflag:s17] =	ssyncset.done $0x0  }
0x38: {  	[sflag:s17] =	ssyncadd.s32 $0xFFFFFD80  }
0x39: {  	[spmem:s3] =	stream.indirect.scatter.add.f32 [tilespmem:s13], [sflag:$0x3], $0x8, s4, s18, $0xb8;
	[tilespmem:$0x6B00] =	vst v63  }
0x3a: {  	_ = 	snop  }
0x3b: {  	[spmem:s3] =	stream.indirect.scatter.add.f32 [tilespmem:s13], [sflag:$0x4], $0x8, s18, s18, $0xb8;
	[tilespmem:$0x6B00] =	vst v63  }
0x3c: {  	_ = 	snop  }
0x3d: {  	[spmem:s3] =	stream.indirect.scatter.add.f32 [tilespmem:s13], [sflag:$0x5], $0x8, s19, s18, $0xb8;
	[tilespmem:$0x6B00] =	vst v63  }
0x3e: {  	_ = 	snop  }
0x3f: {  	[spmem:s3] =	stream.indirect.scatter.add.f32 [tilespmem:s13], [sflag:$0x6], $0x8, s20, s18, $0xb8;
	[tilespmem:$0x6B00] =	vst v63  }
0x40: {  	_ = 	snop  }
0x41: {  	[spmem:s3] =	stream.indirect.scatter.add.f32 [tilespmem:s13], [sflag:$0x7], $0x8, s21, s18, $0xb8;
	[tilespmem:$0x6B00] =	vst v63  }
0x42: {  	_ = 	snop  }
0x43: {  	[tilespmem:s22], [sflag:$0x2] =	stream.linear.gather [hbm4b:s9+s4], $0x280, $0x38;
	[tilespmem:$0x6B00] =	vst v63  }
0x44: {  	_ =	swait.ge [sflag:s23], $0x280  }
0x45: {  	[sflag:s23] =	ssyncset.done $0x0  }
0x46: {  	[sflag:s23] =	ssyncadd.s32 $0xFFFFFD80  }
0x47: {  	_ =	swait.ge [sflag:s24], $0x400  }
0x48: {  	[sflag:s24] =	ssyncset.done $0x0  }
0x49: {  	[sflag:s24] =	ssyncadd.s32 $0xFFFFFC00  }
0x4a: {  	[spmem:s3] =	stream.indirect.scatter.add.f32 [tilespmem:s13], [sflag:$0x3], $0x8, s22, s18, $0xb8;
	[tilespmem:$0x6B00] =	vst v63  }
0x4b: {  	_ =	swait.ge [sflag:s25], $0x400  }
0x4c: {  	[sflag:s25] =	ssyncset.done $0x0  }
0x4d: {  	[sflag:s25] =	ssyncadd.s32 $0xFFFFFC00  }
0x4e: {  	[spmem:s3] =	stream.indirect.scatter.add.f32 [tilespmem:s13], [sflag:$0x4], $0x8, s26, s18, $0xb8;
	[tilespmem:$0x6B00] =	vst v63  }
0x4f: {  	_ =	swait.ge [sflag:s28], $0x400  }
0x50: {  	[sflag:s28] =	ssyncset.done $0x0  }
0x51: {  	[sflag:s28] =	ssyncadd.s32 $0xFFFFFC00  }
0x52: {  	[spmem:s3] =	stream.indirect.scatter.add.f32 [tilespmem:s13], [sflag:$0x5], $0x8, s29, s18, $0xb8;
	[tilespmem:$0x6B00] =	vst v63  }
0x53: {  	_ =	swait.ge [sflag:s30], $0x400  }
0x54: {  	[sflag:s30] =	ssyncset.done $0x0  }
0x55: {  	[sflag:s30] =	ssyncadd.s32 $0xFFFFFC00  }
0x56: {  	[spmem:s3] =	stream.indirect.scatter.add.f32 [tilespmem:s13], [sflag:$0x6], $0x8, s31, s18, $0xb8;
	[tilespmem:$0x6B00] =	vst v63  }
0x57: {  	_ =	swait.ge [sflag:s0], $0x400  }
0x58: {  	[sflag:s0] =	ssyncset.done $0x0  }
0x59: {  	[sflag:s0] =	ssyncadd.s32 $0xFFFFFC00  }
0x5a: {  	[spmem:s3] =	stream.indirect.scatter.add.f32 [tilespmem:s13], [sflag:$0x7], $0x8, s2, s18, $0xb8;
	[tilespmem:$0x6B00] =	vst v63  }
0x5b: {  	s6 =	simm.s32 $0x0  }
0x5c: {  	[tilespmem:s4], [sflag:$0x1] =	stream.linear.gather [hbm4b:s10+s4], $0x280, $0x38;
	[tilespmem:$0x6B00] =	vst v63  }
.LBB2_2:
0x5d: {  	_ =	swait.ge [sflag:s17], $0x280  }
0x5e: {  	[sflag:s17] =	ssyncset.done $0x0  }
0x5f: {  	[sflag:s17] =	ssyncadd.s32 $0xFFFFFD80  }
0x60: {  	_ =	swait.ge [sflag:s24], $0x400  }
0x61: {  	[sflag:s24] =	ssyncset.done $0x0  }
0x62: {  	[sflag:s24] =	ssyncadd.s32 $0xFFFFFC00  }
0x63: {  	[spmem:s3] =	stream.indirect.scatter.add.f32 [tilespmem:s13], [sflag:$0x3], $0x8, s4, s18, $0xb8;
	[tilespmem:$0x6B00] =	vst v63  }
0x64: {  	_ =	swait.ge [sflag:s25], $0x400  }
0x65: {  	[sflag:s25] =	ssyncset.done $0x0  }
0x66: {  	[sflag:s25] =	ssyncadd.s32 $0xFFFFFC00  }
0x67: {  	[spmem:s3] =	stream.indirect.scatter.add.f32 [tilespmem:s13], [sflag:$0x4], $0x8, s18, s18, $0xb8;
	[tilespmem:$0x6B00] =	vst v63  }
0x68: {  	_ =	swait.ge [sflag:s28], $0x400  }
0x69: {  	[sflag:s28] =	ssyncset.done $0x0  }
0x6a: {  	[sflag:s28] =	ssyncadd.s32 $0xFFFFFC00  }
0x6b: {  	[spmem:s3] =	stream.indirect.scatter.add.f32 [tilespmem:s13], [sflag:$0x5], $0x8, s19, s18, $0xb8;
	[tilespmem:$0x6B00] =	vst v63  }
0x6c: {  	_ =	swait.ge [sflag:s30], $0x400  }
0x6d: {  	[sflag:s30] =	ssyncset.done $0x0  }
0x6e: {  	[sflag:s30] =	ssyncadd.s32 $0xFFFFFC00  }
0x6f: {  	[spmem:s3] =	stream.indirect.scatter.add.f32 [tilespmem:s13], [sflag:$0x6], $0x8, s20, s18, $0xb8;
	[tilespmem:$0x6B00] =	vst v63  }
0x70: {  	_ =	swait.ge [sflag:s0], $0x400  }
0x71: {  	[sflag:s0] =	ssyncset.done $0x0  }
0x72: {  	[sflag:s0] =	ssyncadd.s32 $0xFFFFFC00  }
0x73: {  	[spmem:s3] =	stream.indirect.scatter.add.f32 [tilespmem:s13], [sflag:$0x7], $0x8, s21, s18, $0xb8;
	[tilespmem:$0x6B00] =	vst v63  }
0x74: {  	s7 =	sadd.s32 s6, s12  }
0x75: {  	[tilespmem:s22], [sflag:$0x2] =	stream.linear.gather [hbm4b:s7+s4], $0x280, $0x38;
	[tilespmem:$0x6B00] =	vst v63  }
0x76: {  	_ =	swait.ge [sflag:s23], $0x280  }
0x77: {  	[sflag:s23] =	ssyncset.done $0x0  }
0x78: {  	[sflag:s23] =	ssyncadd.s32 $0xFFFFFD80  }
0x79: {  	_ =	swait.ge [sflag:s24], $0x400  }
0x7a: {  	[sflag:s24] =	ssyncset.done $0x0  }
0x7b: {  	[sflag:s24] =	ssyncadd.s32 $0xFFFFFC00  }
0x7c: {  	[spmem:s3] =	stream.indirect.scatter.add.f32 [tilespmem:s13], [sflag:$0x3], $0x8, s22, s18, $0xb8;
	[tilespmem:$0x6B00] =	vst v63  }
0x7d: {  	_ =	swait.ge [sflag:s25], $0x400  }
0x7e: {  	[sflag:s25] =	ssyncset.done $0x0  }
0x7f: {  	[sflag:s25] =	ssyncadd.s32 $0xFFFFFC00  }
0x80: {  	[spmem:s3] =	stream.indirect.scatter.add.f32 [tilespmem:s13], [sflag:$0x4], $0x8, s26, s18, $0xb8;
	[tilespmem:$0x6B00] =	vst v63  }
0x81: {  	_ =	swait.ge [sflag:s28], $0x400  }
0x82: {  	[sflag:s28] =	ssyncset.done $0x0  }
0x83: {  	[sflag:s28] =	ssyncadd.s32 $0xFFFFFC00  }
0x84: {  	[spmem:s3] =	stream.indirect.scatter.add.f32 [tilespmem:s13], [sflag:$0x5], $0x8, s29, s18, $0xb8;
	[tilespmem:$0x6B00] =	vst v63  }
0x85: {  	_ =	swait.ge [sflag:s30], $0x400  }
0x86: {  	[sflag:s30] =	ssyncset.done $0x0  }
0x87: {  	p0 =	seq.s32 s6, $0xB40;
	[sflag:s30] =	ssyncadd.s32 $0xFFFFFC00  }
0x88: {  	[spmem:s3] =	stream.indirect.scatter.add.f32 [tilespmem:s13], [sflag:$0x6], $0x8, s31, s18, $0xb8;
	[tilespmem:$0x6B00] =	vst v63  }
.Ltmp2:
0x89: {  	_ = 	snop;
	(pc) =	sbr.rel @p0 .LBB2_4-.Ltmp2, $4  }
0x8a: {  	_ =	swait.ge [sflag:s0], $0x400  }
0x8b: {  	[sflag:s0] =	ssyncset.done $0x0  }
0x8c: {  	[sflag:s0] =	ssyncadd.s32 $0xFFFFFC00  }
0x8d: {  	[spmem:s3] =	stream.indirect.scatter.add.f32 [tilespmem:s13], [sflag:$0x7], $0x8, s2, s18, $0xb8;
	[tilespmem:$0x6B00] =	vst v63  }
.Ltmp3:
0x8e: {  	(pc) =	sbr.rel .LBB2_2-.Ltmp3, $3  }
0x8f: {  	_ =	sdelay $0x1  }
0x90: {  	s7 =	sadd.s32 s6, s11;
	s6 =	sadd.s32 $0xA0, s6  }
0x91: {  	[tilespmem:s4], [sflag:$0x1] =	stream.linear.gather [hbm4b:s7+s4], $0x280, $0x38;
	[tilespmem:$0x6B00] =	vst v63  }
.LBB2_5:
0x92: {  	_ =	sfence.sel $0x180000  }
0x93: {  	[bflag:$0x0] =	sbarrier.arrive $0xFFFF  }
0x94: {  	_ =	strace $0x9000004A  }
0x95: {  	s0 =	stileid.u32;
	[bflag:$0x2] =	sbarrier.arrive $0xFFFF  }
0x96: {  	p0 =	sne.s32 s0, $0x0;
	s0 =	rddreg [dreg:$0x3]  }
0x97: {  	s0 =	sadd.s32 @!p0 $0x100000, s0  }
0x98: {  	[sflag:s0] =	ssyncadd.tile.s32 @!p0 $0x1;
	_ =	shalt  }
.Lfunc_end2:
_tile_overlayer_lowered:
.L_overlay_start_2:
0x99: {  	(tag) =	ssettag $0x2  }
0x9a: {  	s0 =	rddreg [dreg:$0x0];
	s2 =	stileid.u32  }
0x9b: {  	s1 =	rddreg [dreg:$0x1];
	p0 =	sne.s32 s2, $0x0  }
0x9c: {  	s3 =	rddreg [dreg:$0x2];
	[bflag:$0x3] =	sbarrier.arrive $0xFFFF;
	s2 =	simm.s32 @!p0 $0x1C08  }
0x9d: {  	[timem:s3], [sflag:s2] =	dma.local @!p0 [hbm:s0], s1  }
0x9e: {  	s0 =	simm.s32 @!p0 $0x8  }
0x9f: {  	_ =	swait.ge @!p0 [sflag:s0], s1  }
0xa0: {  	s1 =	ssub.s32 @!p0 $0x0, s1;
	[sflag:s0] =	ssyncset.done @!p0 $0x0  }
0xa1: {  	[sflag:s0] =	ssyncadd.s32 @!p0 s1  }
0xa2: {  	[bflag:$0x3] =	sbarrier.arrive $0xFFFF  }
0xa3: {  	_ =	shalt  }

</sc_bundles>
